<compile_context>
chip_gen: v7x
topology: tpu7x:2x2x1
jax: 0.10.2.dev20260603
libtpu: 0.0.44.dev20260713+nightly
codegen_flags: <defaults>
</compile_context>

<pallas_src>
import functools

import jax
import jax.numpy as jnp
from jax import lax
from jax.experimental import pallas as pl
from jax.experimental.pallas import tpu as pltpu
from jax.experimental.pallas import tpu_sc as plsc

N = 10000
E = 320000
D = 128
HD = D // 2
DE = 16
G = 32
OUTD = 64

NC = 2
NS = 16
NW = NC * NS
CH = 80
EPW = E // NW
NCH = EPW // CH
NCH2 = 2 * NCH
RPT = 624

_sc_mesh = plsc.VectorSubcoreMesh(
    core_axis_name="c", subcore_axis_name="s", num_cores=NC, num_subcores=NS)


def _wid():
    c = lax.axis_index("c")
    s = lax.axis_index("s")
    return c, s, c * NS + s


def _writeout(acc, out, c, s):
    @pl.when(s < NS - 1)
    def _most():
        pltpu.sync_copy(acc.at[pl.ds(s * RPT, RPT)],
                        out.at[c, pl.ds(s * RPT, RPT)])

    @pl.when(s == NS - 1)
    def _last():
        pltpu.sync_copy(acc.at[pl.ds((NS - 1) * RPT, N - (NS - 1) * RPT)],
                        out.at[c, pl.ds((NS - 1) * RPT, N - (NS - 1) * RPT)])


def _stage_idx(src3, dst3, idx_s, idx_d, s):
    pltpu.sync_copy(src3.at[s], idx_s.at[pl.ds(0, NCH)])
    pltpu.sync_copy(src3.at[NS + s], idx_s.at[pl.ds(NCH, NCH)])
    pltpu.sync_copy(dst3.at[s], idx_d.at[pl.ds(0, NCH)])
    pltpu.sync_copy(dst3.at[NS + s], idx_d.at[pl.ds(NCH, NCH)])


SL = 5
CPS = NCH // SL
EPS = EPW // SL


@functools.partial(
    pl.kernel,
    out_type=(
        jax.ShapeDtypeStruct((NC, N), jnp.float32),
        jax.ShapeDtypeStruct((NC, N), jnp.float32),
        jax.ShapeDtypeStruct((NC, N, DE), jnp.float32),
    ),
    mesh=_sc_mesh,
    compiler_params=pltpu.CompilerParams(use_tc_tiling_on_sc=False),
    scratch_types=[
        pltpu.VMEM((NCH, CH), jnp.int32),
        pltpu.VMEM((NCH, CH), jnp.int32),
        pltpu.VMEM((CH,), jnp.float32),
        pltpu.VMEM((2, EPS, DE), jnp.float32),
        pltpu.VMEM((CPS * CH,), jnp.float32),
        pltpu.VMEM_SHARED((N,), jnp.float32),
        pltpu.VMEM_SHARED((N,), jnp.float32),
        pltpu.VMEM_SHARED((N, DE), jnp.float32),
        pltpu.SemaphoreType.DMA,
        pltpu.SemaphoreType.DMA,
        pltpu.SemaphoreType.DMA,
        pltpu.SemaphoreType.DMA,
        pltpu.SemaphoreType.DMA,
        pltpu.SemaphoreType.DMA,
        pltpu.SemaphoreType.DMA,
        pltpu.SemaphoreType.DMA,
    ],
)
def _sc_pre(src3, dst3, ea, z1, z16, o_in, o_out, o_t,
            idx_s, idx_d, ones_v, ea_slab, dummy, in_acc, out_acc, t_acc,
            l0, l1, t0, t1, i0, i1, u0, u1):
    c, s, w = _wid()
    lsem = (l0, l1)
    tsem = (t0, t1)
    isem = (i0, i1)
    usem = (u0, u1)
    pltpu.sync_copy(src3.at[w], idx_s)
    pltpu.sync_copy(dst3.at[w], idx_d)
    for k in range(CH // 16):
        ones_v[pl.ds(k * 16, 16)] = jnp.ones((16,), jnp.float32)

    def slab_load(S, b):
        base = w * EPW + S * EPS
        return pltpu.make_async_copy(ea.at[pl.ds(base, EPS)], ea_slab.at[b],
                                     lsem[b])

    slab_load(0, 0).start()

    @pl.when(s == 0)
    def _zero():
        pltpu.sync_copy(z1, in_acc)
        pltpu.sync_copy(z1, out_acc)
        pltpu.sync_copy(z16, t_acc)

    plsc.subcore_barrier()

    def drain_slab(S):
        b = S % 2
        pltpu.make_async_copy(ea.at[pl.ds(w * EPW, EPS)], ea_slab.at[b],
                              tsem[b]).wait()
        pltpu.make_async_copy(z1.at[pl.ds(0, CPS * CH)], dummy,
                              isem[b]).wait()
        pltpu.make_async_copy(z1.at[pl.ds(0, CPS * CH)], dummy,
                              usem[b]).wait()

    for S in range(SL):
        b = S % 2
        slab_load(S, b).wait()
        if S >= 1:
            drain_slab(S - 1)
        if S + 1 < SL:
            slab_load(S + 1, 1 - b).start()

        def issue(k, carry, S=S, b=b):
            jt = S * CPS + k
            pltpu.async_copy(ea_slab.at[b, pl.ds(k * CH, CH)],
                             t_acc.at[idx_s.at[jt]], tsem[b], add=True)
            pltpu.async_copy(ones_v, in_acc.at[idx_d.at[jt]], isem[b],
                             add=True)
            pltpu.async_copy(ones_v, out_acc.at[idx_s.at[jt]], usem[b],
                             add=True)
            return carry

        lax.fori_loop(0, CPS, issue, 0)

    drain_slab(SL - 1)
    plsc.subcore_barrier()

    @pl.when(s == 0)
    def _write_counts():
        pltpu.sync_copy(in_acc, o_in.at[c])
        pltpu.sync_copy(out_acc, o_out.at[c])

    _writeout(t_acc, o_t, c, s)


NB = 4


def _zacc_pass(zp, c, idx_s, idx_d, gbuf, z_acc, gsems, ssems):
    def gather(j, b):
        return pltpu.make_async_copy(zp.at[c].at[idx_s.at[j]], gbuf.at[b],
                                     gsems[b])

    for b in range(NB):
        gather(b, b).start()

    def run(j, b):
        jt = jnp.asarray(j, jnp.int32)
        gather(jt, b).wait()
        sd = pltpu.async_copy(gbuf.at[b], z_acc.at[idx_d.at[jt]], ssems[b],
                              add=True)
        return sd

    def body(jj, carry):
        sdescs = []
        for b in range(NB):
            sdescs.append(run(NB * jj + b, b))
        for b in range(NB):
            j = NB * jj + b
            sdescs[b].wait()

            @pl.when(j + NB < NCH2)
            def _next(j=j, b=b):
                gather(j + NB, b).start()

        return carry

    lax.fori_loop(0, NCH2 // NB, body, 0)
    for b in range(NCH2 % NB):
        run(NCH2 - NCH2 % NB + b, b).wait()


@functools.partial(
    pl.kernel,
    out_type=(
        jax.ShapeDtypeStruct((NC, N, HD), jnp.float32),
        jax.ShapeDtypeStruct((NC, N, DE), jnp.float32),
    ),
    mesh=_sc_mesh,
    compiler_params=pltpu.CompilerParams(use_tc_tiling_on_sc=False),
    scratch_types=[
        pltpu.VMEM((NCH2, CH), jnp.int32),
        pltpu.VMEM((NCH2, CH), jnp.int32),
        pltpu.VMEM((2, CH), jnp.float32),
        pltpu.VMEM((4, CH, HD), jnp.float32),
        pltpu.VMEM((2, CH, DE), jnp.float32),
        pltpu.VMEM((2, CH, DE), jnp.float32),
        pltpu.VMEM_SHARED((N, HD), jnp.float32),
        pltpu.VMEM_SHARED((N, DE), jnp.float32),
        pltpu.SemaphoreType.DMA,
        pltpu.SemaphoreType.DMA,
        pltpu.SemaphoreType.DMA,
        pltpu.SemaphoreType.DMA,
        pltpu.SemaphoreType.DMA,
        pltpu.SemaphoreType.DMA,
        pltpu.SemaphoreType.DMA,
        pltpu.SemaphoreType.DMA,
        pltpu.SemaphoreType.DMA,
        pltpu.SemaphoreType.DMA,
        pltpu.SemaphoreType.DMA,
        pltpu.SemaphoreType.DMA,
        pltpu.SemaphoreType.DMA,
        pltpu.SemaphoreType.DMA,
    ],
)
def _sc_layer1(src3, dst3, ea, zp, dinv, z64, z16, o_z, o_s,
               idx_s, idx_d, dv_buf, gbuf, ea_buf, pay, z_acc, s_acc,
               g0, g1, g2, g3, s0, s1, s2, s3, d0, d1, a0, a1, p0, p1):
    c, s, w = _wid()
    gsems, ssems = (g0, g1, g2, g3), (s0, s1, s2, s3)
    dsems, asems, psems = (d0, d1), (a0, a1), (p0, p1)
    _stage_idx(src3, dst3, idx_s, idx_d, s)
    roff = c * NCH

    @pl.when(s == 0)
    def _zero():
        pltpu.sync_copy(z64, z_acc)
        pltpu.sync_copy(z16, s_acc)

    def dv_load(j, b):
        return pltpu.make_async_copy(dinv.at[idx_s.at[roff + j]],
                                     dv_buf.at[b], dsems[b])

    def ea_load(j, b):
        base = w * EPW + j * CH
        return pltpu.make_async_copy(ea.at[pl.ds(base, CH)], ea_buf.at[b],
                                     asems[b])

    def pay_scatter(j, b):
        return pltpu.make_async_copy(pay.at[b], s_acc.at[idx_d.at[roff + j]],
                                     psems[b])

    for b in range(2):
        dv_load(b, b).start()
        ea_load(b, b).start()

    plsc.subcore_barrier()

    def sacc_chunk(j, b):
        jt = jnp.asarray(j, jnp.int32)
        dv_load(jt, b).wait()
        ea_load(jt, b).wait()

        @pl.when(jt >= 2)
        def _prev():
            pay_scatter(jt, b).wait()

        def scale(i, c2):
            dv16 = dv_buf[b, pl.ds(i * 16, 16)]
            for k in range(16):
                r = i * 16 + k
                pay[b, r, :] = ea_buf[b, r, :] * dv16[k]
            return c2

        lax.fori_loop(0, CH // 16, scale, 0)
        pltpu.async_copy(pay.at[b], s_acc.at[idx_d.at[roff + jt]], psems[b],
                         add=True)

        @pl.when(jt + 2 < NCH)
        def _next():
            dv_load(jt + 2, b).start()
            ea_load(jt + 2, b).start()

    def sbody(jj, carry):
        for b in range(2):
            sacc_chunk(2 * jj + b, b)
        return carry

    lax.fori_loop(0, NCH // 2, sbody, 0)
    sacc_chunk(124, 0)
    pay_scatter(jnp.asarray(123, jnp.int32), 1).wait()
    pay_scatter(jnp.asarray(124, jnp.int32), 0).wait()

    _zacc_pass(zp, c, idx_s, idx_d, gbuf, z_acc, gsems, ssems)
    plsc.subcore_barrier()
    _writeout(z_acc, o_z, c, s)
    _writeout(s_acc, o_s, c, s)


@functools.partial(
    pl.kernel,
    out_type=jax.ShapeDtypeStruct((NC, N, HD), jnp.float32),
    mesh=_sc_mesh,
    compiler_params=pltpu.CompilerParams(use_tc_tiling_on_sc=False),
    scratch_types=[
        pltpu.VMEM((NCH2, CH), jnp.int32),
        pltpu.VMEM((NCH2, CH), jnp.int32),
        pltpu.VMEM((4, CH, HD), jnp.float32),
        pltpu.VMEM_SHARED((N, HD), jnp.float32),
        pltpu.SemaphoreType.DMA,
        pltpu.SemaphoreType.DMA,
        pltpu.SemaphoreType.DMA,
        pltpu.SemaphoreType.DMA,
        pltpu.SemaphoreType.DMA,
        pltpu.SemaphoreType.DMA,
        pltpu.SemaphoreType.DMA,
        pltpu.SemaphoreType.DMA,
    ],
)
def _sc_layer2(src3, dst3, zp, z64, o_z, idx_s, idx_d, gbuf, z_acc,
               g0, g1, g2, g3, s0, s1, s2, s3):
    c, s, w = _wid()
    _stage_idx(src3, dst3, idx_s, idx_d, s)

    @pl.when(s == 0)
    def _zero():
        pltpu.sync_copy(z64, z_acc)

    plsc.subcore_barrier()
    _zacc_pass(zp, c, idx_s, idx_d, gbuf, z_acc, (g0, g1, g2, g3),
               (s0, s1, s2, s3))
    plsc.subcore_barrier()
    _writeout(z_acc, o_z, c, s)


_BLK = 1000
_GRID = N // _BLK
_PREC = lax.Precision.HIGHEST


def _tc_b_body(x_ref, w1n_ref, i0_ref, i1_ref, dinv_ref, zp1_ref):
    deg = i0_ref[...] + i1_ref[...] + 1.0
    dinv = lax.rsqrt(deg)
    dinv_ref[...] = dinv
    z = jnp.dot(x_ref[...], w1n_ref[...], preferred_element_type=jnp.float32,
                precision=_PREC)
    zp = dinv * z
    zp1_ref[0] = zp[:, :HD]
    zp1_ref[1] = zp[:, HD:]


def _tc_b(x, w1n, i0, i1):
    return pl.pallas_call(
        _tc_b_body,
        grid=(_GRID,),
        in_specs=[
            pl.BlockSpec((_BLK, D), lambda i: (i, 0)),
            pl.BlockSpec((D, D), lambda i: (0, 0)),
            pl.BlockSpec((_BLK, 1), lambda i: (i, 0)),
            pl.BlockSpec((_BLK, 1), lambda i: (i, 0)),
        ],
        out_specs=[
            pl.BlockSpec((_BLK, 1), lambda i: (i, 0)),
            pl.BlockSpec((NC, _BLK, HD), lambda i: (0, i, 0)),
        ],
        out_shape=[
            jax.ShapeDtypeStruct((N, 1), jnp.float32),
            jax.ShapeDtypeStruct((NC, N, HD), jnp.float32),
        ],
    )(x, w1n, i0, i1)


def _tc_d_body(zacc_ref, sacc_ref, zp1_ref, dinv_ref, w1e_ref, w2n_ref,
               zp2_ref):
    dinv = dinv_ref[...]
    ssum = sacc_ref[0] + sacc_ref[1]
    zacc = jnp.concatenate([zacc_ref[0], zacc_ref[1]], axis=1)
    zp1 = jnp.concatenate([zp1_ref[0], zp1_ref[1]], axis=1)
    pre = (zacc
           + jnp.dot(ssum, w1e_ref[...], preferred_element_type=jnp.float32,
                     precision=_PREC)
           + zp1)
    h1 = jnp.maximum(dinv * pre, 0.0)
    zp2 = dinv * jnp.dot(h1, w2n_ref[...], preferred_element_type=jnp.float32,
                         precision=_PREC)
    zp2_ref[0] = zp2[:, :HD]
    zp2_ref[1] = zp2[:, HD:]


def _tc_d(zacc, sacc, zp1, dinv, w1e, w2n):
    return pl.pallas_call(
        _tc_d_body,
        grid=(_GRID,),
        in_specs=[
            pl.BlockSpec((NC, _BLK, HD), lambda i: (0, i, 0)),
            pl.BlockSpec((NC, _BLK, DE), lambda i: (0, i, 0)),
            pl.BlockSpec((NC, _BLK, HD), lambda i: (0, i, 0)),
            pl.BlockSpec((_BLK, 1), lambda i: (i, 0)),
            pl.BlockSpec((DE, D), lambda i: (0, 0)),
            pl.BlockSpec((D, D), lambda i: (0, 0)),
        ],
        out_specs=pl.BlockSpec((NC, _BLK, HD), lambda i: (0, i, 0)),
        out_shape=jax.ShapeDtypeStruct((NC, N, HD), jnp.float32),
    )(zacc, sacc, zp1, dinv, w1e, w2n)


_PF = D + DE + 2


def _tc_f_body(zacc_ref, sacc_ref, zp2_ref, dinv_ref, t_ref, od_ref, b_ref,
               w2e_ref, we_ref, wc_ref, bc_ref, be_ref, out_ref, acc_ref):
    i = pl.program_id(0)

    @pl.when(i == 0)
    def _init():
        acc_ref[...] = jnp.zeros_like(acc_ref)

    dinv = dinv_ref[...]
    ssum = sacc_ref[0] + sacc_ref[1]
    zacc = jnp.concatenate([zacc_ref[0], zacc_ref[1]], axis=1)
    zp2 = jnp.concatenate([zp2_ref[0], zp2_ref[1]], axis=1)
    pre = (zacc
           + jnp.dot(ssum, w2e_ref[...], preferred_element_type=jnp.float32,
                     precision=_PREC)
           + zp2)
    h2 = jnp.maximum(dinv * pre, 0.0)
    tsum = t_ref[0] + t_ref[1]
    od = od_ref[0] + od_ref[1]
    ones = jnp.ones((_BLK, 1), jnp.float32)
    feats = jnp.concatenate([h2, tsum, od, ones], axis=1)
    onehot_t = (b_ref[...] ==
                lax.broadcasted_iota(jnp.int32, (_BLK, G), 1)
                ).astype(jnp.float32)
    acc_ref[...] += lax.dot_general(
        onehot_t, feats, (((0,), (0,)), ((), ())),
        preferred_element_type=jnp.float32, precision=_PREC)

    @pl.when(i == _GRID - 1)
    def _final():
        acc = acc_ref[...]
        ncnt = jnp.maximum(acc[:, _PF - 1:_PF], 1.0)
        ecnt = jnp.maximum(acc[:, _PF - 2:_PF - 1], 1.0)
        x_pool = acc[:, :D] / ncnt
        e_pool = (jnp.dot(acc[:, D:D + DE], we_ref[...],
                          preferred_element_type=jnp.float32,
                          precision=_PREC) / ecnt
                  + be_ref[...])
        hc = jnp.concatenate([x_pool, e_pool], axis=1)
        out_ref[...] = (jnp.dot(hc, wc_ref[...],
                                preferred_element_type=jnp.float32,
                                precision=_PREC)
                        + bc_ref[...])


def _tc_f(zacc, sacc, zp2, dinv, t, od, b, w2e, we, wc, bc, be):
    return pl.pallas_call(
        _tc_f_body,
        grid=(_GRID,),
        in_specs=[
            pl.BlockSpec((NC, _BLK, HD), lambda i: (0, i, 0)),
            pl.BlockSpec((NC, _BLK, DE), lambda i: (0, i, 0)),
            pl.BlockSpec((NC, _BLK, HD), lambda i: (0, i, 0)),
            pl.BlockSpec((_BLK, 1), lambda i: (i, 0)),
            pl.BlockSpec((NC, _BLK, DE), lambda i: (0, i, 0)),
            pl.BlockSpec((NC, _BLK, 1), lambda i: (0, i, 0)),
            pl.BlockSpec((_BLK, 1), lambda i: (i, 0)),
            pl.BlockSpec((DE, D), lambda i: (0, 0)),
            pl.BlockSpec((DE, D), lambda i: (0, 0)),
            pl.BlockSpec((2 * D, OUTD), lambda i: (0, 0)),
            pl.BlockSpec((1, OUTD), lambda i: (0, 0)),
            pl.BlockSpec((1, D), lambda i: (0, 0)),
        ],
        out_specs=pl.BlockSpec((G, OUTD), lambda i: (0, 0)),
        out_shape=jax.ShapeDtypeStruct((G, OUTD), jnp.float32),
        scratch_shapes=[pltpu.VMEM((G, _PF), jnp.float32)],
    )(zacc, sacc, zp2, dinv, t, od, b, w2e, we, wc, bc, be)


def kernel(x, edge_index, edge_attr, batch_index, W1n, W1e, W2n, W2e, We, be,
           Wc, bc):
    src3 = edge_index[0].reshape(NW, NCH, CH)
    dst3 = edge_index[1].reshape(NW, NCH, CH)
    z1 = jnp.zeros((N,), jnp.float32)
    z16 = jnp.zeros((N, DE), jnp.float32)
    z64 = jnp.zeros((N, HD), jnp.float32)

    indeg, outdeg, t_part = _sc_pre(src3, dst3, edge_attr, z1, z16)

    i0 = indeg[0].reshape(N, 1)
    i1 = indeg[1].reshape(N, 1)
    dinv, zp1 = _tc_b(x, W1n, i0, i1)

    zacc1, sacc = _sc_layer1(src3, dst3, edge_attr, zp1,
                             dinv.reshape(N), z64, z16)

    zp2 = _tc_d(zacc1, sacc, zp1, dinv, W1e, W2n)

    zacc2 = _sc_layer2(src3, dst3, zp2, z64)

    od3 = outdeg.reshape(NC, N, 1)
    return _tc_f(zacc2, sacc, zp2, dinv, t_part, od3,
                 batch_index.reshape(N, 1), W2e, We, Wc,
                 bc.reshape(1, OUTD), be.reshape(1, D))

# --- scband reference (transcript-rebuilt; emitter-appended) ---
"""Pipeline reference for scband-graph-net-56057913147714 (READ-ONLY COPY).

The authoritative reference and input builder live on the scoring server;
editing this copy changes nothing except your own understanding.
"""

import jax, jax.numpy as jnp
import numpy as np

N = 10000
E = 320000
D_IN = 128
D_EDGE = 16
HID = 128
OUT = 64
G = 32


def _lin(k, fi, fo):
    return jax.random.normal(k, (fi, fo), dtype=jnp.float32) / np.sqrt(fi)


def setup_inputs(seed: int = 0):
    key = jax.random.key(seed)
    ks = [jax.random.fold_in(key, i) for i in range(12)]
    x = jax.random.normal(ks[0], (N, D_IN), dtype=jnp.float32)
    edge_index = jax.random.randint(ks[1], (2, E), 0, N, dtype=jnp.int32)
    edge_attr = jax.random.normal(ks[2], (E, D_EDGE), dtype=jnp.float32)
    batch_index = jnp.sort(jax.random.randint(ks[3], (N,), 0, G, dtype=jnp.int32))
    W1n = _lin(ks[4], D_IN, HID)
    W1e = _lin(ks[5], D_EDGE, HID)
    W2n = _lin(ks[6], HID, HID)
    W2e = _lin(ks[7], D_EDGE, HID)
    We = _lin(ks[8], D_EDGE, HID)
    be = jnp.zeros((HID,), jnp.float32)
    Wc = _lin(ks[9], 2 * HID, OUT)
    bc = jnp.zeros((OUT,), jnp.float32)
    return {"x": x, "edge_index": edge_index, "edge_attr": edge_attr, "batch_index": batch_index,
            "W1n": W1n, "W1e": W1e, "W2n": W2n, "W2e": W2e, "We": We, "be": be, "Wc": Wc, "bc": bc}


def gcn_conv(x, edge_index, edge_attr, Wn, We_):
    n = x.shape[0]
    loops = jnp.arange(n, dtype=edge_index.dtype)
    src = jnp.concatenate([edge_index[0], loops])
    dst = jnp.concatenate([edge_index[1], loops])
    ea = jnp.concatenate([edge_attr, jnp.zeros((n, edge_attr.shape[1]), edge_attr.dtype)], axis=0)
    w = jnp.ones(src.shape[0], x.dtype)
    deg = jax.ops.segment_sum(w, dst, num_segments=n)
    dinv = jnp.where(deg > 0, 1.0 / jnp.sqrt(deg), 0.0)
    norm = dinv[src] * w * dinv[dst]
    node_emb = x @ Wn
    edge_emb = ea @ We_
    msg = norm[:, None] * (node_emb[src] + edge_emb)
    return jax.ops.segment_sum(msg, dst, num_segments=n)


def seg_mean(v, seg, n):
    s = jax.ops.segment_sum(v, seg, num_segments=n)
    c = jax.ops.segment_sum(jnp.ones(seg.shape[0], v.dtype), seg, num_segments=n)
    return s / jnp.clip(c, 1.0)[:, None]


def reference(x, edge_index, edge_attr, batch_index, W1n, W1e, W2n, W2e, We, be, Wc, bc):
    h = jax.nn.relu(gcn_conv(x, edge_index, edge_attr, W1n, W1e))
    h = jax.nn.relu(gcn_conv(h, edge_index, edge_attr, W2n, W2e))
    x_pool = seg_mean(h, batch_index, G)
    e = edge_attr @ We + be
    edge_batch = batch_index[edge_index[0]]
    e_pool = seg_mean(e, edge_batch, G)
    hc = jnp.concatenate([x_pool, e_pool], axis=-1)
    return hc @ Wc + bc

if __name__ == "__main__":
    import jax
    _d = setup_inputs()
    print(jax.jit(kernel)(*tuple(_d.values())))

</pallas_src>

<mosaic_0001>
#map = affine_map<(d0, d1) -> (0, 0, 0)>
#map1 = affine_map<(d0, d1) -> (0, 0)>
#map2 = affine_map<(d0, d1) -> (0)>
module attributes {stable_mosaic.version = 14 : i64} {
  func.func @_sc_pre(%arg0: i32, %arg1: i32, %arg2: memref<32x125x80xi32, #tpu.memory_space<hbm>>, %arg3: memref<32x125x80xi32, #tpu.memory_space<hbm>>, %arg4: memref<320000x16xf32, #tpu.memory_space<hbm>>, %arg5: memref<10000xf32, #tpu.memory_space<hbm>>, %arg6: memref<10000x16xf32, #tpu.memory_space<hbm>>, %arg7: memref<2x10000xf32, #tpu.memory_space<hbm>>, %arg8: memref<2x10000xf32, #tpu.memory_space<hbm>>, %arg9: memref<2x10000x16xf32, #tpu.memory_space<hbm>>, %arg10: memref<125x80xi32, #tpu.memory_space<vmem>>, %arg11: memref<125x80xi32, #tpu.memory_space<vmem>>, %arg12: memref<80xf32, #tpu.memory_space<vmem>>, %arg13: memref<2x2000x16xf32, #tpu.memory_space<vmem>>, %arg14: memref<2000xf32, #tpu.memory_space<vmem>>, %arg15: memref<10000xf32, #tpu.memory_space<vmem_shared>>, %arg16: memref<10000xf32, #tpu.memory_space<vmem_shared>>, %arg17: memref<10000x16xf32, #tpu.memory_space<vmem_shared>>, %arg18: memref<!tpu.dma_semaphore, #tpu.memory_space<semaphore_mem>>, %arg19: memref<!tpu.dma_semaphore, #tpu.memory_space<semaphore_mem>>, %arg20: memref<!tpu.dma_semaphore, #tpu.memory_space<semaphore_mem>>, %arg21: memref<!tpu.dma_semaphore, #tpu.memory_space<semaphore_mem>>, %arg22: memref<!tpu.dma_semaphore, #tpu.memory_space<semaphore_mem>>, %arg23: memref<!tpu.dma_semaphore, #tpu.memory_space<semaphore_mem>>, %arg24: memref<!tpu.dma_semaphore, #tpu.memory_space<semaphore_mem>>, %arg25: memref<!tpu.dma_semaphore, #tpu.memory_space<semaphore_mem>>) attributes {dimension_semantics = [#tpu.dimension_semantics<core_parallel>, #tpu.dimension_semantics<subcore_parallel>], iteration_bounds = array<i64: 2, 16>, scalar_prefetch = 0 : i64, scratch_operands = 16 : i64, tpu.core_type = #tpu.core_type<sc_vector_subcore>, window_params = [{transform_indices = #map}, {transform_indices = #map}, {transform_indices = #map1}, {transform_indices = #map2}, {transform_indices = #map1}, {transform_indices = #map1}, {transform_indices = #map1}, {transform_indices = #map}]} {
    %mul3A = arith.constant 16 : i32
    %mul3A_0 = arith.muli %arg0, %mul3A : i32
    %add3A = arith.addi %mul3A_0, %arg1 : i32
    "tpu.region"() ({
      %run_scoped3A = tpu.sem_alloc : memref<!tpu.dma_semaphore, #tpu.memory_space<semaphore_mem>>
      %dma_start3A_358 = arith.constant 0 : i32
      %dma_start3A_359 = arith.constant 0 : i32
      %dma_start3A_360 = tpu.memref_slice %arg2[%add3A, %dma_start3A_358, %dma_start3A_359] : memref<32x125x80xi32, #tpu.memory_space<hbm>> -> memref<1x125x80xi32, #tpu.memory_space<hbm>>
      %dma_start3A_361 = tpu.memref_squeeze %dma_start3A_360 : memref<1x125x80xi32, #tpu.memory_space<hbm>> -> memref<125x80xi32, #tpu.memory_space<hbm>>
      %dma_start3A_362 = arith.constant 0 : i32
      %dma_start3A_363 = arith.constant 0 : i32
      %dma_start3A_364 = tpu.memref_slice %arg2[%add3A, %dma_start3A_362, %dma_start3A_363] : memref<32x125x80xi32, #tpu.memory_space<hbm>> -> memref<1x125x80xi32, #tpu.memory_space<hbm>>
      %dma_start3A_365 = tpu.memref_squeeze %dma_start3A_364 : memref<1x125x80xi32, #tpu.memory_space<hbm>> -> memref<125x80xi32, #tpu.memory_space<hbm>>
      tpu.enqueue_dma source(%dma_start3A_365 : memref<125x80xi32, #tpu.memory_space<hbm>>) target(%arg10 : memref<125x80xi32, #tpu.memory_space<vmem>>) target_semaphore(%run_scoped3A : memref<!tpu.dma_semaphore, #tpu.memory_space<semaphore_mem>>)
      %dma_wait3A_366 = arith.constant 0 : i32
      %dma_wait3A_367 = arith.constant 0 : i32
      %dma_wait3A_368 = tpu.memref_slice %arg2[%add3A, %dma_wait3A_366, %dma_wait3A_367] : memref<32x125x80xi32, #tpu.memory_space<hbm>> -> memref<1x125x80xi32, #tpu.memory_space<hbm>>
      %dma_wait3A_369 = tpu.memref_squeeze %dma_wait3A_368 : memref<1x125x80xi32, #tpu.memory_space<hbm>> -> memref<125x80xi32, #tpu.memory_space<hbm>>
      %dma_wait3A_370 = arith.constant 0 : i32
      %dma_wait3A_371 = arith.constant 0 : i32
      %dma_wait3A_372 = tpu.memref_slice %arg2[%add3A, %dma_wait3A_370, %dma_wait3A_371] : memref<32x125x80xi32, #tpu.memory_space<hbm>> -> memref<1x125x80xi32, #tpu.memory_space<hbm>>
      %dma_wait3A_373 = tpu.memref_squeeze %dma_wait3A_372 : memref<1x125x80xi32, #tpu.memory_space<hbm>> -> memref<125x80xi32, #tpu.memory_space<hbm>>
      tpu.wait_dma2 semaphore(%run_scoped3A : memref<!tpu.dma_semaphore, #tpu.memory_space<semaphore_mem>>) src(%dma_wait3A_373 : memref<125x80xi32, #tpu.memory_space<hbm>>) dst(%arg10 : memref<125x80xi32, #tpu.memory_space<vmem>>)
      tpu.yield
    }) : () -> ()
    "tpu.region"() ({
      %run_scoped3A = tpu.sem_alloc : memref<!tpu.dma_semaphore, #tpu.memory_space<semaphore_mem>>
      %dma_start3A_358 = arith.constant 0 : i32
      %dma_start3A_359 = arith.constant 0 : i32
      %dma_start3A_360 = tpu.memref_slice %arg3[%add3A, %dma_start3A_358, %dma_start3A_359] : memref<32x125x80xi32, #tpu.memory_space<hbm>> -> memref<1x125x80xi32, #tpu.memory_space<hbm>>
      %dma_start3A_361 = tpu.memref_squeeze %dma_start3A_360 : memref<1x125x80xi32, #tpu.memory_space<hbm>> -> memref<125x80xi32, #tpu.memory_space<hbm>>
      %dma_start3A_362 = arith.constant 0 : i32
      %dma_start3A_363 = arith.constant 0 : i32
      %dma_start3A_364 = tpu.memref_slice %arg3[%add3A, %dma_start3A_362, %dma_start3A_363] : memref<32x125x80xi32, #tpu.memory_space<hbm>> -> memref<1x125x80xi32, #tpu.memory_space<hbm>>
      %dma_start3A_365 = tpu.memref_squeeze %dma_start3A_364 : memref<1x125x80xi32, #tpu.memory_space<hbm>> -> memref<125x80xi32, #tpu.memory_space<hbm>>
      tpu.enqueue_dma source(%dma_start3A_365 : memref<125x80xi32, #tpu.memory_space<hbm>>) target(%arg11 : memref<125x80xi32, #tpu.memory_space<vmem>>) target_semaphore(%run_scoped3A : memref<!tpu.dma_semaphore, #tpu.memory_space<semaphore_mem>>)
      %dma_wait3A_366 = arith.constant 0 : i32
      %dma_wait3A_367 = arith.constant 0 : i32
      %dma_wait3A_368 = tpu.memref_slice %arg3[%add3A, %dma_wait3A_366, %dma_wait3A_367] : memref<32x125x80xi32, #tpu.memory_space<hbm>> -> memref<1x125x80xi32, #tpu.memory_space<hbm>>
      %dma_wait3A_369 = tpu.memref_squeeze %dma_wait3A_368 : memref<1x125x80xi32, #tpu.memory_space<hbm>> -> memref<125x80xi32, #tpu.memory_space<hbm>>
      %dma_wait3A_370 = arith.constant 0 : i32
      %dma_wait3A_371 = arith.constant 0 : i32
      %dma_wait3A_372 = tpu.memref_slice %arg3[%add3A, %dma_wait3A_370, %dma_wait3A_371] : memref<32x125x80xi32, #tpu.memory_space<hbm>> -> memref<1x125x80xi32, #tpu.memory_space<hbm>>
      %dma_wait3A_373 = tpu.memref_squeeze %dma_wait3A_372 : memref<1x125x80xi32, #tpu.memory_space<hbm>> -> memref<125x80xi32, #tpu.memory_space<hbm>>
      tpu.wait_dma2 semaphore(%run_scoped3A : memref<!tpu.dma_semaphore, #tpu.memory_space<semaphore_mem>>) src(%dma_wait3A_373 : memref<125x80xi32, #tpu.memory_space<hbm>>) dst(%arg11 : memref<125x80xi32, #tpu.memory_space<vmem>>)
      tpu.yield
    }) : () -> ()
    %broadcast_in_dim3A = arith.constant 1.000000e+00 : f32
    %broadcast_in_dim3A_1 = vector.broadcast %broadcast_in_dim3A : f32 to vector<16xf32>
    %swap3A = arith.constant 0 : index
    %swap3A_2 = tpu.vector_load %arg12[%swap3A] {strides = array<i32>} : memref<80xf32, #tpu.memory_space<vmem>>, vector<16xf32>,
    %swap3A_3 = vector.shape_cast %swap3A_2 : vector<16xf32> to vector<16xf32>
    %swap3A_4 = vector.shape_cast %broadcast_in_dim3A_1 : vector<16xf32> to vector<16xf32>
    tpu.vector_store %arg12[%swap3A], %swap3A_4 {strides = array<i32>} : memref<80xf32, #tpu.memory_space<vmem>>, vector<16xf32>,
    %broadcast_in_dim3A_5 = arith.constant 1.000000e+00 : f32
    %broadcast_in_dim3A_6 = vector.broadcast %broadcast_in_dim3A_5 : f32 to vector<16xf32>
    %swap3A_7 = arith.constant 16 : index
    %swap3A_8 = tpu.vector_load %arg12[%swap3A_7] {strides = array<i32>} : memref<80xf32, #tpu.memory_space<vmem>>, vector<16xf32>,
    %swap3A_9 = vector.shape_cast %swap3A_8 : vector<16xf32> to vector<16xf32>
    %swap3A_10 = vector.shape_cast %broadcast_in_dim3A_6 : vector<16xf32> to vector<16xf32>
    tpu.vector_store %arg12[%swap3A_7], %swap3A_10 {strides = array<i32>} : memref<80xf32, #tpu.memory_space<vmem>>, vector<16xf32>,
    %broadcast_in_dim3A_11 = arith.constant 1.000000e+00 : f32
    %broadcast_in_dim3A_12 = vector.broadcast %broadcast_in_dim3A_11 : f32 to vector<16xf32>
    %swap3A_13 = arith.constant 32 : index
    %swap3A_14 = tpu.vector_load %arg12[%swap3A_13] {strides = array<i32>} : memref<80xf32, #tpu.memory_space<vmem>>, vector<16xf32>,
    %swap3A_15 = vector.shape_cast %swap3A_14 : vector<16xf32> to vector<16xf32>
    %swap3A_16 = vector.shape_cast %broadcast_in_dim3A_12 : vector<16xf32> to vector<16xf32>
    tpu.vector_store %arg12[%swap3A_13], %swap3A_16 {strides = array<i32>} : memref<80xf32, #tpu.memory_space<vmem>>, vector<16xf32>,
    %broadcast_in_dim3A_17 = arith.constant 1.000000e+00 : f32
    %broadcast_in_dim3A_18 = vector.broadcast %broadcast_in_dim3A_17 : f32 to vector<16xf32>
    %swap3A_19 = arith.constant 48 : index
    %swap3A_20 = tpu.vector_load %arg12[%swap3A_19] {strides = array<i32>} : memref<80xf32, #tpu.memory_space<vmem>>, vector<16xf32>,
    %swap3A_21 = vector.shape_cast %swap3A_20 : vector<16xf32> to vector<16xf32>
    %swap3A_22 = vector.shape_cast %broadcast_in_dim3A_18 : vector<16xf32> to vector<16xf32>
    tpu.vector_store %arg12[%swap3A_19], %swap3A_22 {strides = array<i32>} : memref<80xf32, #tpu.memory_space<vmem>>, vector<16xf32>,
    %broadcast_in_dim3A_23 = arith.constant 1.000000e+00 : f32
    %broadcast_in_dim3A_24 = vector.broadcast %broadcast_in_dim3A_23 : f32 to vector<16xf32>
    %swap3A_25 = arith.constant 64 : index
    %swap3A_26 = tpu.vector_load %arg12[%swap3A_25] {strides = array<i32>} : memref<80xf32, #tpu.memory_space<vmem>>, vector<16xf32>,
    %swap3A_27 = vector.shape_cast %swap3A_26 : vector<16xf32> to vector<16xf32>
    %swap3A_28 = vector.shape_cast %broadcast_in_dim3A_24 : vector<16xf32> to vector<16xf32>
    tpu.vector_store %arg12[%swap3A_25], %swap3A_28 {strides = array<i32>} : memref<80xf32, #tpu.memory_space<vmem>>, vector<16xf32>,
    %mul3A_29 = arith.constant 10000 : i32
    %mul3A_30 = arith.muli %add3A, %mul3A_29 : i32
    %add3A_31 = arith.constant 0 : i32
    %add3A_32 = arith.addi %mul3A_30, %add3A_31 : i32
    %dma_start3A = arith.constant 0 : i32
    %dma_start3A_33 = arith.constant 0 : i32
    %dma_start3A_34 = arith.constant 0 : i32
    %dma_start3A_35 = tpu.memref_slice %arg13[%dma_start3A, %dma_start3A_33, %dma_start3A_34] : memref<2x2000x16xf32, #tpu.memory_space<vmem>> -> memref<1x2000x16xf32, #tpu.memory_space<vmem>>
    %dma_start3A_36 = tpu.memref_squeeze %dma_start3A_35 : memref<1x2000x16xf32, #tpu.memory_space<vmem>> -> memref<2000x16xf32, #tpu.memory_space<vmem>>
    %dma_start3A_37 = arith.constant 0 : i32
    %dma_start3A_38 = tpu.memref_slice %arg4[%add3A_32, %dma_start3A_37] : memref<320000x16xf32, #tpu.memory_space<hbm>> -> memref<2000x16xf32, #tpu.memory_space<hbm>>
    %dma_start3A_39 = arith.constant 0 : i32
    %dma_start3A_40 = arith.constant 0 : i32
    %dma_start3A_41 = tpu.memref_slice %arg13[%dma_start3A, %dma_start3A_39, %dma_start3A_40] : memref<2x2000x16xf32, #tpu.memory_space<vmem>> -> memref<1x2000x16xf32, #tpu.memory_space<vmem>>
    %dma_start3A_42 = tpu.memref_squeeze %dma_start3A_41 : memref<1x2000x16xf32, #tpu.memory_space<vmem>> -> memref<2000x16xf32, #tpu.memory_space<vmem>>
    %dma_start3A_43 = arith.constant 0 : i32
    %dma_start3A_44 = tpu.memref_slice %arg4[%add3A_32, %dma_start3A_43] : memref<320000x16xf32, #tpu.memory_space<hbm>> -> memref<2000x16xf32, #tpu.memory_space<hbm>>
    tpu.enqueue_dma source(%dma_start3A_44 : memref<2000x16xf32, #tpu.memory_space<hbm>>) target(%dma_start3A_42 : memref<2000x16xf32, #tpu.memory_space<vmem>>) target_semaphore(%arg18 : memref<!tpu.dma_semaphore, #tpu.memory_space<semaphore_mem>>)
    %eq3A = arith.constant 0 : i32
    %eq3A_45 = arith.cmpi eq, %arg1, %eq3A : i32
    %convert_element_type3A = arith.extui %eq3A_45 : i1 to i32
    %cond3A = arith.constant 0 : i32
    %cond3A_46 = arith.cmpi ne, %convert_element_type3A, %cond3A : i32
    scf.if %cond3A_46 {
      "tpu.region"() ({
        %run_scoped3A = tpu.sem_alloc : memref<!tpu.dma_semaphore, #tpu.memory_space<semaphore_mem>>
        tpu.enqueue_dma source(%arg5 : memref<10000xf32, #tpu.memory_space<hbm>>) target(%arg15 : memref<10000xf32, #tpu.memory_space<vmem_shared>>) target_semaphore(%run_scoped3A : memref<!tpu.dma_semaphore, #tpu.memory_space<semaphore_mem>>)
        tpu.wait_dma2 semaphore(%run_scoped3A : memref<!tpu.dma_semaphore, #tpu.memory_space<semaphore_mem>>) src(%arg5 : memref<10000xf32, #tpu.memory_space<hbm>>) dst(%arg15 : memref<10000xf32, #tpu.memory_space<vmem_shared>>)
        tpu.yield
      }) : () -> ()
      "tpu.region"() ({
        %run_scoped3A = tpu.sem_alloc : memref<!tpu.dma_semaphore, #tpu.memory_space<semaphore_mem>>
        tpu.enqueue_dma source(%arg5 : memref<10000xf32, #tpu.memory_space<hbm>>) target(%arg16 : memref<10000xf32, #tpu.memory_space<vmem_shared>>) target_semaphore(%run_scoped3A : memref<!tpu.dma_semaphore, #tpu.memory_space<semaphore_mem>>)
        tpu.wait_dma2 semaphore(%run_scoped3A : memref<!tpu.dma_semaphore, #tpu.memory_space<semaphore_mem>>) src(%arg5 : memref<10000xf32, #tpu.memory_space<hbm>>) dst(%arg16 : memref<10000xf32, #tpu.memory_space<vmem_shared>>)
        tpu.yield
      }) : () -> ()
      "tpu.region"() ({
        %run_scoped3A = tpu.sem_alloc : memref<!tpu.dma_semaphore, #tpu.memory_space<semaphore_mem>>
        tpu.enqueue_dma source(%arg6 : memref<10000x16xf32, #tpu.memory_space<hbm>>) target(%arg17 : memref<10000x16xf32, #tpu.memory_space<vmem_shared>>) target_semaphore(%run_scoped3A : memref<!tpu.dma_semaphore, #tpu.memory_space<semaphore_mem>>)
        tpu.wait_dma2 semaphore(%run_scoped3A : memref<!tpu.dma_semaphore, #tpu.memory_space<semaphore_mem>>) src(%arg6 : memref<10000x16xf32, #tpu.memory_space<hbm>>) dst(%arg17 : memref<10000x16xf32, #tpu.memory_space<vmem_shared>>)
        tpu.yield
      }) : () -> ()
    } else {
    }
    %barrier3A = arith.constant 0 : index
    tpu.barrier barrier_id(%barrier3A)
    %mul3A_47 = arith.constant 10000 : i32
    %mul3A_48 = arith.muli %add3A, %mul3A_47 : i32
    %add3A_49 = arith.constant 0 : i32
    %add3A_50 = arith.addi %mul3A_48, %add3A_49 : i32
    %dma_wait3A = arith.constant 0 : i32
    %dma_wait3A_51 = arith.constant 0 : i32
    %dma_wait3A_52 = arith.constant 0 : i32
    %dma_wait3A_53 = tpu.memref_slice %arg13[%dma_wait3A, %dma_wait3A_51, %dma_wait3A_52] : memref<2x2000x16xf32, #tpu.memory_space<vmem>> -> memref<1x2000x16xf32, #tpu.memory_space<vmem>>
    %dma_wait3A_54 = tpu.memref_squeeze %dma_wait3A_53 : memref<1x2000x16xf32, #tpu.memory_space<vmem>> -> memref<2000x16xf32, #tpu.memory_space<vmem>>
    %dma_wait3A_55 = arith.constant 0 : i32
    %dma_wait3A_56 = tpu.memref_slice %arg4[%add3A_50, %dma_wait3A_55] : memref<320000x16xf32, #tpu.memory_space<hbm>> -> memref<2000x16xf32, #tpu.memory_space<hbm>>
    %dma_wait3A_57 = arith.constant 0 : i32
    %dma_wait3A_58 = arith.constant 0 : i32
    %dma_wait3A_59 = tpu.memref_slice %arg13[%dma_wait3A, %dma_wait3A_57, %dma_wait3A_58] : memref<2x2000x16xf32, #tpu.memory_space<vmem>> -> memref<1x2000x16xf32, #tpu.memory_space<vmem>>
    %dma_wait3A_60 = tpu.memref_squeeze %dma_wait3A_59 : memref<1x2000x16xf32, #tpu.memory_space<vmem>> -> memref<2000x16xf32, #tpu.memory_space<vmem>>
    %dma_wait3A_61 = arith.constant 0 : i32
    %dma_wait3A_62 = tpu.memref_slice %arg4[%add3A_50, %dma_wait3A_61] : memref<320000x16xf32, #tpu.memory_space<hbm>> -> memref<2000x16xf32, #tpu.memory_space<hbm>>
    tpu.wait_dma2 semaphore(%arg18 : memref<!tpu.dma_semaphore, #tpu.memory_space<semaphore_mem>>) src(%dma_wait3A_62 : memref<2000x16xf32, #tpu.memory_space<hbm>>) dst(%dma_wait3A_60 : memref<2000x16xf32, #tpu.memory_space<vmem>>)
    %mul3A_63 = arith.constant 10000 : i32
    %mul3A_64 = arith.muli %add3A, %mul3A_63 : i32
    %add3A_65 = arith.constant 2000 : i32
    %add3A_66 = arith.addi %mul3A_64, %add3A_65 : i32
    %dma_start3A_67 = arith.constant 1 : i32
    %dma_start3A_68 = arith.constant 0 : i32
    %dma_start3A_69 = arith.constant 0 : i32
    %dma_start3A_70 = tpu.memref_slice %arg13[%dma_start3A_67, %dma_start3A_68, %dma_start3A_69] : memref<2x2000x16xf32, #tpu.memory_space<vmem>> -> memref<1x2000x16xf32, #tpu.memory_space<vmem>>
    %dma_start3A_71 = tpu.memref_squeeze %dma_start3A_70 : memref<1x2000x16xf32, #tpu.memory_space<vmem>> -> memref<2000x16xf32, #tpu.memory_space<vmem>>
    %dma_start3A_72 = arith.constant 0 : i32
    %dma_start3A_73 = tpu.memref_slice %arg4[%add3A_66, %dma_start3A_72] : memref<320000x16xf32, #tpu.memory_space<hbm>> -> memref<2000x16xf32, #tpu.memory_space<hbm>>
    %dma_start3A_74 = arith.constant 0 : i32
    %dma_start3A_75 = arith.constant 0 : i32
    %dma_start3A_76 = tpu.memref_slice %arg13[%dma_start3A_67, %dma_start3A_74, %dma_start3A_75] : memref<2x2000x16xf32, #tpu.memory_space<vmem>> -> memref<1x2000x16xf32, #tpu.memory_space<vmem>>
    %dma_start3A_77 = tpu.memref_squeeze %dma_start3A_76 : memref<1x2000x16xf32, #tpu.memory_space<vmem>> -> memref<2000x16xf32, #tpu.memory_space<vmem>>
    %dma_start3A_78 = arith.constant 0 : i32
    %dma_start3A_79 = tpu.memref_slice %arg4[%add3A_66, %dma_start3A_78] : memref<320000x16xf32, #tpu.memory_space<hbm>> -> memref<2000x16xf32, #tpu.memory_space<hbm>>
    tpu.enqueue_dma source(%dma_start3A_79 : memref<2000x16xf32, #tpu.memory_space<hbm>>) target(%dma_start3A_77 : memref<2000x16xf32, #tpu.memory_space<vmem>>) target_semaphore(%arg19 : memref<!tpu.dma_semaphore, #tpu.memory_space<semaphore_mem>>)
    %scan3A = arith.constant 0 : i32
    %scan3A_80 = arith.constant 0 : i32
    %scan3A_81 = arith.constant 25 : i32
    %scan3A_82 = arith.addi %scan3A_80, %scan3A_81 : i32
    %scan3A_83 = arith.constant 1 : i32
    scf.for %scan3A_358 = %scan3A_80 to %scan3A_82 step %scan3A_83  : i32 {
      %add3A_359 = arith.constant 0 : i32
      %add3A_360 = arith.addi %add3A_359, %scan3A_358 : i32
      %mul3A_361 = arith.constant 80 : i32
      %mul3A_362 = arith.muli %scan3A_358, %mul3A_361 : i32
      %dma_start3A_363 = arith.constant 0 : i32
      %dma_start3A_364 = arith.constant 0 : i32
      %dma_start3A_365 = tpu.memref_slice %arg13[%dma_start3A_363, %mul3A_362, %dma_start3A_364] : memref<2x2000x16xf32, #tpu.memory_space<vmem>> -> memref<1x80x16xf32, #tpu.memory_space<vmem>>
      %dma_start3A_366 = tpu.memref_squeeze %dma_start3A_365 : memref<1x80x16xf32, #tpu.memory_space<vmem>> -> memref<80x16xf32, #tpu.memory_space<vmem>>
      %dma_start3A_367 = arith.constant 0 : i32
      %dma_start3A_368 = tpu.memref_slice %arg10[%add3A_360, %dma_start3A_367] : memref<125x80xi32, #tpu.memory_space<vmem>> -> memref<1x80xi32, #tpu.memory_space<vmem>>
      %dma_start3A_369 = tpu.memref_squeeze %dma_start3A_368 : memref<1x80xi32, #tpu.memory_space<vmem>> -> memref<80xi32, #tpu.memory_space<vmem>>
      %dma_start3A_370 = arith.constant 0 : i32
      %dma_start3A_371 = arith.constant 0 : i32
      %dma_start3A_372 = tpu.memref_slice %arg17[%dma_start3A_370, %dma_start3A_371] : memref<10000x16xf32, #tpu.memory_space<vmem_shared>> -> memref<10000x16xf32, #tpu.memory_space<vmem_shared>>
      tpu.enqueue_indirect_dma source(%dma_start3A_366 : memref<80x16xf32, #tpu.memory_space<vmem>>) target(%dma_start3A_372 : memref<10000x16xf32, #tpu.memory_space<vmem_shared>>) offsets(%dma_start3A_369 : memref<80xi32, #tpu.memory_space<vmem>>) semaphore(%arg20 : memref<!tpu.dma_semaphore, #tpu.memory_space<semaphore_mem>>) {add = true}
      %dma_start3A_373 = arith.constant 0 : i32
      %dma_start3A_374 = tpu.memref_slice %arg11[%add3A_360, %dma_start3A_373] : memref<125x80xi32, #tpu.memory_space<vmem>> -> memref<1x80xi32, #tpu.memory_space<vmem>>
      %dma_start3A_375 = tpu.memref_squeeze %dma_start3A_374 : memref<1x80xi32, #tpu.memory_space<vmem>> -> memref<80xi32, #tpu.memory_space<vmem>>
      %dma_start3A_376 = arith.constant 0 : i32
      %dma_start3A_377 = tpu.memref_slice %arg15[%dma_start3A_376] : memref<10000xf32, #tpu.memory_space<vmem_shared>> -> memref<10000xf32, #tpu.memory_space<vmem_shared>>
      tpu.enqueue_indirect_dma source(%arg12 : memref<80xf32, #tpu.memory_space<vmem>>) target(%dma_start3A_377 : memref<10000xf32, #tpu.memory_space<vmem_shared>>) offsets(%dma_start3A_375 : memref<80xi32, #tpu.memory_space<vmem>>) semaphore(%arg22 : memref<!tpu.dma_semaphore, #tpu.memory_space<semaphore_mem>>) {add = true}
      %dma_start3A_378 = arith.constant 0 : i32
      %dma_start3A_379 = tpu.memref_slice %arg10[%add3A_360, %dma_start3A_378] : memref<125x80xi32, #tpu.memory_space<vmem>> -> memref<1x80xi32, #tpu.memory_space<vmem>>
      %dma_start3A_380 = tpu.memref_squeeze %dma_start3A_379 : memref<1x80xi32, #tpu.memory_space<vmem>> -> memref<80xi32, #tpu.memory_space<vmem>>
      %dma_start3A_381 = arith.constant 0 : i32
      %dma_start3A_382 = tpu.memref_slice %arg16[%dma_start3A_381] : memref<10000xf32, #tpu.memory_space<vmem_shared>> -> memref<10000xf32, #tpu.memory_space<vmem_shared>>
      tpu.enqueue_indirect_dma source(%arg12 : memref<80xf32, #tpu.memory_space<vmem>>) target(%dma_start3A_382 : memref<10000xf32, #tpu.memory_space<vmem_shared>>) offsets(%dma_start3A_380 : memref<80xi32, #tpu.memory_space<vmem>>) semaphore(%arg24 : memref<!tpu.dma_semaphore, #tpu.memory_space<semaphore_mem>>) {add = true}
    }
    %scan3A_84 = arith.constant 25 : i32
    %mul3A_85 = arith.constant 10000 : i32
    %mul3A_86 = arith.muli %add3A, %mul3A_85 : i32
    %add3A_87 = arith.constant 2000 : i32
    %add3A_88 = arith.addi %mul3A_86, %add3A_87 : i32
    %dma_wait3A_89 = arith.constant 1 : i32
    %dma_wait3A_90 = arith.constant 0 : i32
    %dma_wait3A_91 = arith.constant 0 : i32
    %dma_wait3A_92 = tpu.memref_slice %arg13[%dma_wait3A_89, %dma_wait3A_90, %dma_wait3A_91] : memref<2x2000x16xf32, #tpu.memory_space<vmem>> -> memref<1x2000x16xf32, #tpu.memory_space<vmem>>
    %dma_wait3A_93 = tpu.memref_squeeze %dma_wait3A_92 : memref<1x2000x16xf32, #tpu.memory_space<vmem>> -> memref<2000x16xf32, #tpu.memory_space<vmem>>
    %dma_wait3A_94 = arith.constant 0 : i32
    %dma_wait3A_95 = tpu.memref_slice %arg4[%add3A_88, %dma_wait3A_94] : memref<320000x16xf32, #tpu.memory_space<hbm>> -> memref<2000x16xf32, #tpu.memory_space<hbm>>
    %dma_wait3A_96 = arith.constant 0 : i32
    %dma_wait3A_97 = arith.constant 0 : i32
    %dma_wait3A_98 = tpu.memref_slice %arg13[%dma_wait3A_89, %dma_wait3A_96, %dma_wait3A_97] : memref<2x2000x16xf32, #tpu.memory_space<vmem>> -> memref<1x2000x16xf32, #tpu.memory_space<vmem>>
    %dma_wait3A_99 = tpu.memref_squeeze %dma_wait3A_98 : memref<1x2000x16xf32, #tpu.memory_space<vmem>> -> memref<2000x16xf32, #tpu.memory_space<vmem>>
    %dma_wait3A_100 = arith.constant 0 : i32
    %dma_wait3A_101 = tpu.memref_slice %arg4[%add3A_88, %dma_wait3A_100] : memref<320000x16xf32, #tpu.memory_space<hbm>> -> memref<2000x16xf32, #tpu.memory_space<hbm>>
    tpu.wait_dma2 semaphore(%arg19 : memref<!tpu.dma_semaphore, #tpu.memory_space<semaphore_mem>>) src(%dma_wait3A_101 : memref<2000x16xf32, #tpu.memory_space<hbm>>) dst(%dma_wait3A_99 : memref<2000x16xf32, #tpu.memory_space<vmem>>)
    %mul3A_102 = arith.constant 10000 : i32
    %mul3A_103 = arith.muli %add3A, %mul3A_102 : i32
    %dma_wait3A_104 = arith.constant 0 : i32
    %dma_wait3A_105 = arith.constant 0 : i32
    %dma_wait3A_106 = arith.constant 0 : i32
    %dma_wait3A_107 = tpu.memref_slice %arg13[%dma_wait3A_104, %dma_wait3A_105, %dma_wait3A_106] : memref<2x2000x16xf32, #tpu.memory_space<vmem>> -> memref<1x2000x16xf32, #tpu.memory_space<vmem>>
    %dma_wait3A_108 = tpu.memref_squeeze %dma_wait3A_107 : memref<1x2000x16xf32, #tpu.memory_space<vmem>> -> memref<2000x16xf32, #tpu.memory_space<vmem>>
    %dma_wait3A_109 = arith.constant 0 : i32
    %dma_wait3A_110 = tpu.memref_slice %arg4[%mul3A_103, %dma_wait3A_109] : memref<320000x16xf32, #tpu.memory_space<hbm>> -> memref<2000x16xf32, #tpu.memory_space<hbm>>
    %dma_wait3A_111 = arith.constant 0 : i32
    %dma_wait3A_112 = arith.constant 0 : i32
    %dma_wait3A_113 = tpu.memref_slice %arg13[%dma_wait3A_104, %dma_wait3A_111, %dma_wait3A_112] : memref<2x2000x16xf32, #tpu.memory_space<vmem>> -> memref<1x2000x16xf32, #tpu.memory_space<vmem>>
    %dma_wait3A_114 = tpu.memref_squeeze %dma_wait3A_113 : memref<1x2000x16xf32, #tpu.memory_space<vmem>> -> memref<2000x16xf32, #tpu.memory_space<vmem>>
    %dma_wait3A_115 = arith.constant 0 : i32
    %dma_wait3A_116 = tpu.memref_slice %arg4[%mul3A_103, %dma_wait3A_115] : memref<320000x16xf32, #tpu.memory_space<hbm>> -> memref<2000x16xf32, #tpu.memory_space<hbm>>
    tpu.wait_dma2 semaphore(%arg20 : memref<!tpu.dma_semaphore, #tpu.memory_space<semaphore_mem>>) src(%dma_wait3A_116 : memref<2000x16xf32, #tpu.memory_space<hbm>>) dst(%dma_wait3A_114 : memref<2000x16xf32, #tpu.memory_space<vmem>>)
    %dma_wait3A_117 = arith.constant 0 : i32
    %dma_wait3A_118 = tpu.memref_slice %arg5[%dma_wait3A_117] : memref<10000xf32, #tpu.memory_space<hbm>> -> memref<2000xf32, #tpu.memory_space<hbm>>
    %dma_wait3A_119 = arith.constant 0 : i32
    %dma_wait3A_120 = tpu.memref_slice %arg5[%dma_wait3A_119] : memref<10000xf32, #tpu.memory_space<hbm>> -> memref<2000xf32, #tpu.memory_space<hbm>>
    tpu.wait_dma2 semaphore(%arg22 : memref<!tpu.dma_semaphore, #tpu.memory_space<semaphore_mem>>) src(%dma_wait3A_120 : memref<2000xf32, #tpu.memory_space<hbm>>) dst(%arg14 : memref<2000xf32, #tpu.memory_space<vmem>>)
    %dma_wait3A_121 = arith.constant 0 : i32
    %dma_wait3A_122 = tpu.memref_slice %arg5[%dma_wait3A_121] : memref<10000xf32, #tpu.memory_space<hbm>> -> memref<2000xf32, #tpu.memory_space<hbm>>
    %dma_wait3A_123 = arith.constant 0 : i32
    %dma_wait3A_124 = tpu.memref_slice %arg5[%dma_wait3A_123] : memref<10000xf32, #tpu.memory_space<hbm>> -> memref<2000xf32, #tpu.memory_space<hbm>>
    tpu.wait_dma2 semaphore(%arg24 : memref<!tpu.dma_semaphore, #tpu.memory_space<semaphore_mem>>) src(%dma_wait3A_124 : memref<2000xf32, #tpu.memory_space<hbm>>) dst(%arg14 : memref<2000xf32, #tpu.memory_space<vmem>>)
    %mul3A_125 = arith.constant 10000 : i32
    %mul3A_126 = arith.muli %add3A, %mul3A_125 : i32
    %add3A_127 = arith.constant 4000 : i32
    %add3A_128 = arith.addi %mul3A_126, %add3A_127 : i32
    %dma_start3A_129 = arith.constant 0 : i32
    %dma_start3A_130 = arith.constant 0 : i32
    %dma_start3A_131 = arith.constant 0 : i32
    %dma_start3A_132 = tpu.memref_slice %arg13[%dma_start3A_129, %dma_start3A_130, %dma_start3A_131] : memref<2x2000x16xf32, #tpu.memory_space<vmem>> -> memref<1x2000x16xf32, #tpu.memory_space<vmem>>
    %dma_start3A_133 = tpu.memref_squeeze %dma_start3A_132 : memref<1x2000x16xf32, #tpu.memory_space<vmem>> -> memref<2000x16xf32, #tpu.memory_space<vmem>>
    %dma_start3A_134 = arith.constant 0 : i32
    %dma_start3A_135 = tpu.memref_slice %arg4[%add3A_128, %dma_start3A_134] : memref<320000x16xf32, #tpu.memory_space<hbm>> -> memref<2000x16xf32, #tpu.memory_space<hbm>>
    %dma_start3A_136 = arith.constant 0 : i32
    %dma_start3A_137 = arith.constant 0 : i32
    %dma_start3A_138 = tpu.memref_slice %arg13[%dma_start3A_129, %dma_start3A_136, %dma_start3A_137] : memref<2x2000x16xf32, #tpu.memory_space<vmem>> -> memref<1x2000x16xf32, #tpu.memory_space<vmem>>
    %dma_start3A_139 = tpu.memref_squeeze %dma_start3A_138 : memref<1x2000x16xf32, #tpu.memory_space<vmem>> -> memref<2000x16xf32, #tpu.memory_space<vmem>>
    %dma_start3A_140 = arith.constant 0 : i32
    %dma_start3A_141 = tpu.memref_slice %arg4[%add3A_128, %dma_start3A_140] : memref<320000x16xf32, #tpu.memory_space<hbm>> -> memref<2000x16xf32, #tpu.memory_space<hbm>>
    tpu.enqueue_dma source(%dma_start3A_141 : memref<2000x16xf32, #tpu.memory_space<hbm>>) target(%dma_start3A_139 : memref<2000x16xf32, #tpu.memory_space<vmem>>) target_semaphore(%arg18 : memref<!tpu.dma_semaphore, #tpu.memory_space<semaphore_mem>>)
    %scan3A_142 = arith.constant 0 : i32
    %scan3A_143 = arith.constant 0 : i32
    %scan3A_144 = arith.constant 25 : i32
    %scan3A_145 = arith.addi %scan3A_143, %scan3A_144 : i32
    %scan3A_146 = arith.constant 1 : i32
    scf.for %scan3A_358 = %scan3A_143 to %scan3A_145 step %scan3A_146  : i32 {
      %add3A_359 = arith.constant 25 : i32
      %add3A_360 = arith.addi %add3A_359, %scan3A_358 : i32
      %mul3A_361 = arith.constant 80 : i32
      %mul3A_362 = arith.muli %scan3A_358, %mul3A_361 : i32
      %dma_start3A_363 = arith.constant 1 : i32
      %dma_start3A_364 = arith.constant 0 : i32
      %dma_start3A_365 = tpu.memref_slice %arg13[%dma_start3A_363, %mul3A_362, %dma_start3A_364] : memref<2x2000x16xf32, #tpu.memory_space<vmem>> -> memref<1x80x16xf32, #tpu.memory_space<vmem>>
      %dma_start3A_366 = tpu.memref_squeeze %dma_start3A_365 : memref<1x80x16xf32, #tpu.memory_space<vmem>> -> memref<80x16xf32, #tpu.memory_space<vmem>>
      %dma_start3A_367 = arith.constant 0 : i32
      %dma_start3A_368 = tpu.memref_slice %arg10[%add3A_360, %dma_start3A_367] : memref<125x80xi32, #tpu.memory_space<vmem>> -> memref<1x80xi32, #tpu.memory_space<vmem>>
      %dma_start3A_369 = tpu.memref_squeeze %dma_start3A_368 : memref<1x80xi32, #tpu.memory_space<vmem>> -> memref<80xi32, #tpu.memory_space<vmem>>
      %dma_start3A_370 = arith.constant 0 : i32
      %dma_start3A_371 = arith.constant 0 : i32
      %dma_start3A_372 = tpu.memref_slice %arg17[%dma_start3A_370, %dma_start3A_371] : memref<10000x16xf32, #tpu.memory_space<vmem_shared>> -> memref<10000x16xf32, #tpu.memory_space<vmem_shared>>
      tpu.enqueue_indirect_dma source(%dma_start3A_366 : memref<80x16xf32, #tpu.memory_space<vmem>>) target(%dma_start3A_372 : memref<10000x16xf32, #tpu.memory_space<vmem_shared>>) offsets(%dma_start3A_369 : memref<80xi32, #tpu.memory_space<vmem>>) semaphore(%arg21 : memref<!tpu.dma_semaphore, #tpu.memory_space<semaphore_mem>>) {add = true}
      %dma_start3A_373 = arith.constant 0 : i32
      %dma_start3A_374 = tpu.memref_slice %arg11[%add3A_360, %dma_start3A_373] : memref<125x80xi32, #tpu.memory_space<vmem>> -> memref<1x80xi32, #tpu.memory_space<vmem>>
      %dma_start3A_375 = tpu.memref_squeeze %dma_start3A_374 : memref<1x80xi32, #tpu.memory_space<vmem>> -> memref<80xi32, #tpu.memory_space<vmem>>
      %dma_start3A_376 = arith.constant 0 : i32
      %dma_start3A_377 = tpu.memref_slice %arg15[%dma_start3A_376] : memref<10000xf32, #tpu.memory_space<vmem_shared>> -> memref<10000xf32, #tpu.memory_space<vmem_shared>>
      tpu.enqueue_indirect_dma source(%arg12 : memref<80xf32, #tpu.memory_space<vmem>>) target(%dma_start3A_377 : memref<10000xf32, #tpu.memory_space<vmem_shared>>) offsets(%dma_start3A_375 : memref<80xi32, #tpu.memory_space<vmem>>) semaphore(%arg23 : memref<!tpu.dma_semaphore, #tpu.memory_space<semaphore_mem>>) {add = true}
      %dma_start3A_378 = arith.constant 0 : i32
      %dma_start3A_379 = tpu.memref_slice %arg10[%add3A_360, %dma_start3A_378] : memref<125x80xi32, #tpu.memory_space<vmem>> -> memref<1x80xi32, #tpu.memory_space<vmem>>
      %dma_start3A_380 = tpu.memref_squeeze %dma_start3A_379 : memref<1x80xi32, #tpu.memory_space<vmem>> -> memref<80xi32, #tpu.memory_space<vmem>>
      %dma_start3A_381 = arith.constant 0 : i32
      %dma_start3A_382 = tpu.memref_slice %arg16[%dma_start3A_381] : memref<10000xf32, #tpu.memory_space<vmem_shared>> -> memref<10000xf32, #tpu.memory_space<vmem_shared>>
      tpu.enqueue_indirect_dma source(%arg12 : memref<80xf32, #tpu.memory_space<vmem>>) target(%dma_start3A_382 : memref<10000xf32, #tpu.memory_space<vmem_shared>>) offsets(%dma_start3A_380 : memref<80xi32, #tpu.memory_space<vmem>>) semaphore(%arg25 : memref<!tpu.dma_semaphore, #tpu.memory_space<semaphore_mem>>) {add = true}
    }
    %scan3A_147 = arith.constant 25 : i32
    %mul3A_148 = arith.constant 10000 : i32
    %mul3A_149 = arith.muli %add3A, %mul3A_148 : i32
    %add3A_150 = arith.constant 4000 : i32
    %add3A_151 = arith.addi %mul3A_149, %add3A_150 : i32
    %dma_wait3A_152 = arith.constant 0 : i32
    %dma_wait3A_153 = arith.constant 0 : i32
    %dma_wait3A_154 = arith.constant 0 : i32
    %dma_wait3A_155 = tpu.memref_slice %arg13[%dma_wait3A_152, %dma_wait3A_153, %dma_wait3A_154] : memref<2x2000x16xf32, #tpu.memory_space<vmem>> -> memref<1x2000x16xf32, #tpu.memory_space<vmem>>
    %dma_wait3A_156 = tpu.memref_squeeze %dma_wait3A_155 : memref<1x2000x16xf32, #tpu.memory_space<vmem>> -> memref<2000x16xf32, #tpu.memory_space<vmem>>
    %dma_wait3A_157 = arith.constant 0 : i32
    %dma_wait3A_158 = tpu.memref_slice %arg4[%add3A_151, %dma_wait3A_157] : memref<320000x16xf32, #tpu.memory_space<hbm>> -> memref<2000x16xf32, #tpu.memory_space<hbm>>
    %dma_wait3A_159 = arith.constant 0 : i32
    %dma_wait3A_160 = arith.constant 0 : i32
    %dma_wait3A_161 = tpu.memref_slice %arg13[%dma_wait3A_152, %dma_wait3A_159, %dma_wait3A_160] : memref<2x2000x16xf32, #tpu.memory_space<vmem>> -> memref<1x2000x16xf32, #tpu.memory_space<vmem>>
    %dma_wait3A_162 = tpu.memref_squeeze %dma_wait3A_161 : memref<1x2000x16xf32, #tpu.memory_space<vmem>> -> memref<2000x16xf32, #tpu.memory_space<vmem>>
    %dma_wait3A_163 = arith.constant 0 : i32
    %dma_wait3A_164 = tpu.memref_slice %arg4[%add3A_151, %dma_wait3A_163] : memref<320000x16xf32, #tpu.memory_space<hbm>> -> memref<2000x16xf32, #tpu.memory_space<hbm>>
    tpu.wait_dma2 semaphore(%arg18 : memref<!tpu.dma_semaphore, #tpu.memory_space<semaphore_mem>>) src(%dma_wait3A_164 : memref<2000x16xf32, #tpu.memory_space<hbm>>) dst(%dma_wait3A_162 : memref<2000x16xf32, #tpu.memory_space<vmem>>)
    %mul3A_165 = arith.constant 10000 : i32
    %mul3A_166 = arith.muli %add3A, %mul3A_165 : i32
    %dma_wait3A_167 = arith.constant 1 : i32
    %dma_wait3A_168 = arith.constant 0 : i32
    %dma_wait3A_169 = arith.constant 0 : i32
    %dma_wait3A_170 = tpu.memref_slice %arg13[%dma_wait3A_167, %dma_wait3A_168, %dma_wait3A_169] : memref<2x2000x16xf32, #tpu.memory_space<vmem>> -> memref<1x2000x16xf32, #tpu.memory_space<vmem>>
    %dma_wait3A_171 = tpu.memref_squeeze %dma_wait3A_170 : memref<1x2000x16xf32, #tpu.memory_space<vmem>> -> memref<2000x16xf32, #tpu.memory_space<vmem>>
    %dma_wait3A_172 = arith.constant 0 : i32
    %dma_wait3A_173 = tpu.memref_slice %arg4[%mul3A_166, %dma_wait3A_172] : memref<320000x16xf32, #tpu.memory_space<hbm>> -> memref<2000x16xf32, #tpu.memory_space<hbm>>
    %dma_wait3A_174 = arith.constant 0 : i32
    %dma_wait3A_175 = arith.constant 0 : i32
    %dma_wait3A_176 = tpu.memref_slice %arg13[%dma_wait3A_167, %dma_wait3A_174, %dma_wait3A_175] : memref<2x2000x16xf32, #tpu.memory_space<vmem>> -> memref<1x2000x16xf32, #tpu.memory_space<vmem>>
    %dma_wait3A_177 = tpu.memref_squeeze %dma_wait3A_176 : memref<1x2000x16xf32, #tpu.memory_space<vmem>> -> memref<2000x16xf32, #tpu.memory_space<vmem>>
    %dma_wait3A_178 = arith.constant 0 : i32
    %dma_wait3A_179 = tpu.memref_slice %arg4[%mul3A_166, %dma_wait3A_178] : memref<320000x16xf32, #tpu.memory_space<hbm>> -> memref<2000x16xf32, #tpu.memory_space<hbm>>
    tpu.wait_dma2 semaphore(%arg21 : memref<!tpu.dma_semaphore, #tpu.memory_space<semaphore_mem>>) src(%dma_wait3A_179 : memref<2000x16xf32, #tpu.memory_space<hbm>>) dst(%dma_wait3A_177 : memref<2000x16xf32, #tpu.memory_space<vmem>>)
    %dma_wait3A_180 = arith.constant 0 : i32
    %dma_wait3A_181 = tpu.memref_slice %arg5[%dma_wait3A_180] : memref<10000xf32, #tpu.memory_space<hbm>> -> memref<2000xf32, #tpu.memory_space<hbm>>
    %dma_wait3A_182 = arith.constant 0 : i32
    %dma_wait3A_183 = tpu.memref_slice %arg5[%dma_wait3A_182] : memref<10000xf32, #tpu.memory_space<hbm>> -> memref<2000xf32, #tpu.memory_space<hbm>>
    tpu.wait_dma2 semaphore(%arg23 : memref<!tpu.dma_semaphore, #tpu.memory_space<semaphore_mem>>) src(%dma_wait3A_183 : memref<2000xf32, #tpu.memory_space<hbm>>) dst(%arg14 : memref<2000xf32, #tpu.memory_space<vmem>>)
    %dma_wait3A_184 = arith.constant 0 : i32
    %dma_wait3A_185 = tpu.memref_slice %arg5[%dma_wait3A_184] : memref<10000xf32, #tpu.memory_space<hbm>> -> memref<2000xf32, #tpu.memory_space<hbm>>
    %dma_wait3A_186 = arith.constant 0 : i32
    %dma_wait3A_187 = tpu.memref_slice %arg5[%dma_wait3A_186] : memref<10000xf32, #tpu.memory_space<hbm>> -> memref<2000xf32, #tpu.memory_space<hbm>>
    tpu.wait_dma2 semaphore(%arg25 : memref<!tpu.dma_semaphore, #tpu.memory_space<semaphore_mem>>) src(%dma_wait3A_187 : memref<2000xf32, #tpu.memory_space<hbm>>) dst(%arg14 : memref<2000xf32, #tpu.memory_space<vmem>>)
    %mul3A_188 = arith.constant 10000 : i32
    %mul3A_189 = arith.muli %add3A, %mul3A_188 : i32
    %add3A_190 = arith.constant 6000 : i32
    %add3A_191 = arith.addi %mul3A_189, %add3A_190 : i32
    %dma_start3A_192 = arith.constant 1 : i32
    %dma_start3A_193 = arith.constant 0 : i32
    %dma_start3A_194 = arith.constant 0 : i32
    %dma_start3A_195 = tpu.memref_slice %arg13[%dma_start3A_192, %dma_start3A_193, %dma_start3A_194] : memref<2x2000x16xf32, #tpu.memory_space<vmem>> -> memref<1x2000x16xf32, #tpu.memory_space<vmem>>
    %dma_start3A_196 = tpu.memref_squeeze %dma_start3A_195 : memref<1x2000x16xf32, #tpu.memory_space<vmem>> -> memref<2000x16xf32, #tpu.memory_space<vmem>>
    %dma_start3A_197 = arith.constant 0 : i32
    %dma_start3A_198 = tpu.memref_slice %arg4[%add3A_191, %dma_start3A_197] : memref<320000x16xf32, #tpu.memory_space<hbm>> -> memref<2000x16xf32, #tpu.memory_space<hbm>>
    %dma_start3A_199 = arith.constant 0 : i32
    %dma_start3A_200 = arith.constant 0 : i32
    %dma_start3A_201 = tpu.memref_slice %arg13[%dma_start3A_192, %dma_start3A_199, %dma_start3A_200] : memref<2x2000x16xf32, #tpu.memory_space<vmem>> -> memref<1x2000x16xf32, #tpu.memory_space<vmem>>
    %dma_start3A_202 = tpu.memref_squeeze %dma_start3A_201 : memref<1x2000x16xf32, #tpu.memory_space<vmem>> -> memref<2000x16xf32, #tpu.memory_space<vmem>>
    %dma_start3A_203 = arith.constant 0 : i32
    %dma_start3A_204 = tpu.memref_slice %arg4[%add3A_191, %dma_start3A_203] : memref<320000x16xf32, #tpu.memory_space<hbm>> -> memref<2000x16xf32, #tpu.memory_space<hbm>>
    tpu.enqueue_dma source(%dma_start3A_204 : memref<2000x16xf32, #tpu.memory_space<hbm>>) target(%dma_start3A_202 : memref<2000x16xf32, #tpu.memory_space<vmem>>) target_semaphore(%arg19 : memref<!tpu.dma_semaphore, #tpu.memory_space<semaphore_mem>>)
    %scan3A_205 = arith.constant 0 : i32
    %scan3A_206 = arith.constant 0 : i32
    %scan3A_207 = arith.constant 25 : i32
    %scan3A_208 = arith.addi %scan3A_206, %scan3A_207 : i32
    %scan3A_209 = arith.constant 1 : i32
    scf.for %scan3A_358 = %scan3A_206 to %scan3A_208 step %scan3A_209  : i32 {
      %add3A_359 = arith.constant 50 : i32
      %add3A_360 = arith.addi %add3A_359, %scan3A_358 : i32
      %mul3A_361 = arith.constant 80 : i32
      %mul3A_362 = arith.muli %scan3A_358, %mul3A_361 : i32
      %dma_start3A_363 = arith.constant 0 : i32
      %dma_start3A_364 = arith.constant 0 : i32
      %dma_start3A_365 = tpu.memref_slice %arg13[%dma_start3A_363, %mul3A_362, %dma_start3A_364] : memref<2x2000x16xf32, #tpu.memory_space<vmem>> -> memref<1x80x16xf32, #tpu.memory_space<vmem>>
      %dma_start3A_366 = tpu.memref_squeeze %dma_start3A_365 : memref<1x80x16xf32, #tpu.memory_space<vmem>> -> memref<80x16xf32, #tpu.memory_space<vmem>>
      %dma_start3A_367 = arith.constant 0 : i32
      %dma_start3A_368 = tpu.memref_slice %arg10[%add3A_360, %dma_start3A_367] : memref<125x80xi32, #tpu.memory_space<vmem>> -> memref<1x80xi32, #tpu.memory_space<vmem>>
      %dma_start3A_369 = tpu.memref_squeeze %dma_start3A_368 : memref<1x80xi32, #tpu.memory_space<vmem>> -> memref<80xi32, #tpu.memory_space<vmem>>
      %dma_start3A_370 = arith.constant 0 : i32
      %dma_start3A_371 = arith.constant 0 : i32
      %dma_start3A_372 = tpu.memref_slice %arg17[%dma_start3A_370, %dma_start3A_371] : memref<10000x16xf32, #tpu.memory_space<vmem_shared>> -> memref<10000x16xf32, #tpu.memory_space<vmem_shared>>
      tpu.enqueue_indirect_dma source(%dma_start3A_366 : memref<80x16xf32, #tpu.memory_space<vmem>>) target(%dma_start3A_372 : memref<10000x16xf32, #tpu.memory_space<vmem_shared>>) offsets(%dma_start3A_369 : memref<80xi32, #tpu.memory_space<vmem>>) semaphore(%arg20 : memref<!tpu.dma_semaphore, #tpu.memory_space<semaphore_mem>>) {add = true}
      %dma_start3A_373 = arith.constant 0 : i32
      %dma_start3A_374 = tpu.memref_slice %arg11[%add3A_360, %dma_start3A_373] : memref<125x80xi32, #tpu.memory_space<vmem>> -> memref<1x80xi32, #tpu.memory_space<vmem>>
      %dma_start3A_375 = tpu.memref_squeeze %dma_start3A_374 : memref<1x80xi32, #tpu.memory_space<vmem>> -> memref<80xi32, #tpu.memory_space<vmem>>
      %dma_start3A_376 = arith.constant 0 : i32
      %dma_start3A_377 = tpu.memref_slice %arg15[%dma_start3A_376] : memref<10000xf32, #tpu.memory_space<vmem_shared>> -> memref<10000xf32, #tpu.memory_space<vmem_shared>>
      tpu.enqueue_indirect_dma source(%arg12 : memref<80xf32, #tpu.memory_space<vmem>>) target(%dma_start3A_377 : memref<10000xf32, #tpu.memory_space<vmem_shared>>) offsets(%dma_start3A_375 : memref<80xi32, #tpu.memory_space<vmem>>) semaphore(%arg22 : memref<!tpu.dma_semaphore, #tpu.memory_space<semaphore_mem>>) {add = true}
      %dma_start3A_378 = arith.constant 0 : i32
      %dma_start3A_379 = tpu.memref_slice %arg10[%add3A_360, %dma_start3A_378] : memref<125x80xi32, #tpu.memory_space<vmem>> -> memref<1x80xi32, #tpu.memory_space<vmem>>
      %dma_start3A_380 = tpu.memref_squeeze %dma_start3A_379 : memref<1x80xi32, #tpu.memory_space<vmem>> -> memref<80xi32, #tpu.memory_space<vmem>>
      %dma_start3A_381 = arith.constant 0 : i32
      %dma_start3A_382 = tpu.memref_slice %arg16[%dma_start3A_381] : memref<10000xf32, #tpu.memory_space<vmem_shared>> -> memref<10000xf32, #tpu.memory_space<vmem_shared>>
      tpu.enqueue_indirect_dma source(%arg12 : memref<80xf32, #tpu.memory_space<vmem>>) target(%dma_start3A_382 : memref<10000xf32, #tpu.memory_space<vmem_shared>>) offsets(%dma_start3A_380 : memref<80xi32, #tpu.memory_space<vmem>>) semaphore(%arg24 : memref<!tpu.dma_semaphore, #tpu.memory_space<semaphore_mem>>) {add = true}
    }
    %scan3A_210 = arith.constant 25 : i32
    %mul3A_211 = arith.constant 10000 : i32
    %mul3A_212 = arith.muli %add3A, %mul3A_211 : i32
    %add3A_213 = arith.constant 6000 : i32
    %add3A_214 = arith.addi %mul3A_212, %add3A_213 : i32
    %dma_wait3A_215 = arith.constant 1 : i32
    %dma_wait3A_216 = arith.constant 0 : i32
    %dma_wait3A_217 = arith.constant 0 : i32
    %dma_wait3A_218 = tpu.memref_slice %arg13[%dma_wait3A_215, %dma_wait3A_216, %dma_wait3A_217] : memref<2x2000x16xf32, #tpu.memory_space<vmem>> -> memref<1x2000x16xf32, #tpu.memory_space<vmem>>
    %dma_wait3A_219 = tpu.memref_squeeze %dma_wait3A_218 : memref<1x2000x16xf32, #tpu.memory_space<vmem>> -> memref<2000x16xf32, #tpu.memory_space<vmem>>
    %dma_wait3A_220 = arith.constant 0 : i32
    %dma_wait3A_221 = tpu.memref_slice %arg4[%add3A_214, %dma_wait3A_220] : memref<320000x16xf32, #tpu.memory_space<hbm>> -> memref<2000x16xf32, #tpu.memory_space<hbm>>
    %dma_wait3A_222 = arith.constant 0 : i32
    %dma_wait3A_223 = arith.constant 0 : i32
    %dma_wait3A_224 = tpu.memref_slice %arg13[%dma_wait3A_215, %dma_wait3A_222, %dma_wait3A_223] : memref<2x2000x16xf32, #tpu.memory_space<vmem>> -> memref<1x2000x16xf32, #tpu.memory_space<vmem>>
    %dma_wait3A_225 = tpu.memref_squeeze %dma_wait3A_224 : memref<1x2000x16xf32, #tpu.memory_space<vmem>> -> memref<2000x16xf32, #tpu.memory_space<vmem>>
    %dma_wait3A_226 = arith.constant 0 : i32
    %dma_wait3A_227 = tpu.memref_slice %arg4[%add3A_214, %dma_wait3A_226] : memref<320000x16xf32, #tpu.memory_space<hbm>> -> memref<2000x16xf32, #tpu.memory_space<hbm>>
    tpu.wait_dma2 semaphore(%arg19 : memref<!tpu.dma_semaphore, #tpu.memory_space<semaphore_mem>>) src(%dma_wait3A_227 : memref<2000x16xf32, #tpu.memory_space<hbm>>) dst(%dma_wait3A_225 : memref<2000x16xf32, #tpu.memory_space<vmem>>)
    %mul3A_228 = arith.constant 10000 : i32
    %mul3A_229 = arith.muli %add3A, %mul3A_228 : i32
    %dma_wait3A_230 = arith.constant 0 : i32
    %dma_wait3A_231 = arith.constant 0 : i32
    %dma_wait3A_232 = arith.constant 0 : i32
    %dma_wait3A_233 = tpu.memref_slice %arg13[%dma_wait3A_230, %dma_wait3A_231, %dma_wait3A_232] : memref<2x2000x16xf32, #tpu.memory_space<vmem>> -> memref<1x2000x16xf32, #tpu.memory_space<vmem>>
    %dma_wait3A_234 = tpu.memref_squeeze %dma_wait3A_233 : memref<1x2000x16xf32, #tpu.memory_space<vmem>> -> memref<2000x16xf32, #tpu.memory_space<vmem>>
    %dma_wait3A_235 = arith.constant 0 : i32
    %dma_wait3A_236 = tpu.memref_slice %arg4[%mul3A_229, %dma_wait3A_235] : memref<320000x16xf32, #tpu.memory_space<hbm>> -> memref<2000x16xf32, #tpu.memory_space<hbm>>
    %dma_wait3A_237 = arith.constant 0 : i32
    %dma_wait3A_238 = arith.constant 0 : i32
    %dma_wait3A_239 = tpu.memref_slice %arg13[%dma_wait3A_230, %dma_wait3A_237, %dma_wait3A_238] : memref<2x2000x16xf32, #tpu.memory_space<vmem>> -> memref<1x2000x16xf32, #tpu.memory_space<vmem>>
    %dma_wait3A_240 = tpu.memref_squeeze %dma_wait3A_239 : memref<1x2000x16xf32, #tpu.memory_space<vmem>> -> memref<2000x16xf32, #tpu.memory_space<vmem>>
    %dma_wait3A_241 = arith.constant 0 : i32
    %dma_wait3A_242 = tpu.memref_slice %arg4[%mul3A_229, %dma_wait3A_241] : memref<320000x16xf32, #tpu.memory_space<hbm>> -> memref<2000x16xf32, #tpu.memory_space<hbm>>
    tpu.wait_dma2 semaphore(%arg20 : memref<!tpu.dma_semaphore, #tpu.memory_space<semaphore_mem>>) src(%dma_wait3A_242 : memref<2000x16xf32, #tpu.memory_space<hbm>>) dst(%dma_wait3A_240 : memref<2000x16xf32, #tpu.memory_space<vmem>>)
    %dma_wait3A_243 = arith.constant 0 : i32
    %dma_wait3A_244 = tpu.memref_slice %arg5[%dma_wait3A_243] : memref<10000xf32, #tpu.memory_space<hbm>> -> memref<2000xf32, #tpu.memory_space<hbm>>
    %dma_wait3A_245 = arith.constant 0 : i32
    %dma_wait3A_246 = tpu.memref_slice %arg5[%dma_wait3A_245] : memref<10000xf32, #tpu.memory_space<hbm>> -> memref<2000xf32, #tpu.memory_space<hbm>>
    tpu.wait_dma2 semaphore(%arg22 : memref<!tpu.dma_semaphore, #tpu.memory_space<semaphore_mem>>) src(%dma_wait3A_246 : memref<2000xf32, #tpu.memory_space<hbm>>) dst(%arg14 : memref<2000xf32, #tpu.memory_space<vmem>>)
    %dma_wait3A_247 = arith.constant 0 : i32
    %dma_wait3A_248 = tpu.memref_slice %arg5[%dma_wait3A_247] : memref<10000xf32, #tpu.memory_space<hbm>> -> memref<2000xf32, #tpu.memory_space<hbm>>
    %dma_wait3A_249 = arith.constant 0 : i32
    %dma_wait3A_250 = tpu.memref_slice %arg5[%dma_wait3A_249] : memref<10000xf32, #tpu.memory_space<hbm>> -> memref<2000xf32, #tpu.memory_space<hbm>>
    tpu.wait_dma2 semaphore(%arg24 : memref<!tpu.dma_semaphore, #tpu.memory_space<semaphore_mem>>) src(%dma_wait3A_250 : memref<2000xf32, #tpu.memory_space<hbm>>) dst(%arg14 : memref<2000xf32, #tpu.memory_space<vmem>>)
    %mul3A_251 = arith.constant 10000 : i32
    %mul3A_252 = arith.muli %add3A, %mul3A_251 : i32
    %add3A_253 = arith.constant 8000 : i32
    %add3A_254 = arith.addi %mul3A_252, %add3A_253 : i32
    %dma_start3A_255 = arith.constant 0 : i32
    %dma_start3A_256 = arith.constant 0 : i32
    %dma_start3A_257 = arith.constant 0 : i32
    %dma_start3A_258 = tpu.memref_slice %arg13[%dma_start3A_255, %dma_start3A_256, %dma_start3A_257] : memref<2x2000x16xf32, #tpu.memory_space<vmem>> -> memref<1x2000x16xf32, #tpu.memory_space<vmem>>
    %dma_start3A_259 = tpu.memref_squeeze %dma_start3A_258 : memref<1x2000x16xf32, #tpu.memory_space<vmem>> -> memref<2000x16xf32, #tpu.memory_space<vmem>>
    %dma_start3A_260 = arith.constant 0 : i32
    %dma_start3A_261 = tpu.memref_slice %arg4[%add3A_254, %dma_start3A_260] : memref<320000x16xf32, #tpu.memory_space<hbm>> -> memref<2000x16xf32, #tpu.memory_space<hbm>>
    %dma_start3A_262 = arith.constant 0 : i32
    %dma_start3A_263 = arith.constant 0 : i32
    %dma_start3A_264 = tpu.memref_slice %arg13[%dma_start3A_255, %dma_start3A_262, %dma_start3A_263] : memref<2x2000x16xf32, #tpu.memory_space<vmem>> -> memref<1x2000x16xf32, #tpu.memory_space<vmem>>
    %dma_start3A_265 = tpu.memref_squeeze %dma_start3A_264 : memref<1x2000x16xf32, #tpu.memory_space<vmem>> -> memref<2000x16xf32, #tpu.memory_space<vmem>>
    %dma_start3A_266 = arith.constant 0 : i32
    %dma_start3A_267 = tpu.memref_slice %arg4[%add3A_254, %dma_start3A_266] : memref<320000x16xf32, #tpu.memory_space<hbm>> -> memref<2000x16xf32, #tpu.memory_space<hbm>>
    tpu.enqueue_dma source(%dma_start3A_267 : memref<2000x16xf32, #tpu.memory_space<hbm>>) target(%dma_start3A_265 : memref<2000x16xf32, #tpu.memory_space<vmem>>) target_semaphore(%arg18 : memref<!tpu.dma_semaphore, #tpu.memory_space<semaphore_mem>>)
    %scan3A_268 = arith.constant 0 : i32
    %scan3A_269 = arith.constant 0 : i32
    %scan3A_270 = arith.constant 25 : i32
    %scan3A_271 = arith.addi %scan3A_269, %scan3A_270 : i32
    %scan3A_272 = arith.constant 1 : i32
    scf.for %scan3A_358 = %scan3A_269 to %scan3A_271 step %scan3A_272  : i32 {
      %add3A_359 = arith.constant 75 : i32
      %add3A_360 = arith.addi %add3A_359, %scan3A_358 : i32
      %mul3A_361 = arith.constant 80 : i32
      %mul3A_362 = arith.muli %scan3A_358, %mul3A_361 : i32
      %dma_start3A_363 = arith.constant 1 : i32
      %dma_start3A_364 = arith.constant 0 : i32
      %dma_start3A_365 = tpu.memref_slice %arg13[%dma_start3A_363, %mul3A_362, %dma_start3A_364] : memref<2x2000x16xf32, #tpu.memory_space<vmem>> -> memref<1x80x16xf32, #tpu.memory_space<vmem>>
      %dma_start3A_366 = tpu.memref_squeeze %dma_start3A_365 : memref<1x80x16xf32, #tpu.memory_space<vmem>> -> memref<80x16xf32, #tpu.memory_space<vmem>>
      %dma_start3A_367 = arith.constant 0 : i32
      %dma_start3A_368 = tpu.memref_slice %arg10[%add3A_360, %dma_start3A_367] : memref<125x80xi32, #tpu.memory_space<vmem>> -> memref<1x80xi32, #tpu.memory_space<vmem>>
      %dma_start3A_369 = tpu.memref_squeeze %dma_start3A_368 : memref<1x80xi32, #tpu.memory_space<vmem>> -> memref<80xi32, #tpu.memory_space<vmem>>
      %dma_start3A_370 = arith.constant 0 : i32
      %dma_start3A_371 = arith.constant 0 : i32
      %dma_start3A_372 = tpu.memref_slice %arg17[%dma_start3A_370, %dma_start3A_371] : memref<10000x16xf32, #tpu.memory_space<vmem_shared>> -> memref<10000x16xf32, #tpu.memory_space<vmem_shared>>
      tpu.enqueue_indirect_dma source(%dma_start3A_366 : memref<80x16xf32, #tpu.memory_space<vmem>>) target(%dma_start3A_372 : memref<10000x16xf32, #tpu.memory_space<vmem_shared>>) offsets(%dma_start3A_369 : memref<80xi32, #tpu.memory_space<vmem>>) semaphore(%arg21 : memref<!tpu.dma_semaphore, #tpu.memory_space<semaphore_mem>>) {add = true}
      %dma_start3A_373 = arith.constant 0 : i32
      %dma_start3A_374 = tpu.memref_slice %arg11[%add3A_360, %dma_start3A_373] : memref<125x80xi32, #tpu.memory_space<vmem>> -> memref<1x80xi32, #tpu.memory_space<vmem>>
      %dma_start3A_375 = tpu.memref_squeeze %dma_start3A_374 : memref<1x80xi32, #tpu.memory_space<vmem>> -> memref<80xi32, #tpu.memory_space<vmem>>
      %dma_start3A_376 = arith.constant 0 : i32
      %dma_start3A_377 = tpu.memref_slice %arg15[%dma_start3A_376] : memref<10000xf32, #tpu.memory_space<vmem_shared>> -> memref<10000xf32, #tpu.memory_space<vmem_shared>>
      tpu.enqueue_indirect_dma source(%arg12 : memref<80xf32, #tpu.memory_space<vmem>>) target(%dma_start3A_377 : memref<10000xf32, #tpu.memory_space<vmem_shared>>) offsets(%dma_start3A_375 : memref<80xi32, #tpu.memory_space<vmem>>) semaphore(%arg23 : memref<!tpu.dma_semaphore, #tpu.memory_space<semaphore_mem>>) {add = true}
      %dma_start3A_378 = arith.constant 0 : i32
      %dma_start3A_379 = tpu.memref_slice %arg10[%add3A_360, %dma_start3A_378] : memref<125x80xi32, #tpu.memory_space<vmem>> -> memref<1x80xi32, #tpu.memory_space<vmem>>
      %dma_start3A_380 = tpu.memref_squeeze %dma_start3A_379 : memref<1x80xi32, #tpu.memory_space<vmem>> -> memref<80xi32, #tpu.memory_space<vmem>>
      %dma_start3A_381 = arith.constant 0 : i32
      %dma_start3A_382 = tpu.memref_slice %arg16[%dma_start3A_381] : memref<10000xf32, #tpu.memory_space<vmem_shared>> -> memref<10000xf32, #tpu.memory_space<vmem_shared>>
      tpu.enqueue_indirect_dma source(%arg12 : memref<80xf32, #tpu.memory_space<vmem>>) target(%dma_start3A_382 : memref<10000xf32, #tpu.memory_space<vmem_shared>>) offsets(%dma_start3A_380 : memref<80xi32, #tpu.memory_space<vmem>>) semaphore(%arg25 : memref<!tpu.dma_semaphore, #tpu.memory_space<semaphore_mem>>) {add = true}
    }
    %scan3A_273 = arith.constant 25 : i32
    %mul3A_274 = arith.constant 10000 : i32
    %mul3A_275 = arith.muli %add3A, %mul3A_274 : i32
    %add3A_276 = arith.constant 8000 : i32
    %add3A_277 = arith.addi %mul3A_275, %add3A_276 : i32
    %dma_wait3A_278 = arith.constant 0 : i32
    %dma_wait3A_279 = arith.constant 0 : i32
    %dma_wait3A_280 = arith.constant 0 : i32
    %dma_wait3A_281 = tpu.memref_slice %arg13[%dma_wait3A_278, %dma_wait3A_279, %dma_wait3A_280] : memref<2x2000x16xf32, #tpu.memory_space<vmem>> -> memref<1x2000x16xf32, #tpu.memory_space<vmem>>
    %dma_wait3A_282 = tpu.memref_squeeze %dma_wait3A_281 : memref<1x2000x16xf32, #tpu.memory_space<vmem>> -> memref<2000x16xf32, #tpu.memory_space<vmem>>
    %dma_wait3A_283 = arith.constant 0 : i32
    %dma_wait3A_284 = tpu.memref_slice %arg4[%add3A_277, %dma_wait3A_283] : memref<320000x16xf32, #tpu.memory_space<hbm>> -> memref<2000x16xf32, #tpu.memory_space<hbm>>
    %dma_wait3A_285 = arith.constant 0 : i32
    %dma_wait3A_286 = arith.constant 0 : i32
    %dma_wait3A_287 = tpu.memref_slice %arg13[%dma_wait3A_278, %dma_wait3A_285, %dma_wait3A_286] : memref<2x2000x16xf32, #tpu.memory_space<vmem>> -> memref<1x2000x16xf32, #tpu.memory_space<vmem>>
    %dma_wait3A_288 = tpu.memref_squeeze %dma_wait3A_287 : memref<1x2000x16xf32, #tpu.memory_space<vmem>> -> memref<2000x16xf32, #tpu.memory_space<vmem>>
    %dma_wait3A_289 = arith.constant 0 : i32
    %dma_wait3A_290 = tpu.memref_slice %arg4[%add3A_277, %dma_wait3A_289] : memref<320000x16xf32, #tpu.memory_space<hbm>> -> memref<2000x16xf32, #tpu.memory_space<hbm>>
    tpu.wait_dma2 semaphore(%arg18 : memref<!tpu.dma_semaphore, #tpu.memory_space<semaphore_mem>>) src(%dma_wait3A_290 : memref<2000x16xf32, #tpu.memory_space<hbm>>) dst(%dma_wait3A_288 : memref<2000x16xf32, #tpu.memory_space<vmem>>)
    %mul3A_291 = arith.constant 10000 : i32
    %mul3A_292 = arith.muli %add3A, %mul3A_291 : i32
    %dma_wait3A_293 = arith.constant 1 : i32
    %dma_wait3A_294 = arith.constant 0 : i32
    %dma_wait3A_295 = arith.constant 0 : i32
    %dma_wait3A_296 = tpu.memref_slice %arg13[%dma_wait3A_293, %dma_wait3A_294, %dma_wait3A_295] : memref<2x2000x16xf32, #tpu.memory_space<vmem>> -> memref<1x2000x16xf32, #tpu.memory_space<vmem>>
    %dma_wait3A_297 = tpu.memref_squeeze %dma_wait3A_296 : memref<1x2000x16xf32, #tpu.memory_space<vmem>> -> memref<2000x16xf32, #tpu.memory_space<vmem>>
    %dma_wait3A_298 = arith.constant 0 : i32
    %dma_wait3A_299 = tpu.memref_slice %arg4[%mul3A_292, %dma_wait3A_298] : memref<320000x16xf32, #tpu.memory_space<hbm>> -> memref<2000x16xf32, #tpu.memory_space<hbm>>
    %dma_wait3A_300 = arith.constant 0 : i32
    %dma_wait3A_301 = arith.constant 0 : i32
    %dma_wait3A_302 = tpu.memref_slice %arg13[%dma_wait3A_293, %dma_wait3A_300, %dma_wait3A_301] : memref<2x2000x16xf32, #tpu.memory_space<vmem>> -> memref<1x2000x16xf32, #tpu.memory_space<vmem>>
    %dma_wait3A_303 = tpu.memref_squeeze %dma_wait3A_302 : memref<1x2000x16xf32, #tpu.memory_space<vmem>> -> memref<2000x16xf32, #tpu.memory_space<vmem>>
    %dma_wait3A_304 = arith.constant 0 : i32
    %dma_wait3A_305 = tpu.memref_slice %arg4[%mul3A_292, %dma_wait3A_304] : memref<320000x16xf32, #tpu.memory_space<hbm>> -> memref<2000x16xf32, #tpu.memory_space<hbm>>
    tpu.wait_dma2 semaphore(%arg21 : memref<!tpu.dma_semaphore, #tpu.memory_space<semaphore_mem>>) src(%dma_wait3A_305 : memref<2000x16xf32, #tpu.memory_space<hbm>>) dst(%dma_wait3A_303 : memref<2000x16xf32, #tpu.memory_space<vmem>>)
    %dma_wait3A_306 = arith.constant 0 : i32
    %dma_wait3A_307 = tpu.memref_slice %arg5[%dma_wait3A_306] : memref<10000xf32, #tpu.memory_space<hbm>> -> memref<2000xf32, #tpu.memory_space<hbm>>
    %dma_wait3A_308 = arith.constant 0 : i32
    %dma_wait3A_309 = tpu.memref_slice %arg5[%dma_wait3A_308] : memref<10000xf32, #tpu.memory_space<hbm>> -> memref<2000xf32, #tpu.memory_space<hbm>>
    tpu.wait_dma2 semaphore(%arg23 : memref<!tpu.dma_semaphore, #tpu.memory_space<semaphore_mem>>) src(%dma_wait3A_309 : memref<2000xf32, #tpu.memory_space<hbm>>) dst(%arg14 : memref<2000xf32, #tpu.memory_space<vmem>>)
    %dma_wait3A_310 = arith.constant 0 : i32
    %dma_wait3A_311 = tpu.memref_slice %arg5[%dma_wait3A_310] : memref<10000xf32, #tpu.memory_space<hbm>> -> memref<2000xf32, #tpu.memory_space<hbm>>
    %dma_wait3A_312 = arith.constant 0 : i32
    %dma_wait3A_313 = tpu.memref_slice %arg5[%dma_wait3A_312] : memref<10000xf32, #tpu.memory_space<hbm>> -> memref<2000xf32, #tpu.memory_space<hbm>>
    tpu.wait_dma2 semaphore(%arg25 : memref<!tpu.dma_semaphore, #tpu.memory_space<semaphore_mem>>) src(%dma_wait3A_313 : memref<2000xf32, #tpu.memory_space<hbm>>) dst(%arg14 : memref<2000xf32, #tpu.memory_space<vmem>>)
    %scan3A_314 = arith.constant 0 : i32
    %scan3A_315 = arith.constant 0 : i32
    %scan3A_316 = arith.constant 25 : i32
    %scan3A_317 = arith.addi %scan3A_315, %scan3A_316 : i32
    %scan3A_318 = arith.constant 1 : i32
    scf.for %scan3A_358 = %scan3A_315 to %scan3A_317 step %scan3A_318  : i32 {
      %add3A_359 = arith.constant 100 : i32
      %add3A_360 = arith.addi %add3A_359, %scan3A_358 : i32
      %mul3A_361 = arith.constant 80 : i32
      %mul3A_362 = arith.muli %scan3A_358, %mul3A_361 : i32
      %dma_start3A_363 = arith.constant 0 : i32
      %dma_start3A_364 = arith.constant 0 : i32
      %dma_start3A_365 = tpu.memref_slice %arg13[%dma_start3A_363, %mul3A_362, %dma_start3A_364] : memref<2x2000x16xf32, #tpu.memory_space<vmem>> -> memref<1x80x16xf32, #tpu.memory_space<vmem>>
      %dma_start3A_366 = tpu.memref_squeeze %dma_start3A_365 : memref<1x80x16xf32, #tpu.memory_space<vmem>> -> memref<80x16xf32, #tpu.memory_space<vmem>>
      %dma_start3A_367 = arith.constant 0 : i32
      %dma_start3A_368 = tpu.memref_slice %arg10[%add3A_360, %dma_start3A_367] : memref<125x80xi32, #tpu.memory_space<vmem>> -> memref<1x80xi32, #tpu.memory_space<vmem>>
      %dma_start3A_369 = tpu.memref_squeeze %dma_start3A_368 : memref<1x80xi32, #tpu.memory_space<vmem>> -> memref<80xi32, #tpu.memory_space<vmem>>
      %dma_start3A_370 = arith.constant 0 : i32
      %dma_start3A_371 = arith.constant 0 : i32
      %dma_start3A_372 = tpu.memref_slice %arg17[%dma_start3A_370, %dma_start3A_371] : memref<10000x16xf32, #tpu.memory_space<vmem_shared>> -> memref<10000x16xf32, #tpu.memory_space<vmem_shared>>
      tpu.enqueue_indirect_dma source(%dma_start3A_366 : memref<80x16xf32, #tpu.memory_space<vmem>>) target(%dma_start3A_372 : memref<10000x16xf32, #tpu.memory_space<vmem_shared>>) offsets(%dma_start3A_369 : memref<80xi32, #tpu.memory_space<vmem>>) semaphore(%arg20 : memref<!tpu.dma_semaphore, #tpu.memory_space<semaphore_mem>>) {add = true}
      %dma_start3A_373 = arith.constant 0 : i32
      %dma_start3A_374 = tpu.memref_slice %arg11[%add3A_360, %dma_start3A_373] : memref<125x80xi32, #tpu.memory_space<vmem>> -> memref<1x80xi32, #tpu.memory_space<vmem>>
      %dma_start3A_375 = tpu.memref_squeeze %dma_start3A_374 : memref<1x80xi32, #tpu.memory_space<vmem>> -> memref<80xi32, #tpu.memory_space<vmem>>
      %dma_start3A_376 = arith.constant 0 : i32
      %dma_start3A_377 = tpu.memref_slice %arg15[%dma_start3A_376] : memref<10000xf32, #tpu.memory_space<vmem_shared>> -> memref<10000xf32, #tpu.memory_space<vmem_shared>>
      tpu.enqueue_indirect_dma source(%arg12 : memref<80xf32, #tpu.memory_space<vmem>>) target(%dma_start3A_377 : memref<10000xf32, #tpu.memory_space<vmem_shared>>) offsets(%dma_start3A_375 : memref<80xi32, #tpu.memory_space<vmem>>) semaphore(%arg22 : memref<!tpu.dma_semaphore, #tpu.memory_space<semaphore_mem>>) {add = true}
      %dma_start3A_378 = arith.constant 0 : i32
      %dma_start3A_379 = tpu.memref_slice %arg10[%add3A_360, %dma_start3A_378] : memref<125x80xi32, #tpu.memory_space<vmem>> -> memref<1x80xi32, #tpu.memory_space<vmem>>
      %dma_start3A_380 = tpu.memref_squeeze %dma_start3A_379 : memref<1x80xi32, #tpu.memory_space<vmem>> -> memref<80xi32, #tpu.memory_space<vmem>>
      %dma_start3A_381 = arith.constant 0 : i32
      %dma_start3A_382 = tpu.memref_slice %arg16[%dma_start3A_381] : memref<10000xf32, #tpu.memory_space<vmem_shared>> -> memref<10000xf32, #tpu.memory_space<vmem_shared>>
      tpu.enqueue_indirect_dma source(%arg12 : memref<80xf32, #tpu.memory_space<vmem>>) target(%dma_start3A_382 : memref<10000xf32, #tpu.memory_space<vmem_shared>>) offsets(%dma_start3A_380 : memref<80xi32, #tpu.memory_space<vmem>>) semaphore(%arg24 : memref<!tpu.dma_semaphore, #tpu.memory_space<semaphore_mem>>) {add = true}
    }
    %scan3A_319 = arith.constant 25 : i32
    %mul3A_320 = arith.constant 10000 : i32
    %mul3A_321 = arith.muli %add3A, %mul3A_320 : i32
    %dma_wait3A_322 = arith.constant 0 : i32
    %dma_wait3A_323 = arith.constant 0 : i32
    %dma_wait3A_324 = arith.constant 0 : i32
    %dma_wait3A_325 = tpu.memref_slice %arg13[%dma_wait3A_322, %dma_wait3A_323, %dma_wait3A_324] : memref<2x2000x16xf32, #tpu.memory_space<vmem>> -> memref<1x2000x16xf32, #tpu.memory_space<vmem>>
    %dma_wait3A_326 = tpu.memref_squeeze %dma_wait3A_325 : memref<1x2000x16xf32, #tpu.memory_space<vmem>> -> memref<2000x16xf32, #tpu.memory_space<vmem>>
    %dma_wait3A_327 = arith.constant 0 : i32
    %dma_wait3A_328 = tpu.memref_slice %arg4[%mul3A_321, %dma_wait3A_327] : memref<320000x16xf32, #tpu.memory_space<hbm>> -> memref<2000x16xf32, #tpu.memory_space<hbm>>
    %dma_wait3A_329 = arith.constant 0 : i32
    %dma_wait3A_330 = arith.constant 0 : i32
    %dma_wait3A_331 = tpu.memref_slice %arg13[%dma_wait3A_322, %dma_wait3A_329, %dma_wait3A_330] : memref<2x2000x16xf32, #tpu.memory_space<vmem>> -> memref<1x2000x16xf32, #tpu.memory_space<vmem>>
    %dma_wait3A_332 = tpu.memref_squeeze %dma_wait3A_331 : memref<1x2000x16xf32, #tpu.memory_space<vmem>> -> memref<2000x16xf32, #tpu.memory_space<vmem>>
    %dma_wait3A_333 = arith.constant 0 : i32
    %dma_wait3A_334 = tpu.memref_slice %arg4[%mul3A_321, %dma_wait3A_333] : memref<320000x16xf32, #tpu.memory_space<hbm>> -> memref<2000x16xf32, #tpu.memory_space<hbm>>
    tpu.wait_dma2 semaphore(%arg20 : memref<!tpu.dma_semaphore, #tpu.memory_space<semaphore_mem>>) src(%dma_wait3A_334 : memref<2000x16xf32, #tpu.memory_space<hbm>>) dst(%dma_wait3A_332 : memref<2000x16xf32, #tpu.memory_space<vmem>>)
    %dma_wait3A_335 = arith.constant 0 : i32
    %dma_wait3A_336 = tpu.memref_slice %arg5[%dma_wait3A_335] : memref<10000xf32, #tpu.memory_space<hbm>> -> memref<2000xf32, #tpu.memory_space<hbm>>
    %dma_wait3A_337 = arith.constant 0 : i32
    %dma_wait3A_338 = tpu.memref_slice %arg5[%dma_wait3A_337] : memref<10000xf32, #tpu.memory_space<hbm>> -> memref<2000xf32, #tpu.memory_space<hbm>>
    tpu.wait_dma2 semaphore(%arg22 : memref<!tpu.dma_semaphore, #tpu.memory_space<semaphore_mem>>) src(%dma_wait3A_338 : memref<2000xf32, #tpu.memory_space<hbm>>) dst(%arg14 : memref<2000xf32, #tpu.memory_space<vmem>>)
    %dma_wait3A_339 = arith.constant 0 : i32
    %dma_wait3A_340 = tpu.memref_slice %arg5[%dma_wait3A_339] : memref<10000xf32, #tpu.memory_space<hbm>> -> memref<2000xf32, #tpu.memory_space<hbm>>
    %dma_wait3A_341 = arith.constant 0 : i32
    %dma_wait3A_342 = tpu.memref_slice %arg5[%dma_wait3A_341] : memref<10000xf32, #tpu.memory_space<hbm>> -> memref<2000xf32, #tpu.memory_space<hbm>>
    tpu.wait_dma2 semaphore(%arg24 : memref<!tpu.dma_semaphore, #tpu.memory_space<semaphore_mem>>) src(%dma_wait3A_342 : memref<2000xf32, #tpu.memory_space<hbm>>) dst(%arg14 : memref<2000xf32, #tpu.memory_space<vmem>>)
    %barrier3A_343 = arith.constant 0 : index
    tpu.barrier barrier_id(%barrier3A_343)
    %eq3A_344 = arith.constant 0 : i32
    %eq3A_345 = arith.cmpi eq, %arg1, %eq3A_344 : i32
    %convert_element_type3A_346 = arith.extui %eq3A_345 : i1 to i32
    %cond3A_347 = arith.constant 0 : i32
    %cond3A_348 = arith.cmpi ne, %convert_element_type3A_346, %cond3A_347 : i32
    scf.if %cond3A_348 {
      "tpu.region"() ({
        %run_scoped3A = tpu.sem_alloc : memref<!tpu.dma_semaphore, #tpu.memory_space<semaphore_mem>>
        %dma_start3A_358 = arith.constant 0 : i32
        %dma_start3A_359 = tpu.memref_slice %arg7[%arg0, %dma_start3A_358] : memref<2x10000xf32, #tpu.memory_space<hbm>> -> memref<1x10000xf32, #tpu.memory_space<hbm>>
        %dma_start3A_360 = tpu.memref_squeeze %dma_start3A_359 : memref<1x10000xf32, #tpu.memory_space<hbm>> -> memref<10000xf32, #tpu.memory_space<hbm>>
        tpu.enqueue_dma source(%arg15 : memref<10000xf32, #tpu.memory_space<vmem_shared>>) target(%dma_start3A_360 : memref<10000xf32, #tpu.memory_space<hbm>>) target_semaphore(%run_scoped3A : memref<!tpu.dma_semaphore, #tpu.memory_space<semaphore_mem>>)
        %dma_wait3A_361 = arith.constant 0 : i32
        %dma_wait3A_362 = tpu.memref_slice %arg7[%arg0, %dma_wait3A_361] : memref<2x10000xf32, #tpu.memory_space<hbm>> -> memref<1x10000xf32, #tpu.memory_space<hbm>>
        %dma_wait3A_363 = tpu.memref_squeeze %dma_wait3A_362 : memref<1x10000xf32, #tpu.memory_space<hbm>> -> memref<10000xf32, #tpu.memory_space<hbm>>
        tpu.wait_dma2 semaphore(%run_scoped3A : memref<!tpu.dma_semaphore, #tpu.memory_space<semaphore_mem>>) src(%arg15 : memref<10000xf32, #tpu.memory_space<vmem_shared>>) dst(%dma_wait3A_363 : memref<10000xf32, #tpu.memory_space<hbm>>)
        tpu.yield
      }) : () -> ()
      "tpu.region"() ({
        %run_scoped3A = tpu.sem_alloc : memref<!tpu.dma_semaphore, #tpu.memory_space<semaphore_mem>>
        %dma_start3A_358 = arith.constant 0 : i32
        %dma_start3A_359 = tpu.memref_slice %arg8[%arg0, %dma_start3A_358] : memref<2x10000xf32, #tpu.memory_space<hbm>> -> memref<1x10000xf32, #tpu.memory_space<hbm>>
        %dma_start3A_360 = tpu.memref_squeeze %dma_start3A_359 : memref<1x10000xf32, #tpu.memory_space<hbm>> -> memref<10000xf32, #tpu.memory_space<hbm>>
        tpu.enqueue_dma source(%arg16 : memref<10000xf32, #tpu.memory_space<vmem_shared>>) target(%dma_start3A_360 : memref<10000xf32, #tpu.memory_space<hbm>>) target_semaphore(%run_scoped3A : memref<!tpu.dma_semaphore, #tpu.memory_space<semaphore_mem>>)
        %dma_wait3A_361 = arith.constant 0 : i32
        %dma_wait3A_362 = tpu.memref_slice %arg8[%arg0, %dma_wait3A_361] : memref<2x10000xf32, #tpu.memory_space<hbm>> -> memref<1x10000xf32, #tpu.memory_space<hbm>>
        %dma_wait3A_363 = tpu.memref_squeeze %dma_wait3A_362 : memref<1x10000xf32, #tpu.memory_space<hbm>> -> memref<10000xf32, #tpu.memory_space<hbm>>
        tpu.wait_dma2 semaphore(%run_scoped3A : memref<!tpu.dma_semaphore, #tpu.memory_space<semaphore_mem>>) src(%arg16 : memref<10000xf32, #tpu.memory_space<vmem_shared>>) dst(%dma_wait3A_363 : memref<10000xf32, #tpu.memory_space<hbm>>)
        tpu.yield
      }) : () -> ()
    } else {
    }
    %lt3A = arith.constant 15 : i32
    %lt3A_349 = arith.cmpi slt, %arg1, %lt3A : i32
    %convert_element_type3A_350 = arith.extui %lt3A_349 : i1 to i32
    %cond3A_351 = arith.constant 0 : i32
    %cond3A_352 = arith.cmpi ne, %convert_element_type3A_350, %cond3A_351 : i32
    scf.if %cond3A_352 {
      %mul3A_358 = arith.constant 624 : i32
      %mul3A_359 = arith.muli %arg1, %mul3A_358 : i32
      %mul3A_360 = arith.constant 624 : i32
      %mul3A_361 = arith.muli %arg1, %mul3A_360 : i32
      "tpu.region"() ({
        %run_scoped3A = tpu.sem_alloc : memref<!tpu.dma_semaphore, #tpu.memory_space<semaphore_mem>>
        %dma_start3A_362 = arith.constant 0 : i32
        %dma_start3A_363 = tpu.memref_slice %arg9[%arg0, %mul3A_361, %dma_start3A_362] : memref<2x10000x16xf32, #tpu.memory_space<hbm>> -> memref<1x624x16xf32, #tpu.memory_space<hbm>>
        %dma_start3A_364 = tpu.memref_squeeze %dma_start3A_363 : memref<1x624x16xf32, #tpu.memory_space<hbm>> -> memref<624x16xf32, #tpu.memory_space<hbm>>
        %dma_start3A_365 = arith.constant 0 : i32
        %dma_start3A_366 = tpu.memref_slice %arg17[%mul3A_359, %dma_start3A_365] : memref<10000x16xf32, #tpu.memory_space<vmem_shared>> -> memref<624x16xf32, #tpu.memory_space<vmem_shared>>
        tpu.enqueue_dma source(%dma_start3A_366 : memref<624x16xf32, #tpu.memory_space<vmem_shared>>) target(%dma_start3A_364 : memref<624x16xf32, #tpu.memory_space<hbm>>) target_semaphore(%run_scoped3A : memref<!tpu.dma_semaphore, #tpu.memory_space<semaphore_mem>>)
        %dma_wait3A_367 = arith.constant 0 : i32
        %dma_wait3A_368 = tpu.memref_slice %arg9[%arg0, %mul3A_361, %dma_wait3A_367] : memref<2x10000x16xf32, #tpu.memory_space<hbm>> -> memref<1x624x16xf32, #tpu.memory_space<hbm>>
        %dma_wait3A_369 = tpu.memref_squeeze %dma_wait3A_368 : memref<1x624x16xf32, #tpu.memory_space<hbm>> -> memref<624x16xf32, #tpu.memory_space<hbm>>
        %dma_wait3A_370 = arith.constant 0 : i32
        %dma_wait3A_371 = tpu.memref_slice %arg17[%mul3A_359, %dma_wait3A_370] : memref<10000x16xf32, #tpu.memory_space<vmem_shared>> -> memref<624x16xf32, #tpu.memory_space<vmem_shared>>
        tpu.wait_dma2 semaphore(%run_scoped3A : memref<!tpu.dma_semaphore, #tpu.memory_space<semaphore_mem>>) src(%dma_wait3A_371 : memref<624x16xf32, #tpu.memory_space<vmem_shared>>) dst(%dma_wait3A_369 : memref<624x16xf32, #tpu.memory_space<hbm>>)
        tpu.yield
      }) : () -> ()
    } else {
    }
    %eq3A_353 = arith.constant 15 : i32
    %eq3A_354 = arith.cmpi eq, %arg1, %eq3A_353 : i32
    %convert_element_type3A_355 = arith.extui %eq3A_354 : i1 to i32
    %cond3A_356 = arith.constant 0 : i32
    %cond3A_357 = arith.cmpi ne, %convert_element_type3A_355, %cond3A_356 : i32
    scf.if %cond3A_357 {
      "tpu.region"() ({
        %run_scoped3A = tpu.sem_alloc : memref<!tpu.dma_semaphore, #tpu.memory_space<semaphore_mem>>
        %dma_start3A_358 = arith.constant 9360 : i32
        %dma_start3A_359 = arith.constant 0 : i32
        %dma_start3A_360 = tpu.memref_slice %arg9[%arg0, %dma_start3A_358, %dma_start3A_359] : memref<2x10000x16xf32, #tpu.memory_space<hbm>> -> memref<1x640x16xf32, #tpu.memory_space<hbm>>
        %dma_start3A_361 = tpu.memref_squeeze %dma_start3A_360 : memref<1x640x16xf32, #tpu.memory_space<hbm>> -> memref<640x16xf32, #tpu.memory_space<hbm>>
        %dma_start3A_362 = arith.constant 9360 : i32
        %dma_start3A_363 = arith.constant 0 : i32
        %dma_start3A_364 = tpu.memref_slice %arg17[%dma_start3A_362, %dma_start3A_363] : memref<10000x16xf32, #tpu.memory_space<vmem_shared>> -> memref<640x16xf32, #tpu.memory_space<vmem_shared>>
        tpu.enqueue_dma source(%dma_start3A_364 : memref<640x16xf32, #tpu.memory_space<vmem_shared>>) target(%dma_start3A_361 : memref<640x16xf32, #tpu.memory_space<hbm>>) target_semaphore(%run_scoped3A : memref<!tpu.dma_semaphore, #tpu.memory_space<semaphore_mem>>)
        %dma_wait3A_365 = arith.constant 9360 : i32
        %dma_wait3A_366 = arith.constant 0 : i32
        %dma_wait3A_367 = tpu.memref_slice %arg9[%arg0, %dma_wait3A_365, %dma_wait3A_366] : memref<2x10000x16xf32, #tpu.memory_space<hbm>> -> memref<1x640x16xf32, #tpu.memory_space<hbm>>
        %dma_wait3A_368 = tpu.memref_squeeze %dma_wait3A_367 : memref<1x640x16xf32, #tpu.memory_space<hbm>> -> memref<640x16xf32, #tpu.memory_space<hbm>>
        %dma_wait3A_369 = arith.constant 9360 : i32
        %dma_wait3A_370 = arith.constant 0 : i32
        %dma_wait3A_371 = tpu.memref_slice %arg17[%dma_wait3A_369, %dma_wait3A_370] : memref<10000x16xf32, #tpu.memory_space<vmem_shared>> -> memref<640x16xf32, #tpu.memory_space<vmem_shared>>
        tpu.wait_dma2 semaphore(%run_scoped3A : memref<!tpu.dma_semaphore, #tpu.memory_space<semaphore_mem>>) src(%dma_wait3A_371 : memref<640x16xf32, #tpu.memory_space<vmem_shared>>) dst(%dma_wait3A_368 : memref<640x16xf32, #tpu.memory_space<hbm>>)
        tpu.yield
      }) : () -> ()
    } else {
    }
    return
  }
}

#map = affine_map<(d0, d1) -> (0, 0, 0)>
#map1 = affine_map<(d0, d1) -> (0, 0)>
module attributes {stable_mosaic.version = 14 : i64} {
  func.func @_sc_layer2(%arg0: i32, %arg1: i32, %arg2: memref<32x125x80xi32, #tpu.memory_space<hbm>>, %arg3: memref<32x125x80xi32, #tpu.memory_space<hbm>>, %arg4: memref<2x10000x64xf32, #tpu.memory_space<hbm>>, %arg5: memref<10000x64xf32, #tpu.memory_space<hbm>>, %arg6: memref<2x10000x64xf32, #tpu.memory_space<hbm>>, %arg7: memref<250x80xi32, #tpu.memory_space<vmem>>, %arg8: memref<250x80xi32, #tpu.memory_space<vmem>>, %arg9: memref<4x80x64xf32, #tpu.memory_space<vmem>>, %arg10: memref<10000x64xf32, #tpu.memory_space<vmem_shared>>, %arg11: memref<!tpu.dma_semaphore, #tpu.memory_space<semaphore_mem>>, %arg12: memref<!tpu.dma_semaphore, #tpu.memory_space<semaphore_mem>>, %arg13: memref<!tpu.dma_semaphore, #tpu.memory_space<semaphore_mem>>, %arg14: memref<!tpu.dma_semaphore, #tpu.memory_space<semaphore_mem>>, %arg15: memref<!tpu.dma_semaphore, #tpu.memory_space<semaphore_mem>>, %arg16: memref<!tpu.dma_semaphore, #tpu.memory_space<semaphore_mem>>, %arg17: memref<!tpu.dma_semaphore, #tpu.memory_space<semaphore_mem>>, %arg18: memref<!tpu.dma_semaphore, #tpu.memory_space<semaphore_mem>>) attributes {dimension_semantics = [#tpu.dimension_semantics<core_parallel>, #tpu.dimension_semantics<subcore_parallel>], iteration_bounds = array<i64: 2, 16>, scalar_prefetch = 0 : i64, scratch_operands = 12 : i64, tpu.core_type = #tpu.core_type<sc_vector_subcore>, window_params = [{transform_indices = #map}, {transform_indices = #map}, {transform_indices = #map}, {transform_indices = #map1}, {transform_indices = #map}]} {
    %mul3A = arith.constant 16 : i32
    %mul3A_0 = arith.muli %arg0, %mul3A : i32
    %add3A = arith.addi %mul3A_0, %arg1 : i32
    "tpu.region"() ({
      %run_scoped3A = tpu.sem_alloc : memref<!tpu.dma_semaphore, #tpu.memory_space<semaphore_mem>>
      %dma_start3A_164 = arith.constant 0 : i32
      %dma_start3A_165 = arith.constant 0 : i32
      %dma_start3A_166 = tpu.memref_slice %arg7[%dma_start3A_164, %dma_start3A_165] : memref<250x80xi32, #tpu.memory_space<vmem>> -> memref<125x80xi32, #tpu.memory_space<vmem>>
      %dma_start3A_167 = arith.constant 0 : i32
      %dma_start3A_168 = arith.constant 0 : i32
      %dma_start3A_169 = tpu.memref_slice %arg2[%arg1, %dma_start3A_167, %dma_start3A_168] : memref<32x125x80xi32, #tpu.memory_space<hbm>> -> memref<1x125x80xi32, #tpu.memory_space<hbm>>
      %dma_start3A_170 = tpu.memref_squeeze %dma_start3A_169 : memref<1x125x80xi32, #tpu.memory_space<hbm>> -> memref<125x80xi32, #tpu.memory_space<hbm>>
      %dma_start3A_171 = arith.constant 0 : i32
      %dma_start3A_172 = arith.constant 0 : i32
      %dma_start3A_173 = tpu.memref_slice %arg7[%dma_start3A_171, %dma_start3A_172] : memref<250x80xi32, #tpu.memory_space<vmem>> -> memref<125x80xi32, #tpu.memory_space<vmem>>
      %dma_start3A_174 = arith.constant 0 : i32
      %dma_start3A_175 = arith.constant 0 : i32
      %dma_start3A_176 = tpu.memref_slice %arg2[%arg1, %dma_start3A_174, %dma_start3A_175] : memref<32x125x80xi32, #tpu.memory_space<hbm>> -> memref<1x125x80xi32, #tpu.memory_space<hbm>>
      %dma_start3A_177 = tpu.memref_squeeze %dma_start3A_176 : memref<1x125x80xi32, #tpu.memory_space<hbm>> -> memref<125x80xi32, #tpu.memory_space<hbm>>
      tpu.enqueue_dma source(%dma_start3A_177 : memref<125x80xi32, #tpu.memory_space<hbm>>) target(%dma_start3A_173 : memref<125x80xi32, #tpu.memory_space<vmem>>) target_semaphore(%run_scoped3A : memref<!tpu.dma_semaphore, #tpu.memory_space<semaphore_mem>>)
      %dma_wait3A_178 = arith.constant 0 : i32
      %dma_wait3A_179 = arith.constant 0 : i32
      %dma_wait3A_180 = tpu.memref_slice %arg7[%dma_wait3A_178, %dma_wait3A_179] : memref<250x80xi32, #tpu.memory_space<vmem>> -> memref<125x80xi32, #tpu.memory_space<vmem>>
      %dma_wait3A_181 = arith.constant 0 : i32
      %dma_wait3A_182 = arith.constant 0 : i32
      %dma_wait3A_183 = tpu.memref_slice %arg2[%arg1, %dma_wait3A_181, %dma_wait3A_182] : memref<32x125x80xi32, #tpu.memory_space<hbm>> -> memref<1x125x80xi32, #tpu.memory_space<hbm>>
      %dma_wait3A_184 = tpu.memref_squeeze %dma_wait3A_183 : memref<1x125x80xi32, #tpu.memory_space<hbm>> -> memref<125x80xi32, #tpu.memory_space<hbm>>
      %dma_wait3A_185 = arith.constant 0 : i32
      %dma_wait3A_186 = arith.constant 0 : i32
      %dma_wait3A_187 = tpu.memref_slice %arg7[%dma_wait3A_185, %dma_wait3A_186] : memref<250x80xi32, #tpu.memory_space<vmem>> -> memref<125x80xi32, #tpu.memory_space<vmem>>
      %dma_wait3A_188 = arith.constant 0 : i32
      %dma_wait3A_189 = arith.constant 0 : i32
      %dma_wait3A_190 = tpu.memref_slice %arg2[%arg1, %dma_wait3A_188, %dma_wait3A_189] : memref<32x125x80xi32, #tpu.memory_space<hbm>> -> memref<1x125x80xi32, #tpu.memory_space<hbm>>
      %dma_wait3A_191 = tpu.memref_squeeze %dma_wait3A_190 : memref<1x125x80xi32, #tpu.memory_space<hbm>> -> memref<125x80xi32, #tpu.memory_space<hbm>>
      tpu.wait_dma2 semaphore(%run_scoped3A : memref<!tpu.dma_semaphore, #tpu.memory_space<semaphore_mem>>) src(%dma_wait3A_191 : memref<125x80xi32, #tpu.memory_space<hbm>>) dst(%dma_wait3A_187 : memref<125x80xi32, #tpu.memory_space<vmem>>)
      tpu.yield
    }) : () -> ()
    %add3A_1 = arith.constant 16 : i32
    %add3A_2 = arith.addi %add3A_1, %arg1 : i32
    "tpu.region"() ({
      %run_scoped3A = tpu.sem_alloc : memref<!tpu.dma_semaphore, #tpu.memory_space<semaphore_mem>>
      %dma_start3A_164 = arith.constant 125 : i32
      %dma_start3A_165 = arith.constant 0 : i32
      %dma_start3A_166 = tpu.memref_slice %arg7[%dma_start3A_164, %dma_start3A_165] : memref<250x80xi32, #tpu.memory_space<vmem>> -> memref<125x80xi32, #tpu.memory_space<vmem>>
      %dma_start3A_167 = arith.constant 0 : i32
      %dma_start3A_168 = arith.constant 0 : i32
      %dma_start3A_169 = tpu.memref_slice %arg2[%add3A_2, %dma_start3A_167, %dma_start3A_168] : memref<32x125x80xi32, #tpu.memory_space<hbm>> -> memref<1x125x80xi32, #tpu.memory_space<hbm>>
      %dma_start3A_170 = tpu.memref_squeeze %dma_start3A_169 : memref<1x125x80xi32, #tpu.memory_space<hbm>> -> memref<125x80xi32, #tpu.memory_space<hbm>>
      %dma_start3A_171 = arith.constant 125 : i32
      %dma_start3A_172 = arith.constant 0 : i32
      %dma_start3A_173 = tpu.memref_slice %arg7[%dma_start3A_171, %dma_start3A_172] : memref<250x80xi32, #tpu.memory_space<vmem>> -> memref<125x80xi32, #tpu.memory_space<vmem>>
      %dma_start3A_174 = arith.constant 0 : i32
      %dma_start3A_175 = arith.constant 0 : i32
      %dma_start3A_176 = tpu.memref_slice %arg2[%add3A_2, %dma_start3A_174, %dma_start3A_175] : memref<32x125x80xi32, #tpu.memory_space<hbm>> -> memref<1x125x80xi32, #tpu.memory_space<hbm>>
      %dma_start3A_177 = tpu.memref_squeeze %dma_start3A_176 : memref<1x125x80xi32, #tpu.memory_space<hbm>> -> memref<125x80xi32, #tpu.memory_space<hbm>>
      tpu.enqueue_dma source(%dma_start3A_177 : memref<125x80xi32, #tpu.memory_space<hbm>>) target(%dma_start3A_173 : memref<125x80xi32, #tpu.memory_space<vmem>>) target_semaphore(%run_scoped3A : memref<!tpu.dma_semaphore, #tpu.memory_space<semaphore_mem>>)
      %dma_wait3A_178 = arith.constant 125 : i32
      %dma_wait3A_179 = arith.constant 0 : i32
      %dma_wait3A_180 = tpu.memref_slice %arg7[%dma_wait3A_178, %dma_wait3A_179] : memref<250x80xi32, #tpu.memory_space<vmem>> -> memref<125x80xi32, #tpu.memory_space<vmem>>
      %dma_wait3A_181 = arith.constant 0 : i32
      %dma_wait3A_182 = arith.constant 0 : i32
      %dma_wait3A_183 = tpu.memref_slice %arg2[%add3A_2, %dma_wait3A_181, %dma_wait3A_182] : memref<32x125x80xi32, #tpu.memory_space<hbm>> -> memref<1x125x80xi32, #tpu.memory_space<hbm>>
      %dma_wait3A_184 = tpu.memref_squeeze %dma_wait3A_183 : memref<1x125x80xi32, #tpu.memory_space<hbm>> -> memref<125x80xi32, #tpu.memory_space<hbm>>
      %dma_wait3A_185 = arith.constant 125 : i32
      %dma_wait3A_186 = arith.constant 0 : i32
      %dma_wait3A_187 = tpu.memref_slice %arg7[%dma_wait3A_185, %dma_wait3A_186] : memref<250x80xi32, #tpu.memory_space<vmem>> -> memref<125x80xi32, #tpu.memory_space<vmem>>
      %dma_wait3A_188 = arith.constant 0 : i32
      %dma_wait3A_189 = arith.constant 0 : i32
      %dma_wait3A_190 = tpu.memref_slice %arg2[%add3A_2, %dma_wait3A_188, %dma_wait3A_189] : memref<32x125x80xi32, #tpu.memory_space<hbm>> -> memref<1x125x80xi32, #tpu.memory_space<hbm>>
      %dma_wait3A_191 = tpu.memref_squeeze %dma_wait3A_190 : memref<1x125x80xi32, #tpu.memory_space<hbm>> -> memref<125x80xi32, #tpu.memory_space<hbm>>
      tpu.wait_dma2 semaphore(%run_scoped3A : memref<!tpu.dma_semaphore, #tpu.memory_space<semaphore_mem>>) src(%dma_wait3A_191 : memref<125x80xi32, #tpu.memory_space<hbm>>) dst(%dma_wait3A_187 : memref<125x80xi32, #tpu.memory_space<vmem>>)
      tpu.yield
    }) : () -> ()
    "tpu.region"() ({
      %run_scoped3A = tpu.sem_alloc : memref<!tpu.dma_semaphore, #tpu.memory_space<semaphore_mem>>
      %dma_start3A_164 = arith.constant 0 : i32
      %dma_start3A_165 = arith.constant 0 : i32
      %dma_start3A_166 = tpu.memref_slice %arg8[%dma_start3A_164, %dma_start3A_165] : memref<250x80xi32, #tpu.memory_space<vmem>> -> memref<125x80xi32, #tpu.memory_space<vmem>>
      %dma_start3A_167 = arith.constant 0 : i32
      %dma_start3A_168 = arith.constant 0 : i32
      %dma_start3A_169 = tpu.memref_slice %arg3[%arg1, %dma_start3A_167, %dma_start3A_168] : memref<32x125x80xi32, #tpu.memory_space<hbm>> -> memref<1x125x80xi32, #tpu.memory_space<hbm>>
      %dma_start3A_170 = tpu.memref_squeeze %dma_start3A_169 : memref<1x125x80xi32, #tpu.memory_space<hbm>> -> memref<125x80xi32, #tpu.memory_space<hbm>>
      %dma_start3A_171 = arith.constant 0 : i32
      %dma_start3A_172 = arith.constant 0 : i32
      %dma_start3A_173 = tpu.memref_slice %arg8[%dma_start3A_171, %dma_start3A_172] : memref<250x80xi32, #tpu.memory_space<vmem>> -> memref<125x80xi32, #tpu.memory_space<vmem>>
      %dma_start3A_174 = arith.constant 0 : i32
      %dma_start3A_175 = arith.constant 0 : i32
      %dma_start3A_176 = tpu.memref_slice %arg3[%arg1, %dma_start3A_174, %dma_start3A_175] : memref<32x125x80xi32, #tpu.memory_space<hbm>> -> memref<1x125x80xi32, #tpu.memory_space<hbm>>
      %dma_start3A_177 = tpu.memref_squeeze %dma_start3A_176 : memref<1x125x80xi32, #tpu.memory_space<hbm>> -> memref<125x80xi32, #tpu.memory_space<hbm>>
      tpu.enqueue_dma source(%dma_start3A_177 : memref<125x80xi32, #tpu.memory_space<hbm>>) target(%dma_start3A_173 : memref<125x80xi32, #tpu.memory_space<vmem>>) target_semaphore(%run_scoped3A : memref<!tpu.dma_semaphore, #tpu.memory_space<semaphore_mem>>)
      %dma_wait3A_178 = arith.constant 0 : i32
      %dma_wait3A_179 = arith.constant 0 : i32
      %dma_wait3A_180 = tpu.memref_slice %arg8[%dma_wait3A_178, %dma_wait3A_179] : memref<250x80xi32, #tpu.memory_space<vmem>> -> memref<125x80xi32, #tpu.memory_space<vmem>>
      %dma_wait3A_181 = arith.constant 0 : i32
      %dma_wait3A_182 = arith.constant 0 : i32
      %dma_wait3A_183 = tpu.memref_slice %arg3[%arg1, %dma_wait3A_181, %dma_wait3A_182] : memref<32x125x80xi32, #tpu.memory_space<hbm>> -> memref<1x125x80xi32, #tpu.memory_space<hbm>>
      %dma_wait3A_184 = tpu.memref_squeeze %dma_wait3A_183 : memref<1x125x80xi32, #tpu.memory_space<hbm>> -> memref<125x80xi32, #tpu.memory_space<hbm>>
      %dma_wait3A_185 = arith.constant 0 : i32
      %dma_wait3A_186 = arith.constant 0 : i32
      %dma_wait3A_187 = tpu.memref_slice %arg8[%dma_wait3A_185, %dma_wait3A_186] : memref<250x80xi32, #tpu.memory_space<vmem>> -> memref<125x80xi32, #tpu.memory_space<vmem>>
      %dma_wait3A_188 = arith.constant 0 : i32
      %dma_wait3A_189 = arith.constant 0 : i32
      %dma_wait3A_190 = tpu.memref_slice %arg3[%arg1, %dma_wait3A_188, %dma_wait3A_189] : memref<32x125x80xi32, #tpu.memory_space<hbm>> -> memref<1x125x80xi32, #tpu.memory_space<hbm>>
      %dma_wait3A_191 = tpu.memref_squeeze %dma_wait3A_190 : memref<1x125x80xi32, #tpu.memory_space<hbm>> -> memref<125x80xi32, #tpu.memory_space<hbm>>
      tpu.wait_dma2 semaphore(%run_scoped3A : memref<!tpu.dma_semaphore, #tpu.memory_space<semaphore_mem>>) src(%dma_wait3A_191 : memref<125x80xi32, #tpu.memory_space<hbm>>) dst(%dma_wait3A_187 : memref<125x80xi32, #tpu.memory_space<vmem>>)
      tpu.yield
    }) : () -> ()
    %add3A_3 = arith.constant 16 : i32
    %add3A_4 = arith.addi %add3A_3, %arg1 : i32
    "tpu.region"() ({
      %run_scoped3A = tpu.sem_alloc : memref<!tpu.dma_semaphore, #tpu.memory_space<semaphore_mem>>
      %dma_start3A_164 = arith.constant 125 : i32
      %dma_start3A_165 = arith.constant 0 : i32
      %dma_start3A_166 = tpu.memref_slice %arg8[%dma_start3A_164, %dma_start3A_165] : memref<250x80xi32, #tpu.memory_space<vmem>> -> memref<125x80xi32, #tpu.memory_space<vmem>>
      %dma_start3A_167 = arith.constant 0 : i32
      %dma_start3A_168 = arith.constant 0 : i32
      %dma_start3A_169 = tpu.memref_slice %arg3[%add3A_4, %dma_start3A_167, %dma_start3A_168] : memref<32x125x80xi32, #tpu.memory_space<hbm>> -> memref<1x125x80xi32, #tpu.memory_space<hbm>>
      %dma_start3A_170 = tpu.memref_squeeze %dma_start3A_169 : memref<1x125x80xi32, #tpu.memory_space<hbm>> -> memref<125x80xi32, #tpu.memory_space<hbm>>
      %dma_start3A_171 = arith.constant 125 : i32
      %dma_start3A_172 = arith.constant 0 : i32
      %dma_start3A_173 = tpu.memref_slice %arg8[%dma_start3A_171, %dma_start3A_172] : memref<250x80xi32, #tpu.memory_space<vmem>> -> memref<125x80xi32, #tpu.memory_space<vmem>>
      %dma_start3A_174 = arith.constant 0 : i32
      %dma_start3A_175 = arith.constant 0 : i32
      %dma_start3A_176 = tpu.memref_slice %arg3[%add3A_4, %dma_start3A_174, %dma_start3A_175] : memref<32x125x80xi32, #tpu.memory_space<hbm>> -> memref<1x125x80xi32, #tpu.memory_space<hbm>>
      %dma_start3A_177 = tpu.memref_squeeze %dma_start3A_176 : memref<1x125x80xi32, #tpu.memory_space<hbm>> -> memref<125x80xi32, #tpu.memory_space<hbm>>
      tpu.enqueue_dma source(%dma_start3A_177 : memref<125x80xi32, #tpu.memory_space<hbm>>) target(%dma_start3A_173 : memref<125x80xi32, #tpu.memory_space<vmem>>) target_semaphore(%run_scoped3A : memref<!tpu.dma_semaphore, #tpu.memory_space<semaphore_mem>>)
      %dma_wait3A_178 = arith.constant 125 : i32
      %dma_wait3A_179 = arith.constant 0 : i32
      %dma_wait3A_180 = tpu.memref_slice %arg8[%dma_wait3A_178, %dma_wait3A_179] : memref<250x80xi32, #tpu.memory_space<vmem>> -> memref<125x80xi32, #tpu.memory_space<vmem>>
      %dma_wait3A_181 = arith.constant 0 : i32
      %dma_wait3A_182 = arith.constant 0 : i32
      %dma_wait3A_183 = tpu.memref_slice %arg3[%add3A_4, %dma_wait3A_181, %dma_wait3A_182] : memref<32x125x80xi32, #tpu.memory_space<hbm>> -> memref<1x125x80xi32, #tpu.memory_space<hbm>>
      %dma_wait3A_184 = tpu.memref_squeeze %dma_wait3A_183 : memref<1x125x80xi32, #tpu.memory_space<hbm>> -> memref<125x80xi32, #tpu.memory_space<hbm>>
      %dma_wait3A_185 = arith.constant 125 : i32
      %dma_wait3A_186 = arith.constant 0 : i32
      %dma_wait3A_187 = tpu.memref_slice %arg8[%dma_wait3A_185, %dma_wait3A_186] : memref<250x80xi32, #tpu.memory_space<vmem>> -> memref<125x80xi32, #tpu.memory_space<vmem>>
      %dma_wait3A_188 = arith.constant 0 : i32
      %dma_wait3A_189 = arith.constant 0 : i32
      %dma_wait3A_190 = tpu.memref_slice %arg3[%add3A_4, %dma_wait3A_188, %dma_wait3A_189] : memref<32x125x80xi32, #tpu.memory_space<hbm>> -> memref<1x125x80xi32, #tpu.memory_space<hbm>>
      %dma_wait3A_191 = tpu.memref_squeeze %dma_wait3A_190 : memref<1x125x80xi32, #tpu.memory_space<hbm>> -> memref<125x80xi32, #tpu.memory_space<hbm>>
      tpu.wait_dma2 semaphore(%run_scoped3A : memref<!tpu.dma_semaphore, #tpu.memory_space<semaphore_mem>>) src(%dma_wait3A_191 : memref<125x80xi32, #tpu.memory_space<hbm>>) dst(%dma_wait3A_187 : memref<125x80xi32, #tpu.memory_space<vmem>>)
      tpu.yield
    }) : () -> ()
    %eq3A = arith.constant 0 : i32
    %eq3A_5 = arith.cmpi eq, %arg1, %eq3A : i32
    %convert_element_type3A = arith.extui %eq3A_5 : i1 to i32
    %cond3A = arith.constant 0 : i32
    %cond3A_6 = arith.cmpi ne, %convert_element_type3A, %cond3A : i32
    scf.if %cond3A_6 {
      "tpu.region"() ({
        %run_scoped3A = tpu.sem_alloc : memref<!tpu.dma_semaphore, #tpu.memory_space<semaphore_mem>>
        tpu.enqueue_dma source(%arg5 : memref<10000x64xf32, #tpu.memory_space<hbm>>) target(%arg10 : memref<10000x64xf32, #tpu.memory_space<vmem_shared>>) target_semaphore(%run_scoped3A : memref<!tpu.dma_semaphore, #tpu.memory_space<semaphore_mem>>)
        tpu.wait_dma2 semaphore(%run_scoped3A : memref<!tpu.dma_semaphore, #tpu.memory_space<semaphore_mem>>) src(%arg5 : memref<10000x64xf32, #tpu.memory_space<hbm>>) dst(%arg10 : memref<10000x64xf32, #tpu.memory_space<vmem_shared>>)
        tpu.yield
      }) : () -> ()
    } else {
    }
    %barrier3A = arith.constant 0 : index
    tpu.barrier barrier_id(%barrier3A)
    %dma_start3A = arith.constant 0 : i32
    %dma_start3A_7 = arith.constant 0 : i32
    %dma_start3A_8 = arith.constant 0 : i32
    %dma_start3A_9 = arith.constant 0 : i32
    %dma_start3A_10 = tpu.memref_slice %arg9[%dma_start3A_7, %dma_start3A_8, %dma_start3A_9] : memref<4x80x64xf32, #tpu.memory_space<vmem>> -> memref<1x80x64xf32, #tpu.memory_space<vmem>>
    %dma_start3A_11 = tpu.memref_squeeze %dma_start3A_10 : memref<1x80x64xf32, #tpu.memory_space<vmem>> -> memref<80x64xf32, #tpu.memory_space<vmem>>
    %dma_start3A_12 = arith.constant 0 : i32
    %dma_start3A_13 = tpu.memref_slice %arg7[%dma_start3A, %dma_start3A_12] : memref<250x80xi32, #tpu.memory_space<vmem>> -> memref<1x80xi32, #tpu.memory_space<vmem>>
    %dma_start3A_14 = tpu.memref_squeeze %dma_start3A_13 : memref<1x80xi32, #tpu.memory_space<vmem>> -> memref<80xi32, #tpu.memory_space<vmem>>
    %dma_start3A_15 = arith.constant 0 : i32
    %dma_start3A_16 = arith.constant 0 : i32
    %dma_start3A_17 = tpu.memref_slice %arg4[%arg0, %dma_start3A_15, %dma_start3A_16] : memref<2x10000x64xf32, #tpu.memory_space<hbm>> -> memref<1x10000x64xf32, #tpu.memory_space<hbm>>
    %dma_start3A_18 = tpu.memref_squeeze %dma_start3A_17 : memref<1x10000x64xf32, #tpu.memory_space<hbm>> -> memref<10000x64xf32, #tpu.memory_space<hbm>>
    %dma_start3A_19 = arith.constant 0 : i32
    %dma_start3A_20 = arith.constant 0 : i32
    %dma_start3A_21 = tpu.memref_slice %dma_start3A_18[%dma_start3A_19, %dma_start3A_20] : memref<10000x64xf32, #tpu.memory_space<hbm>> -> memref<10000x64xf32, #tpu.memory_space<hbm>>
    tpu.enqueue_indirect_dma source(%dma_start3A_21 : memref<10000x64xf32, #tpu.memory_space<hbm>>) target(%dma_start3A_11 : memref<80x64xf32, #tpu.memory_space<vmem>>) offsets(%dma_start3A_14 : memref<80xi32, #tpu.memory_space<vmem>>) semaphore(%arg11 : memref<!tpu.dma_semaphore, #tpu.memory_space<semaphore_mem>>)
    %dma_start3A_22 = arith.constant 1 : i32
    %dma_start3A_23 = arith.constant 1 : i32
    %dma_start3A_24 = arith.constant 0 : i32
    %dma_start3A_25 = arith.constant 0 : i32
    %dma_start3A_26 = tpu.memref_slice %arg9[%dma_start3A_23, %dma_start3A_24, %dma_start3A_25] : memref<4x80x64xf32, #tpu.memory_space<vmem>> -> memref<1x80x64xf32, #tpu.memory_space<vmem>>
    %dma_start3A_27 = tpu.memref_squeeze %dma_start3A_26 : memref<1x80x64xf32, #tpu.memory_space<vmem>> -> memref<80x64xf32, #tpu.memory_space<vmem>>
    %dma_start3A_28 = arith.constant 0 : i32
    %dma_start3A_29 = tpu.memref_slice %arg7[%dma_start3A_22, %dma_start3A_28] : memref<250x80xi32, #tpu.memory_space<vmem>> -> memref<1x80xi32, #tpu.memory_space<vmem>>
    %dma_start3A_30 = tpu.memref_squeeze %dma_start3A_29 : memref<1x80xi32, #tpu.memory_space<vmem>> -> memref<80xi32, #tpu.memory_space<vmem>>
    %dma_start3A_31 = arith.constant 0 : i32
    %dma_start3A_32 = arith.constant 0 : i32
    %dma_start3A_33 = tpu.memref_slice %arg4[%arg0, %dma_start3A_31, %dma_start3A_32] : memref<2x10000x64xf32, #tpu.memory_space<hbm>> -> memref<1x10000x64xf32, #tpu.memory_space<hbm>>
    %dma_start3A_34 = tpu.memref_squeeze %dma_start3A_33 : memref<1x10000x64xf32, #tpu.memory_space<hbm>> -> memref<10000x64xf32, #tpu.memory_space<hbm>>
    %dma_start3A_35 = arith.constant 0 : i32
    %dma_start3A_36 = arith.constant 0 : i32
    %dma_start3A_37 = tpu.memref_slice %dma_start3A_34[%dma_start3A_35, %dma_start3A_36] : memref<10000x64xf32, #tpu.memory_space<hbm>> -> memref<10000x64xf32, #tpu.memory_space<hbm>>
    tpu.enqueue_indirect_dma source(%dma_start3A_37 : memref<10000x64xf32, #tpu.memory_space<hbm>>) target(%dma_start3A_27 : memref<80x64xf32, #tpu.memory_space<vmem>>) offsets(%dma_start3A_30 : memref<80xi32, #tpu.memory_space<vmem>>) semaphore(%arg12 : memref<!tpu.dma_semaphore, #tpu.memory_space<semaphore_mem>>)
    %dma_start3A_38 = arith.constant 2 : i32
    %dma_start3A_39 = arith.constant 2 : i32
    %dma_start3A_40 = arith.constant 0 : i32
    %dma_start3A_41 = arith.constant 0 : i32
    %dma_start3A_42 = tpu.memref_slice %arg9[%dma_start3A_39, %dma_start3A_40, %dma_start3A_41] : memref<4x80x64xf32, #tpu.memory_space<vmem>> -> memref<1x80x64xf32, #tpu.memory_space<vmem>>
    %dma_start3A_43 = tpu.memref_squeeze %dma_start3A_42 : memref<1x80x64xf32, #tpu.memory_space<vmem>> -> memref<80x64xf32, #tpu.memory_space<vmem>>
    %dma_start3A_44 = arith.constant 0 : i32
    %dma_start3A_45 = tpu.memref_slice %arg7[%dma_start3A_38, %dma_start3A_44] : memref<250x80xi32, #tpu.memory_space<vmem>> -> memref<1x80xi32, #tpu.memory_space<vmem>>
    %dma_start3A_46 = tpu.memref_squeeze %dma_start3A_45 : memref<1x80xi32, #tpu.memory_space<vmem>> -> memref<80xi32, #tpu.memory_space<vmem>>
    %dma_start3A_47 = arith.constant 0 : i32
    %dma_start3A_48 = arith.constant 0 : i32
    %dma_start3A_49 = tpu.memref_slice %arg4[%arg0, %dma_start3A_47, %dma_start3A_48] : memref<2x10000x64xf32, #tpu.memory_space<hbm>> -> memref<1x10000x64xf32, #tpu.memory_space<hbm>>
    %dma_start3A_50 = tpu.memref_squeeze %dma_start3A_49 : memref<1x10000x64xf32, #tpu.memory_space<hbm>> -> memref<10000x64xf32, #tpu.memory_space<hbm>>
    %dma_start3A_51 = arith.constant 0 : i32
    %dma_start3A_52 = arith.constant 0 : i32
    %dma_start3A_53 = tpu.memref_slice %dma_start3A_50[%dma_start3A_51, %dma_start3A_52] : memref<10000x64xf32, #tpu.memory_space<hbm>> -> memref<10000x64xf32, #tpu.memory_space<hbm>>
    tpu.enqueue_indirect_dma source(%dma_start3A_53 : memref<10000x64xf32, #tpu.memory_space<hbm>>) target(%dma_start3A_43 : memref<80x64xf32, #tpu.memory_space<vmem>>) offsets(%dma_start3A_46 : memref<80xi32, #tpu.memory_space<vmem>>) semaphore(%arg13 : memref<!tpu.dma_semaphore, #tpu.memory_space<semaphore_mem>>)
    %dma_start3A_54 = arith.constant 3 : i32
    %dma_start3A_55 = arith.constant 3 : i32
    %dma_start3A_56 = arith.constant 0 : i32
    %dma_start3A_57 = arith.constant 0 : i32
    %dma_start3A_58 = tpu.memref_slice %arg9[%dma_start3A_55, %dma_start3A_56, %dma_start3A_57] : memref<4x80x64xf32, #tpu.memory_space<vmem>> -> memref<1x80x64xf32, #tpu.memory_space<vmem>>
    %dma_start3A_59 = tpu.memref_squeeze %dma_start3A_58 : memref<1x80x64xf32, #tpu.memory_space<vmem>> -> memref<80x64xf32, #tpu.memory_space<vmem>>
    %dma_start3A_60 = arith.constant 0 : i32
    %dma_start3A_61 = tpu.memref_slice %arg7[%dma_start3A_54, %dma_start3A_60] : memref<250x80xi32, #tpu.memory_space<vmem>> -> memref<1x80xi32, #tpu.memory_space<vmem>>
    %dma_start3A_62 = tpu.memref_squeeze %dma_start3A_61 : memref<1x80xi32, #tpu.memory_space<vmem>> -> memref<80xi32, #tpu.memory_space<vmem>>
    %dma_start3A_63 = arith.constant 0 : i32
    %dma_start3A_64 = arith.constant 0 : i32
    %dma_start3A_65 = tpu.memref_slice %arg4[%arg0, %dma_start3A_63, %dma_start3A_64] : memref<2x10000x64xf32, #tpu.memory_space<hbm>> -> memref<1x10000x64xf32, #tpu.memory_space<hbm>>
    %dma_start3A_66 = tpu.memref_squeeze %dma_start3A_65 : memref<1x10000x64xf32, #tpu.memory_space<hbm>> -> memref<10000x64xf32, #tpu.memory_space<hbm>>
    %dma_start3A_67 = arith.constant 0 : i32
    %dma_start3A_68 = arith.constant 0 : i32
    %dma_start3A_69 = tpu.memref_slice %dma_start3A_66[%dma_start3A_67, %dma_start3A_68] : memref<10000x64xf32, #tpu.memory_space<hbm>> -> memref<10000x64xf32, #tpu.memory_space<hbm>>
    tpu.enqueue_indirect_dma source(%dma_start3A_69 : memref<10000x64xf32, #tpu.memory_space<hbm>>) target(%dma_start3A_59 : memref<80x64xf32, #tpu.memory_space<vmem>>) offsets(%dma_start3A_62 : memref<80xi32, #tpu.memory_space<vmem>>) semaphore(%arg14 : memref<!tpu.dma_semaphore, #tpu.memory_space<semaphore_mem>>)
    %scan3A = arith.constant 0 : i32
    %scan3A_70 = arith.constant 0 : i32
    %scan3A_71 = arith.constant 62 : i32
    %scan3A_72 = arith.addi %scan3A_70, %scan3A_71 : i32
    %scan3A_73 = arith.constant 1 : i32
    scf.for %scan3A_164 = %scan3A_70 to %scan3A_72 step %scan3A_73  : i32 {
      %mul3A_165 = arith.constant 4 : i32
      %mul3A_166 = arith.muli %mul3A_165, %scan3A_164 : i32
      %add3A_167 = arith.constant 0 : i32
      %add3A_168 = arith.addi %mul3A_166, %add3A_167 : i32
      %dma_wait3A_169 = arith.constant 0 : i32
      %dma_wait3A_170 = arith.constant 0 : i32
      %dma_wait3A_171 = arith.constant 0 : i32
      %dma_wait3A_172 = tpu.memref_slice %arg9[%dma_wait3A_169, %dma_wait3A_170, %dma_wait3A_171] : memref<4x80x64xf32, #tpu.memory_space<vmem>> -> memref<1x80x64xf32, #tpu.memory_space<vmem>>
      %dma_wait3A_173 = tpu.memref_squeeze %dma_wait3A_172 : memref<1x80x64xf32, #tpu.memory_space<vmem>> -> memref<80x64xf32, #tpu.memory_space<vmem>>
      %dma_wait3A_174 = arith.constant 0 : i32
      %dma_wait3A_175 = tpu.memref_slice %arg7[%add3A_168, %dma_wait3A_174] : memref<250x80xi32, #tpu.memory_space<vmem>> -> memref<1x80xi32, #tpu.memory_space<vmem>>
      %dma_wait3A_176 = tpu.memref_squeeze %dma_wait3A_175 : memref<1x80xi32, #tpu.memory_space<vmem>> -> memref<80xi32, #tpu.memory_space<vmem>>
      %dma_wait3A_177 = arith.constant 0 : i32
      %dma_wait3A_178 = arith.constant 0 : i32
      %dma_wait3A_179 = tpu.memref_slice %arg4[%arg0, %dma_wait3A_177, %dma_wait3A_178] : memref<2x10000x64xf32, #tpu.memory_space<hbm>> -> memref<1x10000x64xf32, #tpu.memory_space<hbm>>
      %dma_wait3A_180 = tpu.memref_squeeze %dma_wait3A_179 : memref<1x10000x64xf32, #tpu.memory_space<hbm>> -> memref<10000x64xf32, #tpu.memory_space<hbm>>
      %dma_wait3A_181 = arith.constant 0 : i32
      %dma_wait3A_182 = arith.constant 0 : i32
      %dma_wait3A_183 = tpu.memref_slice %dma_wait3A_180[%dma_wait3A_181, %dma_wait3A_182] : memref<10000x64xf32, #tpu.memory_space<hbm>> -> memref<10000x64xf32, #tpu.memory_space<hbm>>
      tpu.wait_indirect_dma semaphore(%arg11 : memref<!tpu.dma_semaphore, #tpu.memory_space<semaphore_mem>>) src(%dma_wait3A_183 : memref<10000x64xf32, #tpu.memory_space<hbm>>) dst(%dma_wait3A_173 : memref<80x64xf32, #tpu.memory_space<vmem>>)
      %dma_start3A_184 = arith.constant 0 : i32
      %dma_start3A_185 = arith.constant 0 : i32
      %dma_start3A_186 = arith.constant 0 : i32
      %dma_start3A_187 = tpu.memref_slice %arg9[%dma_start3A_184, %dma_start3A_185, %dma_start3A_186] : memref<4x80x64xf32, #tpu.memory_space<vmem>> -> memref<1x80x64xf32, #tpu.memory_space<vmem>>
      %dma_start3A_188 = tpu.memref_squeeze %dma_start3A_187 : memref<1x80x64xf32, #tpu.memory_space<vmem>> -> memref<80x64xf32, #tpu.memory_space<vmem>>
      %dma_start3A_189 = arith.constant 0 : i32
      %dma_start3A_190 = tpu.memref_slice %arg8[%add3A_168, %dma_start3A_189] : memref<250x80xi32, #tpu.memory_space<vmem>> -> memref<1x80xi32, #tpu.memory_space<vmem>>
      %dma_start3A_191 = tpu.memref_squeeze %dma_start3A_190 : memref<1x80xi32, #tpu.memory_space<vmem>> -> memref<80xi32, #tpu.memory_space<vmem>>
      %dma_start3A_192 = arith.constant 0 : i32
      %dma_start3A_193 = arith.constant 0 : i32
      %dma_start3A_194 = tpu.memref_slice %arg10[%dma_start3A_192, %dma_start3A_193] : memref<10000x64xf32, #tpu.memory_space<vmem_shared>> -> memref<10000x64xf32, #tpu.memory_space<vmem_shared>>
      tpu.enqueue_indirect_dma source(%dma_start3A_188 : memref<80x64xf32, #tpu.memory_space<vmem>>) target(%dma_start3A_194 : memref<10000x64xf32, #tpu.memory_space<vmem_shared>>) offsets(%dma_start3A_191 : memref<80xi32, #tpu.memory_space<vmem>>) semaphore(%arg15 : memref<!tpu.dma_semaphore, #tpu.memory_space<semaphore_mem>>) {add = true}
      %mul3A_195 = arith.constant 4 : i32
      %mul3A_196 = arith.muli %mul3A_195, %scan3A_164 : i32
      %add3A_197 = arith.constant 1 : i32
      %add3A_198 = arith.addi %mul3A_196, %add3A_197 : i32
      %dma_wait3A_199 = arith.constant 1 : i32
      %dma_wait3A_200 = arith.constant 0 : i32
      %dma_wait3A_201 = arith.constant 0 : i32
      %dma_wait3A_202 = tpu.memref_slice %arg9[%dma_wait3A_199, %dma_wait3A_200, %dma_wait3A_201] : memref<4x80x64xf32, #tpu.memory_space<vmem>> -> memref<1x80x64xf32, #tpu.memory_space<vmem>>
      %dma_wait3A_203 = tpu.memref_squeeze %dma_wait3A_202 : memref<1x80x64xf32, #tpu.memory_space<vmem>> -> memref<80x64xf32, #tpu.memory_space<vmem>>
      %dma_wait3A_204 = arith.constant 0 : i32
      %dma_wait3A_205 = tpu.memref_slice %arg7[%add3A_198, %dma_wait3A_204] : memref<250x80xi32, #tpu.memory_space<vmem>> -> memref<1x80xi32, #tpu.memory_space<vmem>>
      %dma_wait3A_206 = tpu.memref_squeeze %dma_wait3A_205 : memref<1x80xi32, #tpu.memory_space<vmem>> -> memref<80xi32, #tpu.memory_space<vmem>>
      %dma_wait3A_207 = arith.constant 0 : i32
      %dma_wait3A_208 = arith.constant 0 : i32
      %dma_wait3A_209 = tpu.memref_slice %arg4[%arg0, %dma_wait3A_207, %dma_wait3A_208] : memref<2x10000x64xf32, #tpu.memory_space<hbm>> -> memref<1x10000x64xf32, #tpu.memory_space<hbm>>
      %dma_wait3A_210 = tpu.memref_squeeze %dma_wait3A_209 : memref<1x10000x64xf32, #tpu.memory_space<hbm>> -> memref<10000x64xf32, #tpu.memory_space<hbm>>
      %dma_wait3A_211 = arith.constant 0 : i32
      %dma_wait3A_212 = arith.constant 0 : i32
      %dma_wait3A_213 = tpu.memref_slice %dma_wait3A_210[%dma_wait3A_211, %dma_wait3A_212] : memref<10000x64xf32, #tpu.memory_space<hbm>> -> memref<10000x64xf32, #tpu.memory_space<hbm>>
      tpu.wait_indirect_dma semaphore(%arg12 : memref<!tpu.dma_semaphore, #tpu.memory_space<semaphore_mem>>) src(%dma_wait3A_213 : memref<10000x64xf32, #tpu.memory_space<hbm>>) dst(%dma_wait3A_203 : memref<80x64xf32, #tpu.memory_space<vmem>>)
      %dma_start3A_214 = arith.constant 1 : i32
      %dma_start3A_215 = arith.constant 0 : i32
      %dma_start3A_216 = arith.constant 0 : i32
      %dma_start3A_217 = tpu.memref_slice %arg9[%dma_start3A_214, %dma_start3A_215, %dma_start3A_216] : memref<4x80x64xf32, #tpu.memory_space<vmem>> -> memref<1x80x64xf32, #tpu.memory_space<vmem>>
      %dma_start3A_218 = tpu.memref_squeeze %dma_start3A_217 : memref<1x80x64xf32, #tpu.memory_space<vmem>> -> memref<80x64xf32, #tpu.memory_space<vmem>>
      %dma_start3A_219 = arith.constant 0 : i32
      %dma_start3A_220 = tpu.memref_slice %arg8[%add3A_198, %dma_start3A_219] : memref<250x80xi32, #tpu.memory_space<vmem>> -> memref<1x80xi32, #tpu.memory_space<vmem>>
      %dma_start3A_221 = tpu.memref_squeeze %dma_start3A_220 : memref<1x80xi32, #tpu.memory_space<vmem>> -> memref<80xi32, #tpu.memory_space<vmem>>
      %dma_start3A_222 = arith.constant 0 : i32
      %dma_start3A_223 = arith.constant 0 : i32
      %dma_start3A_224 = tpu.memref_slice %arg10[%dma_start3A_222, %dma_start3A_223] : memref<10000x64xf32, #tpu.memory_space<vmem_shared>> -> memref<10000x64xf32, #tpu.memory_space<vmem_shared>>
      tpu.enqueue_indirect_dma source(%dma_start3A_218 : memref<80x64xf32, #tpu.memory_space<vmem>>) target(%dma_start3A_224 : memref<10000x64xf32, #tpu.memory_space<vmem_shared>>) offsets(%dma_start3A_221 : memref<80xi32, #tpu.memory_space<vmem>>) semaphore(%arg16 : memref<!tpu.dma_semaphore, #tpu.memory_space<semaphore_mem>>) {add = true}
      %mul3A_225 = arith.constant 4 : i32
      %mul3A_226 = arith.muli %mul3A_225, %scan3A_164 : i32
      %add3A_227 = arith.constant 2 : i32
      %add3A_228 = arith.addi %mul3A_226, %add3A_227 : i32
      %dma_wait3A_229 = arith.constant 2 : i32
      %dma_wait3A_230 = arith.constant 0 : i32
      %dma_wait3A_231 = arith.constant 0 : i32
      %dma_wait3A_232 = tpu.memref_slice %arg9[%dma_wait3A_229, %dma_wait3A_230, %dma_wait3A_231] : memref<4x80x64xf32, #tpu.memory_space<vmem>> -> memref<1x80x64xf32, #tpu.memory_space<vmem>>
      %dma_wait3A_233 = tpu.memref_squeeze %dma_wait3A_232 : memref<1x80x64xf32, #tpu.memory_space<vmem>> -> memref<80x64xf32, #tpu.memory_space<vmem>>
      %dma_wait3A_234 = arith.constant 0 : i32
      %dma_wait3A_235 = tpu.memref_slice %arg7[%add3A_228, %dma_wait3A_234] : memref<250x80xi32, #tpu.memory_space<vmem>> -> memref<1x80xi32, #tpu.memory_space<vmem>>
      %dma_wait3A_236 = tpu.memref_squeeze %dma_wait3A_235 : memref<1x80xi32, #tpu.memory_space<vmem>> -> memref<80xi32, #tpu.memory_space<vmem>>
      %dma_wait3A_237 = arith.constant 0 : i32
      %dma_wait3A_238 = arith.constant 0 : i32
      %dma_wait3A_239 = tpu.memref_slice %arg4[%arg0, %dma_wait3A_237, %dma_wait3A_238] : memref<2x10000x64xf32, #tpu.memory_space<hbm>> -> memref<1x10000x64xf32, #tpu.memory_space<hbm>>
      %dma_wait3A_240 = tpu.memref_squeeze %dma_wait3A_239 : memref<1x10000x64xf32, #tpu.memory_space<hbm>> -> memref<10000x64xf32, #tpu.memory_space<hbm>>
      %dma_wait3A_241 = arith.constant 0 : i32
      %dma_wait3A_242 = arith.constant 0 : i32
      %dma_wait3A_243 = tpu.memref_slice %dma_wait3A_240[%dma_wait3A_241, %dma_wait3A_242] : memref<10000x64xf32, #tpu.memory_space<hbm>> -> memref<10000x64xf32, #tpu.memory_space<hbm>>
      tpu.wait_indirect_dma semaphore(%arg13 : memref<!tpu.dma_semaphore, #tpu.memory_space<semaphore_mem>>) src(%dma_wait3A_243 : memref<10000x64xf32, #tpu.memory_space<hbm>>) dst(%dma_wait3A_233 : memref<80x64xf32, #tpu.memory_space<vmem>>)
      %dma_start3A_244 = arith.constant 2 : i32
      %dma_start3A_245 = arith.constant 0 : i32
      %dma_start3A_246 = arith.constant 0 : i32
      %dma_start3A_247 = tpu.memref_slice %arg9[%dma_start3A_244, %dma_start3A_245, %dma_start3A_246] : memref<4x80x64xf32, #tpu.memory_space<vmem>> -> memref<1x80x64xf32, #tpu.memory_space<vmem>>
      %dma_start3A_248 = tpu.memref_squeeze %dma_start3A_247 : memref<1x80x64xf32, #tpu.memory_space<vmem>> -> memref<80x64xf32, #tpu.memory_space<vmem>>
      %dma_start3A_249 = arith.constant 0 : i32
      %dma_start3A_250 = tpu.memref_slice %arg8[%add3A_228, %dma_start3A_249] : memref<250x80xi32, #tpu.memory_space<vmem>> -> memref<1x80xi32, #tpu.memory_space<vmem>>
      %dma_start3A_251 = tpu.memref_squeeze %dma_start3A_250 : memref<1x80xi32, #tpu.memory_space<vmem>> -> memref<80xi32, #tpu.memory_space<vmem>>
      %dma_start3A_252 = arith.constant 0 : i32
      %dma_start3A_253 = arith.constant 0 : i32
      %dma_start3A_254 = tpu.memref_slice %arg10[%dma_start3A_252, %dma_start3A_253] : memref<10000x64xf32, #tpu.memory_space<vmem_shared>> -> memref<10000x64xf32, #tpu.memory_space<vmem_shared>>
      tpu.enqueue_indirect_dma source(%dma_start3A_248 : memref<80x64xf32, #tpu.memory_space<vmem>>) target(%dma_start3A_254 : memref<10000x64xf32, #tpu.memory_space<vmem_shared>>) offsets(%dma_start3A_251 : memref<80xi32, #tpu.memory_space<vmem>>) semaphore(%arg17 : memref<!tpu.dma_semaphore, #tpu.memory_space<semaphore_mem>>) {add = true}
      %mul3A_255 = arith.constant 4 : i32
      %mul3A_256 = arith.muli %mul3A_255, %scan3A_164 : i32
      %add3A_257 = arith.constant 3 : i32
      %add3A_258 = arith.addi %mul3A_256, %add3A_257 : i32
      %dma_wait3A_259 = arith.constant 3 : i32
      %dma_wait3A_260 = arith.constant 0 : i32
      %dma_wait3A_261 = arith.constant 0 : i32
      %dma_wait3A_262 = tpu.memref_slice %arg9[%dma_wait3A_259, %dma_wait3A_260, %dma_wait3A_261] : memref<4x80x64xf32, #tpu.memory_space<vmem>> -> memref<1x80x64xf32, #tpu.memory_space<vmem>>
      %dma_wait3A_263 = tpu.memref_squeeze %dma_wait3A_262 : memref<1x80x64xf32, #tpu.memory_space<vmem>> -> memref<80x64xf32, #tpu.memory_space<vmem>>
      %dma_wait3A_264 = arith.constant 0 : i32
      %dma_wait3A_265 = tpu.memref_slice %arg7[%add3A_258, %dma_wait3A_264] : memref<250x80xi32, #tpu.memory_space<vmem>> -> memref<1x80xi32, #tpu.memory_space<vmem>>
      %dma_wait3A_266 = tpu.memref_squeeze %dma_wait3A_265 : memref<1x80xi32, #tpu.memory_space<vmem>> -> memref<80xi32, #tpu.memory_space<vmem>>
      %dma_wait3A_267 = arith.constant 0 : i32
      %dma_wait3A_268 = arith.constant 0 : i32
      %dma_wait3A_269 = tpu.memref_slice %arg4[%arg0, %dma_wait3A_267, %dma_wait3A_268] : memref<2x10000x64xf32, #tpu.memory_space<hbm>> -> memref<1x10000x64xf32, #tpu.memory_space<hbm>>
      %dma_wait3A_270 = tpu.memref_squeeze %dma_wait3A_269 : memref<1x10000x64xf32, #tpu.memory_space<hbm>> -> memref<10000x64xf32, #tpu.memory_space<hbm>>
      %dma_wait3A_271 = arith.constant 0 : i32
      %dma_wait3A_272 = arith.constant 0 : i32
      %dma_wait3A_273 = tpu.memref_slice %dma_wait3A_270[%dma_wait3A_271, %dma_wait3A_272] : memref<10000x64xf32, #tpu.memory_space<hbm>> -> memref<10000x64xf32, #tpu.memory_space<hbm>>
      tpu.wait_indirect_dma semaphore(%arg14 : memref<!tpu.dma_semaphore, #tpu.memory_space<semaphore_mem>>) src(%dma_wait3A_273 : memref<10000x64xf32, #tpu.memory_space<hbm>>) dst(%dma_wait3A_263 : memref<80x64xf32, #tpu.memory_space<vmem>>)
      %dma_start3A_274 = arith.constant 3 : i32
      %dma_start3A_275 = arith.constant 0 : i32
      %dma_start3A_276 = arith.constant 0 : i32
      %dma_start3A_277 = tpu.memref_slice %arg9[%dma_start3A_274, %dma_start3A_275, %dma_start3A_276] : memref<4x80x64xf32, #tpu.memory_space<vmem>> -> memref<1x80x64xf32, #tpu.memory_space<vmem>>
      %dma_start3A_278 = tpu.memref_squeeze %dma_start3A_277 : memref<1x80x64xf32, #tpu.memory_space<vmem>> -> memref<80x64xf32, #tpu.memory_space<vmem>>
      %dma_start3A_279 = arith.constant 0 : i32
      %dma_start3A_280 = tpu.memref_slice %arg8[%add3A_258, %dma_start3A_279] : memref<250x80xi32, #tpu.memory_space<vmem>> -> memref<1x80xi32, #tpu.memory_space<vmem>>
      %dma_start3A_281 = tpu.memref_squeeze %dma_start3A_280 : memref<1x80xi32, #tpu.memory_space<vmem>> -> memref<80xi32, #tpu.memory_space<vmem>>
      %dma_start3A_282 = arith.constant 0 : i32
      %dma_start3A_283 = arith.constant 0 : i32
      %dma_start3A_284 = tpu.memref_slice %arg10[%dma_start3A_282, %dma_start3A_283] : memref<10000x64xf32, #tpu.memory_space<vmem_shared>> -> memref<10000x64xf32, #tpu.memory_space<vmem_shared>>
      tpu.enqueue_indirect_dma source(%dma_start3A_278 : memref<80x64xf32, #tpu.memory_space<vmem>>) target(%dma_start3A_284 : memref<10000x64xf32, #tpu.memory_space<vmem_shared>>) offsets(%dma_start3A_281 : memref<80xi32, #tpu.memory_space<vmem>>) semaphore(%arg18 : memref<!tpu.dma_semaphore, #tpu.memory_space<semaphore_mem>>) {add = true}
      %mul3A_285 = arith.constant 4 : i32
      %mul3A_286 = arith.muli %mul3A_285, %scan3A_164 : i32
      %add3A_287 = arith.constant 0 : i32
      %add3A_288 = arith.addi %mul3A_286, %add3A_287 : i32
      %dma_wait3A_289 = arith.constant 0 : i32
      %dma_wait3A_290 = arith.constant 0 : i32
      %dma_wait3A_291 = arith.constant 0 : i32
      %dma_wait3A_292 = tpu.memref_slice %arg9[%dma_wait3A_289, %dma_wait3A_290, %dma_wait3A_291] : memref<4x80x64xf32, #tpu.memory_space<vmem>> -> memref<1x80x64xf32, #tpu.memory_space<vmem>>
      %dma_wait3A_293 = tpu.memref_squeeze %dma_wait3A_292 : memref<1x80x64xf32, #tpu.memory_space<vmem>> -> memref<80x64xf32, #tpu.memory_space<vmem>>
      %dma_wait3A_294 = arith.constant 0 : i32
      %dma_wait3A_295 = tpu.memref_slice %arg8[%add3A_168, %dma_wait3A_294] : memref<250x80xi32, #tpu.memory_space<vmem>> -> memref<1x80xi32, #tpu.memory_space<vmem>>
      %dma_wait3A_296 = tpu.memref_squeeze %dma_wait3A_295 : memref<1x80xi32, #tpu.memory_space<vmem>> -> memref<80xi32, #tpu.memory_space<vmem>>
      %dma_wait3A_297 = arith.constant 0 : i32
      %dma_wait3A_298 = arith.constant 0 : i32
      %dma_wait3A_299 = tpu.memref_slice %arg10[%dma_wait3A_297, %dma_wait3A_298] : memref<10000x64xf32, #tpu.memory_space<vmem_shared>> -> memref<10000x64xf32, #tpu.memory_space<vmem_shared>>
      tpu.wait_indirect_dma semaphore(%arg15 : memref<!tpu.dma_semaphore, #tpu.memory_space<semaphore_mem>>) src(%dma_wait3A_293 : memref<80x64xf32, #tpu.memory_space<vmem>>) dst(%dma_wait3A_299 : memref<10000x64xf32, #tpu.memory_space<vmem_shared>>)
      %add3A_300 = arith.constant 4 : i32
      %add3A_301 = arith.addi %add3A_288, %add3A_300 : i32
      %lt3A_302 = arith.constant 250 : i32
      %lt3A_303 = arith.cmpi slt, %add3A_301, %lt3A_302 : i32
      %convert_element_type3A_304 = arith.extui %lt3A_303 : i1 to i32
      %cond3A_305 = arith.constant 0 : i32
      %cond3A_306 = arith.cmpi ne, %convert_element_type3A_304, %cond3A_305 : i32
      scf.if %cond3A_306 {
        %add3A_373 = arith.constant 4 : i32
        %add3A_374 = arith.addi %add3A_288, %add3A_373 : i32
        %dma_start3A_375 = arith.constant 0 : i32
        %dma_start3A_376 = arith.constant 0 : i32
        %dma_start3A_377 = arith.constant 0 : i32
        %dma_start3A_378 = tpu.memref_slice %arg9[%dma_start3A_375, %dma_start3A_376, %dma_start3A_377] : memref<4x80x64xf32, #tpu.memory_space<vmem>> -> memref<1x80x64xf32, #tpu.memory_space<vmem>>
        %dma_start3A_379 = tpu.memref_squeeze %dma_start3A_378 : memref<1x80x64xf32, #tpu.memory_space<vmem>> -> memref<80x64xf32, #tpu.memory_space<vmem>>
        %dma_start3A_380 = arith.constant 0 : i32
        %dma_start3A_381 = tpu.memref_slice %arg7[%add3A_374, %dma_start3A_380] : memref<250x80xi32, #tpu.memory_space<vmem>> -> memref<1x80xi32, #tpu.memory_space<vmem>>
        %dma_start3A_382 = tpu.memref_squeeze %dma_start3A_381 : memref<1x80xi32, #tpu.memory_space<vmem>> -> memref<80xi32, #tpu.memory_space<vmem>>
        %dma_start3A_383 = arith.constant 0 : i32
        %dma_start3A_384 = arith.constant 0 : i32
        %dma_start3A_385 = tpu.memref_slice %arg4[%arg0, %dma_start3A_383, %dma_start3A_384] : memref<2x10000x64xf32, #tpu.memory_space<hbm>> -> memref<1x10000x64xf32, #tpu.memory_space<hbm>>
        %dma_start3A_386 = tpu.memref_squeeze %dma_start3A_385 : memref<1x10000x64xf32, #tpu.memory_space<hbm>> -> memref<10000x64xf32, #tpu.memory_space<hbm>>
        %dma_start3A_387 = arith.constant 0 : i32
        %dma_start3A_388 = arith.constant 0 : i32
        %dma_start3A_389 = tpu.memref_slice %dma_start3A_386[%dma_start3A_387, %dma_start3A_388] : memref<10000x64xf32, #tpu.memory_space<hbm>> -> memref<10000x64xf32, #tpu.memory_space<hbm>>
        tpu.enqueue_indirect_dma source(%dma_start3A_389 : memref<10000x64xf32, #tpu.memory_space<hbm>>) target(%dma_start3A_379 : memref<80x64xf32, #tpu.memory_space<vmem>>) offsets(%dma_start3A_382 : memref<80xi32, #tpu.memory_space<vmem>>) semaphore(%arg11 : memref<!tpu.dma_semaphore, #tpu.memory_space<semaphore_mem>>)
      } else {
      }
      %mul3A_307 = arith.constant 4 : i32
      %mul3A_308 = arith.muli %mul3A_307, %scan3A_164 : i32
      %add3A_309 = arith.constant 1 : i32
      %add3A_310 = arith.addi %mul3A_308, %add3A_309 : i32
      %dma_wait3A_311 = arith.constant 1 : i32
      %dma_wait3A_312 = arith.constant 0 : i32
      %dma_wait3A_313 = arith.constant 0 : i32
      %dma_wait3A_314 = tpu.memref_slice %arg9[%dma_wait3A_311, %dma_wait3A_312, %dma_wait3A_313] : memref<4x80x64xf32, #tpu.memory_space<vmem>> -> memref<1x80x64xf32, #tpu.memory_space<vmem>>
      %dma_wait3A_315 = tpu.memref_squeeze %dma_wait3A_314 : memref<1x80x64xf32, #tpu.memory_space<vmem>> -> memref<80x64xf32, #tpu.memory_space<vmem>>
      %dma_wait3A_316 = arith.constant 0 : i32
      %dma_wait3A_317 = tpu.memref_slice %arg8[%add3A_198, %dma_wait3A_316] : memref<250x80xi32, #tpu.memory_space<vmem>> -> memref<1x80xi32, #tpu.memory_space<vmem>>
      %dma_wait3A_318 = tpu.memref_squeeze %dma_wait3A_317 : memref<1x80xi32, #tpu.memory_space<vmem>> -> memref<80xi32, #tpu.memory_space<vmem>>
      %dma_wait3A_319 = arith.constant 0 : i32
      %dma_wait3A_320 = arith.constant 0 : i32
      %dma_wait3A_321 = tpu.memref_slice %arg10[%dma_wait3A_319, %dma_wait3A_320] : memref<10000x64xf32, #tpu.memory_space<vmem_shared>> -> memref<10000x64xf32, #tpu.memory_space<vmem_shared>>
      tpu.wait_indirect_dma semaphore(%arg16 : memref<!tpu.dma_semaphore, #tpu.memory_space<semaphore_mem>>) src(%dma_wait3A_315 : memref<80x64xf32, #tpu.memory_space<vmem>>) dst(%dma_wait3A_321 : memref<10000x64xf32, #tpu.memory_space<vmem_shared>>)
      %add3A_322 = arith.constant 4 : i32
      %add3A_323 = arith.addi %add3A_310, %add3A_322 : i32
      %lt3A_324 = arith.constant 250 : i32
      %lt3A_325 = arith.cmpi slt, %add3A_323, %lt3A_324 : i32
      %convert_element_type3A_326 = arith.extui %lt3A_325 : i1 to i32
      %cond3A_327 = arith.constant 0 : i32
      %cond3A_328 = arith.cmpi ne, %convert_element_type3A_326, %cond3A_327 : i32
      scf.if %cond3A_328 {
        %add3A_373 = arith.constant 4 : i32
        %add3A_374 = arith.addi %add3A_310, %add3A_373 : i32
        %dma_start3A_375 = arith.constant 1 : i32
        %dma_start3A_376 = arith.constant 0 : i32
        %dma_start3A_377 = arith.constant 0 : i32
        %dma_start3A_378 = tpu.memref_slice %arg9[%dma_start3A_375, %dma_start3A_376, %dma_start3A_377] : memref<4x80x64xf32, #tpu.memory_space<vmem>> -> memref<1x80x64xf32, #tpu.memory_space<vmem>>
        %dma_start3A_379 = tpu.memref_squeeze %dma_start3A_378 : memref<1x80x64xf32, #tpu.memory_space<vmem>> -> memref<80x64xf32, #tpu.memory_space<vmem>>
        %dma_start3A_380 = arith.constant 0 : i32
        %dma_start3A_381 = tpu.memref_slice %arg7[%add3A_374, %dma_start3A_380] : memref<250x80xi32, #tpu.memory_space<vmem>> -> memref<1x80xi32, #tpu.memory_space<vmem>>
        %dma_start3A_382 = tpu.memref_squeeze %dma_start3A_381 : memref<1x80xi32, #tpu.memory_space<vmem>> -> memref<80xi32, #tpu.memory_space<vmem>>
        %dma_start3A_383 = arith.constant 0 : i32
        %dma_start3A_384 = arith.constant 0 : i32
        %dma_start3A_385 = tpu.memref_slice %arg4[%arg0, %dma_start3A_383, %dma_start3A_384] : memref<2x10000x64xf32, #tpu.memory_space<hbm>> -> memref<1x10000x64xf32, #tpu.memory_space<hbm>>
        %dma_start3A_386 = tpu.memref_squeeze %dma_start3A_385 : memref<1x10000x64xf32, #tpu.memory_space<hbm>> -> memref<10000x64xf32, #tpu.memory_space<hbm>>
        %dma_start3A_387 = arith.constant 0 : i32
        %dma_start3A_388 = arith.constant 0 : i32
        %dma_start3A_389 = tpu.memref_slice %dma_start3A_386[%dma_start3A_387, %dma_start3A_388] : memref<10000x64xf32, #tpu.memory_space<hbm>> -> memref<10000x64xf32, #tpu.memory_space<hbm>>
        tpu.enqueue_indirect_dma source(%dma_start3A_389 : memref<10000x64xf32, #tpu.memory_space<hbm>>) target(%dma_start3A_379 : memref<80x64xf32, #tpu.memory_space<vmem>>) offsets(%dma_start3A_382 : memref<80xi32, #tpu.memory_space<vmem>>) semaphore(%arg12 : memref<!tpu.dma_semaphore, #tpu.memory_space<semaphore_mem>>)
      } else {
      }
      %mul3A_329 = arith.constant 4 : i32
      %mul3A_330 = arith.muli %mul3A_329, %scan3A_164 : i32
      %add3A_331 = arith.constant 2 : i32
      %add3A_332 = arith.addi %mul3A_330, %add3A_331 : i32
      %dma_wait3A_333 = arith.constant 2 : i32
      %dma_wait3A_334 = arith.constant 0 : i32
      %dma_wait3A_335 = arith.constant 0 : i32
      %dma_wait3A_336 = tpu.memref_slice %arg9[%dma_wait3A_333, %dma_wait3A_334, %dma_wait3A_335] : memref<4x80x64xf32, #tpu.memory_space<vmem>> -> memref<1x80x64xf32, #tpu.memory_space<vmem>>
      %dma_wait3A_337 = tpu.memref_squeeze %dma_wait3A_336 : memref<1x80x64xf32, #tpu.memory_space<vmem>> -> memref<80x64xf32, #tpu.memory_space<vmem>>
      %dma_wait3A_338 = arith.constant 0 : i32
      %dma_wait3A_339 = tpu.memref_slice %arg8[%add3A_228, %dma_wait3A_338] : memref<250x80xi32, #tpu.memory_space<vmem>> -> memref<1x80xi32, #tpu.memory_space<vmem>>
      %dma_wait3A_340 = tpu.memref_squeeze %dma_wait3A_339 : memref<1x80xi32, #tpu.memory_space<vmem>> -> memref<80xi32, #tpu.memory_space<vmem>>
      %dma_wait3A_341 = arith.constant 0 : i32
      %dma_wait3A_342 = arith.constant 0 : i32
      %dma_wait3A_343 = tpu.memref_slice %arg10[%dma_wait3A_341, %dma_wait3A_342] : memref<10000x64xf32, #tpu.memory_space<vmem_shared>> -> memref<10000x64xf32, #tpu.memory_space<vmem_shared>>
      tpu.wait_indirect_dma semaphore(%arg17 : memref<!tpu.dma_semaphore, #tpu.memory_space<semaphore_mem>>) src(%dma_wait3A_337 : memref<80x64xf32, #tpu.memory_space<vmem>>) dst(%dma_wait3A_343 : memref<10000x64xf32, #tpu.memory_space<vmem_shared>>)
      %add3A_344 = arith.constant 4 : i32
      %add3A_345 = arith.addi %add3A_332, %add3A_344 : i32
      %lt3A_346 = arith.constant 250 : i32
      %lt3A_347 = arith.cmpi slt, %add3A_345, %lt3A_346 : i32
      %convert_element_type3A_348 = arith.extui %lt3A_347 : i1 to i32
      %cond3A_349 = arith.constant 0 : i32
      %cond3A_350 = arith.cmpi ne, %convert_element_type3A_348, %cond3A_349 : i32
      scf.if %cond3A_350 {
        %add3A_373 = arith.constant 4 : i32
        %add3A_374 = arith.addi %add3A_332, %add3A_373 : i32
        %dma_start3A_375 = arith.constant 2 : i32
        %dma_start3A_376 = arith.constant 0 : i32
        %dma_start3A_377 = arith.constant 0 : i32
        %dma_start3A_378 = tpu.memref_slice %arg9[%dma_start3A_375, %dma_start3A_376, %dma_start3A_377] : memref<4x80x64xf32, #tpu.memory_space<vmem>> -> memref<1x80x64xf32, #tpu.memory_space<vmem>>
        %dma_start3A_379 = tpu.memref_squeeze %dma_start3A_378 : memref<1x80x64xf32, #tpu.memory_space<vmem>> -> memref<80x64xf32, #tpu.memory_space<vmem>>
        %dma_start3A_380 = arith.constant 0 : i32
        %dma_start3A_381 = tpu.memref_slice %arg7[%add3A_374, %dma_start3A_380] : memref<250x80xi32, #tpu.memory_space<vmem>> -> memref<1x80xi32, #tpu.memory_space<vmem>>
        %dma_start3A_382 = tpu.memref_squeeze %dma_start3A_381 : memref<1x80xi32, #tpu.memory_space<vmem>> -> memref<80xi32, #tpu.memory_space<vmem>>
        %dma_start3A_383 = arith.constant 0 : i32
        %dma_start3A_384 = arith.constant 0 : i32
        %dma_start3A_385 = tpu.memref_slice %arg4[%arg0, %dma_start3A_383, %dma_start3A_384] : memref<2x10000x64xf32, #tpu.memory_space<hbm>> -> memref<1x10000x64xf32, #tpu.memory_space<hbm>>
        %dma_start3A_386 = tpu.memref_squeeze %dma_start3A_385 : memref<1x10000x64xf32, #tpu.memory_space<hbm>> -> memref<10000x64xf32, #tpu.memory_space<hbm>>
        %dma_start3A_387 = arith.constant 0 : i32
        %dma_start3A_388 = arith.constant 0 : i32
        %dma_start3A_389 = tpu.memref_slice %dma_start3A_386[%dma_start3A_387, %dma_start3A_388] : memref<10000x64xf32, #tpu.memory_space<hbm>> -> memref<10000x64xf32, #tpu.memory_space<hbm>>
        tpu.enqueue_indirect_dma source(%dma_start3A_389 : memref<10000x64xf32, #tpu.memory_space<hbm>>) target(%dma_start3A_379 : memref<80x64xf32, #tpu.memory_space<vmem>>) offsets(%dma_start3A_382 : memref<80xi32, #tpu.memory_space<vmem>>) semaphore(%arg13 : memref<!tpu.dma_semaphore, #tpu.memory_space<semaphore_mem>>)
      } else {
      }
      %mul3A_351 = arith.constant 4 : i32
      %mul3A_352 = arith.muli %mul3A_351, %scan3A_164 : i32
      %add3A_353 = arith.constant 3 : i32
      %add3A_354 = arith.addi %mul3A_352, %add3A_353 : i32
      %dma_wait3A_355 = arith.constant 3 : i32
      %dma_wait3A_356 = arith.constant 0 : i32
      %dma_wait3A_357 = arith.constant 0 : i32
      %dma_wait3A_358 = tpu.memref_slice %arg9[%dma_wait3A_355, %dma_wait3A_356, %dma_wait3A_357] : memref<4x80x64xf32, #tpu.memory_space<vmem>> -> memref<1x80x64xf32, #tpu.memory_space<vmem>>
      %dma_wait3A_359 = tpu.memref_squeeze %dma_wait3A_358 : memref<1x80x64xf32, #tpu.memory_space<vmem>> -> memref<80x64xf32, #tpu.memory_space<vmem>>
      %dma_wait3A_360 = arith.constant 0 : i32
      %dma_wait3A_361 = tpu.memref_slice %arg8[%add3A_258, %dma_wait3A_360] : memref<250x80xi32, #tpu.memory_space<vmem>> -> memref<1x80xi32, #tpu.memory_space<vmem>>
      %dma_wait3A_362 = tpu.memref_squeeze %dma_wait3A_361 : memref<1x80xi32, #tpu.memory_space<vmem>> -> memref<80xi32, #tpu.memory_space<vmem>>
      %dma_wait3A_363 = arith.constant 0 : i32
      %dma_wait3A_364 = arith.constant 0 : i32
      %dma_wait3A_365 = tpu.memref_slice %arg10[%dma_wait3A_363, %dma_wait3A_364] : memref<10000x64xf32, #tpu.memory_space<vmem_shared>> -> memref<10000x64xf32, #tpu.memory_space<vmem_shared>>
      tpu.wait_indirect_dma semaphore(%arg18 : memref<!tpu.dma_semaphore, #tpu.memory_space<semaphore_mem>>) src(%dma_wait3A_359 : memref<80x64xf32, #tpu.memory_space<vmem>>) dst(%dma_wait3A_365 : memref<10000x64xf32, #tpu.memory_space<vmem_shared>>)
      %add3A_366 = arith.constant 4 : i32
      %add3A_367 = arith.addi %add3A_354, %add3A_366 : i32
      %lt3A_368 = arith.constant 250 : i32
      %lt3A_369 = arith.cmpi slt, %add3A_367, %lt3A_368 : i32
      %convert_element_type3A_370 = arith.extui %lt3A_369 : i1 to i32
      %cond3A_371 = arith.constant 0 : i32
      %cond3A_372 = arith.cmpi ne, %convert_element_type3A_370, %cond3A_371 : i32
      scf.if %cond3A_372 {
        %add3A_373 = arith.constant 4 : i32
        %add3A_374 = arith.addi %add3A_354, %add3A_373 : i32
        %dma_start3A_375 = arith.constant 3 : i32
        %dma_start3A_376 = arith.constant 0 : i32
        %dma_start3A_377 = arith.constant 0 : i32
        %dma_start3A_378 = tpu.memref_slice %arg9[%dma_start3A_375, %dma_start3A_376, %dma_start3A_377] : memref<4x80x64xf32, #tpu.memory_space<vmem>> -> memref<1x80x64xf32, #tpu.memory_space<vmem>>
        %dma_start3A_379 = tpu.memref_squeeze %dma_start3A_378 : memref<1x80x64xf32, #tpu.memory_space<vmem>> -> memref<80x64xf32, #tpu.memory_space<vmem>>
        %dma_start3A_380 = arith.constant 0 : i32
        %dma_start3A_381 = tpu.memref_slice %arg7[%add3A_374, %dma_start3A_380] : memref<250x80xi32, #tpu.memory_space<vmem>> -> memref<1x80xi32, #tpu.memory_space<vmem>>
        %dma_start3A_382 = tpu.memref_squeeze %dma_start3A_381 : memref<1x80xi32, #tpu.memory_space<vmem>> -> memref<80xi32, #tpu.memory_space<vmem>>
        %dma_start3A_383 = arith.constant 0 : i32
        %dma_start3A_384 = arith.constant 0 : i32
        %dma_start3A_385 = tpu.memref_slice %arg4[%arg0, %dma_start3A_383, %dma_start3A_384] : memref<2x10000x64xf32, #tpu.memory_space<hbm>> -> memref<1x10000x64xf32, #tpu.memory_space<hbm>>
        %dma_start3A_386 = tpu.memref_squeeze %dma_start3A_385 : memref<1x10000x64xf32, #tpu.memory_space<hbm>> -> memref<10000x64xf32, #tpu.memory_space<hbm>>
        %dma_start3A_387 = arith.constant 0 : i32
        %dma_start3A_388 = arith.constant 0 : i32
        %dma_start3A_389 = tpu.memref_slice %dma_start3A_386[%dma_start3A_387, %dma_start3A_388] : memref<10000x64xf32, #tpu.memory_space<hbm>> -> memref<10000x64xf32, #tpu.memory_space<hbm>>
        tpu.enqueue_indirect_dma source(%dma_start3A_389 : memref<10000x64xf32, #tpu.memory_space<hbm>>) target(%dma_start3A_379 : memref<80x64xf32, #tpu.memory_space<vmem>>) offsets(%dma_start3A_382 : memref<80xi32, #tpu.memory_space<vmem>>) semaphore(%arg14 : memref<!tpu.dma_semaphore, #tpu.memory_space<semaphore_mem>>)
      } else {
      }
    }
    %scan3A_74 = arith.constant 62 : i32
    %dma_wait3A = arith.constant 248 : i32
    %dma_wait3A_75 = arith.constant 0 : i32
    %dma_wait3A_76 = arith.constant 0 : i32
    %dma_wait3A_77 = arith.constant 0 : i32
    %dma_wait3A_78 = tpu.memref_slice %arg9[%dma_wait3A_75, %dma_wait3A_76, %dma_wait3A_77] : memref<4x80x64xf32, #tpu.memory_space<vmem>> -> memref<1x80x64xf32, #tpu.memory_space<vmem>>
    %dma_wait3A_79 = tpu.memref_squeeze %dma_wait3A_78 : memref<1x80x64xf32, #tpu.memory_space<vmem>> -> memref<80x64xf32, #tpu.memory_space<vmem>>
    %dma_wait3A_80 = arith.constant 0 : i32
    %dma_wait3A_81 = tpu.memref_slice %arg7[%dma_wait3A, %dma_wait3A_80] : memref<250x80xi32, #tpu.memory_space<vmem>> -> memref<1x80xi32, #tpu.memory_space<vmem>>
    %dma_wait3A_82 = tpu.memref_squeeze %dma_wait3A_81 : memref<1x80xi32, #tpu.memory_space<vmem>> -> memref<80xi32, #tpu.memory_space<vmem>>
    %dma_wait3A_83 = arith.constant 0 : i32
    %dma_wait3A_84 = arith.constant 0 : i32
    %dma_wait3A_85 = tpu.memref_slice %arg4[%arg0, %dma_wait3A_83, %dma_wait3A_84] : memref<2x10000x64xf32, #tpu.memory_space<hbm>> -> memref<1x10000x64xf32, #tpu.memory_space<hbm>>
    %dma_wait3A_86 = tpu.memref_squeeze %dma_wait3A_85 : memref<1x10000x64xf32, #tpu.memory_space<hbm>> -> memref<10000x64xf32, #tpu.memory_space<hbm>>
    %dma_wait3A_87 = arith.constant 0 : i32
    %dma_wait3A_88 = arith.constant 0 : i32
    %dma_wait3A_89 = tpu.memref_slice %dma_wait3A_86[%dma_wait3A_87, %dma_wait3A_88] : memref<10000x64xf32, #tpu.memory_space<hbm>> -> memref<10000x64xf32, #tpu.memory_space<hbm>>
    tpu.wait_indirect_dma semaphore(%arg11 : memref<!tpu.dma_semaphore, #tpu.memory_space<semaphore_mem>>) src(%dma_wait3A_89 : memref<10000x64xf32, #tpu.memory_space<hbm>>) dst(%dma_wait3A_79 : memref<80x64xf32, #tpu.memory_space<vmem>>)
    %dma_start3A_90 = arith.constant 0 : i32
    %dma_start3A_91 = arith.constant 248 : i32
    %dma_start3A_92 = arith.constant 0 : i32
    %dma_start3A_93 = arith.constant 0 : i32
    %dma_start3A_94 = tpu.memref_slice %arg9[%dma_start3A_90, %dma_start3A_92, %dma_start3A_93] : memref<4x80x64xf32, #tpu.memory_space<vmem>> -> memref<1x80x64xf32, #tpu.memory_space<vmem>>
    %dma_start3A_95 = tpu.memref_squeeze %dma_start3A_94 : memref<1x80x64xf32, #tpu.memory_space<vmem>> -> memref<80x64xf32, #tpu.memory_space<vmem>>
    %dma_start3A_96 = arith.constant 0 : i32
    %dma_start3A_97 = tpu.memref_slice %arg8[%dma_start3A_91, %dma_start3A_96] : memref<250x80xi32, #tpu.memory_space<vmem>> -> memref<1x80xi32, #tpu.memory_space<vmem>>
    %dma_start3A_98 = tpu.memref_squeeze %dma_start3A_97 : memref<1x80xi32, #tpu.memory_space<vmem>> -> memref<80xi32, #tpu.memory_space<vmem>>
    %dma_start3A_99 = arith.constant 0 : i32
    %dma_start3A_100 = arith.constant 0 : i32
    %dma_start3A_101 = tpu.memref_slice %arg10[%dma_start3A_99, %dma_start3A_100] : memref<10000x64xf32, #tpu.memory_space<vmem_shared>> -> memref<10000x64xf32, #tpu.memory_space<vmem_shared>>
    tpu.enqueue_indirect_dma source(%dma_start3A_95 : memref<80x64xf32, #tpu.memory_space<vmem>>) target(%dma_start3A_101 : memref<10000x64xf32, #tpu.memory_space<vmem_shared>>) offsets(%dma_start3A_98 : memref<80xi32, #tpu.memory_space<vmem>>) semaphore(%arg15 : memref<!tpu.dma_semaphore, #tpu.memory_space<semaphore_mem>>) {add = true}
    %dma_wait3A_102 = arith.constant 0 : i32
    %dma_wait3A_103 = arith.constant 248 : i32
    %dma_wait3A_104 = arith.constant 0 : i32
    %dma_wait3A_105 = arith.constant 0 : i32
    %dma_wait3A_106 = tpu.memref_slice %arg9[%dma_wait3A_102, %dma_wait3A_104, %dma_wait3A_105] : memref<4x80x64xf32, #tpu.memory_space<vmem>> -> memref<1x80x64xf32, #tpu.memory_space<vmem>>
    %dma_wait3A_107 = tpu.memref_squeeze %dma_wait3A_106 : memref<1x80x64xf32, #tpu.memory_space<vmem>> -> memref<80x64xf32, #tpu.memory_space<vmem>>
    %dma_wait3A_108 = arith.constant 0 : i32
    %dma_wait3A_109 = tpu.memref_slice %arg8[%dma_wait3A_103, %dma_wait3A_108] : memref<250x80xi32, #tpu.memory_space<vmem>> -> memref<1x80xi32, #tpu.memory_space<vmem>>
    %dma_wait3A_110 = tpu.memref_squeeze %dma_wait3A_109 : memref<1x80xi32, #tpu.memory_space<vmem>> -> memref<80xi32, #tpu.memory_space<vmem>>
    %dma_wait3A_111 = arith.constant 0 : i32
    %dma_wait3A_112 = arith.constant 0 : i32
    %dma_wait3A_113 = tpu.memref_slice %arg10[%dma_wait3A_111, %dma_wait3A_112] : memref<10000x64xf32, #tpu.memory_space<vmem_shared>> -> memref<10000x64xf32, #tpu.memory_space<vmem_shared>>
    tpu.wait_indirect_dma semaphore(%arg15 : memref<!tpu.dma_semaphore, #tpu.memory_space<semaphore_mem>>) src(%dma_wait3A_107 : memref<80x64xf32, #tpu.memory_space<vmem>>) dst(%dma_wait3A_113 : memref<10000x64xf32, #tpu.memory_space<vmem_shared>>)
    %dma_wait3A_114 = arith.constant 249 : i32
    %dma_wait3A_115 = arith.constant 1 : i32
    %dma_wait3A_116 = arith.constant 0 : i32
    %dma_wait3A_117 = arith.constant 0 : i32
    %dma_wait3A_118 = tpu.memref_slice %arg9[%dma_wait3A_115, %dma_wait3A_116, %dma_wait3A_117] : memref<4x80x64xf32, #tpu.memory_space<vmem>> -> memref<1x80x64xf32, #tpu.memory_space<vmem>>
    %dma_wait3A_119 = tpu.memref_squeeze %dma_wait3A_118 : memref<1x80x64xf32, #tpu.memory_space<vmem>> -> memref<80x64xf32, #tpu.memory_space<vmem>>
    %dma_wait3A_120 = arith.constant 0 : i32
    %dma_wait3A_121 = tpu.memref_slice %arg7[%dma_wait3A_114, %dma_wait3A_120] : memref<250x80xi32, #tpu.memory_space<vmem>> -> memref<1x80xi32, #tpu.memory_space<vmem>>
    %dma_wait3A_122 = tpu.memref_squeeze %dma_wait3A_121 : memref<1x80xi32, #tpu.memory_space<vmem>> -> memref<80xi32, #tpu.memory_space<vmem>>
    %dma_wait3A_123 = arith.constant 0 : i32
    %dma_wait3A_124 = arith.constant 0 : i32
    %dma_wait3A_125 = tpu.memref_slice %arg4[%arg0, %dma_wait3A_123, %dma_wait3A_124] : memref<2x10000x64xf32, #tpu.memory_space<hbm>> -> memref<1x10000x64xf32, #tpu.memory_space<hbm>>
    %dma_wait3A_126 = tpu.memref_squeeze %dma_wait3A_125 : memref<1x10000x64xf32, #tpu.memory_space<hbm>> -> memref<10000x64xf32, #tpu.memory_space<hbm>>
    %dma_wait3A_127 = arith.constant 0 : i32
    %dma_wait3A_128 = arith.constant 0 : i32
    %dma_wait3A_129 = tpu.memref_slice %dma_wait3A_126[%dma_wait3A_127, %dma_wait3A_128] : memref<10000x64xf32, #tpu.memory_space<hbm>> -> memref<10000x64xf32, #tpu.memory_space<hbm>>
    tpu.wait_indirect_dma semaphore(%arg12 : memref<!tpu.dma_semaphore, #tpu.memory_space<semaphore_mem>>) src(%dma_wait3A_129 : memref<10000x64xf32, #tpu.memory_space<hbm>>) dst(%dma_wait3A_119 : memref<80x64xf32, #tpu.memory_space<vmem>>)
    %dma_start3A_130 = arith.constant 1 : i32
    %dma_start3A_131 = arith.constant 249 : i32
    %dma_start3A_132 = arith.constant 0 : i32
    %dma_start3A_133 = arith.constant 0 : i32
    %dma_start3A_134 = tpu.memref_slice %arg9[%dma_start3A_130, %dma_start3A_132, %dma_start3A_133] : memref<4x80x64xf32, #tpu.memory_space<vmem>> -> memref<1x80x64xf32, #tpu.memory_space<vmem>>
    %dma_start3A_135 = tpu.memref_squeeze %dma_start3A_134 : memref<1x80x64xf32, #tpu.memory_space<vmem>> -> memref<80x64xf32, #tpu.memory_space<vmem>>
    %dma_start3A_136 = arith.constant 0 : i32
    %dma_start3A_137 = tpu.memref_slice %arg8[%dma_start3A_131, %dma_start3A_136] : memref<250x80xi32, #tpu.memory_space<vmem>> -> memref<1x80xi32, #tpu.memory_space<vmem>>
    %dma_start3A_138 = tpu.memref_squeeze %dma_start3A_137 : memref<1x80xi32, #tpu.memory_space<vmem>> -> memref<80xi32, #tpu.memory_space<vmem>>
    %dma_start3A_139 = arith.constant 0 : i32
    %dma_start3A_140 = arith.constant 0 : i32
    %dma_start3A_141 = tpu.memref_slice %arg10[%dma_start3A_139, %dma_start3A_140] : memref<10000x64xf32, #tpu.memory_space<vmem_shared>> -> memref<10000x64xf32, #tpu.memory_space<vmem_shared>>
    tpu.enqueue_indirect_dma source(%dma_start3A_135 : memref<80x64xf32, #tpu.memory_space<vmem>>) target(%dma_start3A_141 : memref<10000x64xf32, #tpu.memory_space<vmem_shared>>) offsets(%dma_start3A_138 : memref<80xi32, #tpu.memory_space<vmem>>) semaphore(%arg16 : memref<!tpu.dma_semaphore, #tpu.memory_space<semaphore_mem>>) {add = true}
    %dma_wait3A_142 = arith.constant 1 : i32
    %dma_wait3A_143 = arith.constant 249 : i32
    %dma_wait3A_144 = arith.constant 0 : i32
    %dma_wait3A_145 = arith.constant 0 : i32
    %dma_wait3A_146 = tpu.memref_slice %arg9[%dma_wait3A_142, %dma_wait3A_144, %dma_wait3A_145] : memref<4x80x64xf32, #tpu.memory_space<vmem>> -> memref<1x80x64xf32, #tpu.memory_space<vmem>>
    %dma_wait3A_147 = tpu.memref_squeeze %dma_wait3A_146 : memref<1x80x64xf32, #tpu.memory_space<vmem>> -> memref<80x64xf32, #tpu.memory_space<vmem>>
    %dma_wait3A_148 = arith.constant 0 : i32
    %dma_wait3A_149 = tpu.memref_slice %arg8[%dma_wait3A_143, %dma_wait3A_148] : memref<250x80xi32, #tpu.memory_space<vmem>> -> memref<1x80xi32, #tpu.memory_space<vmem>>
    %dma_wait3A_150 = tpu.memref_squeeze %dma_wait3A_149 : memref<1x80xi32, #tpu.memory_space<vmem>> -> memref<80xi32, #tpu.memory_space<vmem>>
    %dma_wait3A_151 = arith.constant 0 : i32
    %dma_wait3A_152 = arith.constant 0 : i32
    %dma_wait3A_153 = tpu.memref_slice %arg10[%dma_wait3A_151, %dma_wait3A_152] : memref<10000x64xf32, #tpu.memory_space<vmem_shared>> -> memref<10000x64xf32, #tpu.memory_space<vmem_shared>>
    tpu.wait_indirect_dma semaphore(%arg16 : memref<!tpu.dma_semaphore, #tpu.memory_space<semaphore_mem>>) src(%dma_wait3A_147 : memref<80x64xf32, #tpu.memory_space<vmem>>) dst(%dma_wait3A_153 : memref<10000x64xf32, #tpu.memory_space<vmem_shared>>)
    %barrier3A_154 = arith.constant 0 : index
    tpu.barrier barrier_id(%barrier3A_154)
    %lt3A = arith.constant 15 : i32
    %lt3A_155 = arith.cmpi slt, %arg1, %lt3A : i32
    %convert_element_type3A_156 = arith.extui %lt3A_155 : i1 to i32
    %cond3A_157 = arith.constant 0 : i32
    %cond3A_158 = arith.cmpi ne, %convert_element_type3A_156, %cond3A_157 : i32
    scf.if %cond3A_158 {
      %mul3A_164 = arith.constant 624 : i32
      %mul3A_165 = arith.muli %arg1, %mul3A_164 : i32
      %mul3A_166 = arith.constant 624 : i32
      %mul3A_167 = arith.muli %arg1, %mul3A_166 : i32
      "tpu.region"() ({
        %run_scoped3A = tpu.sem_alloc : memref<!tpu.dma_semaphore, #tpu.memory_space<semaphore_mem>>
        %dma_start3A_168 = arith.constant 0 : i32
        %dma_start3A_169 = tpu.memref_slice %arg6[%arg0, %mul3A_167, %dma_start3A_168] : memref<2x10000x64xf32, #tpu.memory_space<hbm>> -> memref<1x624x64xf32, #tpu.memory_space<hbm>>
        %dma_start3A_170 = tpu.memref_squeeze %dma_start3A_169 : memref<1x624x64xf32, #tpu.memory_space<hbm>> -> memref<624x64xf32, #tpu.memory_space<hbm>>
        %dma_start3A_171 = arith.constant 0 : i32
        %dma_start3A_172 = tpu.memref_slice %arg10[%mul3A_165, %dma_start3A_171] : memref<10000x64xf32, #tpu.memory_space<vmem_shared>> -> memref<624x64xf32, #tpu.memory_space<vmem_shared>>
        tpu.enqueue_dma source(%dma_start3A_172 : memref<624x64xf32, #tpu.memory_space<vmem_shared>>) target(%dma_start3A_170 : memref<624x64xf32, #tpu.memory_space<hbm>>) target_semaphore(%run_scoped3A : memref<!tpu.dma_semaphore, #tpu.memory_space<semaphore_mem>>)
        %dma_wait3A_173 = arith.constant 0 : i32
        %dma_wait3A_174 = tpu.memref_slice %arg6[%arg0, %mul3A_167, %dma_wait3A_173] : memref<2x10000x64xf32, #tpu.memory_space<hbm>> -> memref<1x624x64xf32, #tpu.memory_space<hbm>>
        %dma_wait3A_175 = tpu.memref_squeeze %dma_wait3A_174 : memref<1x624x64xf32, #tpu.memory_space<hbm>> -> memref<624x64xf32, #tpu.memory_space<hbm>>
        %dma_wait3A_176 = arith.constant 0 : i32
        %dma_wait3A_177 = tpu.memref_slice %arg10[%mul3A_165, %dma_wait3A_176] : memref<10000x64xf32, #tpu.memory_space<vmem_shared>> -> memref<624x64xf32, #tpu.memory_space<vmem_shared>>
        tpu.wait_dma2 semaphore(%run_scoped3A : memref<!tpu.dma_semaphore, #tpu.memory_space<semaphore_mem>>) src(%dma_wait3A_177 : memref<624x64xf32, #tpu.memory_space<vmem_shared>>) dst(%dma_wait3A_175 : memref<624x64xf32, #tpu.memory_space<hbm>>)
        tpu.yield
      }) : () -> ()
    } else {
    }
    %eq3A_159 = arith.constant 15 : i32
    %eq3A_160 = arith.cmpi eq, %arg1, %eq3A_159 : i32
    %convert_element_type3A_161 = arith.extui %eq3A_160 : i1 to i32
    %cond3A_162 = arith.constant 0 : i32
    %cond3A_163 = arith.cmpi ne, %convert_element_type3A_161, %cond3A_162 : i32
    scf.if %cond3A_163 {
      "tpu.region"() ({
        %run_scoped3A = tpu.sem_alloc : memref<!tpu.dma_semaphore, #tpu.memory_space<semaphore_mem>>
        %dma_start3A_164 = arith.constant 9360 : i32
        %dma_start3A_165 = arith.constant 0 : i32
        %dma_start3A_166 = tpu.memref_slice %arg6[%arg0, %dma_start3A_164, %dma_start3A_165] : memref<2x10000x64xf32, #tpu.memory_space<hbm>> -> memref<1x640x64xf32, #tpu.memory_space<hbm>>
        %dma_start3A_167 = tpu.memref_squeeze %dma_start3A_166 : memref<1x640x64xf32, #tpu.memory_space<hbm>> -> memref<640x64xf32, #tpu.memory_space<hbm>>
        %dma_start3A_168 = arith.constant 9360 : i32
        %dma_start3A_169 = arith.constant 0 : i32
        %dma_start3A_170 = tpu.memref_slice %arg10[%dma_start3A_168, %dma_start3A_169] : memref<10000x64xf32, #tpu.memory_space<vmem_shared>> -> memref<640x64xf32, #tpu.memory_space<vmem_shared>>
        tpu.enqueue_dma source(%dma_start3A_170 : memref<640x64xf32, #tpu.memory_space<vmem_shared>>) target(%dma_start3A_167 : memref<640x64xf32, #tpu.memory_space<hbm>>) target_semaphore(%run_scoped3A : memref<!tpu.dma_semaphore, #tpu.memory_space<semaphore_mem>>)
        %dma_wait3A_171 = arith.constant 9360 : i32
        %dma_wait3A_172 = arith.constant 0 : i32
        %dma_wait3A_173 = tpu.memref_slice %arg6[%arg0, %dma_wait3A_171, %dma_wait3A_172] : memref<2x10000x64xf32, #tpu.memory_space<hbm>> -> memref<1x640x64xf32, #tpu.memory_space<hbm>>
        %dma_wait3A_174 = tpu.memref_squeeze %dma_wait3A_173 : memref<1x640x64xf32, #tpu.memory_space<hbm>> -> memref<640x64xf32, #tpu.memory_space<hbm>>
        %dma_wait3A_175 = arith.constant 9360 : i32
        %dma_wait3A_176 = arith.constant 0 : i32
        %dma_wait3A_177 = tpu.memref_slice %arg10[%dma_wait3A_175, %dma_wait3A_176] : memref<10000x64xf32, #tpu.memory_space<vmem_shared>> -> memref<640x64xf32, #tpu.memory_space<vmem_shared>>
        tpu.wait_dma2 semaphore(%run_scoped3A : memref<!tpu.dma_semaphore, #tpu.memory_space<semaphore_mem>>) src(%dma_wait3A_177 : memref<640x64xf32, #tpu.memory_space<vmem_shared>>) dst(%dma_wait3A_174 : memref<640x64xf32, #tpu.memory_space<hbm>>)
        tpu.yield
      }) : () -> ()
    } else {
    }
    return
  }
}

#map = affine_map<(d0, d1) -> (0, 0, 0)>
#map1 = affine_map<(d0, d1) -> (0, 0)>
#map2 = affine_map<(d0, d1) -> (0)>
module attributes {stable_mosaic.version = 14 : i64} {
  func.func @_sc_layer1(%arg0: i32, %arg1: i32, %arg2: memref<32x125x80xi32, #tpu.memory_space<hbm>>, %arg3: memref<32x125x80xi32, #tpu.memory_space<hbm>>, %arg4: memref<320000x16xf32, #tpu.memory_space<hbm>>, %arg5: memref<2x10000x64xf32, #tpu.memory_space<hbm>>, %arg6: memref<10000xf32, #tpu.memory_space<hbm>>, %arg7: memref<10000x64xf32, #tpu.memory_space<hbm>>, %arg8: memref<10000x16xf32, #tpu.memory_space<hbm>>, %arg9: memref<2x10000x64xf32, #tpu.memory_space<hbm>>, %arg10: memref<2x10000x16xf32, #tpu.memory_space<hbm>>, %arg11: memref<250x80xi32, #tpu.memory_space<vmem>>, %arg12: memref<250x80xi32, #tpu.memory_space<vmem>>, %arg13: memref<2x80xf32, #tpu.memory_space<vmem>>, %arg14: memref<4x80x64xf32, #tpu.memory_space<vmem>>, %arg15: memref<2x80x16xf32, #tpu.memory_space<vmem>>, %arg16: memref<2x80x16xf32, #tpu.memory_space<vmem>>, %arg17: memref<10000x64xf32, #tpu.memory_space<vmem_shared>>, %arg18: memref<10000x16xf32, #tpu.memory_space<vmem_shared>>, %arg19: memref<!tpu.dma_semaphore, #tpu.memory_space<semaphore_mem>>, %arg20: memref<!tpu.dma_semaphore, #tpu.memory_space<semaphore_mem>>, %arg21: memref<!tpu.dma_semaphore, #tpu.memory_space<semaphore_mem>>, %arg22: memref<!tpu.dma_semaphore, #tpu.memory_space<semaphore_mem>>, %arg23: memref<!tpu.dma_semaphore, #tpu.memory_space<semaphore_mem>>, %arg24: memref<!tpu.dma_semaphore, #tpu.memory_space<semaphore_mem>>, %arg25: memref<!tpu.dma_semaphore, #tpu.memory_space<semaphore_mem>>, %arg26: memref<!tpu.dma_semaphore, #tpu.memory_space<semaphore_mem>>, %arg27: memref<!tpu.dma_semaphore, #tpu.memory_space<semaphore_mem>>, %arg28: memref<!tpu.dma_semaphore, #tpu.memory_space<semaphore_mem>>, %arg29: memref<!tpu.dma_semaphore, #tpu.memory_space<semaphore_mem>>, %arg30: memref<!tpu.dma_semaphore, #tpu.memory_space<semaphore_mem>>, %arg31: memref<!tpu.dma_semaphore, #tpu.memory_space<semaphore_mem>>, %arg32: memref<!tpu.dma_semaphore, #tpu.memory_space<semaphore_mem>>) attributes {dimension_semantics = [#tpu.dimension_semantics<core_parallel>, #tpu.dimension_semantics<subcore_parallel>], iteration_bounds = array<i64: 2, 16>, scalar_prefetch = 0 : i64, scratch_operands = 22 : i64, tpu.core_type = #tpu.core_type<sc_vector_subcore>, window_params = [{transform_indices = #map}, {transform_indices = #map}, {transform_indices = #map1}, {transform_indices = #map}, {transform_indices = #map2}, {transform_indices = #map1}, {transform_indices = #map1}, {transform_indices = #map}, {transform_indices = #map}]} {
    %mul3A = arith.constant 16 : i32
    %mul3A_0 = arith.muli %arg0, %mul3A : i32
    %add3A = arith.addi %mul3A_0, %arg1 : i32
    "tpu.region"() ({
      %run_scoped3A = tpu.sem_alloc : memref<!tpu.dma_semaphore, #tpu.memory_space<semaphore_mem>>
      %dma_start3A_328 = arith.constant 0 : i32
      %dma_start3A_329 = arith.constant 0 : i32
      %dma_start3A_330 = tpu.memref_slice %arg11[%dma_start3A_328, %dma_start3A_329] : memref<250x80xi32, #tpu.memory_space<vmem>> -> memref<125x80xi32, #tpu.memory_space<vmem>>
      %dma_start3A_331 = arith.constant 0 : i32
      %dma_start3A_332 = arith.constant 0 : i32
      %dma_start3A_333 = tpu.memref_slice %arg2[%arg1, %dma_start3A_331, %dma_start3A_332] : memref<32x125x80xi32, #tpu.memory_space<hbm>> -> memref<1x125x80xi32, #tpu.memory_space<hbm>>
      %dma_start3A_334 = tpu.memref_squeeze %dma_start3A_333 : memref<1x125x80xi32, #tpu.memory_space<hbm>> -> memref<125x80xi32, #tpu.memory_space<hbm>>
      %dma_start3A_335 = arith.constant 0 : i32
      %dma_start3A_336 = arith.constant 0 : i32
      %dma_start3A_337 = tpu.memref_slice %arg11[%dma_start3A_335, %dma_start3A_336] : memref<250x80xi32, #tpu.memory_space<vmem>> -> memref<125x80xi32, #tpu.memory_space<vmem>>
      %dma_start3A_338 = arith.constant 0 : i32
      %dma_start3A_339 = arith.constant 0 : i32
      %dma_start3A_340 = tpu.memref_slice %arg2[%arg1, %dma_start3A_338, %dma_start3A_339] : memref<32x125x80xi32, #tpu.memory_space<hbm>> -> memref<1x125x80xi32, #tpu.memory_space<hbm>>
      %dma_start3A_341 = tpu.memref_squeeze %dma_start3A_340 : memref<1x125x80xi32, #tpu.memory_space<hbm>> -> memref<125x80xi32, #tpu.memory_space<hbm>>
      tpu.enqueue_dma source(%dma_start3A_341 : memref<125x80xi32, #tpu.memory_space<hbm>>) target(%dma_start3A_337 : memref<125x80xi32, #tpu.memory_space<vmem>>) target_semaphore(%run_scoped3A : memref<!tpu.dma_semaphore, #tpu.memory_space<semaphore_mem>>)
      %dma_wait3A_342 = arith.constant 0 : i32
      %dma_wait3A_343 = arith.constant 0 : i32
      %dma_wait3A_344 = tpu.memref_slice %arg11[%dma_wait3A_342, %dma_wait3A_343] : memref<250x80xi32, #tpu.memory_space<vmem>> -> memref<125x80xi32, #tpu.memory_space<vmem>>
      %dma_wait3A_345 = arith.constant 0 : i32
      %dma_wait3A_346 = arith.constant 0 : i32
      %dma_wait3A_347 = tpu.memref_slice %arg2[%arg1, %dma_wait3A_345, %dma_wait3A_346] : memref<32x125x80xi32, #tpu.memory_space<hbm>> -> memref<1x125x80xi32, #tpu.memory_space<hbm>>
      %dma_wait3A_348 = tpu.memref_squeeze %dma_wait3A_347 : memref<1x125x80xi32, #tpu.memory_space<hbm>> -> memref<125x80xi32, #tpu.memory_space<hbm>>
      %dma_wait3A_349 = arith.constant 0 : i32
      %dma_wait3A_350 = arith.constant 0 : i32
      %dma_wait3A_351 = tpu.memref_slice %arg11[%dma_wait3A_349, %dma_wait3A_350] : memref<250x80xi32, #tpu.memory_space<vmem>> -> memref<125x80xi32, #tpu.memory_space<vmem>>
      %dma_wait3A_352 = arith.constant 0 : i32
      %dma_wait3A_353 = arith.constant 0 : i32
      %dma_wait3A_354 = tpu.memref_slice %arg2[%arg1, %dma_wait3A_352, %dma_wait3A_353] : memref<32x125x80xi32, #tpu.memory_space<hbm>> -> memref<1x125x80xi32, #tpu.memory_space<hbm>>
      %dma_wait3A_355 = tpu.memref_squeeze %dma_wait3A_354 : memref<1x125x80xi32, #tpu.memory_space<hbm>> -> memref<125x80xi32, #tpu.memory_space<hbm>>
      tpu.wait_dma2 semaphore(%run_scoped3A : memref<!tpu.dma_semaphore, #tpu.memory_space<semaphore_mem>>) src(%dma_wait3A_355 : memref<125x80xi32, #tpu.memory_space<hbm>>) dst(%dma_wait3A_351 : memref<125x80xi32, #tpu.memory_space<vmem>>)
      tpu.yield
    }) : () -> ()
    %add3A_1 = arith.constant 16 : i32
    %add3A_2 = arith.addi %add3A_1, %arg1 : i32
    "tpu.region"() ({
      %run_scoped3A = tpu.sem_alloc : memref<!tpu.dma_semaphore, #tpu.memory_space<semaphore_mem>>
      %dma_start3A_328 = arith.constant 125 : i32
      %dma_start3A_329 = arith.constant 0 : i32
      %dma_start3A_330 = tpu.memref_slice %arg11[%dma_start3A_328, %dma_start3A_329] : memref<250x80xi32, #tpu.memory_space<vmem>> -> memref<125x80xi32, #tpu.memory_space<vmem>>
      %dma_start3A_331 = arith.constant 0 : i32
      %dma_start3A_332 = arith.constant 0 : i32
      %dma_start3A_333 = tpu.memref_slice %arg2[%add3A_2, %dma_start3A_331, %dma_start3A_332] : memref<32x125x80xi32, #tpu.memory_space<hbm>> -> memref<1x125x80xi32, #tpu.memory_space<hbm>>
      %dma_start3A_334 = tpu.memref_squeeze %dma_start3A_333 : memref<1x125x80xi32, #tpu.memory_space<hbm>> -> memref<125x80xi32, #tpu.memory_space<hbm>>
      %dma_start3A_335 = arith.constant 125 : i32
      %dma_start3A_336 = arith.constant 0 : i32
      %dma_start3A_337 = tpu.memref_slice %arg11[%dma_start3A_335, %dma_start3A_336] : memref<250x80xi32, #tpu.memory_space<vmem>> -> memref<125x80xi32, #tpu.memory_space<vmem>>
      %dma_start3A_338 = arith.constant 0 : i32
      %dma_start3A_339 = arith.constant 0 : i32
      %dma_start3A_340 = tpu.memref_slice %arg2[%add3A_2, %dma_start3A_338, %dma_start3A_339] : memref<32x125x80xi32, #tpu.memory_space<hbm>> -> memref<1x125x80xi32, #tpu.memory_space<hbm>>
      %dma_start3A_341 = tpu.memref_squeeze %dma_start3A_340 : memref<1x125x80xi32, #tpu.memory_space<hbm>> -> memref<125x80xi32, #tpu.memory_space<hbm>>
      tpu.enqueue_dma source(%dma_start3A_341 : memref<125x80xi32, #tpu.memory_space<hbm>>) target(%dma_start3A_337 : memref<125x80xi32, #tpu.memory_space<vmem>>) target_semaphore(%run_scoped3A : memref<!tpu.dma_semaphore, #tpu.memory_space<semaphore_mem>>)
      %dma_wait3A_342 = arith.constant 125 : i32
      %dma_wait3A_343 = arith.constant 0 : i32
      %dma_wait3A_344 = tpu.memref_slice %arg11[%dma_wait3A_342, %dma_wait3A_343] : memref<250x80xi32, #tpu.memory_space<vmem>> -> memref<125x80xi32, #tpu.memory_space<vmem>>
      %dma_wait3A_345 = arith.constant 0 : i32
      %dma_wait3A_346 = arith.constant 0 : i32
      %dma_wait3A_347 = tpu.memref_slice %arg2[%add3A_2, %dma_wait3A_345, %dma_wait3A_346] : memref<32x125x80xi32, #tpu.memory_space<hbm>> -> memref<1x125x80xi32, #tpu.memory_space<hbm>>
      %dma_wait3A_348 = tpu.memref_squeeze %dma_wait3A_347 : memref<1x125x80xi32, #tpu.memory_space<hbm>> -> memref<125x80xi32, #tpu.memory_space<hbm>>
      %dma_wait3A_349 = arith.constant 125 : i32
      %dma_wait3A_350 = arith.constant 0 : i32
      %dma_wait3A_351 = tpu.memref_slice %arg11[%dma_wait3A_349, %dma_wait3A_350] : memref<250x80xi32, #tpu.memory_space<vmem>> -> memref<125x80xi32, #tpu.memory_space<vmem>>
      %dma_wait3A_352 = arith.constant 0 : i32
      %dma_wait3A_353 = arith.constant 0 : i32
      %dma_wait3A_354 = tpu.memref_slice %arg2[%add3A_2, %dma_wait3A_352, %dma_wait3A_353] : memref<32x125x80xi32, #tpu.memory_space<hbm>> -> memref<1x125x80xi32, #tpu.memory_space<hbm>>
      %dma_wait3A_355 = tpu.memref_squeeze %dma_wait3A_354 : memref<1x125x80xi32, #tpu.memory_space<hbm>> -> memref<125x80xi32, #tpu.memory_space<hbm>>
      tpu.wait_dma2 semaphore(%run_scoped3A : memref<!tpu.dma_semaphore, #tpu.memory_space<semaphore_mem>>) src(%dma_wait3A_355 : memref<125x80xi32, #tpu.memory_space<hbm>>) dst(%dma_wait3A_351 : memref<125x80xi32, #tpu.memory_space<vmem>>)
      tpu.yield
    }) : () -> ()
    "tpu.region"() ({
      %run_scoped3A = tpu.sem_alloc : memref<!tpu.dma_semaphore, #tpu.memory_space<semaphore_mem>>
      %dma_start3A_328 = arith.constant 0 : i32
      %dma_start3A_329 = arith.constant 0 : i32
      %dma_start3A_330 = tpu.memref_slice %arg12[%dma_start3A_328, %dma_start3A_329] : memref<250x80xi32, #tpu.memory_space<vmem>> -> memref<125x80xi32, #tpu.memory_space<vmem>>
      %dma_start3A_331 = arith.constant 0 : i32
      %dma_start3A_332 = arith.constant 0 : i32
      %dma_start3A_333 = tpu.memref_slice %arg3[%arg1, %dma_start3A_331, %dma_start3A_332] : memref<32x125x80xi32, #tpu.memory_space<hbm>> -> memref<1x125x80xi32, #tpu.memory_space<hbm>>
      %dma_start3A_334 = tpu.memref_squeeze %dma_start3A_333 : memref<1x125x80xi32, #tpu.memory_space<hbm>> -> memref<125x80xi32, #tpu.memory_space<hbm>>
      %dma_start3A_335 = arith.constant 0 : i32
      %dma_start3A_336 = arith.constant 0 : i32
      %dma_start3A_337 = tpu.memref_slice %arg12[%dma_start3A_335, %dma_start3A_336] : memref<250x80xi32, #tpu.memory_space<vmem>> -> memref<125x80xi32, #tpu.memory_space<vmem>>
      %dma_start3A_338 = arith.constant 0 : i32
      %dma_start3A_339 = arith.constant 0 : i32
      %dma_start3A_340 = tpu.memref_slice %arg3[%arg1, %dma_start3A_338, %dma_start3A_339] : memref<32x125x80xi32, #tpu.memory_space<hbm>> -> memref<1x125x80xi32, #tpu.memory_space<hbm>>
      %dma_start3A_341 = tpu.memref_squeeze %dma_start3A_340 : memref<1x125x80xi32, #tpu.memory_space<hbm>> -> memref<125x80xi32, #tpu.memory_space<hbm>>
      tpu.enqueue_dma source(%dma_start3A_341 : memref<125x80xi32, #tpu.memory_space<hbm>>) target(%dma_start3A_337 : memref<125x80xi32, #tpu.memory_space<vmem>>) target_semaphore(%run_scoped3A : memref<!tpu.dma_semaphore, #tpu.memory_space<semaphore_mem>>)
      %dma_wait3A_342 = arith.constant 0 : i32
      %dma_wait3A_343 = arith.constant 0 : i32
      %dma_wait3A_344 = tpu.memref_slice %arg12[%dma_wait3A_342, %dma_wait3A_343] : memref<250x80xi32, #tpu.memory_space<vmem>> -> memref<125x80xi32, #tpu.memory_space<vmem>>
      %dma_wait3A_345 = arith.constant 0 : i32
      %dma_wait3A_346 = arith.constant 0 : i32
      %dma_wait3A_347 = tpu.memref_slice %arg3[%arg1, %dma_wait3A_345, %dma_wait3A_346] : memref<32x125x80xi32, #tpu.memory_space<hbm>> -> memref<1x125x80xi32, #tpu.memory_space<hbm>>
      %dma_wait3A_348 = tpu.memref_squeeze %dma_wait3A_347 : memref<1x125x80xi32, #tpu.memory_space<hbm>> -> memref<125x80xi32, #tpu.memory_space<hbm>>
      %dma_wait3A_349 = arith.constant 0 : i32
      %dma_wait3A_350 = arith.constant 0 : i32
      %dma_wait3A_351 = tpu.memref_slice %arg12[%dma_wait3A_349, %dma_wait3A_350] : memref<250x80xi32, #tpu.memory_space<vmem>> -> memref<125x80xi32, #tpu.memory_space<vmem>>
      %dma_wait3A_352 = arith.constant 0 : i32
      %dma_wait3A_353 = arith.constant 0 : i32
      %dma_wait3A_354 = tpu.memref_slice %arg3[%arg1, %dma_wait3A_352, %dma_wait3A_353] : memref<32x125x80xi32, #tpu.memory_space<hbm>> -> memref<1x125x80xi32, #tpu.memory_space<hbm>>
      %dma_wait3A_355 = tpu.memref_squeeze %dma_wait3A_354 : memref<1x125x80xi32, #tpu.memory_space<hbm>> -> memref<125x80xi32, #tpu.memory_space<hbm>>
      tpu.wait_dma2 semaphore(%run_scoped3A : memref<!tpu.dma_semaphore, #tpu.memory_space<semaphore_mem>>) src(%dma_wait3A_355 : memref<125x80xi32, #tpu.memory_space<hbm>>) dst(%dma_wait3A_351 : memref<125x80xi32, #tpu.memory_space<vmem>>)
      tpu.yield
    }) : () -> ()
    %add3A_3 = arith.constant 16 : i32
    %add3A_4 = arith.addi %add3A_3, %arg1 : i32
    "tpu.region"() ({
      %run_scoped3A = tpu.sem_alloc : memref<!tpu.dma_semaphore, #tpu.memory_space<semaphore_mem>>
      %dma_start3A_328 = arith.constant 125 : i32
      %dma_start3A_329 = arith.constant 0 : i32
      %dma_start3A_330 = tpu.memref_slice %arg12[%dma_start3A_328, %dma_start3A_329] : memref<250x80xi32, #tpu.memory_space<vmem>> -> memref<125x80xi32, #tpu.memory_space<vmem>>
      %dma_start3A_331 = arith.constant 0 : i32
      %dma_start3A_332 = arith.constant 0 : i32
      %dma_start3A_333 = tpu.memref_slice %arg3[%add3A_4, %dma_start3A_331, %dma_start3A_332] : memref<32x125x80xi32, #tpu.memory_space<hbm>> -> memref<1x125x80xi32, #tpu.memory_space<hbm>>
      %dma_start3A_334 = tpu.memref_squeeze %dma_start3A_333 : memref<1x125x80xi32, #tpu.memory_space<hbm>> -> memref<125x80xi32, #tpu.memory_space<hbm>>
      %dma_start3A_335 = arith.constant 125 : i32
      %dma_start3A_336 = arith.constant 0 : i32
      %dma_start3A_337 = tpu.memref_slice %arg12[%dma_start3A_335, %dma_start3A_336] : memref<250x80xi32, #tpu.memory_space<vmem>> -> memref<125x80xi32, #tpu.memory_space<vmem>>
      %dma_start3A_338 = arith.constant 0 : i32
      %dma_start3A_339 = arith.constant 0 : i32
      %dma_start3A_340 = tpu.memref_slice %arg3[%add3A_4, %dma_start3A_338, %dma_start3A_339] : memref<32x125x80xi32, #tpu.memory_space<hbm>> -> memref<1x125x80xi32, #tpu.memory_space<hbm>>
      %dma_start3A_341 = tpu.memref_squeeze %dma_start3A_340 : memref<1x125x80xi32, #tpu.memory_space<hbm>> -> memref<125x80xi32, #tpu.memory_space<hbm>>
      tpu.enqueue_dma source(%dma_start3A_341 : memref<125x80xi32, #tpu.memory_space<hbm>>) target(%dma_start3A_337 : memref<125x80xi32, #tpu.memory_space<vmem>>) target_semaphore(%run_scoped3A : memref<!tpu.dma_semaphore, #tpu.memory_space<semaphore_mem>>)
      %dma_wait3A_342 = arith.constant 125 : i32
      %dma_wait3A_343 = arith.constant 0 : i32
      %dma_wait3A_344 = tpu.memref_slice %arg12[%dma_wait3A_342, %dma_wait3A_343] : memref<250x80xi32, #tpu.memory_space<vmem>> -> memref<125x80xi32, #tpu.memory_space<vmem>>
      %dma_wait3A_345 = arith.constant 0 : i32
      %dma_wait3A_346 = arith.constant 0 : i32
      %dma_wait3A_347 = tpu.memref_slice %arg3[%add3A_4, %dma_wait3A_345, %dma_wait3A_346] : memref<32x125x80xi32, #tpu.memory_space<hbm>> -> memref<1x125x80xi32, #tpu.memory_space<hbm>>
      %dma_wait3A_348 = tpu.memref_squeeze %dma_wait3A_347 : memref<1x125x80xi32, #tpu.memory_space<hbm>> -> memref<125x80xi32, #tpu.memory_space<hbm>>
      %dma_wait3A_349 = arith.constant 125 : i32
      %dma_wait3A_350 = arith.constant 0 : i32
      %dma_wait3A_351 = tpu.memref_slice %arg12[%dma_wait3A_349, %dma_wait3A_350] : memref<250x80xi32, #tpu.memory_space<vmem>> -> memref<125x80xi32, #tpu.memory_space<vmem>>
      %dma_wait3A_352 = arith.constant 0 : i32
      %dma_wait3A_353 = arith.constant 0 : i32
      %dma_wait3A_354 = tpu.memref_slice %arg3[%add3A_4, %dma_wait3A_352, %dma_wait3A_353] : memref<32x125x80xi32, #tpu.memory_space<hbm>> -> memref<1x125x80xi32, #tpu.memory_space<hbm>>
      %dma_wait3A_355 = tpu.memref_squeeze %dma_wait3A_354 : memref<1x125x80xi32, #tpu.memory_space<hbm>> -> memref<125x80xi32, #tpu.memory_space<hbm>>
      tpu.wait_dma2 semaphore(%run_scoped3A : memref<!tpu.dma_semaphore, #tpu.memory_space<semaphore_mem>>) src(%dma_wait3A_355 : memref<125x80xi32, #tpu.memory_space<hbm>>) dst(%dma_wait3A_351 : memref<125x80xi32, #tpu.memory_space<vmem>>)
      tpu.yield
    }) : () -> ()
    %mul3A_5 = arith.constant 125 : i32
    %mul3A_6 = arith.muli %arg0, %mul3A_5 : i32
    %eq3A = arith.constant 0 : i32
    %eq3A_7 = arith.cmpi eq, %arg1, %eq3A : i32
    %convert_element_type3A = arith.extui %eq3A_7 : i1 to i32
    %cond3A = arith.constant 0 : i32
    %cond3A_8 = arith.cmpi ne, %convert_element_type3A, %cond3A : i32
    scf.if %cond3A_8 {
      "tpu.region"() ({
        %run_scoped3A = tpu.sem_alloc : memref<!tpu.dma_semaphore, #tpu.memory_space<semaphore_mem>>
        tpu.enqueue_dma source(%arg7 : memref<10000x64xf32, #tpu.memory_space<hbm>>) target(%arg17 : memref<10000x64xf32, #tpu.memory_space<vmem_shared>>) target_semaphore(%run_scoped3A : memref<!tpu.dma_semaphore, #tpu.memory_space<semaphore_mem>>)
        tpu.wait_dma2 semaphore(%run_scoped3A : memref<!tpu.dma_semaphore, #tpu.memory_space<semaphore_mem>>) src(%arg7 : memref<10000x64xf32, #tpu.memory_space<hbm>>) dst(%arg17 : memref<10000x64xf32, #tpu.memory_space<vmem_shared>>)
        tpu.yield
      }) : () -> ()
      "tpu.region"() ({
        %run_scoped3A = tpu.sem_alloc : memref<!tpu.dma_semaphore, #tpu.memory_space<semaphore_mem>>
        tpu.enqueue_dma source(%arg8 : memref<10000x16xf32, #tpu.memory_space<hbm>>) target(%arg18 : memref<10000x16xf32, #tpu.memory_space<vmem_shared>>) target_semaphore(%run_scoped3A : memref<!tpu.dma_semaphore, #tpu.memory_space<semaphore_mem>>)
        tpu.wait_dma2 semaphore(%run_scoped3A : memref<!tpu.dma_semaphore, #tpu.memory_space<semaphore_mem>>) src(%arg8 : memref<10000x16xf32, #tpu.memory_space<hbm>>) dst(%arg18 : memref<10000x16xf32, #tpu.memory_space<vmem_shared>>)
        tpu.yield
      }) : () -> ()
    } else {
    }
    %add3A_9 = arith.constant 0 : i32
    %add3A_10 = arith.addi %mul3A_6, %add3A_9 : i32
    %dma_start3A = arith.constant 0 : i32
    %dma_start3A_11 = arith.constant 0 : i32
    %dma_start3A_12 = tpu.memref_slice %arg13[%dma_start3A, %dma_start3A_11] : memref<2x80xf32, #tpu.memory_space<vmem>> -> memref<1x80xf32, #tpu.memory_space<vmem>>
    %dma_start3A_13 = tpu.memref_squeeze %dma_start3A_12 : memref<1x80xf32, #tpu.memory_space<vmem>> -> memref<80xf32, #tpu.memory_space<vmem>>
    %dma_start3A_14 = arith.constant 0 : i32
    %dma_start3A_15 = tpu.memref_slice %arg11[%add3A_10, %dma_start3A_14] : memref<250x80xi32, #tpu.memory_space<vmem>> -> memref<1x80xi32, #tpu.memory_space<vmem>>
    %dma_start3A_16 = tpu.memref_squeeze %dma_start3A_15 : memref<1x80xi32, #tpu.memory_space<vmem>> -> memref<80xi32, #tpu.memory_space<vmem>>
    %dma_start3A_17 = arith.constant 0 : i32
    %dma_start3A_18 = tpu.memref_slice %arg6[%dma_start3A_17] : memref<10000xf32, #tpu.memory_space<hbm>> -> memref<10000xf32, #tpu.memory_space<hbm>>
    tpu.enqueue_indirect_dma source(%dma_start3A_18 : memref<10000xf32, #tpu.memory_space<hbm>>) target(%dma_start3A_13 : memref<80xf32, #tpu.memory_space<vmem>>) offsets(%dma_start3A_16 : memref<80xi32, #tpu.memory_space<vmem>>) semaphore(%arg27 : memref<!tpu.dma_semaphore, #tpu.memory_space<semaphore_mem>>)
    %mul3A_19 = arith.constant 10000 : i32
    %mul3A_20 = arith.muli %add3A, %mul3A_19 : i32
    %add3A_21 = arith.constant 0 : i32
    %add3A_22 = arith.addi %mul3A_20, %add3A_21 : i32
    %dma_start3A_23 = arith.constant 0 : i32
    %dma_start3A_24 = arith.constant 0 : i32
    %dma_start3A_25 = arith.constant 0 : i32
    %dma_start3A_26 = tpu.memref_slice %arg15[%dma_start3A_23, %dma_start3A_24, %dma_start3A_25] : memref<2x80x16xf32, #tpu.memory_space<vmem>> -> memref<1x80x16xf32, #tpu.memory_space<vmem>>
    %dma_start3A_27 = tpu.memref_squeeze %dma_start3A_26 : memref<1x80x16xf32, #tpu.memory_space<vmem>> -> memref<80x16xf32, #tpu.memory_space<vmem>>
    %dma_start3A_28 = arith.constant 0 : i32
    %dma_start3A_29 = tpu.memref_slice %arg4[%add3A_22, %dma_start3A_28] : memref<320000x16xf32, #tpu.memory_space<hbm>> -> memref<80x16xf32, #tpu.memory_space<hbm>>
    %dma_start3A_30 = arith.constant 0 : i32
    %dma_start3A_31 = arith.constant 0 : i32
    %dma_start3A_32 = tpu.memref_slice %arg15[%dma_start3A_23, %dma_start3A_30, %dma_start3A_31] : memref<2x80x16xf32, #tpu.memory_space<vmem>> -> memref<1x80x16xf32, #tpu.memory_space<vmem>>
    %dma_start3A_33 = tpu.memref_squeeze %dma_start3A_32 : memref<1x80x16xf32, #tpu.memory_space<vmem>> -> memref<80x16xf32, #tpu.memory_space<vmem>>
    %dma_start3A_34 = arith.constant 0 : i32
    %dma_start3A_35 = tpu.memref_slice %arg4[%add3A_22, %dma_start3A_34] : memref<320000x16xf32, #tpu.memory_space<hbm>> -> memref<80x16xf32, #tpu.memory_space<hbm>>
    tpu.enqueue_dma source(%dma_start3A_35 : memref<80x16xf32, #tpu.memory_space<hbm>>) target(%dma_start3A_33 : memref<80x16xf32, #tpu.memory_space<vmem>>) target_semaphore(%arg29 : memref<!tpu.dma_semaphore, #tpu.memory_space<semaphore_mem>>)
    %add3A_36 = arith.constant 1 : i32
    %add3A_37 = arith.addi %mul3A_6, %add3A_36 : i32
    %dma_start3A_38 = arith.constant 1 : i32
    %dma_start3A_39 = arith.constant 0 : i32
    %dma_start3A_40 = tpu.memref_slice %arg13[%dma_start3A_38, %dma_start3A_39] : memref<2x80xf32, #tpu.memory_space<vmem>> -> memref<1x80xf32, #tpu.memory_space<vmem>>
    %dma_start3A_41 = tpu.memref_squeeze %dma_start3A_40 : memref<1x80xf32, #tpu.memory_space<vmem>> -> memref<80xf32, #tpu.memory_space<vmem>>
    %dma_start3A_42 = arith.constant 0 : i32
    %dma_start3A_43 = tpu.memref_slice %arg11[%add3A_37, %dma_start3A_42] : memref<250x80xi32, #tpu.memory_space<vmem>> -> memref<1x80xi32, #tpu.memory_space<vmem>>
    %dma_start3A_44 = tpu.memref_squeeze %dma_start3A_43 : memref<1x80xi32, #tpu.memory_space<vmem>> -> memref<80xi32, #tpu.memory_space<vmem>>
    %dma_start3A_45 = arith.constant 0 : i32
    %dma_start3A_46 = tpu.memref_slice %arg6[%dma_start3A_45] : memref<10000xf32, #tpu.memory_space<hbm>> -> memref<10000xf32, #tpu.memory_space<hbm>>
    tpu.enqueue_indirect_dma source(%dma_start3A_46 : memref<10000xf32, #tpu.memory_space<hbm>>) target(%dma_start3A_41 : memref<80xf32, #tpu.memory_space<vmem>>) offsets(%dma_start3A_44 : memref<80xi32, #tpu.memory_space<vmem>>) semaphore(%arg28 : memref<!tpu.dma_semaphore, #tpu.memory_space<semaphore_mem>>)
    %mul3A_47 = arith.constant 10000 : i32
    %mul3A_48 = arith.muli %add3A, %mul3A_47 : i32
    %add3A_49 = arith.constant 80 : i32
    %add3A_50 = arith.addi %mul3A_48, %add3A_49 : i32
    %dma_start3A_51 = arith.constant 1 : i32
    %dma_start3A_52 = arith.constant 0 : i32
    %dma_start3A_53 = arith.constant 0 : i32
    %dma_start3A_54 = tpu.memref_slice %arg15[%dma_start3A_51, %dma_start3A_52, %dma_start3A_53] : memref<2x80x16xf32, #tpu.memory_space<vmem>> -> memref<1x80x16xf32, #tpu.memory_space<vmem>>
    %dma_start3A_55 = tpu.memref_squeeze %dma_start3A_54 : memref<1x80x16xf32, #tpu.memory_space<vmem>> -> memref<80x16xf32, #tpu.memory_space<vmem>>
    %dma_start3A_56 = arith.constant 0 : i32
    %dma_start3A_57 = tpu.memref_slice %arg4[%add3A_50, %dma_start3A_56] : memref<320000x16xf32, #tpu.memory_space<hbm>> -> memref<80x16xf32, #tpu.memory_space<hbm>>
    %dma_start3A_58 = arith.constant 0 : i32
    %dma_start3A_59 = arith.constant 0 : i32
    %dma_start3A_60 = tpu.memref_slice %arg15[%dma_start3A_51, %dma_start3A_58, %dma_start3A_59] : memref<2x80x16xf32, #tpu.memory_space<vmem>> -> memref<1x80x16xf32, #tpu.memory_space<vmem>>
    %dma_start3A_61 = tpu.memref_squeeze %dma_start3A_60 : memref<1x80x16xf32, #tpu.memory_space<vmem>> -> memref<80x16xf32, #tpu.memory_space<vmem>>
    %dma_start3A_62 = arith.constant 0 : i32
    %dma_start3A_63 = tpu.memref_slice %arg4[%add3A_50, %dma_start3A_62] : memref<320000x16xf32, #tpu.memory_space<hbm>> -> memref<80x16xf32, #tpu.memory_space<hbm>>
    tpu.enqueue_dma source(%dma_start3A_63 : memref<80x16xf32, #tpu.memory_space<hbm>>) target(%dma_start3A_61 : memref<80x16xf32, #tpu.memory_space<vmem>>) target_semaphore(%arg30 : memref<!tpu.dma_semaphore, #tpu.memory_space<semaphore_mem>>)
    %barrier3A = arith.constant 0 : index
    tpu.barrier barrier_id(%barrier3A)
    %scan3A = arith.constant 0 : i32
    %scan3A_64 = arith.constant 0 : i32
    %scan3A_65 = arith.constant 62 : i32
    %scan3A_66 = arith.addi %scan3A_64, %scan3A_65 : i32
    %scan3A_67 = arith.constant 1 : i32
    scf.for %scan3A_328 = %scan3A_64 to %scan3A_66 step %scan3A_67  : i32 {
      %mul3A_329 = arith.constant 2 : i32
      %mul3A_330 = arith.muli %mul3A_329, %scan3A_328 : i32
      %add3A_331 = arith.constant 0 : i32
      %add3A_332 = arith.addi %mul3A_330, %add3A_331 : i32
      %add3A_333 = arith.addi %mul3A_6, %add3A_332 : i32
      %dma_wait3A_334 = arith.constant 0 : i32
      %dma_wait3A_335 = arith.constant 0 : i32
      %dma_wait3A_336 = tpu.memref_slice %arg13[%dma_wait3A_334, %dma_wait3A_335] : memref<2x80xf32, #tpu.memory_space<vmem>> -> memref<1x80xf32, #tpu.memory_space<vmem>>
      %dma_wait3A_337 = tpu.memref_squeeze %dma_wait3A_336 : memref<1x80xf32, #tpu.memory_space<vmem>> -> memref<80xf32, #tpu.memory_space<vmem>>
      %dma_wait3A_338 = arith.constant 0 : i32
      %dma_wait3A_339 = tpu.memref_slice %arg11[%add3A_333, %dma_wait3A_338] : memref<250x80xi32, #tpu.memory_space<vmem>> -> memref<1x80xi32, #tpu.memory_space<vmem>>
      %dma_wait3A_340 = tpu.memref_squeeze %dma_wait3A_339 : memref<1x80xi32, #tpu.memory_space<vmem>> -> memref<80xi32, #tpu.memory_space<vmem>>
      %dma_wait3A_341 = arith.constant 0 : i32
      %dma_wait3A_342 = tpu.memref_slice %arg6[%dma_wait3A_341] : memref<10000xf32, #tpu.memory_space<hbm>> -> memref<10000xf32, #tpu.memory_space<hbm>>
      tpu.wait_indirect_dma semaphore(%arg27 : memref<!tpu.dma_semaphore, #tpu.memory_space<semaphore_mem>>) src(%dma_wait3A_342 : memref<10000xf32, #tpu.memory_space<hbm>>) dst(%dma_wait3A_337 : memref<80xf32, #tpu.memory_space<vmem>>)
      %mul3A_343 = arith.constant 10000 : i32
      %mul3A_344 = arith.muli %add3A, %mul3A_343 : i32
      %mul3A_345 = arith.constant 80 : i32
      %mul3A_346 = arith.muli %add3A_332, %mul3A_345 : i32
      %add3A_347 = arith.addi %mul3A_344, %mul3A_346 : i32
      %dma_wait3A_348 = arith.constant 0 : i32
      %dma_wait3A_349 = arith.constant 0 : i32
      %dma_wait3A_350 = arith.constant 0 : i32
      %dma_wait3A_351 = tpu.memref_slice %arg15[%dma_wait3A_348, %dma_wait3A_349, %dma_wait3A_350] : memref<2x80x16xf32, #tpu.memory_space<vmem>> -> memref<1x80x16xf32, #tpu.memory_space<vmem>>
      %dma_wait3A_352 = tpu.memref_squeeze %dma_wait3A_351 : memref<1x80x16xf32, #tpu.memory_space<vmem>> -> memref<80x16xf32, #tpu.memory_space<vmem>>
      %dma_wait3A_353 = arith.constant 0 : i32
      %dma_wait3A_354 = tpu.memref_slice %arg4[%add3A_347, %dma_wait3A_353] : memref<320000x16xf32, #tpu.memory_space<hbm>> -> memref<80x16xf32, #tpu.memory_space<hbm>>
      %dma_wait3A_355 = arith.constant 0 : i32
      %dma_wait3A_356 = arith.constant 0 : i32
      %dma_wait3A_357 = tpu.memref_slice %arg15[%dma_wait3A_348, %dma_wait3A_355, %dma_wait3A_356] : memref<2x80x16xf32, #tpu.memory_space<vmem>> -> memref<1x80x16xf32, #tpu.memory_space<vmem>>
      %dma_wait3A_358 = tpu.memref_squeeze %dma_wait3A_357 : memref<1x80x16xf32, #tpu.memory_space<vmem>> -> memref<80x16xf32, #tpu.memory_space<vmem>>
      %dma_wait3A_359 = arith.constant 0 : i32
      %dma_wait3A_360 = tpu.memref_slice %arg4[%add3A_347, %dma_wait3A_359] : memref<320000x16xf32, #tpu.memory_space<hbm>> -> memref<80x16xf32, #tpu.memory_space<hbm>>
      tpu.wait_dma2 semaphore(%arg29 : memref<!tpu.dma_semaphore, #tpu.memory_space<semaphore_mem>>) src(%dma_wait3A_360 : memref<80x16xf32, #tpu.memory_space<hbm>>) dst(%dma_wait3A_358 : memref<80x16xf32, #tpu.memory_space<vmem>>)
      %ge3A_361 = arith.constant 2 : i32
      %ge3A_362 = arith.cmpi sge, %add3A_332, %ge3A_361 : i32
      %convert_element_type3A_363 = arith.extui %ge3A_362 : i1 to i32
      %cond3A_364 = arith.constant 0 : i32
      %cond3A_365 = arith.cmpi ne, %convert_element_type3A_363, %cond3A_364 : i32
      scf.if %cond3A_365 {
        %add3A_453 = arith.addi %mul3A_6, %add3A_332 : i32
        %dma_wait3A_454 = arith.constant 0 : i32
        %dma_wait3A_455 = arith.constant 0 : i32
        %dma_wait3A_456 = arith.constant 0 : i32
        %dma_wait3A_457 = tpu.memref_slice %arg16[%dma_wait3A_454, %dma_wait3A_455, %dma_wait3A_456] : memref<2x80x16xf32, #tpu.memory_space<vmem>> -> memref<1x80x16xf32, #tpu.memory_space<vmem>>
        %dma_wait3A_458 = tpu.memref_squeeze %dma_wait3A_457 : memref<1x80x16xf32, #tpu.memory_space<vmem>> -> memref<80x16xf32, #tpu.memory_space<vmem>>
        %dma_wait3A_459 = arith.constant 0 : i32
        %dma_wait3A_460 = tpu.memref_slice %arg12[%add3A_453, %dma_wait3A_459] : memref<250x80xi32, #tpu.memory_space<vmem>> -> memref<1x80xi32, #tpu.memory_space<vmem>>
        %dma_wait3A_461 = tpu.memref_squeeze %dma_wait3A_460 : memref<1x80xi32, #tpu.memory_space<vmem>> -> memref<80xi32, #tpu.memory_space<vmem>>
        %dma_wait3A_462 = arith.constant 0 : i32
        %dma_wait3A_463 = arith.constant 0 : i32
        %dma_wait3A_464 = tpu.memref_slice %arg18[%dma_wait3A_462, %dma_wait3A_463] : memref<10000x16xf32, #tpu.memory_space<vmem_shared>> -> memref<10000x16xf32, #tpu.memory_space<vmem_shared>>
        tpu.wait_indirect_dma semaphore(%arg31 : memref<!tpu.dma_semaphore, #tpu.memory_space<semaphore_mem>>) src(%dma_wait3A_458 : memref<80x16xf32, #tpu.memory_space<vmem>>) dst(%dma_wait3A_464 : memref<10000x16xf32, #tpu.memory_space<vmem_shared>>)
      } else {
      }
      %scan3A_366 = arith.constant 0 : i32
      %scan3A_367 = arith.constant 0 : i32
      %scan3A_368 = arith.constant 5 : i32
      %scan3A_369 = arith.addi %scan3A_367, %scan3A_368 : i32
      %scan3A_370 = arith.constant 1 : i32
      scf.for %scan3A_453 = %scan3A_367 to %scan3A_369 step %scan3A_370  : i32 {
        %mul3A_454 = arith.constant 16 : i32
        %mul3A_455 = arith.muli %scan3A_453, %mul3A_454 : i32
        %get3A = arith.constant 0 : i32
        %get3A_456 = arith.index_cast %get3A : i32 to index
        %get3A_457 = arith.index_cast %mul3A_455 : i32 to index
        %get3A_458 = tpu.vector_load %arg13[%get3A_456, %get3A_457] {strides = array<i32>} : memref<2x80xf32, #tpu.memory_space<vmem>>, vector<1x16xf32>,
        %get3A_459 = vector.shape_cast %get3A_458 : vector<1x16xf32> to vector<16xf32>
        %mul3A_460 = arith.constant 16 : i32
        %mul3A_461 = arith.muli %scan3A_453, %mul3A_460 : i32
        %add3A_462 = arith.constant 0 : i32
        %add3A_463 = arith.addi %mul3A_461, %add3A_462 : i32
        %get3A_464 = arith.constant 0 : i32
        %get3A_465 = arith.index_cast %get3A_464 : i32 to index
        %get3A_466 = arith.index_cast %add3A_463 : i32 to index
        %get3A_467 = arith.constant 0 : index
        %get3A_468 = tpu.vector_load %arg15[%get3A_465, %get3A_466, %get3A_467] {strides = array<i32>} : memref<2x80x16xf32, #tpu.memory_space<vmem>>, vector<1x1x16xf32>,
        %get3A_469 = vector.shape_cast %get3A_468 : vector<1x1x16xf32> to vector<16xf32>
        %slice3A = vector.extract_strided_slice %get3A_459 {offsets = [0], sizes = [1], strides = [1]} : vector<16xf32> to vector<1xf32>
        %squeeze3A = vector.extract %slice3A[0] : f32 from vector<1xf32>
        %mul3A_470 = vector.broadcast %squeeze3A : f32 to vector<16xf32>
        %mul3A_471 = arith.mulf %get3A_469, %mul3A_470 : vector<16xf32>
        %swap3A = arith.constant 0 : i32
        %swap3A_472 = arith.index_cast %swap3A : i32 to index
        %swap3A_473 = arith.index_cast %add3A_463 : i32 to index
        %swap3A_474 = arith.constant 0 : index
        %swap3A_475 = tpu.vector_load %arg16[%swap3A_472, %swap3A_473, %swap3A_474] {strides = array<i32>} : memref<2x80x16xf32, #tpu.memory_space<vmem>>, vector<1x1x16xf32>,
        %swap3A_476 = vector.shape_cast %swap3A_475 : vector<1x1x16xf32> to vector<16xf32>
        %swap3A_477 = vector.shape_cast %mul3A_471 : vector<16xf32> to vector<1x1x16xf32>
        tpu.vector_store %arg16[%swap3A_472, %swap3A_473, %swap3A_474], %swap3A_477 {strides = array<i32>} : memref<2x80x16xf32, #tpu.memory_space<vmem>>, vector<1x1x16xf32>,
        %mul3A_478 = arith.constant 16 : i32
        %mul3A_479 = arith.muli %scan3A_453, %mul3A_478 : i32
        %add3A_480 = arith.constant 1 : i32
        %add3A_481 = arith.addi %mul3A_479, %add3A_480 : i32
        %get3A_482 = arith.constant 0 : i32
        %get3A_483 = arith.index_cast %get3A_482 : i32 to index
        %get3A_484 = arith.index_cast %add3A_481 : i32 to index
        %get3A_485 = arith.constant 0 : index
        %get3A_486 = tpu.vector_load %arg15[%get3A_483, %get3A_484, %get3A_485] {strides = array<i32>} : memref<2x80x16xf32, #tpu.memory_space<vmem>>, vector<1x1x16xf32>,
        %get3A_487 = vector.shape_cast %get3A_486 : vector<1x1x16xf32> to vector<16xf32>
        %slice3A_488 = vector.extract_strided_slice %get3A_459 {offsets = [1], sizes = [1], strides = [1]} : vector<16xf32> to vector<1xf32>
        %squeeze3A_489 = vector.extract %slice3A_488[0] : f32 from vector<1xf32>
        %mul3A_490 = vector.broadcast %squeeze3A_489 : f32 to vector<16xf32>
        %mul3A_491 = arith.mulf %get3A_487, %mul3A_490 : vector<16xf32>
        %swap3A_492 = arith.constant 0 : i32
        %swap3A_493 = arith.index_cast %swap3A_492 : i32 to index
        %swap3A_494 = arith.index_cast %add3A_481 : i32 to index
        %swap3A_495 = arith.constant 0 : index
        %swap3A_496 = tpu.vector_load %arg16[%swap3A_493, %swap3A_494, %swap3A_495] {strides = array<i32>} : memref<2x80x16xf32, #tpu.memory_space<vmem>>, vector<1x1x16xf32>,
        %swap3A_497 = vector.shape_cast %swap3A_496 : vector<1x1x16xf32> to vector<16xf32>
        %swap3A_498 = vector.shape_cast %mul3A_491 : vector<16xf32> to vector<1x1x16xf32>
        tpu.vector_store %arg16[%swap3A_493, %swap3A_494, %swap3A_495], %swap3A_498 {strides = array<i32>} : memref<2x80x16xf32, #tpu.memory_space<vmem>>, vector<1x1x16xf32>,
        %mul3A_499 = arith.constant 16 : i32
        %mul3A_500 = arith.muli %scan3A_453, %mul3A_499 : i32
        %add3A_501 = arith.constant 2 : i32
        %add3A_502 = arith.addi %mul3A_500, %add3A_501 : i32
        %get3A_503 = arith.constant 0 : i32
        %get3A_504 = arith.index_cast %get3A_503 : i32 to index
        %get3A_505 = arith.index_cast %add3A_502 : i32 to index
        %get3A_506 = arith.constant 0 : index
        %get3A_507 = tpu.vector_load %arg15[%get3A_504, %get3A_505, %get3A_506] {strides = array<i32>} : memref<2x80x16xf32, #tpu.memory_space<vmem>>, vector<1x1x16xf32>,
        %get3A_508 = vector.shape_cast %get3A_507 : vector<1x1x16xf32> to vector<16xf32>
        %slice3A_509 = vector.extract_strided_slice %get3A_459 {offsets = [2], sizes = [1], strides = [1]} : vector<16xf32> to vector<1xf32>
        %squeeze3A_510 = vector.extract %slice3A_509[0] : f32 from vector<1xf32>
        %mul3A_511 = vector.broadcast %squeeze3A_510 : f32 to vector<16xf32>
        %mul3A_512 = arith.mulf %get3A_508, %mul3A_511 : vector<16xf32>
        %swap3A_513 = arith.constant 0 : i32
        %swap3A_514 = arith.index_cast %swap3A_513 : i32 to index
        %swap3A_515 = arith.index_cast %add3A_502 : i32 to index
        %swap3A_516 = arith.constant 0 : index
        %swap3A_517 = tpu.vector_load %arg16[%swap3A_514, %swap3A_515, %swap3A_516] {strides = array<i32>} : memref<2x80x16xf32, #tpu.memory_space<vmem>>, vector<1x1x16xf32>,
        %swap3A_518 = vector.shape_cast %swap3A_517 : vector<1x1x16xf32> to vector<16xf32>
        %swap3A_519 = vector.shape_cast %mul3A_512 : vector<16xf32> to vector<1x1x16xf32>
        tpu.vector_store %arg16[%swap3A_514, %swap3A_515, %swap3A_516], %swap3A_519 {strides = array<i32>} : memref<2x80x16xf32, #tpu.memory_space<vmem>>, vector<1x1x16xf32>,
        %mul3A_520 = arith.constant 16 : i32
        %mul3A_521 = arith.muli %scan3A_453, %mul3A_520 : i32
        %add3A_522 = arith.constant 3 : i32
        %add3A_523 = arith.addi %mul3A_521, %add3A_522 : i32
        %get3A_524 = arith.constant 0 : i32
        %get3A_525 = arith.index_cast %get3A_524 : i32 to index
        %get3A_526 = arith.index_cast %add3A_523 : i32 to index
        %get3A_527 = arith.constant 0 : index
        %get3A_528 = tpu.vector_load %arg15[%get3A_525, %get3A_526, %get3A_527] {strides = array<i32>} : memref<2x80x16xf32, #tpu.memory_space<vmem>>, vector<1x1x16xf32>,
        %get3A_529 = vector.shape_cast %get3A_528 : vector<1x1x16xf32> to vector<16xf32>
        %slice3A_530 = vector.extract_strided_slice %get3A_459 {offsets = [3], sizes = [1], strides = [1]} : vector<16xf32> to vector<1xf32>
        %squeeze3A_531 = vector.extract %slice3A_530[0] : f32 from vector<1xf32>
        %mul3A_532 = vector.broadcast %squeeze3A_531 : f32 to vector<16xf32>
        %mul3A_533 = arith.mulf %get3A_529, %mul3A_532 : vector<16xf32>
        %swap3A_534 = arith.constant 0 : i32
        %swap3A_535 = arith.index_cast %swap3A_534 : i32 to index
        %swap3A_536 = arith.index_cast %add3A_523 : i32 to index
        %swap3A_537 = arith.constant 0 : index
        %swap3A_538 = tpu.vector_load %arg16[%swap3A_535, %swap3A_536, %swap3A_537] {strides = array<i32>} : memref<2x80x16xf32, #tpu.memory_space<vmem>>, vector<1x1x16xf32>,
        %swap3A_539 = vector.shape_cast %swap3A_538 : vector<1x1x16xf32> to vector<16xf32>
        %swap3A_540 = vector.shape_cast %mul3A_533 : vector<16xf32> to vector<1x1x16xf32>
        tpu.vector_store %arg16[%swap3A_535, %swap3A_536, %swap3A_537], %swap3A_540 {strides = array<i32>} : memref<2x80x16xf32, #tpu.memory_space<vmem>>, vector<1x1x16xf32>,
        %mul3A_541 = arith.constant 16 : i32
        %mul3A_542 = arith.muli %scan3A_453, %mul3A_541 : i32
        %add3A_543 = arith.constant 4 : i32
        %add3A_544 = arith.addi %mul3A_542, %add3A_543 : i32
        %get3A_545 = arith.constant 0 : i32
        %get3A_546 = arith.index_cast %get3A_545 : i32 to index
        %get3A_547 = arith.index_cast %add3A_544 : i32 to index
        %get3A_548 = arith.constant 0 : index
        %get3A_549 = tpu.vector_load %arg15[%get3A_546, %get3A_547, %get3A_548] {strides = array<i32>} : memref<2x80x16xf32, #tpu.memory_space<vmem>>, vector<1x1x16xf32>,
        %get3A_550 = vector.shape_cast %get3A_549 : vector<1x1x16xf32> to vector<16xf32>
        %slice3A_551 = vector.extract_strided_slice %get3A_459 {offsets = [4], sizes = [1], strides = [1]} : vector<16xf32> to vector<1xf32>
        %squeeze3A_552 = vector.extract %slice3A_551[0] : f32 from vector<1xf32>
        %mul3A_553 = vector.broadcast %squeeze3A_552 : f32 to vector<16xf32>
        %mul3A_554 = arith.mulf %get3A_550, %mul3A_553 : vector<16xf32>
        %swap3A_555 = arith.constant 0 : i32
        %swap3A_556 = arith.index_cast %swap3A_555 : i32 to index
        %swap3A_557 = arith.index_cast %add3A_544 : i32 to index
        %swap3A_558 = arith.constant 0 : index
        %swap3A_559 = tpu.vector_load %arg16[%swap3A_556, %swap3A_557, %swap3A_558] {strides = array<i32>} : memref<2x80x16xf32, #tpu.memory_space<vmem>>, vector<1x1x16xf32>,
        %swap3A_560 = vector.shape_cast %swap3A_559 : vector<1x1x16xf32> to vector<16xf32>
        %swap3A_561 = vector.shape_cast %mul3A_554 : vector<16xf32> to vector<1x1x16xf32>
        tpu.vector_store %arg16[%swap3A_556, %swap3A_557, %swap3A_558], %swap3A_561 {strides = array<i32>} : memref<2x80x16xf32, #tpu.memory_space<vmem>>, vector<1x1x16xf32>,
        %mul3A_562 = arith.constant 16 : i32
        %mul3A_563 = arith.muli %scan3A_453, %mul3A_562 : i32
        %add3A_564 = arith.constant 5 : i32
        %add3A_565 = arith.addi %mul3A_563, %add3A_564 : i32
        %get3A_566 = arith.constant 0 : i32
        %get3A_567 = arith.index_cast %get3A_566 : i32 to index
        %get3A_568 = arith.index_cast %add3A_565 : i32 to index
        %get3A_569 = arith.constant 0 : index
        %get3A_570 = tpu.vector_load %arg15[%get3A_567, %get3A_568, %get3A_569] {strides = array<i32>} : memref<2x80x16xf32, #tpu.memory_space<vmem>>, vector<1x1x16xf32>,
        %get3A_571 = vector.shape_cast %get3A_570 : vector<1x1x16xf32> to vector<16xf32>
        %slice3A_572 = vector.extract_strided_slice %get3A_459 {offsets = [5], sizes = [1], strides = [1]} : vector<16xf32> to vector<1xf32>
        %squeeze3A_573 = vector.extract %slice3A_572[0] : f32 from vector<1xf32>
        %mul3A_574 = vector.broadcast %squeeze3A_573 : f32 to vector<16xf32>
        %mul3A_575 = arith.mulf %get3A_571, %mul3A_574 : vector<16xf32>
        %swap3A_576 = arith.constant 0 : i32
        %swap3A_577 = arith.index_cast %swap3A_576 : i32 to index
        %swap3A_578 = arith.index_cast %add3A_565 : i32 to index
        %swap3A_579 = arith.constant 0 : index
        %swap3A_580 = tpu.vector_load %arg16[%swap3A_577, %swap3A_578, %swap3A_579] {strides = array<i32>} : memref<2x80x16xf32, #tpu.memory_space<vmem>>, vector<1x1x16xf32>,
        %swap3A_581 = vector.shape_cast %swap3A_580 : vector<1x1x16xf32> to vector<16xf32>
        %swap3A_582 = vector.shape_cast %mul3A_575 : vector<16xf32> to vector<1x1x16xf32>
        tpu.vector_store %arg16[%swap3A_577, %swap3A_578, %swap3A_579], %swap3A_582 {strides = array<i32>} : memref<2x80x16xf32, #tpu.memory_space<vmem>>, vector<1x1x16xf32>,
        %mul3A_583 = arith.constant 16 : i32
        %mul3A_584 = arith.muli %scan3A_453, %mul3A_583 : i32
        %add3A_585 = arith.constant 6 : i32
        %add3A_586 = arith.addi %mul3A_584, %add3A_585 : i32
        %get3A_587 = arith.constant 0 : i32
        %get3A_588 = arith.index_cast %get3A_587 : i32 to index
        %get3A_589 = arith.index_cast %add3A_586 : i32 to index
        %get3A_590 = arith.constant 0 : index
        %get3A_591 = tpu.vector_load %arg15[%get3A_588, %get3A_589, %get3A_590] {strides = array<i32>} : memref<2x80x16xf32, #tpu.memory_space<vmem>>, vector<1x1x16xf32>,
        %get3A_592 = vector.shape_cast %get3A_591 : vector<1x1x16xf32> to vector<16xf32>
        %slice3A_593 = vector.extract_strided_slice %get3A_459 {offsets = [6], sizes = [1], strides = [1]} : vector<16xf32> to vector<1xf32>
        %squeeze3A_594 = vector.extract %slice3A_593[0] : f32 from vector<1xf32>
        %mul3A_595 = vector.broadcast %squeeze3A_594 : f32 to vector<16xf32>
        %mul3A_596 = arith.mulf %get3A_592, %mul3A_595 : vector<16xf32>
        %swap3A_597 = arith.constant 0 : i32
        %swap3A_598 = arith.index_cast %swap3A_597 : i32 to index
        %swap3A_599 = arith.index_cast %add3A_586 : i32 to index
        %swap3A_600 = arith.constant 0 : index
        %swap3A_601 = tpu.vector_load %arg16[%swap3A_598, %swap3A_599, %swap3A_600] {strides = array<i32>} : memref<2x80x16xf32, #tpu.memory_space<vmem>>, vector<1x1x16xf32>,
        %swap3A_602 = vector.shape_cast %swap3A_601 : vector<1x1x16xf32> to vector<16xf32>
        %swap3A_603 = vector.shape_cast %mul3A_596 : vector<16xf32> to vector<1x1x16xf32>
        tpu.vector_store %arg16[%swap3A_598, %swap3A_599, %swap3A_600], %swap3A_603 {strides = array<i32>} : memref<2x80x16xf32, #tpu.memory_space<vmem>>, vector<1x1x16xf32>,
        %mul3A_604 = arith.constant 16 : i32
        %mul3A_605 = arith.muli %scan3A_453, %mul3A_604 : i32
        %add3A_606 = arith.constant 7 : i32
        %add3A_607 = arith.addi %mul3A_605, %add3A_606 : i32
        %get3A_608 = arith.constant 0 : i32
        %get3A_609 = arith.index_cast %get3A_608 : i32 to index
        %get3A_610 = arith.index_cast %add3A_607 : i32 to index
        %get3A_611 = arith.constant 0 : index
        %get3A_612 = tpu.vector_load %arg15[%get3A_609, %get3A_610, %get3A_611] {strides = array<i32>} : memref<2x80x16xf32, #tpu.memory_space<vmem>>, vector<1x1x16xf32>,
        %get3A_613 = vector.shape_cast %get3A_612 : vector<1x1x16xf32> to vector<16xf32>
        %slice3A_614 = vector.extract_strided_slice %get3A_459 {offsets = [7], sizes = [1], strides = [1]} : vector<16xf32> to vector<1xf32>
        %squeeze3A_615 = vector.extract %slice3A_614[0] : f32 from vector<1xf32>
        %mul3A_616 = vector.broadcast %squeeze3A_615 : f32 to vector<16xf32>
        %mul3A_617 = arith.mulf %get3A_613, %mul3A_616 : vector<16xf32>
        %swap3A_618 = arith.constant 0 : i32
        %swap3A_619 = arith.index_cast %swap3A_618 : i32 to index
        %swap3A_620 = arith.index_cast %add3A_607 : i32 to index
        %swap3A_621 = arith.constant 0 : index
        %swap3A_622 = tpu.vector_load %arg16[%swap3A_619, %swap3A_620, %swap3A_621] {strides = array<i32>} : memref<2x80x16xf32, #tpu.memory_space<vmem>>, vector<1x1x16xf32>,
        %swap3A_623 = vector.shape_cast %swap3A_622 : vector<1x1x16xf32> to vector<16xf32>
        %swap3A_624 = vector.shape_cast %mul3A_617 : vector<16xf32> to vector<1x1x16xf32>
        tpu.vector_store %arg16[%swap3A_619, %swap3A_620, %swap3A_621], %swap3A_624 {strides = array<i32>} : memref<2x80x16xf32, #tpu.memory_space<vmem>>, vector<1x1x16xf32>,
        %mul3A_625 = arith.constant 16 : i32
        %mul3A_626 = arith.muli %scan3A_453, %mul3A_625 : i32
        %add3A_627 = arith.constant 8 : i32
        %add3A_628 = arith.addi %mul3A_626, %add3A_627 : i32
        %get3A_629 = arith.constant 0 : i32
        %get3A_630 = arith.index_cast %get3A_629 : i32 to index
        %get3A_631 = arith.index_cast %add3A_628 : i32 to index
        %get3A_632 = arith.constant 0 : index
        %get3A_633 = tpu.vector_load %arg15[%get3A_630, %get3A_631, %get3A_632] {strides = array<i32>} : memref<2x80x16xf32, #tpu.memory_space<vmem>>, vector<1x1x16xf32>,
        %get3A_634 = vector.shape_cast %get3A_633 : vector<1x1x16xf32> to vector<16xf32>
        %slice3A_635 = vector.extract_strided_slice %get3A_459 {offsets = [8], sizes = [1], strides = [1]} : vector<16xf32> to vector<1xf32>
        %squeeze3A_636 = vector.extract %slice3A_635[0] : f32 from vector<1xf32>
        %mul3A_637 = vector.broadcast %squeeze3A_636 : f32 to vector<16xf32>
        %mul3A_638 = arith.mulf %get3A_634, %mul3A_637 : vector<16xf32>
        %swap3A_639 = arith.constant 0 : i32
        %swap3A_640 = arith.index_cast %swap3A_639 : i32 to index
        %swap3A_641 = arith.index_cast %add3A_628 : i32 to index
        %swap3A_642 = arith.constant 0 : index
        %swap3A_643 = tpu.vector_load %arg16[%swap3A_640, %swap3A_641, %swap3A_642] {strides = array<i32>} : memref<2x80x16xf32, #tpu.memory_space<vmem>>, vector<1x1x16xf32>,
        %swap3A_644 = vector.shape_cast %swap3A_643 : vector<1x1x16xf32> to vector<16xf32>
        %swap3A_645 = vector.shape_cast %mul3A_638 : vector<16xf32> to vector<1x1x16xf32>
        tpu.vector_store %arg16[%swap3A_640, %swap3A_641, %swap3A_642], %swap3A_645 {strides = array<i32>} : memref<2x80x16xf32, #tpu.memory_space<vmem>>, vector<1x1x16xf32>,
        %mul3A_646 = arith.constant 16 : i32
        %mul3A_647 = arith.muli %scan3A_453, %mul3A_646 : i32
        %add3A_648 = arith.constant 9 : i32
        %add3A_649 = arith.addi %mul3A_647, %add3A_648 : i32
        %get3A_650 = arith.constant 0 : i32
        %get3A_651 = arith.index_cast %get3A_650 : i32 to index
        %get3A_652 = arith.index_cast %add3A_649 : i32 to index
        %get3A_653 = arith.constant 0 : index
        %get3A_654 = tpu.vector_load %arg15[%get3A_651, %get3A_652, %get3A_653] {strides = array<i32>} : memref<2x80x16xf32, #tpu.memory_space<vmem>>, vector<1x1x16xf32>,
        %get3A_655 = vector.shape_cast %get3A_654 : vector<1x1x16xf32> to vector<16xf32>
        %slice3A_656 = vector.extract_strided_slice %get3A_459 {offsets = [9], sizes = [1], strides = [1]} : vector<16xf32> to vector<1xf32>
        %squeeze3A_657 = vector.extract %slice3A_656[0] : f32 from vector<1xf32>
        %mul3A_658 = vector.broadcast %squeeze3A_657 : f32 to vector<16xf32>
        %mul3A_659 = arith.mulf %get3A_655, %mul3A_658 : vector<16xf32>
        %swap3A_660 = arith.constant 0 : i32
        %swap3A_661 = arith.index_cast %swap3A_660 : i32 to index
        %swap3A_662 = arith.index_cast %add3A_649 : i32 to index
        %swap3A_663 = arith.constant 0 : index
        %swap3A_664 = tpu.vector_load %arg16[%swap3A_661, %swap3A_662, %swap3A_663] {strides = array<i32>} : memref<2x80x16xf32, #tpu.memory_space<vmem>>, vector<1x1x16xf32>,
        %swap3A_665 = vector.shape_cast %swap3A_664 : vector<1x1x16xf32> to vector<16xf32>
        %swap3A_666 = vector.shape_cast %mul3A_659 : vector<16xf32> to vector<1x1x16xf32>
        tpu.vector_store %arg16[%swap3A_661, %swap3A_662, %swap3A_663], %swap3A_666 {strides = array<i32>} : memref<2x80x16xf32, #tpu.memory_space<vmem>>, vector<1x1x16xf32>,
        %mul3A_667 = arith.constant 16 : i32
        %mul3A_668 = arith.muli %scan3A_453, %mul3A_667 : i32
        %add3A_669 = arith.constant 10 : i32
        %add3A_670 = arith.addi %mul3A_668, %add3A_669 : i32
        %get3A_671 = arith.constant 0 : i32
        %get3A_672 = arith.index_cast %get3A_671 : i32 to index
        %get3A_673 = arith.index_cast %add3A_670 : i32 to index
        %get3A_674 = arith.constant 0 : index
        %get3A_675 = tpu.vector_load %arg15[%get3A_672, %get3A_673, %get3A_674] {strides = array<i32>} : memref<2x80x16xf32, #tpu.memory_space<vmem>>, vector<1x1x16xf32>,
        %get3A_676 = vector.shape_cast %get3A_675 : vector<1x1x16xf32> to vector<16xf32>
        %slice3A_677 = vector.extract_strided_slice %get3A_459 {offsets = [10], sizes = [1], strides = [1]} : vector<16xf32> to vector<1xf32>
        %squeeze3A_678 = vector.extract %slice3A_677[0] : f32 from vector<1xf32>
        %mul3A_679 = vector.broadcast %squeeze3A_678 : f32 to vector<16xf32>
        %mul3A_680 = arith.mulf %get3A_676, %mul3A_679 : vector<16xf32>
        %swap3A_681 = arith.constant 0 : i32
        %swap3A_682 = arith.index_cast %swap3A_681 : i32 to index
        %swap3A_683 = arith.index_cast %add3A_670 : i32 to index
        %swap3A_684 = arith.constant 0 : index
        %swap3A_685 = tpu.vector_load %arg16[%swap3A_682, %swap3A_683, %swap3A_684] {strides = array<i32>} : memref<2x80x16xf32, #tpu.memory_space<vmem>>, vector<1x1x16xf32>,
        %swap3A_686 = vector.shape_cast %swap3A_685 : vector<1x1x16xf32> to vector<16xf32>
        %swap3A_687 = vector.shape_cast %mul3A_680 : vector<16xf32> to vector<1x1x16xf32>
        tpu.vector_store %arg16[%swap3A_682, %swap3A_683, %swap3A_684], %swap3A_687 {strides = array<i32>} : memref<2x80x16xf32, #tpu.memory_space<vmem>>, vector<1x1x16xf32>,
        %mul3A_688 = arith.constant 16 : i32
        %mul3A_689 = arith.muli %scan3A_453, %mul3A_688 : i32
        %add3A_690 = arith.constant 11 : i32
        %add3A_691 = arith.addi %mul3A_689, %add3A_690 : i32
        %get3A_692 = arith.constant 0 : i32
        %get3A_693 = arith.index_cast %get3A_692 : i32 to index
        %get3A_694 = arith.index_cast %add3A_691 : i32 to index
        %get3A_695 = arith.constant 0 : index
        %get3A_696 = tpu.vector_load %arg15[%get3A_693, %get3A_694, %get3A_695] {strides = array<i32>} : memref<2x80x16xf32, #tpu.memory_space<vmem>>, vector<1x1x16xf32>,
        %get3A_697 = vector.shape_cast %get3A_696 : vector<1x1x16xf32> to vector<16xf32>
        %slice3A_698 = vector.extract_strided_slice %get3A_459 {offsets = [11], sizes = [1], strides = [1]} : vector<16xf32> to vector<1xf32>
        %squeeze3A_699 = vector.extract %slice3A_698[0] : f32 from vector<1xf32>
        %mul3A_700 = vector.broadcast %squeeze3A_699 : f32 to vector<16xf32>
        %mul3A_701 = arith.mulf %get3A_697, %mul3A_700 : vector<16xf32>
        %swap3A_702 = arith.constant 0 : i32
        %swap3A_703 = arith.index_cast %swap3A_702 : i32 to index
        %swap3A_704 = arith.index_cast %add3A_691 : i32 to index
        %swap3A_705 = arith.constant 0 : index
        %swap3A_706 = tpu.vector_load %arg16[%swap3A_703, %swap3A_704, %swap3A_705] {strides = array<i32>} : memref<2x80x16xf32, #tpu.memory_space<vmem>>, vector<1x1x16xf32>,
        %swap3A_707 = vector.shape_cast %swap3A_706 : vector<1x1x16xf32> to vector<16xf32>
        %swap3A_708 = vector.shape_cast %mul3A_701 : vector<16xf32> to vector<1x1x16xf32>
        tpu.vector_store %arg16[%swap3A_703, %swap3A_704, %swap3A_705], %swap3A_708 {strides = array<i32>} : memref<2x80x16xf32, #tpu.memory_space<vmem>>, vector<1x1x16xf32>,
        %mul3A_709 = arith.constant 16 : i32
        %mul3A_710 = arith.muli %scan3A_453, %mul3A_709 : i32
        %add3A_711 = arith.constant 12 : i32
        %add3A_712 = arith.addi %mul3A_710, %add3A_711 : i32
        %get3A_713 = arith.constant 0 : i32
        %get3A_714 = arith.index_cast %get3A_713 : i32 to index
        %get3A_715 = arith.index_cast %add3A_712 : i32 to index
        %get3A_716 = arith.constant 0 : index
        %get3A_717 = tpu.vector_load %arg15[%get3A_714, %get3A_715, %get3A_716] {strides = array<i32>} : memref<2x80x16xf32, #tpu.memory_space<vmem>>, vector<1x1x16xf32>,
        %get3A_718 = vector.shape_cast %get3A_717 : vector<1x1x16xf32> to vector<16xf32>
        %slice3A_719 = vector.extract_strided_slice %get3A_459 {offsets = [12], sizes = [1], strides = [1]} : vector<16xf32> to vector<1xf32>
        %squeeze3A_720 = vector.extract %slice3A_719[0] : f32 from vector<1xf32>
        %mul3A_721 = vector.broadcast %squeeze3A_720 : f32 to vector<16xf32>
        %mul3A_722 = arith.mulf %get3A_718, %mul3A_721 : vector<16xf32>
        %swap3A_723 = arith.constant 0 : i32
        %swap3A_724 = arith.index_cast %swap3A_723 : i32 to index
        %swap3A_725 = arith.index_cast %add3A_712 : i32 to index
        %swap3A_726 = arith.constant 0 : index
        %swap3A_727 = tpu.vector_load %arg16[%swap3A_724, %swap3A_725, %swap3A_726] {strides = array<i32>} : memref<2x80x16xf32, #tpu.memory_space<vmem>>, vector<1x1x16xf32>,
        %swap3A_728 = vector.shape_cast %swap3A_727 : vector<1x1x16xf32> to vector<16xf32>
        %swap3A_729 = vector.shape_cast %mul3A_722 : vector<16xf32> to vector<1x1x16xf32>
        tpu.vector_store %arg16[%swap3A_724, %swap3A_725, %swap3A_726], %swap3A_729 {strides = array<i32>} : memref<2x80x16xf32, #tpu.memory_space<vmem>>, vector<1x1x16xf32>,
        %mul3A_730 = arith.constant 16 : i32
        %mul3A_731 = arith.muli %scan3A_453, %mul3A_730 : i32
        %add3A_732 = arith.constant 13 : i32
        %add3A_733 = arith.addi %mul3A_731, %add3A_732 : i32
        %get3A_734 = arith.constant 0 : i32
        %get3A_735 = arith.index_cast %get3A_734 : i32 to index
        %get3A_736 = arith.index_cast %add3A_733 : i32 to index
        %get3A_737 = arith.constant 0 : index
        %get3A_738 = tpu.vector_load %arg15[%get3A_735, %get3A_736, %get3A_737] {strides = array<i32>} : memref<2x80x16xf32, #tpu.memory_space<vmem>>, vector<1x1x16xf32>,
        %get3A_739 = vector.shape_cast %get3A_738 : vector<1x1x16xf32> to vector<16xf32>
        %slice3A_740 = vector.extract_strided_slice %get3A_459 {offsets = [13], sizes = [1], strides = [1]} : vector<16xf32> to vector<1xf32>
        %squeeze3A_741 = vector.extract %slice3A_740[0] : f32 from vector<1xf32>
        %mul3A_742 = vector.broadcast %squeeze3A_741 : f32 to vector<16xf32>
        %mul3A_743 = arith.mulf %get3A_739, %mul3A_742 : vector<16xf32>
        %swap3A_744 = arith.constant 0 : i32
        %swap3A_745 = arith.index_cast %swap3A_744 : i32 to index
        %swap3A_746 = arith.index_cast %add3A_733 : i32 to index
        %swap3A_747 = arith.constant 0 : index
        %swap3A_748 = tpu.vector_load %arg16[%swap3A_745, %swap3A_746, %swap3A_747] {strides = array<i32>} : memref<2x80x16xf32, #tpu.memory_space<vmem>>, vector<1x1x16xf32>,
        %swap3A_749 = vector.shape_cast %swap3A_748 : vector<1x1x16xf32> to vector<16xf32>
        %swap3A_750 = vector.shape_cast %mul3A_743 : vector<16xf32> to vector<1x1x16xf32>
        tpu.vector_store %arg16[%swap3A_745, %swap3A_746, %swap3A_747], %swap3A_750 {strides = array<i32>} : memref<2x80x16xf32, #tpu.memory_space<vmem>>, vector<1x1x16xf32>,
        %mul3A_751 = arith.constant 16 : i32
        %mul3A_752 = arith.muli %scan3A_453, %mul3A_751 : i32
        %add3A_753 = arith.constant 14 : i32
        %add3A_754 = arith.addi %mul3A_752, %add3A_753 : i32
        %get3A_755 = arith.constant 0 : i32
        %get3A_756 = arith.index_cast %get3A_755 : i32 to index
        %get3A_757 = arith.index_cast %add3A_754 : i32 to index
        %get3A_758 = arith.constant 0 : index
        %get3A_759 = tpu.vector_load %arg15[%get3A_756, %get3A_757, %get3A_758] {strides = array<i32>} : memref<2x80x16xf32, #tpu.memory_space<vmem>>, vector<1x1x16xf32>,
        %get3A_760 = vector.shape_cast %get3A_759 : vector<1x1x16xf32> to vector<16xf32>
        %slice3A_761 = vector.extract_strided_slice %get3A_459 {offsets = [14], sizes = [1], strides = [1]} : vector<16xf32> to vector<1xf32>
        %squeeze3A_762 = vector.extract %slice3A_761[0] : f32 from vector<1xf32>
        %mul3A_763 = vector.broadcast %squeeze3A_762 : f32 to vector<16xf32>
        %mul3A_764 = arith.mulf %get3A_760, %mul3A_763 : vector<16xf32>
        %swap3A_765 = arith.constant 0 : i32
        %swap3A_766 = arith.index_cast %swap3A_765 : i32 to index
        %swap3A_767 = arith.index_cast %add3A_754 : i32 to index
        %swap3A_768 = arith.constant 0 : index
        %swap3A_769 = tpu.vector_load %arg16[%swap3A_766, %swap3A_767, %swap3A_768] {strides = array<i32>} : memref<2x80x16xf32, #tpu.memory_space<vmem>>, vector<1x1x16xf32>,
        %swap3A_770 = vector.shape_cast %swap3A_769 : vector<1x1x16xf32> to vector<16xf32>
        %swap3A_771 = vector.shape_cast %mul3A_764 : vector<16xf32> to vector<1x1x16xf32>
        tpu.vector_store %arg16[%swap3A_766, %swap3A_767, %swap3A_768], %swap3A_771 {strides = array<i32>} : memref<2x80x16xf32, #tpu.memory_space<vmem>>, vector<1x1x16xf32>,
        %mul3A_772 = arith.constant 16 : i32
        %mul3A_773 = arith.muli %scan3A_453, %mul3A_772 : i32
        %add3A_774 = arith.constant 15 : i32
        %add3A_775 = arith.addi %mul3A_773, %add3A_774 : i32
        %get3A_776 = arith.constant 0 : i32
        %get3A_777 = arith.index_cast %get3A_776 : i32 to index
        %get3A_778 = arith.index_cast %add3A_775 : i32 to index
        %get3A_779 = arith.constant 0 : index
        %get3A_780 = tpu.vector_load %arg15[%get3A_777, %get3A_778, %get3A_779] {strides = array<i32>} : memref<2x80x16xf32, #tpu.memory_space<vmem>>, vector<1x1x16xf32>,
        %get3A_781 = vector.shape_cast %get3A_780 : vector<1x1x16xf32> to vector<16xf32>
        %slice3A_782 = vector.extract_strided_slice %get3A_459 {offsets = [15], sizes = [1], strides = [1]} : vector<16xf32> to vector<1xf32>
        %squeeze3A_783 = vector.extract %slice3A_782[0] : f32 from vector<1xf32>
        %mul3A_784 = vector.broadcast %squeeze3A_783 : f32 to vector<16xf32>
        %mul3A_785 = arith.mulf %get3A_781, %mul3A_784 : vector<16xf32>
        %swap3A_786 = arith.constant 0 : i32
        %swap3A_787 = arith.index_cast %swap3A_786 : i32 to index
        %swap3A_788 = arith.index_cast %add3A_775 : i32 to index
        %swap3A_789 = arith.constant 0 : index
        %swap3A_790 = tpu.vector_load %arg16[%swap3A_787, %swap3A_788, %swap3A_789] {strides = array<i32>} : memref<2x80x16xf32, #tpu.memory_space<vmem>>, vector<1x1x16xf32>,
        %swap3A_791 = vector.shape_cast %swap3A_790 : vector<1x1x16xf32> to vector<16xf32>
        %swap3A_792 = vector.shape_cast %mul3A_785 : vector<16xf32> to vector<1x1x16xf32>
        tpu.vector_store %arg16[%swap3A_787, %swap3A_788, %swap3A_789], %swap3A_792 {strides = array<i32>} : memref<2x80x16xf32, #tpu.memory_space<vmem>>, vector<1x1x16xf32>,
      }
      %scan3A_371 = arith.constant 5 : i32
      %add3A_372 = arith.addi %mul3A_6, %add3A_332 : i32
      %dma_start3A_373 = arith.constant 0 : i32
      %dma_start3A_374 = arith.constant 0 : i32
      %dma_start3A_375 = arith.constant 0 : i32
      %dma_start3A_376 = tpu.memref_slice %arg16[%dma_start3A_373, %dma_start3A_374, %dma_start3A_375] : memref<2x80x16xf32, #tpu.memory_space<vmem>> -> memref<1x80x16xf32, #tpu.memory_space<vmem>>
      %dma_start3A_377 = tpu.memref_squeeze %dma_start3A_376 : memref<1x80x16xf32, #tpu.memory_space<vmem>> -> memref<80x16xf32, #tpu.memory_space<vmem>>
      %dma_start3A_378 = arith.constant 0 : i32
      %dma_start3A_379 = tpu.memref_slice %arg12[%add3A_372, %dma_start3A_378] : memref<250x80xi32, #tpu.memory_space<vmem>> -> memref<1x80xi32, #tpu.memory_space<vmem>>
      %dma_start3A_380 = tpu.memref_squeeze %dma_start3A_379 : memref<1x80xi32, #tpu.memory_space<vmem>> -> memref<80xi32, #tpu.memory_space<vmem>>
      %dma_start3A_381 = arith.constant 0 : i32
      %dma_start3A_382 = arith.constant 0 : i32
      %dma_start3A_383 = tpu.memref_slice %arg18[%dma_start3A_381, %dma_start3A_382] : memref<10000x16xf32, #tpu.memory_space<vmem_shared>> -> memref<10000x16xf32, #tpu.memory_space<vmem_shared>>
      tpu.enqueue_indirect_dma source(%dma_start3A_377 : memref<80x16xf32, #tpu.memory_space<vmem>>) target(%dma_start3A_383 : memref<10000x16xf32, #tpu.memory_space<vmem_shared>>) offsets(%dma_start3A_380 : memref<80xi32, #tpu.memory_space<vmem>>) semaphore(%arg31 : memref<!tpu.dma_semaphore, #tpu.memory_space<semaphore_mem>>) {add = true}
      %add3A_384 = arith.constant 2 : i32
      %add3A_385 = arith.addi %add3A_332, %add3A_384 : i32
      %lt3A_386 = arith.constant 125 : i32
      %lt3A_387 = arith.cmpi slt, %add3A_385, %lt3A_386 : i32
      %convert_element_type3A_388 = arith.extui %lt3A_387 : i1 to i32
      %cond3A_389 = arith.constant 0 : i32
      %cond3A_390 = arith.cmpi ne, %convert_element_type3A_388, %cond3A_389 : i32
      scf.if %cond3A_390 {
        %add3A_453 = arith.constant 2 : i32
        %add3A_454 = arith.addi %add3A_332, %add3A_453 : i32
        %add3A_455 = arith.addi %mul3A_6, %add3A_454 : i32
        %dma_start3A_456 = arith.constant 0 : i32
        %dma_start3A_457 = arith.constant 0 : i32
        %dma_start3A_458 = tpu.memref_slice %arg13[%dma_start3A_456, %dma_start3A_457] : memref<2x80xf32, #tpu.memory_space<vmem>> -> memref<1x80xf32, #tpu.memory_space<vmem>>
        %dma_start3A_459 = tpu.memref_squeeze %dma_start3A_458 : memref<1x80xf32, #tpu.memory_space<vmem>> -> memref<80xf32, #tpu.memory_space<vmem>>
        %dma_start3A_460 = arith.constant 0 : i32
        %dma_start3A_461 = tpu.memref_slice %arg11[%add3A_455, %dma_start3A_460] : memref<250x80xi32, #tpu.memory_space<vmem>> -> memref<1x80xi32, #tpu.memory_space<vmem>>
        %dma_start3A_462 = tpu.memref_squeeze %dma_start3A_461 : memref<1x80xi32, #tpu.memory_space<vmem>> -> memref<80xi32, #tpu.memory_space<vmem>>
        %dma_start3A_463 = arith.constant 0 : i32
        %dma_start3A_464 = tpu.memref_slice %arg6[%dma_start3A_463] : memref<10000xf32, #tpu.memory_space<hbm>> -> memref<10000xf32, #tpu.memory_space<hbm>>
        tpu.enqueue_indirect_dma source(%dma_start3A_464 : memref<10000xf32, #tpu.memory_space<hbm>>) target(%dma_start3A_459 : memref<80xf32, #tpu.memory_space<vmem>>) offsets(%dma_start3A_462 : memref<80xi32, #tpu.memory_space<vmem>>) semaphore(%arg27 : memref<!tpu.dma_semaphore, #tpu.memory_space<semaphore_mem>>)
        %add3A_465 = arith.constant 2 : i32
        %add3A_466 = arith.addi %add3A_332, %add3A_465 : i32
        %mul3A_467 = arith.constant 10000 : i32
        %mul3A_468 = arith.muli %add3A, %mul3A_467 : i32
        %mul3A_469 = arith.constant 80 : i32
        %mul3A_470 = arith.muli %add3A_466, %mul3A_469 : i32
        %add3A_471 = arith.addi %mul3A_468, %mul3A_470 : i32
        %dma_start3A_472 = arith.constant 0 : i32
        %dma_start3A_473 = arith.constant 0 : i32
        %dma_start3A_474 = arith.constant 0 : i32
        %dma_start3A_475 = tpu.memref_slice %arg15[%dma_start3A_472, %dma_start3A_473, %dma_start3A_474] : memref<2x80x16xf32, #tpu.memory_space<vmem>> -> memref<1x80x16xf32, #tpu.memory_space<vmem>>
        %dma_start3A_476 = tpu.memref_squeeze %dma_start3A_475 : memref<1x80x16xf32, #tpu.memory_space<vmem>> -> memref<80x16xf32, #tpu.memory_space<vmem>>
        %dma_start3A_477 = arith.constant 0 : i32
        %dma_start3A_478 = tpu.memref_slice %arg4[%add3A_471, %dma_start3A_477] : memref<320000x16xf32, #tpu.memory_space<hbm>> -> memref<80x16xf32, #tpu.memory_space<hbm>>
        %dma_start3A_479 = arith.constant 0 : i32
        %dma_start3A_480 = arith.constant 0 : i32
        %dma_start3A_481 = tpu.memref_slice %arg15[%dma_start3A_472, %dma_start3A_479, %dma_start3A_480] : memref<2x80x16xf32, #tpu.memory_space<vmem>> -> memref<1x80x16xf32, #tpu.memory_space<vmem>>
        %dma_start3A_482 = tpu.memref_squeeze %dma_start3A_481 : memref<1x80x16xf32, #tpu.memory_space<vmem>> -> memref<80x16xf32, #tpu.memory_space<vmem>>
        %dma_start3A_483 = arith.constant 0 : i32
        %dma_start3A_484 = tpu.memref_slice %arg4[%add3A_471, %dma_start3A_483] : memref<320000x16xf32, #tpu.memory_space<hbm>> -> memref<80x16xf32, #tpu.memory_space<hbm>>
        tpu.enqueue_dma source(%dma_start3A_484 : memref<80x16xf32, #tpu.memory_space<hbm>>) target(%dma_start3A_482 : memref<80x16xf32, #tpu.memory_space<vmem>>) target_semaphore(%arg29 : memref<!tpu.dma_semaphore, #tpu.memory_space<semaphore_mem>>)
      } else {
      }
      %mul3A_391 = arith.constant 2 : i32
      %mul3A_392 = arith.muli %mul3A_391, %scan3A_328 : i32
      %add3A_393 = arith.constant 1 : i32
      %add3A_394 = arith.addi %mul3A_392, %add3A_393 : i32
      %add3A_395 = arith.addi %mul3A_6, %add3A_394 : i32
      %dma_wait3A_396 = arith.constant 1 : i32
      %dma_wait3A_397 = arith.constant 0 : i32
      %dma_wait3A_398 = tpu.memref_slice %arg13[%dma_wait3A_396, %dma_wait3A_397] : memref<2x80xf32, #tpu.memory_space<vmem>> -> memref<1x80xf32, #tpu.memory_space<vmem>>
      %dma_wait3A_399 = tpu.memref_squeeze %dma_wait3A_398 : memref<1x80xf32, #tpu.memory_space<vmem>> -> memref<80xf32, #tpu.memory_space<vmem>>
      %dma_wait3A_400 = arith.constant 0 : i32
      %dma_wait3A_401 = tpu.memref_slice %arg11[%add3A_395, %dma_wait3A_400] : memref<250x80xi32, #tpu.memory_space<vmem>> -> memref<1x80xi32, #tpu.memory_space<vmem>>
      %dma_wait3A_402 = tpu.memref_squeeze %dma_wait3A_401 : memref<1x80xi32, #tpu.memory_space<vmem>> -> memref<80xi32, #tpu.memory_space<vmem>>
      %dma_wait3A_403 = arith.constant 0 : i32
      %dma_wait3A_404 = tpu.memref_slice %arg6[%dma_wait3A_403] : memref<10000xf32, #tpu.memory_space<hbm>> -> memref<10000xf32, #tpu.memory_space<hbm>>
      tpu.wait_indirect_dma semaphore(%arg28 : memref<!tpu.dma_semaphore, #tpu.memory_space<semaphore_mem>>) src(%dma_wait3A_404 : memref<10000xf32, #tpu.memory_space<hbm>>) dst(%dma_wait3A_399 : memref<80xf32, #tpu.memory_space<vmem>>)
      %mul3A_405 = arith.constant 10000 : i32
      %mul3A_406 = arith.muli %add3A, %mul3A_405 : i32
      %mul3A_407 = arith.constant 80 : i32
      %mul3A_408 = arith.muli %add3A_394, %mul3A_407 : i32
      %add3A_409 = arith.addi %mul3A_406, %mul3A_408 : i32
      %dma_wait3A_410 = arith.constant 1 : i32
      %dma_wait3A_411 = arith.constant 0 : i32
      %dma_wait3A_412 = arith.constant 0 : i32
      %dma_wait3A_413 = tpu.memref_slice %arg15[%dma_wait3A_410, %dma_wait3A_411, %dma_wait3A_412] : memref<2x80x16xf32, #tpu.memory_space<vmem>> -> memref<1x80x16xf32, #tpu.memory_space<vmem>>
      %dma_wait3A_414 = tpu.memref_squeeze %dma_wait3A_413 : memref<1x80x16xf32, #tpu.memory_space<vmem>> -> memref<80x16xf32, #tpu.memory_space<vmem>>
      %dma_wait3A_415 = arith.constant 0 : i32
      %dma_wait3A_416 = tpu.memref_slice %arg4[%add3A_409, %dma_wait3A_415] : memref<320000x16xf32, #tpu.memory_space<hbm>> -> memref<80x16xf32, #tpu.memory_space<hbm>>
      %dma_wait3A_417 = arith.constant 0 : i32
      %dma_wait3A_418 = arith.constant 0 : i32
      %dma_wait3A_419 = tpu.memref_slice %arg15[%dma_wait3A_410, %dma_wait3A_417, %dma_wait3A_418] : memref<2x80x16xf32, #tpu.memory_space<vmem>> -> memref<1x80x16xf32, #tpu.memory_space<vmem>>
      %dma_wait3A_420 = tpu.memref_squeeze %dma_wait3A_419 : memref<1x80x16xf32, #tpu.memory_space<vmem>> -> memref<80x16xf32, #tpu.memory_space<vmem>>
      %dma_wait3A_421 = arith.constant 0 : i32
      %dma_wait3A_422 = tpu.memref_slice %arg4[%add3A_409, %dma_wait3A_421] : memref<320000x16xf32, #tpu.memory_space<hbm>> -> memref<80x16xf32, #tpu.memory_space<hbm>>
      tpu.wait_dma2 semaphore(%arg30 : memref<!tpu.dma_semaphore, #tpu.memory_space<semaphore_mem>>) src(%dma_wait3A_422 : memref<80x16xf32, #tpu.memory_space<hbm>>) dst(%dma_wait3A_420 : memref<80x16xf32, #tpu.memory_space<vmem>>)
      %ge3A_423 = arith.constant 2 : i32
      %ge3A_424 = arith.cmpi sge, %add3A_394, %ge3A_423 : i32
      %convert_element_type3A_425 = arith.extui %ge3A_424 : i1 to i32
      %cond3A_426 = arith.constant 0 : i32
      %cond3A_427 = arith.cmpi ne, %convert_element_type3A_425, %cond3A_426 : i32
      scf.if %cond3A_427 {
        %add3A_453 = arith.addi %mul3A_6, %add3A_394 : i32
        %dma_wait3A_454 = arith.constant 1 : i32
        %dma_wait3A_455 = arith.constant 0 : i32
        %dma_wait3A_456 = arith.constant 0 : i32
        %dma_wait3A_457 = tpu.memref_slice %arg16[%dma_wait3A_454, %dma_wait3A_455, %dma_wait3A_456] : memref<2x80x16xf32, #tpu.memory_space<vmem>> -> memref<1x80x16xf32, #tpu.memory_space<vmem>>
        %dma_wait3A_458 = tpu.memref_squeeze %dma_wait3A_457 : memref<1x80x16xf32, #tpu.memory_space<vmem>> -> memref<80x16xf32, #tpu.memory_space<vmem>>
        %dma_wait3A_459 = arith.constant 0 : i32
        %dma_wait3A_460 = tpu.memref_slice %arg12[%add3A_453, %dma_wait3A_459] : memref<250x80xi32, #tpu.memory_space<vmem>> -> memref<1x80xi32, #tpu.memory_space<vmem>>
        %dma_wait3A_461 = tpu.memref_squeeze %dma_wait3A_460 : memref<1x80xi32, #tpu.memory_space<vmem>> -> memref<80xi32, #tpu.memory_space<vmem>>
        %dma_wait3A_462 = arith.constant 0 : i32
        %dma_wait3A_463 = arith.constant 0 : i32
        %dma_wait3A_464 = tpu.memref_slice %arg18[%dma_wait3A_462, %dma_wait3A_463] : memref<10000x16xf32, #tpu.memory_space<vmem_shared>> -> memref<10000x16xf32, #tpu.memory_space<vmem_shared>>
        tpu.wait_indirect_dma semaphore(%arg32 : memref<!tpu.dma_semaphore, #tpu.memory_space<semaphore_mem>>) src(%dma_wait3A_458 : memref<80x16xf32, #tpu.memory_space<vmem>>) dst(%dma_wait3A_464 : memref<10000x16xf32, #tpu.memory_space<vmem_shared>>)
      } else {
      }
      %scan3A_428 = arith.constant 0 : i32
      %scan3A_429 = arith.constant 0 : i32
      %scan3A_430 = arith.constant 5 : i32
      %scan3A_431 = arith.addi %scan3A_429, %scan3A_430 : i32
      %scan3A_432 = arith.constant 1 : i32
      scf.for %scan3A_453 = %scan3A_429 to %scan3A_431 step %scan3A_432  : i32 {
        %mul3A_454 = arith.constant 16 : i32
        %mul3A_455 = arith.muli %scan3A_453, %mul3A_454 : i32
        %get3A = arith.constant 1 : i32
        %get3A_456 = arith.index_cast %get3A : i32 to index
        %get3A_457 = arith.index_cast %mul3A_455 : i32 to index
        %get3A_458 = tpu.vector_load %arg13[%get3A_456, %get3A_457] {strides = array<i32>} : memref<2x80xf32, #tpu.memory_space<vmem>>, vector<1x16xf32>,
        %get3A_459 = vector.shape_cast %get3A_458 : vector<1x16xf32> to vector<16xf32>
        %mul3A_460 = arith.constant 16 : i32
        %mul3A_461 = arith.muli %scan3A_453, %mul3A_460 : i32
        %add3A_462 = arith.constant 0 : i32
        %add3A_463 = arith.addi %mul3A_461, %add3A_462 : i32
        %get3A_464 = arith.constant 1 : i32
        %get3A_465 = arith.index_cast %get3A_464 : i32 to index
        %get3A_466 = arith.index_cast %add3A_463 : i32 to index
        %get3A_467 = arith.constant 0 : index
        %get3A_468 = tpu.vector_load %arg15[%get3A_465, %get3A_466, %get3A_467] {strides = array<i32>} : memref<2x80x16xf32, #tpu.memory_space<vmem>>, vector<1x1x16xf32>,
        %get3A_469 = vector.shape_cast %get3A_468 : vector<1x1x16xf32> to vector<16xf32>
        %slice3A = vector.extract_strided_slice %get3A_459 {offsets = [0], sizes = [1], strides = [1]} : vector<16xf32> to vector<1xf32>
        %squeeze3A = vector.extract %slice3A[0] : f32 from vector<1xf32>
        %mul3A_470 = vector.broadcast %squeeze3A : f32 to vector<16xf32>
        %mul3A_471 = arith.mulf %get3A_469, %mul3A_470 : vector<16xf32>
        %swap3A = arith.constant 1 : i32
        %swap3A_472 = arith.index_cast %swap3A : i32 to index
        %swap3A_473 = arith.index_cast %add3A_463 : i32 to index
        %swap3A_474 = arith.constant 0 : index
        %swap3A_475 = tpu.vector_load %arg16[%swap3A_472, %swap3A_473, %swap3A_474] {strides = array<i32>} : memref<2x80x16xf32, #tpu.memory_space<vmem>>, vector<1x1x16xf32>,
        %swap3A_476 = vector.shape_cast %swap3A_475 : vector<1x1x16xf32> to vector<16xf32>
        %swap3A_477 = vector.shape_cast %mul3A_471 : vector<16xf32> to vector<1x1x16xf32>
        tpu.vector_store %arg16[%swap3A_472, %swap3A_473, %swap3A_474], %swap3A_477 {strides = array<i32>} : memref<2x80x16xf32, #tpu.memory_space<vmem>>, vector<1x1x16xf32>,
        %mul3A_478 = arith.constant 16 : i32
        %mul3A_479 = arith.muli %scan3A_453, %mul3A_478 : i32
        %add3A_480 = arith.constant 1 : i32
        %add3A_481 = arith.addi %mul3A_479, %add3A_480 : i32
        %get3A_482 = arith.constant 1 : i32
        %get3A_483 = arith.index_cast %get3A_482 : i32 to index
        %get3A_484 = arith.index_cast %add3A_481 : i32 to index
        %get3A_485 = arith.constant 0 : index
        %get3A_486 = tpu.vector_load %arg15[%get3A_483, %get3A_484, %get3A_485] {strides = array<i32>} : memref<2x80x16xf32, #tpu.memory_space<vmem>>, vector<1x1x16xf32>,
        %get3A_487 = vector.shape_cast %get3A_486 : vector<1x1x16xf32> to vector<16xf32>
        %slice3A_488 = vector.extract_strided_slice %get3A_459 {offsets = [1], sizes = [1], strides = [1]} : vector<16xf32> to vector<1xf32>
        %squeeze3A_489 = vector.extract %slice3A_488[0] : f32 from vector<1xf32>
        %mul3A_490 = vector.broadcast %squeeze3A_489 : f32 to vector<16xf32>
        %mul3A_491 = arith.mulf %get3A_487, %mul3A_490 : vector<16xf32>
        %swap3A_492 = arith.constant 1 : i32
        %swap3A_493 = arith.index_cast %swap3A_492 : i32 to index
        %swap3A_494 = arith.index_cast %add3A_481 : i32 to index
        %swap3A_495 = arith.constant 0 : index
        %swap3A_496 = tpu.vector_load %arg16[%swap3A_493, %swap3A_494, %swap3A_495] {strides = array<i32>} : memref<2x80x16xf32, #tpu.memory_space<vmem>>, vector<1x1x16xf32>,
        %swap3A_497 = vector.shape_cast %swap3A_496 : vector<1x1x16xf32> to vector<16xf32>
        %swap3A_498 = vector.shape_cast %mul3A_491 : vector<16xf32> to vector<1x1x16xf32>
        tpu.vector_store %arg16[%swap3A_493, %swap3A_494, %swap3A_495], %swap3A_498 {strides = array<i32>} : memref<2x80x16xf32, #tpu.memory_space<vmem>>, vector<1x1x16xf32>,
        %mul3A_499 = arith.constant 16 : i32
        %mul3A_500 = arith.muli %scan3A_453, %mul3A_499 : i32
        %add3A_501 = arith.constant 2 : i32
        %add3A_502 = arith.addi %mul3A_500, %add3A_501 : i32
        %get3A_503 = arith.constant 1 : i32
        %get3A_504 = arith.index_cast %get3A_503 : i32 to index
        %get3A_505 = arith.index_cast %add3A_502 : i32 to index
        %get3A_506 = arith.constant 0 : index
        %get3A_507 = tpu.vector_load %arg15[%get3A_504, %get3A_505, %get3A_506] {strides = array<i32>} : memref<2x80x16xf32, #tpu.memory_space<vmem>>, vector<1x1x16xf32>,
        %get3A_508 = vector.shape_cast %get3A_507 : vector<1x1x16xf32> to vector<16xf32>
        %slice3A_509 = vector.extract_strided_slice %get3A_459 {offsets = [2], sizes = [1], strides = [1]} : vector<16xf32> to vector<1xf32>
        %squeeze3A_510 = vector.extract %slice3A_509[0] : f32 from vector<1xf32>
        %mul3A_511 = vector.broadcast %squeeze3A_510 : f32 to vector<16xf32>
        %mul3A_512 = arith.mulf %get3A_508, %mul3A_511 : vector<16xf32>
        %swap3A_513 = arith.constant 1 : i32
        %swap3A_514 = arith.index_cast %swap3A_513 : i32 to index
        %swap3A_515 = arith.index_cast %add3A_502 : i32 to index
        %swap3A_516 = arith.constant 0 : index
        %swap3A_517 = tpu.vector_load %arg16[%swap3A_514, %swap3A_515, %swap3A_516] {strides = array<i32>} : memref<2x80x16xf32, #tpu.memory_space<vmem>>, vector<1x1x16xf32>,
        %swap3A_518 = vector.shape_cast %swap3A_517 : vector<1x1x16xf32> to vector<16xf32>
        %swap3A_519 = vector.shape_cast %mul3A_512 : vector<16xf32> to vector<1x1x16xf32>
        tpu.vector_store %arg16[%swap3A_514, %swap3A_515, %swap3A_516], %swap3A_519 {strides = array<i32>} : memref<2x80x16xf32, #tpu.memory_space<vmem>>, vector<1x1x16xf32>,
        %mul3A_520 = arith.constant 16 : i32
        %mul3A_521 = arith.muli %scan3A_453, %mul3A_520 : i32
        %add3A_522 = arith.constant 3 : i32
        %add3A_523 = arith.addi %mul3A_521, %add3A_522 : i32
        %get3A_524 = arith.constant 1 : i32
        %get3A_525 = arith.index_cast %get3A_524 : i32 to index
        %get3A_526 = arith.index_cast %add3A_523 : i32 to index
        %get3A_527 = arith.constant 0 : index
        %get3A_528 = tpu.vector_load %arg15[%get3A_525, %get3A_526, %get3A_527] {strides = array<i32>} : memref<2x80x16xf32, #tpu.memory_space<vmem>>, vector<1x1x16xf32>,
        %get3A_529 = vector.shape_cast %get3A_528 : vector<1x1x16xf32> to vector<16xf32>
        %slice3A_530 = vector.extract_strided_slice %get3A_459 {offsets = [3], sizes = [1], strides = [1]} : vector<16xf32> to vector<1xf32>
        %squeeze3A_531 = vector.extract %slice3A_530[0] : f32 from vector<1xf32>
        %mul3A_532 = vector.broadcast %squeeze3A_531 : f32 to vector<16xf32>
        %mul3A_533 = arith.mulf %get3A_529, %mul3A_532 : vector<16xf32>
        %swap3A_534 = arith.constant 1 : i32
        %swap3A_535 = arith.index_cast %swap3A_534 : i32 to index
        %swap3A_536 = arith.index_cast %add3A_523 : i32 to index
        %swap3A_537 = arith.constant 0 : index
        %swap3A_538 = tpu.vector_load %arg16[%swap3A_535, %swap3A_536, %swap3A_537] {strides = array<i32>} : memref<2x80x16xf32, #tpu.memory_space<vmem>>, vector<1x1x16xf32>,
        %swap3A_539 = vector.shape_cast %swap3A_538 : vector<1x1x16xf32> to vector<16xf32>
        %swap3A_540 = vector.shape_cast %mul3A_533 : vector<16xf32> to vector<1x1x16xf32>
        tpu.vector_store %arg16[%swap3A_535, %swap3A_536, %swap3A_537], %swap3A_540 {strides = array<i32>} : memref<2x80x16xf32, #tpu.memory_space<vmem>>, vector<1x1x16xf32>,
        %mul3A_541 = arith.constant 16 : i32
        %mul3A_542 = arith.muli %scan3A_453, %mul3A_541 : i32
        %add3A_543 = arith.constant 4 : i32
        %add3A_544 = arith.addi %mul3A_542, %add3A_543 : i32
        %get3A_545 = arith.constant 1 : i32
        %get3A_546 = arith.index_cast %get3A_545 : i32 to index
        %get3A_547 = arith.index_cast %add3A_544 : i32 to index
        %get3A_548 = arith.constant 0 : index
        %get3A_549 = tpu.vector_load %arg15[%get3A_546, %get3A_547, %get3A_548] {strides = array<i32>} : memref<2x80x16xf32, #tpu.memory_space<vmem>>, vector<1x1x16xf32>,
        %get3A_550 = vector.shape_cast %get3A_549 : vector<1x1x16xf32> to vector<16xf32>
        %slice3A_551 = vector.extract_strided_slice %get3A_459 {offsets = [4], sizes = [1], strides = [1]} : vector<16xf32> to vector<1xf32>
        %squeeze3A_552 = vector.extract %slice3A_551[0] : f32 from vector<1xf32>
        %mul3A_553 = vector.broadcast %squeeze3A_552 : f32 to vector<16xf32>
        %mul3A_554 = arith.mulf %get3A_550, %mul3A_553 : vector<16xf32>
        %swap3A_555 = arith.constant 1 : i32
        %swap3A_556 = arith.index_cast %swap3A_555 : i32 to index
        %swap3A_557 = arith.index_cast %add3A_544 : i32 to index
        %swap3A_558 = arith.constant 0 : index
        %swap3A_559 = tpu.vector_load %arg16[%swap3A_556, %swap3A_557, %swap3A_558] {strides = array<i32>} : memref<2x80x16xf32, #tpu.memory_space<vmem>>, vector<1x1x16xf32>,
        %swap3A_560 = vector.shape_cast %swap3A_559 : vector<1x1x16xf32> to vector<16xf32>
        %swap3A_561 = vector.shape_cast %mul3A_554 : vector<16xf32> to vector<1x1x16xf32>
        tpu.vector_store %arg16[%swap3A_556, %swap3A_557, %swap3A_558], %swap3A_561 {strides = array<i32>} : memref<2x80x16xf32, #tpu.memory_space<vmem>>, vector<1x1x16xf32>,
        %mul3A_562 = arith.constant 16 : i32
        %mul3A_563 = arith.muli %scan3A_453, %mul3A_562 : i32
        %add3A_564 = arith.constant 5 : i32
        %add3A_565 = arith.addi %mul3A_563, %add3A_564 : i32
        %get3A_566 = arith.constant 1 : i32
        %get3A_567 = arith.index_cast %get3A_566 : i32 to index
        %get3A_568 = arith.index_cast %add3A_565 : i32 to index
        %get3A_569 = arith.constant 0 : index
        %get3A_570 = tpu.vector_load %arg15[%get3A_567, %get3A_568, %get3A_569] {strides = array<i32>} : memref<2x80x16xf32, #tpu.memory_space<vmem>>, vector<1x1x16xf32>,
        %get3A_571 = vector.shape_cast %get3A_570 : vector<1x1x16xf32> to vector<16xf32>
        %slice3A_572 = vector.extract_strided_slice %get3A_459 {offsets = [5], sizes = [1], strides = [1]} : vector<16xf32> to vector<1xf32>
        %squeeze3A_573 = vector.extract %slice3A_572[0] : f32 from vector<1xf32>
        %mul3A_574 = vector.broadcast %squeeze3A_573 : f32 to vector<16xf32>
        %mul3A_575 = arith.mulf %get3A_571, %mul3A_574 : vector<16xf32>
        %swap3A_576 = arith.constant 1 : i32
        %swap3A_577 = arith.index_cast %swap3A_576 : i32 to index
        %swap3A_578 = arith.index_cast %add3A_565 : i32 to index
        %swap3A_579 = arith.constant 0 : index
        %swap3A_580 = tpu.vector_load %arg16[%swap3A_577, %swap3A_578, %swap3A_579] {strides = array<i32>} : memref<2x80x16xf32, #tpu.memory_space<vmem>>, vector<1x1x16xf32>,
        %swap3A_581 = vector.shape_cast %swap3A_580 : vector<1x1x16xf32> to vector<16xf32>
        %swap3A_582 = vector.shape_cast %mul3A_575 : vector<16xf32> to vector<1x1x16xf32>
        tpu.vector_store %arg16[%swap3A_577, %swap3A_578, %swap3A_579], %swap3A_582 {strides = array<i32>} : memref<2x80x16xf32, #tpu.memory_space<vmem>>, vector<1x1x16xf32>,
        %mul3A_583 = arith.constant 16 : i32
        %mul3A_584 = arith.muli %scan3A_453, %mul3A_583 : i32
        %add3A_585 = arith.constant 6 : i32
        %add3A_586 = arith.addi %mul3A_584, %add3A_585 : i32
        %get3A_587 = arith.constant 1 : i32
        %get3A_588 = arith.index_cast %get3A_587 : i32 to index
        %get3A_589 = arith.index_cast %add3A_586 : i32 to index
        %get3A_590 = arith.constant 0 : index
        %get3A_591 = tpu.vector_load %arg15[%get3A_588, %get3A_589, %get3A_590] {strides = array<i32>} : memref<2x80x16xf32, #tpu.memory_space<vmem>>, vector<1x1x16xf32>,
        %get3A_592 = vector.shape_cast %get3A_591 : vector<1x1x16xf32> to vector<16xf32>
        %slice3A_593 = vector.extract_strided_slice %get3A_459 {offsets = [6], sizes = [1], strides = [1]} : vector<16xf32> to vector<1xf32>
        %squeeze3A_594 = vector.extract %slice3A_593[0] : f32 from vector<1xf32>
        %mul3A_595 = vector.broadcast %squeeze3A_594 : f32 to vector<16xf32>
        %mul3A_596 = arith.mulf %get3A_592, %mul3A_595 : vector<16xf32>
        %swap3A_597 = arith.constant 1 : i32
        %swap3A_598 = arith.index_cast %swap3A_597 : i32 to index
        %swap3A_599 = arith.index_cast %add3A_586 : i32 to index
        %swap3A_600 = arith.constant 0 : index
        %swap3A_601 = tpu.vector_load %arg16[%swap3A_598, %swap3A_599, %swap3A_600] {strides = array<i32>} : memref<2x80x16xf32, #tpu.memory_space<vmem>>, vector<1x1x16xf32>,
        %swap3A_602 = vector.shape_cast %swap3A_601 : vector<1x1x16xf32> to vector<16xf32>
        %swap3A_603 = vector.shape_cast %mul3A_596 : vector<16xf32> to vector<1x1x16xf32>
        tpu.vector_store %arg16[%swap3A_598, %swap3A_599, %swap3A_600], %swap3A_603 {strides = array<i32>} : memref<2x80x16xf32, #tpu.memory_space<vmem>>, vector<1x1x16xf32>,
        %mul3A_604 = arith.constant 16 : i32
        %mul3A_605 = arith.muli %scan3A_453, %mul3A_604 : i32
        %add3A_606 = arith.constant 7 : i32
        %add3A_607 = arith.addi %mul3A_605, %add3A_606 : i32
        %get3A_608 = arith.constant 1 : i32
        %get3A_609 = arith.index_cast %get3A_608 : i32 to index
        %get3A_610 = arith.index_cast %add3A_607 : i32 to index
        %get3A_611 = arith.constant 0 : index
        %get3A_612 = tpu.vector_load %arg15[%get3A_609, %get3A_610, %get3A_611] {strides = array<i32>} : memref<2x80x16xf32, #tpu.memory_space<vmem>>, vector<1x1x16xf32>,
        %get3A_613 = vector.shape_cast %get3A_612 : vector<1x1x16xf32> to vector<16xf32>
        %slice3A_614 = vector.extract_strided_slice %get3A_459 {offsets = [7], sizes = [1], strides = [1]} : vector<16xf32> to vector<1xf32>
        %squeeze3A_615 = vector.extract %slice3A_614[0] : f32 from vector<1xf32>
        %mul3A_616 = vector.broadcast %squeeze3A_615 : f32 to vector<16xf32>
        %mul3A_617 = arith.mulf %get3A_613, %mul3A_616 : vector<16xf32>
        %swap3A_618 = arith.constant 1 : i32
        %swap3A_619 = arith.index_cast %swap3A_618 : i32 to index
        %swap3A_620 = arith.index_cast %add3A_607 : i32 to index
        %swap3A_621 = arith.constant 0 : index
        %swap3A_622 = tpu.vector_load %arg16[%swap3A_619, %swap3A_620, %swap3A_621] {strides = array<i32>} : memref<2x80x16xf32, #tpu.memory_space<vmem>>, vector<1x1x16xf32>,
        %swap3A_623 = vector.shape_cast %swap3A_622 : vector<1x1x16xf32> to vector<16xf32>
        %swap3A_624 = vector.shape_cast %mul3A_617 : vector<16xf32> to vector<1x1x16xf32>
        tpu.vector_store %arg16[%swap3A_619, %swap3A_620, %swap3A_621], %swap3A_624 {strides = array<i32>} : memref<2x80x16xf32, #tpu.memory_space<vmem>>, vector<1x1x16xf32>,
        %mul3A_625 = arith.constant 16 : i32
        %mul3A_626 = arith.muli %scan3A_453, %mul3A_625 : i32
        %add3A_627 = arith.constant 8 : i32
        %add3A_628 = arith.addi %mul3A_626, %add3A_627 : i32
        %get3A_629 = arith.constant 1 : i32
        %get3A_630 = arith.index_cast %get3A_629 : i32 to index
        %get3A_631 = arith.index_cast %add3A_628 : i32 to index
        %get3A_632 = arith.constant 0 : index
        %get3A_633 = tpu.vector_load %arg15[%get3A_630, %get3A_631, %get3A_632] {strides = array<i32>} : memref<2x80x16xf32, #tpu.memory_space<vmem>>, vector<1x1x16xf32>,
        %get3A_634 = vector.shape_cast %get3A_633 : vector<1x1x16xf32> to vector<16xf32>
        %slice3A_635 = vector.extract_strided_slice %get3A_459 {offsets = [8], sizes = [1], strides = [1]} : vector<16xf32> to vector<1xf32>
        %squeeze3A_636 = vector.extract %slice3A_635[0] : f32 from vector<1xf32>
        %mul3A_637 = vector.broadcast %squeeze3A_636 : f32 to vector<16xf32>
        %mul3A_638 = arith.mulf %get3A_634, %mul3A_637 : vector<16xf32>
        %swap3A_639 = arith.constant 1 : i32
        %swap3A_640 = arith.index_cast %swap3A_639 : i32 to index
        %swap3A_641 = arith.index_cast %add3A_628 : i32 to index
        %swap3A_642 = arith.constant 0 : index
        %swap3A_643 = tpu.vector_load %arg16[%swap3A_640, %swap3A_641, %swap3A_642] {strides = array<i32>} : memref<2x80x16xf32, #tpu.memory_space<vmem>>, vector<1x1x16xf32>,
        %swap3A_644 = vector.shape_cast %swap3A_643 : vector<1x1x16xf32> to vector<16xf32>
        %swap3A_645 = vector.shape_cast %mul3A_638 : vector<16xf32> to vector<1x1x16xf32>
        tpu.vector_store %arg16[%swap3A_640, %swap3A_641, %swap3A_642], %swap3A_645 {strides = array<i32>} : memref<2x80x16xf32, #tpu.memory_space<vmem>>, vector<1x1x16xf32>,
        %mul3A_646 = arith.constant 16 : i32
        %mul3A_647 = arith.muli %scan3A_453, %mul3A_646 : i32
        %add3A_648 = arith.constant 9 : i32
        %add3A_649 = arith.addi %mul3A_647, %add3A_648 : i32
        %get3A_650 = arith.constant 1 : i32
        %get3A_651 = arith.index_cast %get3A_650 : i32 to index
        %get3A_652 = arith.index_cast %add3A_649 : i32 to index
        %get3A_653 = arith.constant 0 : index
        %get3A_654 = tpu.vector_load %arg15[%get3A_651, %get3A_652, %get3A_653] {strides = array<i32>} : memref<2x80x16xf32, #tpu.memory_space<vmem>>, vector<1x1x16xf32>,
        %get3A_655 = vector.shape_cast %get3A_654 : vector<1x1x16xf32> to vector<16xf32>
        %slice3A_656 = vector.extract_strided_slice %get3A_459 {offsets = [9], sizes = [1], strides = [1]} : vector<16xf32> to vector<1xf32>
        %squeeze3A_657 = vector.extract %slice3A_656[0] : f32 from vector<1xf32>
        %mul3A_658 = vector.broadcast %squeeze3A_657 : f32 to vector<16xf32>
        %mul3A_659 = arith.mulf %get3A_655, %mul3A_658 : vector<16xf32>
        %swap3A_660 = arith.constant 1 : i32
        %swap3A_661 = arith.index_cast %swap3A_660 : i32 to index
        %swap3A_662 = arith.index_cast %add3A_649 : i32 to index
        %swap3A_663 = arith.constant 0 : index
        %swap3A_664 = tpu.vector_load %arg16[%swap3A_661, %swap3A_662, %swap3A_663] {strides = array<i32>} : memref<2x80x16xf32, #tpu.memory_space<vmem>>, vector<1x1x16xf32>,
        %swap3A_665 = vector.shape_cast %swap3A_664 : vector<1x1x16xf32> to vector<16xf32>
        %swap3A_666 = vector.shape_cast %mul3A_659 : vector<16xf32> to vector<1x1x16xf32>
        tpu.vector_store %arg16[%swap3A_661, %swap3A_662, %swap3A_663], %swap3A_666 {strides = array<i32>} : memref<2x80x16xf32, #tpu.memory_space<vmem>>, vector<1x1x16xf32>,
        %mul3A_667 = arith.constant 16 : i32
        %mul3A_668 = arith.muli %scan3A_453, %mul3A_667 : i32
        %add3A_669 = arith.constant 10 : i32
        %add3A_670 = arith.addi %mul3A_668, %add3A_669 : i32
        %get3A_671 = arith.constant 1 : i32
        %get3A_672 = arith.index_cast %get3A_671 : i32 to index
        %get3A_673 = arith.index_cast %add3A_670 : i32 to index
        %get3A_674 = arith.constant 0 : index
        %get3A_675 = tpu.vector_load %arg15[%get3A_672, %get3A_673, %get3A_674] {strides = array<i32>} : memref<2x80x16xf32, #tpu.memory_space<vmem>>, vector<1x1x16xf32>,
        %get3A_676 = vector.shape_cast %get3A_675 : vector<1x1x16xf32> to vector<16xf32>
        %slice3A_677 = vector.extract_strided_slice %get3A_459 {offsets = [10], sizes = [1], strides = [1]} : vector<16xf32> to vector<1xf32>
        %squeeze3A_678 = vector.extract %slice3A_677[0] : f32 from vector<1xf32>
        %mul3A_679 = vector.broadcast %squeeze3A_678 : f32 to vector<16xf32>
        %mul3A_680 = arith.mulf %get3A_676, %mul3A_679 : vector<16xf32>
        %swap3A_681 = arith.constant 1 : i32
        %swap3A_682 = arith.index_cast %swap3A_681 : i32 to index
        %swap3A_683 = arith.index_cast %add3A_670 : i32 to index
        %swap3A_684 = arith.constant 0 : index
        %swap3A_685 = tpu.vector_load %arg16[%swap3A_682, %swap3A_683, %swap3A_684] {strides = array<i32>} : memref<2x80x16xf32, #tpu.memory_space<vmem>>, vector<1x1x16xf32>,
        %swap3A_686 = vector.shape_cast %swap3A_685 : vector<1x1x16xf32> to vector<16xf32>
        %swap3A_687 = vector.shape_cast %mul3A_680 : vector<16xf32> to vector<1x1x16xf32>
        tpu.vector_store %arg16[%swap3A_682, %swap3A_683, %swap3A_684], %swap3A_687 {strides = array<i32>} : memref<2x80x16xf32, #tpu.memory_space<vmem>>, vector<1x1x16xf32>,
        %mul3A_688 = arith.constant 16 : i32
        %mul3A_689 = arith.muli %scan3A_453, %mul3A_688 : i32
        %add3A_690 = arith.constant 11 : i32
        %add3A_691 = arith.addi %mul3A_689, %add3A_690 : i32
        %get3A_692 = arith.constant 1 : i32
        %get3A_693 = arith.index_cast %get3A_692 : i32 to index
        %get3A_694 = arith.index_cast %add3A_691 : i32 to index
        %get3A_695 = arith.constant 0 : index
        %get3A_696 = tpu.vector_load %arg15[%get3A_693, %get3A_694, %get3A_695] {strides = array<i32>} : memref<2x80x16xf32, #tpu.memory_space<vmem>>, vector<1x1x16xf32>,
        %get3A_697 = vector.shape_cast %get3A_696 : vector<1x1x16xf32> to vector<16xf32>
        %slice3A_698 = vector.extract_strided_slice %get3A_459 {offsets = [11], sizes = [1], strides = [1]} : vector<16xf32> to vector<1xf32>
        %squeeze3A_699 = vector.extract %slice3A_698[0] : f32 from vector<1xf32>
        %mul3A_700 = vector.broadcast %squeeze3A_699 : f32 to vector<16xf32>
        %mul3A_701 = arith.mulf %get3A_697, %mul3A_700 : vector<16xf32>
        %swap3A_702 = arith.constant 1 : i32
        %swap3A_703 = arith.index_cast %swap3A_702 : i32 to index
        %swap3A_704 = arith.index_cast %add3A_691 : i32 to index
        %swap3A_705 = arith.constant 0 : index
        %swap3A_706 = tpu.vector_load %arg16[%swap3A_703, %swap3A_704, %swap3A_705] {strides = array<i32>} : memref<2x80x16xf32, #tpu.memory_space<vmem>>, vector<1x1x16xf32>,
        %swap3A_707 = vector.shape_cast %swap3A_706 : vector<1x1x16xf32> to vector<16xf32>
        %swap3A_708 = vector.shape_cast %mul3A_701 : vector<16xf32> to vector<1x1x16xf32>
        tpu.vector_store %arg16[%swap3A_703, %swap3A_704, %swap3A_705], %swap3A_708 {strides = array<i32>} : memref<2x80x16xf32, #tpu.memory_space<vmem>>, vector<1x1x16xf32>,
        %mul3A_709 = arith.constant 16 : i32
        %mul3A_710 = arith.muli %scan3A_453, %mul3A_709 : i32
        %add3A_711 = arith.constant 12 : i32
        %add3A_712 = arith.addi %mul3A_710, %add3A_711 : i32
        %get3A_713 = arith.constant 1 : i32
        %get3A_714 = arith.index_cast %get3A_713 : i32 to index
        %get3A_715 = arith.index_cast %add3A_712 : i32 to index
        %get3A_716 = arith.constant 0 : index
        %get3A_717 = tpu.vector_load %arg15[%get3A_714, %get3A_715, %get3A_716] {strides = array<i32>} : memref<2x80x16xf32, #tpu.memory_space<vmem>>, vector<1x1x16xf32>,
        %get3A_718 = vector.shape_cast %get3A_717 : vector<1x1x16xf32> to vector<16xf32>
        %slice3A_719 = vector.extract_strided_slice %get3A_459 {offsets = [12], sizes = [1], strides = [1]} : vector<16xf32> to vector<1xf32>
        %squeeze3A_720 = vector.extract %slice3A_719[0] : f32 from vector<1xf32>
        %mul3A_721 = vector.broadcast %squeeze3A_720 : f32 to vector<16xf32>
        %mul3A_722 = arith.mulf %get3A_718, %mul3A_721 : vector<16xf32>
        %swap3A_723 = arith.constant 1 : i32
        %swap3A_724 = arith.index_cast %swap3A_723 : i32 to index
        %swap3A_725 = arith.index_cast %add3A_712 : i32 to index
        %swap3A_726 = arith.constant 0 : index
        %swap3A_727 = tpu.vector_load %arg16[%swap3A_724, %swap3A_725, %swap3A_726] {strides = array<i32>} : memref<2x80x16xf32, #tpu.memory_space<vmem>>, vector<1x1x16xf32>,
        %swap3A_728 = vector.shape_cast %swap3A_727 : vector<1x1x16xf32> to vector<16xf32>
        %swap3A_729 = vector.shape_cast %mul3A_722 : vector<16xf32> to vector<1x1x16xf32>
        tpu.vector_store %arg16[%swap3A_724, %swap3A_725, %swap3A_726], %swap3A_729 {strides = array<i32>} : memref<2x80x16xf32, #tpu.memory_space<vmem>>, vector<1x1x16xf32>,
        %mul3A_730 = arith.constant 16 : i32
        %mul3A_731 = arith.muli %scan3A_453, %mul3A_730 : i32
        %add3A_732 = arith.constant 13 : i32
        %add3A_733 = arith.addi %mul3A_731, %add3A_732 : i32
        %get3A_734 = arith.constant 1 : i32
        %get3A_735 = arith.index_cast %get3A_734 : i32 to index
        %get3A_736 = arith.index_cast %add3A_733 : i32 to index
        %get3A_737 = arith.constant 0 : index
        %get3A_738 = tpu.vector_load %arg15[%get3A_735, %get3A_736, %get3A_737] {strides = array<i32>} : memref<2x80x16xf32, #tpu.memory_space<vmem>>, vector<1x1x16xf32>,
        %get3A_739 = vector.shape_cast %get3A_738 : vector<1x1x16xf32> to vector<16xf32>
        %slice3A_740 = vector.extract_strided_slice %get3A_459 {offsets = [13], sizes = [1], strides = [1]} : vector<16xf32> to vector<1xf32>
        %squeeze3A_741 = vector.extract %slice3A_740[0] : f32 from vector<1xf32>
        %mul3A_742 = vector.broadcast %squeeze3A_741 : f32 to vector<16xf32>
        %mul3A_743 = arith.mulf %get3A_739, %mul3A_742 : vector<16xf32>
        %swap3A_744 = arith.constant 1 : i32
        %swap3A_745 = arith.index_cast %swap3A_744 : i32 to index
        %swap3A_746 = arith.index_cast %add3A_733 : i32 to index
        %swap3A_747 = arith.constant 0 : index
        %swap3A_748 = tpu.vector_load %arg16[%swap3A_745, %swap3A_746, %swap3A_747] {strides = array<i32>} : memref<2x80x16xf32, #tpu.memory_space<vmem>>, vector<1x1x16xf32>,
        %swap3A_749 = vector.shape_cast %swap3A_748 : vector<1x1x16xf32> to vector<16xf32>
        %swap3A_750 = vector.shape_cast %mul3A_743 : vector<16xf32> to vector<1x1x16xf32>
        tpu.vector_store %arg16[%swap3A_745, %swap3A_746, %swap3A_747], %swap3A_750 {strides = array<i32>} : memref<2x80x16xf32, #tpu.memory_space<vmem>>, vector<1x1x16xf32>,
        %mul3A_751 = arith.constant 16 : i32
        %mul3A_752 = arith.muli %scan3A_453, %mul3A_751 : i32
        %add3A_753 = arith.constant 14 : i32
        %add3A_754 = arith.addi %mul3A_752, %add3A_753 : i32
        %get3A_755 = arith.constant 1 : i32
        %get3A_756 = arith.index_cast %get3A_755 : i32 to index
        %get3A_757 = arith.index_cast %add3A_754 : i32 to index
        %get3A_758 = arith.constant 0 : index
        %get3A_759 = tpu.vector_load %arg15[%get3A_756, %get3A_757, %get3A_758] {strides = array<i32>} : memref<2x80x16xf32, #tpu.memory_space<vmem>>, vector<1x1x16xf32>,
        %get3A_760 = vector.shape_cast %get3A_759 : vector<1x1x16xf32> to vector<16xf32>
        %slice3A_761 = vector.extract_strided_slice %get3A_459 {offsets = [14], sizes = [1], strides = [1]} : vector<16xf32> to vector<1xf32>
        %squeeze3A_762 = vector.extract %slice3A_761[0] : f32 from vector<1xf32>
        %mul3A_763 = vector.broadcast %squeeze3A_762 : f32 to vector<16xf32>
        %mul3A_764 = arith.mulf %get3A_760, %mul3A_763 : vector<16xf32>
        %swap3A_765 = arith.constant 1 : i32
        %swap3A_766 = arith.index_cast %swap3A_765 : i32 to index
        %swap3A_767 = arith.index_cast %add3A_754 : i32 to index
        %swap3A_768 = arith.constant 0 : index
        %swap3A_769 = tpu.vector_load %arg16[%swap3A_766, %swap3A_767, %swap3A_768] {strides = array<i32>} : memref<2x80x16xf32, #tpu.memory_space<vmem>>, vector<1x1x16xf32>,
        %swap3A_770 = vector.shape_cast %swap3A_769 : vector<1x1x16xf32> to vector<16xf32>
        %swap3A_771 = vector.shape_cast %mul3A_764 : vector<16xf32> to vector<1x1x16xf32>
        tpu.vector_store %arg16[%swap3A_766, %swap3A_767, %swap3A_768], %swap3A_771 {strides = array<i32>} : memref<2x80x16xf32, #tpu.memory_space<vmem>>, vector<1x1x16xf32>,
        %mul3A_772 = arith.constant 16 : i32
        %mul3A_773 = arith.muli %scan3A_453, %mul3A_772 : i32
        %add3A_774 = arith.constant 15 : i32
        %add3A_775 = arith.addi %mul3A_773, %add3A_774 : i32
        %get3A_776 = arith.constant 1 : i32
        %get3A_777 = arith.index_cast %get3A_776 : i32 to index
        %get3A_778 = arith.index_cast %add3A_775 : i32 to index
        %get3A_779 = arith.constant 0 : index
        %get3A_780 = tpu.vector_load %arg15[%get3A_777, %get3A_778, %get3A_779] {strides = array<i32>} : memref<2x80x16xf32, #tpu.memory_space<vmem>>, vector<1x1x16xf32>,
        %get3A_781 = vector.shape_cast %get3A_780 : vector<1x1x16xf32> to vector<16xf32>
        %slice3A_782 = vector.extract_strided_slice %get3A_459 {offsets = [15], sizes = [1], strides = [1]} : vector<16xf32> to vector<1xf32>
        %squeeze3A_783 = vector.extract %slice3A_782[0] : f32 from vector<1xf32>
        %mul3A_784 = vector.broadcast %squeeze3A_783 : f32 to vector<16xf32>
        %mul3A_785 = arith.mulf %get3A_781, %mul3A_784 : vector<16xf32>
        %swap3A_786 = arith.constant 1 : i32
        %swap3A_787 = arith.index_cast %swap3A_786 : i32 to index
        %swap3A_788 = arith.index_cast %add3A_775 : i32 to index
        %swap3A_789 = arith.constant 0 : index
        %swap3A_790 = tpu.vector_load %arg16[%swap3A_787, %swap3A_788, %swap3A_789] {strides = array<i32>} : memref<2x80x16xf32, #tpu.memory_space<vmem>>, vector<1x1x16xf32>,
        %swap3A_791 = vector.shape_cast %swap3A_790 : vector<1x1x16xf32> to vector<16xf32>
        %swap3A_792 = vector.shape_cast %mul3A_785 : vector<16xf32> to vector<1x1x16xf32>
        tpu.vector_store %arg16[%swap3A_787, %swap3A_788, %swap3A_789], %swap3A_792 {strides = array<i32>} : memref<2x80x16xf32, #tpu.memory_space<vmem>>, vector<1x1x16xf32>,
      }
      %scan3A_433 = arith.constant 5 : i32
      %add3A_434 = arith.addi %mul3A_6, %add3A_394 : i32
      %dma_start3A_435 = arith.constant 1 : i32
      %dma_start3A_436 = arith.constant 0 : i32
      %dma_start3A_437 = arith.constant 0 : i32
      %dma_start3A_438 = tpu.memref_slice %arg16[%dma_start3A_435, %dma_start3A_436, %dma_start3A_437] : memref<2x80x16xf32, #tpu.memory_space<vmem>> -> memref<1x80x16xf32, #tpu.memory_space<vmem>>
      %dma_start3A_439 = tpu.memref_squeeze %dma_start3A_438 : memref<1x80x16xf32, #tpu.memory_space<vmem>> -> memref<80x16xf32, #tpu.memory_space<vmem>>
      %dma_start3A_440 = arith.constant 0 : i32
      %dma_start3A_441 = tpu.memref_slice %arg12[%add3A_434, %dma_start3A_440] : memref<250x80xi32, #tpu.memory_space<vmem>> -> memref<1x80xi32, #tpu.memory_space<vmem>>
      %dma_start3A_442 = tpu.memref_squeeze %dma_start3A_441 : memref<1x80xi32, #tpu.memory_space<vmem>> -> memref<80xi32, #tpu.memory_space<vmem>>
      %dma_start3A_443 = arith.constant 0 : i32
      %dma_start3A_444 = arith.constant 0 : i32
      %dma_start3A_445 = tpu.memref_slice %arg18[%dma_start3A_443, %dma_start3A_444] : memref<10000x16xf32, #tpu.memory_space<vmem_shared>> -> memref<10000x16xf32, #tpu.memory_space<vmem_shared>>
      tpu.enqueue_indirect_dma source(%dma_start3A_439 : memref<80x16xf32, #tpu.memory_space<vmem>>) target(%dma_start3A_445 : memref<10000x16xf32, #tpu.memory_space<vmem_shared>>) offsets(%dma_start3A_442 : memref<80xi32, #tpu.memory_space<vmem>>) semaphore(%arg32 : memref<!tpu.dma_semaphore, #tpu.memory_space<semaphore_mem>>) {add = true}
      %add3A_446 = arith.constant 2 : i32
      %add3A_447 = arith.addi %add3A_394, %add3A_446 : i32
      %lt3A_448 = arith.constant 125 : i32
      %lt3A_449 = arith.cmpi slt, %add3A_447, %lt3A_448 : i32
      %convert_element_type3A_450 = arith.extui %lt3A_449 : i1 to i32
      %cond3A_451 = arith.constant 0 : i32
      %cond3A_452 = arith.cmpi ne, %convert_element_type3A_450, %cond3A_451 : i32
      scf.if %cond3A_452 {
        %add3A_453 = arith.constant 2 : i32
        %add3A_454 = arith.addi %add3A_394, %add3A_453 : i32
        %add3A_455 = arith.addi %mul3A_6, %add3A_454 : i32
        %dma_start3A_456 = arith.constant 1 : i32
        %dma_start3A_457 = arith.constant 0 : i32
        %dma_start3A_458 = tpu.memref_slice %arg13[%dma_start3A_456, %dma_start3A_457] : memref<2x80xf32, #tpu.memory_space<vmem>> -> memref<1x80xf32, #tpu.memory_space<vmem>>
        %dma_start3A_459 = tpu.memref_squeeze %dma_start3A_458 : memref<1x80xf32, #tpu.memory_space<vmem>> -> memref<80xf32, #tpu.memory_space<vmem>>
        %dma_start3A_460 = arith.constant 0 : i32
        %dma_start3A_461 = tpu.memref_slice %arg11[%add3A_455, %dma_start3A_460] : memref<250x80xi32, #tpu.memory_space<vmem>> -> memref<1x80xi32, #tpu.memory_space<vmem>>
        %dma_start3A_462 = tpu.memref_squeeze %dma_start3A_461 : memref<1x80xi32, #tpu.memory_space<vmem>> -> memref<80xi32, #tpu.memory_space<vmem>>
        %dma_start3A_463 = arith.constant 0 : i32
        %dma_start3A_464 = tpu.memref_slice %arg6[%dma_start3A_463] : memref<10000xf32, #tpu.memory_space<hbm>> -> memref<10000xf32, #tpu.memory_space<hbm>>
        tpu.enqueue_indirect_dma source(%dma_start3A_464 : memref<10000xf32, #tpu.memory_space<hbm>>) target(%dma_start3A_459 : memref<80xf32, #tpu.memory_space<vmem>>) offsets(%dma_start3A_462 : memref<80xi32, #tpu.memory_space<vmem>>) semaphore(%arg28 : memref<!tpu.dma_semaphore, #tpu.memory_space<semaphore_mem>>)
        %add3A_465 = arith.constant 2 : i32
        %add3A_466 = arith.addi %add3A_394, %add3A_465 : i32
        %mul3A_467 = arith.constant 10000 : i32
        %mul3A_468 = arith.muli %add3A, %mul3A_467 : i32
        %mul3A_469 = arith.constant 80 : i32
        %mul3A_470 = arith.muli %add3A_466, %mul3A_469 : i32
        %add3A_471 = arith.addi %mul3A_468, %mul3A_470 : i32
        %dma_start3A_472 = arith.constant 1 : i32
        %dma_start3A_473 = arith.constant 0 : i32
        %dma_start3A_474 = arith.constant 0 : i32
        %dma_start3A_475 = tpu.memref_slice %arg15[%dma_start3A_472, %dma_start3A_473, %dma_start3A_474] : memref<2x80x16xf32, #tpu.memory_space<vmem>> -> memref<1x80x16xf32, #tpu.memory_space<vmem>>
        %dma_start3A_476 = tpu.memref_squeeze %dma_start3A_475 : memref<1x80x16xf32, #tpu.memory_space<vmem>> -> memref<80x16xf32, #tpu.memory_space<vmem>>
        %dma_start3A_477 = arith.constant 0 : i32
        %dma_start3A_478 = tpu.memref_slice %arg4[%add3A_471, %dma_start3A_477] : memref<320000x16xf32, #tpu.memory_space<hbm>> -> memref<80x16xf32, #tpu.memory_space<hbm>>
        %dma_start3A_479 = arith.constant 0 : i32
        %dma_start3A_480 = arith.constant 0 : i32
        %dma_start3A_481 = tpu.memref_slice %arg15[%dma_start3A_472, %dma_start3A_479, %dma_start3A_480] : memref<2x80x16xf32, #tpu.memory_space<vmem>> -> memref<1x80x16xf32, #tpu.memory_space<vmem>>
        %dma_start3A_482 = tpu.memref_squeeze %dma_start3A_481 : memref<1x80x16xf32, #tpu.memory_space<vmem>> -> memref<80x16xf32, #tpu.memory_space<vmem>>
        %dma_start3A_483 = arith.constant 0 : i32
        %dma_start3A_484 = tpu.memref_slice %arg4[%add3A_471, %dma_start3A_483] : memref<320000x16xf32, #tpu.memory_space<hbm>> -> memref<80x16xf32, #tpu.memory_space<hbm>>
        tpu.enqueue_dma source(%dma_start3A_484 : memref<80x16xf32, #tpu.memory_space<hbm>>) target(%dma_start3A_482 : memref<80x16xf32, #tpu.memory_space<vmem>>) target_semaphore(%arg30 : memref<!tpu.dma_semaphore, #tpu.memory_space<semaphore_mem>>)
      } else {
      }
    }
    %scan3A_68 = arith.constant 62 : i32
    %add3A_69 = arith.constant 124 : i32
    %add3A_70 = arith.addi %mul3A_6, %add3A_69 : i32
    %dma_wait3A = arith.constant 0 : i32
    %dma_wait3A_71 = arith.constant 0 : i32
    %dma_wait3A_72 = tpu.memref_slice %arg13[%dma_wait3A, %dma_wait3A_71] : memref<2x80xf32, #tpu.memory_space<vmem>> -> memref<1x80xf32, #tpu.memory_space<vmem>>
    %dma_wait3A_73 = tpu.memref_squeeze %dma_wait3A_72 : memref<1x80xf32, #tpu.memory_space<vmem>> -> memref<80xf32, #tpu.memory_space<vmem>>
    %dma_wait3A_74 = arith.constant 0 : i32
    %dma_wait3A_75 = tpu.memref_slice %arg11[%add3A_70, %dma_wait3A_74] : memref<250x80xi32, #tpu.memory_space<vmem>> -> memref<1x80xi32, #tpu.memory_space<vmem>>
    %dma_wait3A_76 = tpu.memref_squeeze %dma_wait3A_75 : memref<1x80xi32, #tpu.memory_space<vmem>> -> memref<80xi32, #tpu.memory_space<vmem>>
    %dma_wait3A_77 = arith.constant 0 : i32
    %dma_wait3A_78 = tpu.memref_slice %arg6[%dma_wait3A_77] : memref<10000xf32, #tpu.memory_space<hbm>> -> memref<10000xf32, #tpu.memory_space<hbm>>
    tpu.wait_indirect_dma semaphore(%arg27 : memref<!tpu.dma_semaphore, #tpu.memory_space<semaphore_mem>>) src(%dma_wait3A_78 : memref<10000xf32, #tpu.memory_space<hbm>>) dst(%dma_wait3A_73 : memref<80xf32, #tpu.memory_space<vmem>>)
    %mul3A_79 = arith.constant 10000 : i32
    %mul3A_80 = arith.muli %add3A, %mul3A_79 : i32
    %mul3A_81 = arith.constant 124 : i32
    %mul3A_82 = arith.constant 80 : i32
    %mul3A_83 = arith.muli %mul3A_81, %mul3A_82 : i32
    %add3A_84 = arith.addi %mul3A_80, %mul3A_83 : i32
    %dma_wait3A_85 = arith.constant 0 : i32
    %dma_wait3A_86 = arith.constant 0 : i32
    %dma_wait3A_87 = arith.constant 0 : i32
    %dma_wait3A_88 = tpu.memref_slice %arg15[%dma_wait3A_85, %dma_wait3A_86, %dma_wait3A_87] : memref<2x80x16xf32, #tpu.memory_space<vmem>> -> memref<1x80x16xf32, #tpu.memory_space<vmem>>
    %dma_wait3A_89 = tpu.memref_squeeze %dma_wait3A_88 : memref<1x80x16xf32, #tpu.memory_space<vmem>> -> memref<80x16xf32, #tpu.memory_space<vmem>>
    %dma_wait3A_90 = arith.constant 0 : i32
    %dma_wait3A_91 = tpu.memref_slice %arg4[%add3A_84, %dma_wait3A_90] : memref<320000x16xf32, #tpu.memory_space<hbm>> -> memref<80x16xf32, #tpu.memory_space<hbm>>
    %dma_wait3A_92 = arith.constant 0 : i32
    %dma_wait3A_93 = arith.constant 0 : i32
    %dma_wait3A_94 = tpu.memref_slice %arg15[%dma_wait3A_85, %dma_wait3A_92, %dma_wait3A_93] : memref<2x80x16xf32, #tpu.memory_space<vmem>> -> memref<1x80x16xf32, #tpu.memory_space<vmem>>
    %dma_wait3A_95 = tpu.memref_squeeze %dma_wait3A_94 : memref<1x80x16xf32, #tpu.memory_space<vmem>> -> memref<80x16xf32, #tpu.memory_space<vmem>>
    %dma_wait3A_96 = arith.constant 0 : i32
    %dma_wait3A_97 = tpu.memref_slice %arg4[%add3A_84, %dma_wait3A_96] : memref<320000x16xf32, #tpu.memory_space<hbm>> -> memref<80x16xf32, #tpu.memory_space<hbm>>
    tpu.wait_dma2 semaphore(%arg29 : memref<!tpu.dma_semaphore, #tpu.memory_space<semaphore_mem>>) src(%dma_wait3A_97 : memref<80x16xf32, #tpu.memory_space<hbm>>) dst(%dma_wait3A_95 : memref<80x16xf32, #tpu.memory_space<vmem>>)
    %ge3A = arith.constant 124 : i32
    %ge3A_98 = arith.constant 2 : i32
    %ge3A_99 = arith.cmpi sge, %ge3A, %ge3A_98 : i32
    %convert_element_type3A_100 = arith.extui %ge3A_99 : i1 to i32
    %cond3A_101 = arith.constant 124 : i32
    %cond3A_102 = arith.constant 0 : i32
    %cond3A_103 = arith.cmpi ne, %convert_element_type3A_100, %cond3A_102 : i32
    scf.if %cond3A_103 {
      %add3A_328 = arith.addi %mul3A_6, %cond3A_101 : i32
      %dma_wait3A_329 = arith.constant 0 : i32
      %dma_wait3A_330 = arith.constant 0 : i32
      %dma_wait3A_331 = arith.constant 0 : i32
      %dma_wait3A_332 = tpu.memref_slice %arg16[%dma_wait3A_329, %dma_wait3A_330, %dma_wait3A_331] : memref<2x80x16xf32, #tpu.memory_space<vmem>> -> memref<1x80x16xf32, #tpu.memory_space<vmem>>
      %dma_wait3A_333 = tpu.memref_squeeze %dma_wait3A_332 : memref<1x80x16xf32, #tpu.memory_space<vmem>> -> memref<80x16xf32, #tpu.memory_space<vmem>>
      %dma_wait3A_334 = arith.constant 0 : i32
      %dma_wait3A_335 = tpu.memref_slice %arg12[%add3A_328, %dma_wait3A_334] : memref<250x80xi32, #tpu.memory_space<vmem>> -> memref<1x80xi32, #tpu.memory_space<vmem>>
      %dma_wait3A_336 = tpu.memref_squeeze %dma_wait3A_335 : memref<1x80xi32, #tpu.memory_space<vmem>> -> memref<80xi32, #tpu.memory_space<vmem>>
      %dma_wait3A_337 = arith.constant 0 : i32
      %dma_wait3A_338 = arith.constant 0 : i32
      %dma_wait3A_339 = tpu.memref_slice %arg18[%dma_wait3A_337, %dma_wait3A_338] : memref<10000x16xf32, #tpu.memory_space<vmem_shared>> -> memref<10000x16xf32, #tpu.memory_space<vmem_shared>>
      tpu.wait_indirect_dma semaphore(%arg31 : memref<!tpu.dma_semaphore, #tpu.memory_space<semaphore_mem>>) src(%dma_wait3A_333 : memref<80x16xf32, #tpu.memory_space<vmem>>) dst(%dma_wait3A_339 : memref<10000x16xf32, #tpu.memory_space<vmem_shared>>)
    } else {
    }
    %scan3A_104 = arith.constant 0 : i32
    %scan3A_105 = arith.constant 0 : i32
    %scan3A_106 = arith.constant 5 : i32
    %scan3A_107 = arith.addi %scan3A_105, %scan3A_106 : i32
    %scan3A_108 = arith.constant 1 : i32
    scf.for %scan3A_328 = %scan3A_105 to %scan3A_107 step %scan3A_108  : i32 {
      %mul3A_329 = arith.constant 16 : i32
      %mul3A_330 = arith.muli %scan3A_328, %mul3A_329 : i32
      %get3A = arith.constant 0 : i32
      %get3A_331 = arith.index_cast %get3A : i32 to index
      %get3A_332 = arith.index_cast %mul3A_330 : i32 to index
      %get3A_333 = tpu.vector_load %arg13[%get3A_331, %get3A_332] {strides = array<i32>} : memref<2x80xf32, #tpu.memory_space<vmem>>, vector<1x16xf32>,
      %get3A_334 = vector.shape_cast %get3A_333 : vector<1x16xf32> to vector<16xf32>
      %mul3A_335 = arith.constant 16 : i32
      %mul3A_336 = arith.muli %scan3A_328, %mul3A_335 : i32
      %add3A_337 = arith.constant 0 : i32
      %add3A_338 = arith.addi %mul3A_336, %add3A_337 : i32
      %get3A_339 = arith.constant 0 : i32
      %get3A_340 = arith.index_cast %get3A_339 : i32 to index
      %get3A_341 = arith.index_cast %add3A_338 : i32 to index
      %get3A_342 = arith.constant 0 : index
      %get3A_343 = tpu.vector_load %arg15[%get3A_340, %get3A_341, %get3A_342] {strides = array<i32>} : memref<2x80x16xf32, #tpu.memory_space<vmem>>, vector<1x1x16xf32>,
      %get3A_344 = vector.shape_cast %get3A_343 : vector<1x1x16xf32> to vector<16xf32>
      %slice3A = vector.extract_strided_slice %get3A_334 {offsets = [0], sizes = [1], strides = [1]} : vector<16xf32> to vector<1xf32>
      %squeeze3A = vector.extract %slice3A[0] : f32 from vector<1xf32>
      %mul3A_345 = vector.broadcast %squeeze3A : f32 to vector<16xf32>
      %mul3A_346 = arith.mulf %get3A_344, %mul3A_345 : vector<16xf32>
      %swap3A = arith.constant 0 : i32
      %swap3A_347 = arith.index_cast %swap3A : i32 to index
      %swap3A_348 = arith.index_cast %add3A_338 : i32 to index
      %swap3A_349 = arith.constant 0 : index
      %swap3A_350 = tpu.vector_load %arg16[%swap3A_347, %swap3A_348, %swap3A_349] {strides = array<i32>} : memref<2x80x16xf32, #tpu.memory_space<vmem>>, vector<1x1x16xf32>,
      %swap3A_351 = vector.shape_cast %swap3A_350 : vector<1x1x16xf32> to vector<16xf32>
      %swap3A_352 = vector.shape_cast %mul3A_346 : vector<16xf32> to vector<1x1x16xf32>
      tpu.vector_store %arg16[%swap3A_347, %swap3A_348, %swap3A_349], %swap3A_352 {strides = array<i32>} : memref<2x80x16xf32, #tpu.memory_space<vmem>>, vector<1x1x16xf32>,
      %mul3A_353 = arith.constant 16 : i32
      %mul3A_354 = arith.muli %scan3A_328, %mul3A_353 : i32
      %add3A_355 = arith.constant 1 : i32
      %add3A_356 = arith.addi %mul3A_354, %add3A_355 : i32
      %get3A_357 = arith.constant 0 : i32
      %get3A_358 = arith.index_cast %get3A_357 : i32 to index
      %get3A_359 = arith.index_cast %add3A_356 : i32 to index
      %get3A_360 = arith.constant 0 : index
      %get3A_361 = tpu.vector_load %arg15[%get3A_358, %get3A_359, %get3A_360] {strides = array<i32>} : memref<2x80x16xf32, #tpu.memory_space<vmem>>, vector<1x1x16xf32>,
      %get3A_362 = vector.shape_cast %get3A_361 : vector<1x1x16xf32> to vector<16xf32>
      %slice3A_363 = vector.extract_strided_slice %get3A_334 {offsets = [1], sizes = [1], strides = [1]} : vector<16xf32> to vector<1xf32>
      %squeeze3A_364 = vector.extract %slice3A_363[0] : f32 from vector<1xf32>
      %mul3A_365 = vector.broadcast %squeeze3A_364 : f32 to vector<16xf32>
      %mul3A_366 = arith.mulf %get3A_362, %mul3A_365 : vector<16xf32>
      %swap3A_367 = arith.constant 0 : i32
      %swap3A_368 = arith.index_cast %swap3A_367 : i32 to index
      %swap3A_369 = arith.index_cast %add3A_356 : i32 to index
      %swap3A_370 = arith.constant 0 : index
      %swap3A_371 = tpu.vector_load %arg16[%swap3A_368, %swap3A_369, %swap3A_370] {strides = array<i32>} : memref<2x80x16xf32, #tpu.memory_space<vmem>>, vector<1x1x16xf32>,
      %swap3A_372 = vector.shape_cast %swap3A_371 : vector<1x1x16xf32> to vector<16xf32>
      %swap3A_373 = vector.shape_cast %mul3A_366 : vector<16xf32> to vector<1x1x16xf32>
      tpu.vector_store %arg16[%swap3A_368, %swap3A_369, %swap3A_370], %swap3A_373 {strides = array<i32>} : memref<2x80x16xf32, #tpu.memory_space<vmem>>, vector<1x1x16xf32>,
      %mul3A_374 = arith.constant 16 : i32
      %mul3A_375 = arith.muli %scan3A_328, %mul3A_374 : i32
      %add3A_376 = arith.constant 2 : i32
      %add3A_377 = arith.addi %mul3A_375, %add3A_376 : i32
      %get3A_378 = arith.constant 0 : i32
      %get3A_379 = arith.index_cast %get3A_378 : i32 to index
      %get3A_380 = arith.index_cast %add3A_377 : i32 to index
      %get3A_381 = arith.constant 0 : index
      %get3A_382 = tpu.vector_load %arg15[%get3A_379, %get3A_380, %get3A_381] {strides = array<i32>} : memref<2x80x16xf32, #tpu.memory_space<vmem>>, vector<1x1x16xf32>,
      %get3A_383 = vector.shape_cast %get3A_382 : vector<1x1x16xf32> to vector<16xf32>
      %slice3A_384 = vector.extract_strided_slice %get3A_334 {offsets = [2], sizes = [1], strides = [1]} : vector<16xf32> to vector<1xf32>
      %squeeze3A_385 = vector.extract %slice3A_384[0] : f32 from vector<1xf32>
      %mul3A_386 = vector.broadcast %squeeze3A_385 : f32 to vector<16xf32>
      %mul3A_387 = arith.mulf %get3A_383, %mul3A_386 : vector<16xf32>
      %swap3A_388 = arith.constant 0 : i32
      %swap3A_389 = arith.index_cast %swap3A_388 : i32 to index
      %swap3A_390 = arith.index_cast %add3A_377 : i32 to index
      %swap3A_391 = arith.constant 0 : index
      %swap3A_392 = tpu.vector_load %arg16[%swap3A_389, %swap3A_390, %swap3A_391] {strides = array<i32>} : memref<2x80x16xf32, #tpu.memory_space<vmem>>, vector<1x1x16xf32>,
      %swap3A_393 = vector.shape_cast %swap3A_392 : vector<1x1x16xf32> to vector<16xf32>
      %swap3A_394 = vector.shape_cast %mul3A_387 : vector<16xf32> to vector<1x1x16xf32>
      tpu.vector_store %arg16[%swap3A_389, %swap3A_390, %swap3A_391], %swap3A_394 {strides = array<i32>} : memref<2x80x16xf32, #tpu.memory_space<vmem>>, vector<1x1x16xf32>,
      %mul3A_395 = arith.constant 16 : i32
      %mul3A_396 = arith.muli %scan3A_328, %mul3A_395 : i32
      %add3A_397 = arith.constant 3 : i32
      %add3A_398 = arith.addi %mul3A_396, %add3A_397 : i32
      %get3A_399 = arith.constant 0 : i32
      %get3A_400 = arith.index_cast %get3A_399 : i32 to index
      %get3A_401 = arith.index_cast %add3A_398 : i32 to index
      %get3A_402 = arith.constant 0 : index
      %get3A_403 = tpu.vector_load %arg15[%get3A_400, %get3A_401, %get3A_402] {strides = array<i32>} : memref<2x80x16xf32, #tpu.memory_space<vmem>>, vector<1x1x16xf32>,
      %get3A_404 = vector.shape_cast %get3A_403 : vector<1x1x16xf32> to vector<16xf32>
      %slice3A_405 = vector.extract_strided_slice %get3A_334 {offsets = [3], sizes = [1], strides = [1]} : vector<16xf32> to vector<1xf32>
      %squeeze3A_406 = vector.extract %slice3A_405[0] : f32 from vector<1xf32>
      %mul3A_407 = vector.broadcast %squeeze3A_406 : f32 to vector<16xf32>
      %mul3A_408 = arith.mulf %get3A_404, %mul3A_407 : vector<16xf32>
      %swap3A_409 = arith.constant 0 : i32
      %swap3A_410 = arith.index_cast %swap3A_409 : i32 to index
      %swap3A_411 = arith.index_cast %add3A_398 : i32 to index
      %swap3A_412 = arith.constant 0 : index
      %swap3A_413 = tpu.vector_load %arg16[%swap3A_410, %swap3A_411, %swap3A_412] {strides = array<i32>} : memref<2x80x16xf32, #tpu.memory_space<vmem>>, vector<1x1x16xf32>,
      %swap3A_414 = vector.shape_cast %swap3A_413 : vector<1x1x16xf32> to vector<16xf32>
      %swap3A_415 = vector.shape_cast %mul3A_408 : vector<16xf32> to vector<1x1x16xf32>
      tpu.vector_store %arg16[%swap3A_410, %swap3A_411, %swap3A_412], %swap3A_415 {strides = array<i32>} : memref<2x80x16xf32, #tpu.memory_space<vmem>>, vector<1x1x16xf32>,
      %mul3A_416 = arith.constant 16 : i32
      %mul3A_417 = arith.muli %scan3A_328, %mul3A_416 : i32
      %add3A_418 = arith.constant 4 : i32
      %add3A_419 = arith.addi %mul3A_417, %add3A_418 : i32
      %get3A_420 = arith.constant 0 : i32
      %get3A_421 = arith.index_cast %get3A_420 : i32 to index
      %get3A_422 = arith.index_cast %add3A_419 : i32 to index
      %get3A_423 = arith.constant 0 : index
      %get3A_424 = tpu.vector_load %arg15[%get3A_421, %get3A_422, %get3A_423] {strides = array<i32>} : memref<2x80x16xf32, #tpu.memory_space<vmem>>, vector<1x1x16xf32>,
      %get3A_425 = vector.shape_cast %get3A_424 : vector<1x1x16xf32> to vector<16xf32>
      %slice3A_426 = vector.extract_strided_slice %get3A_334 {offsets = [4], sizes = [1], strides = [1]} : vector<16xf32> to vector<1xf32>
      %squeeze3A_427 = vector.extract %slice3A_426[0] : f32 from vector<1xf32>
      %mul3A_428 = vector.broadcast %squeeze3A_427 : f32 to vector<16xf32>
      %mul3A_429 = arith.mulf %get3A_425, %mul3A_428 : vector<16xf32>
      %swap3A_430 = arith.constant 0 : i32
      %swap3A_431 = arith.index_cast %swap3A_430 : i32 to index
      %swap3A_432 = arith.index_cast %add3A_419 : i32 to index
      %swap3A_433 = arith.constant 0 : index
      %swap3A_434 = tpu.vector_load %arg16[%swap3A_431, %swap3A_432, %swap3A_433] {strides = array<i32>} : memref<2x80x16xf32, #tpu.memory_space<vmem>>, vector<1x1x16xf32>,
      %swap3A_435 = vector.shape_cast %swap3A_434 : vector<1x1x16xf32> to vector<16xf32>
      %swap3A_436 = vector.shape_cast %mul3A_429 : vector<16xf32> to vector<1x1x16xf32>
      tpu.vector_store %arg16[%swap3A_431, %swap3A_432, %swap3A_433], %swap3A_436 {strides = array<i32>} : memref<2x80x16xf32, #tpu.memory_space<vmem>>, vector<1x1x16xf32>,
      %mul3A_437 = arith.constant 16 : i32
      %mul3A_438 = arith.muli %scan3A_328, %mul3A_437 : i32
      %add3A_439 = arith.constant 5 : i32
      %add3A_440 = arith.addi %mul3A_438, %add3A_439 : i32
      %get3A_441 = arith.constant 0 : i32
      %get3A_442 = arith.index_cast %get3A_441 : i32 to index
      %get3A_443 = arith.index_cast %add3A_440 : i32 to index
      %get3A_444 = arith.constant 0 : index
      %get3A_445 = tpu.vector_load %arg15[%get3A_442, %get3A_443, %get3A_444] {strides = array<i32>} : memref<2x80x16xf32, #tpu.memory_space<vmem>>, vector<1x1x16xf32>,
      %get3A_446 = vector.shape_cast %get3A_445 : vector<1x1x16xf32> to vector<16xf32>
      %slice3A_447 = vector.extract_strided_slice %get3A_334 {offsets = [5], sizes = [1], strides = [1]} : vector<16xf32> to vector<1xf32>
      %squeeze3A_448 = vector.extract %slice3A_447[0] : f32 from vector<1xf32>
      %mul3A_449 = vector.broadcast %squeeze3A_448 : f32 to vector<16xf32>
      %mul3A_450 = arith.mulf %get3A_446, %mul3A_449 : vector<16xf32>
      %swap3A_451 = arith.constant 0 : i32
      %swap3A_452 = arith.index_cast %swap3A_451 : i32 to index
      %swap3A_453 = arith.index_cast %add3A_440 : i32 to index
      %swap3A_454 = arith.constant 0 : index
      %swap3A_455 = tpu.vector_load %arg16[%swap3A_452, %swap3A_453, %swap3A_454] {strides = array<i32>} : memref<2x80x16xf32, #tpu.memory_space<vmem>>, vector<1x1x16xf32>,
      %swap3A_456 = vector.shape_cast %swap3A_455 : vector<1x1x16xf32> to vector<16xf32>
      %swap3A_457 = vector.shape_cast %mul3A_450 : vector<16xf32> to vector<1x1x16xf32>
      tpu.vector_store %arg16[%swap3A_452, %swap3A_453, %swap3A_454], %swap3A_457 {strides = array<i32>} : memref<2x80x16xf32, #tpu.memory_space<vmem>>, vector<1x1x16xf32>,
      %mul3A_458 = arith.constant 16 : i32
      %mul3A_459 = arith.muli %scan3A_328, %mul3A_458 : i32
      %add3A_460 = arith.constant 6 : i32
      %add3A_461 = arith.addi %mul3A_459, %add3A_460 : i32
      %get3A_462 = arith.constant 0 : i32
      %get3A_463 = arith.index_cast %get3A_462 : i32 to index
      %get3A_464 = arith.index_cast %add3A_461 : i32 to index
      %get3A_465 = arith.constant 0 : index
      %get3A_466 = tpu.vector_load %arg15[%get3A_463, %get3A_464, %get3A_465] {strides = array<i32>} : memref<2x80x16xf32, #tpu.memory_space<vmem>>, vector<1x1x16xf32>,
      %get3A_467 = vector.shape_cast %get3A_466 : vector<1x1x16xf32> to vector<16xf32>
      %slice3A_468 = vector.extract_strided_slice %get3A_334 {offsets = [6], sizes = [1], strides = [1]} : vector<16xf32> to vector<1xf32>
      %squeeze3A_469 = vector.extract %slice3A_468[0] : f32 from vector<1xf32>
      %mul3A_470 = vector.broadcast %squeeze3A_469 : f32 to vector<16xf32>
      %mul3A_471 = arith.mulf %get3A_467, %mul3A_470 : vector<16xf32>
      %swap3A_472 = arith.constant 0 : i32
      %swap3A_473 = arith.index_cast %swap3A_472 : i32 to index
      %swap3A_474 = arith.index_cast %add3A_461 : i32 to index
      %swap3A_475 = arith.constant 0 : index
      %swap3A_476 = tpu.vector_load %arg16[%swap3A_473, %swap3A_474, %swap3A_475] {strides = array<i32>} : memref<2x80x16xf32, #tpu.memory_space<vmem>>, vector<1x1x16xf32>,
      %swap3A_477 = vector.shape_cast %swap3A_476 : vector<1x1x16xf32> to vector<16xf32>
      %swap3A_478 = vector.shape_cast %mul3A_471 : vector<16xf32> to vector<1x1x16xf32>
      tpu.vector_store %arg16[%swap3A_473, %swap3A_474, %swap3A_475], %swap3A_478 {strides = array<i32>} : memref<2x80x16xf32, #tpu.memory_space<vmem>>, vector<1x1x16xf32>,
      %mul3A_479 = arith.constant 16 : i32
      %mul3A_480 = arith.muli %scan3A_328, %mul3A_479 : i32
      %add3A_481 = arith.constant 7 : i32
      %add3A_482 = arith.addi %mul3A_480, %add3A_481 : i32
      %get3A_483 = arith.constant 0 : i32
      %get3A_484 = arith.index_cast %get3A_483 : i32 to index
      %get3A_485 = arith.index_cast %add3A_482 : i32 to index
      %get3A_486 = arith.constant 0 : index
      %get3A_487 = tpu.vector_load %arg15[%get3A_484, %get3A_485, %get3A_486] {strides = array<i32>} : memref<2x80x16xf32, #tpu.memory_space<vmem>>, vector<1x1x16xf32>,
      %get3A_488 = vector.shape_cast %get3A_487 : vector<1x1x16xf32> to vector<16xf32>
      %slice3A_489 = vector.extract_strided_slice %get3A_334 {offsets = [7], sizes = [1], strides = [1]} : vector<16xf32> to vector<1xf32>
      %squeeze3A_490 = vector.extract %slice3A_489[0] : f32 from vector<1xf32>
      %mul3A_491 = vector.broadcast %squeeze3A_490 : f32 to vector<16xf32>
      %mul3A_492 = arith.mulf %get3A_488, %mul3A_491 : vector<16xf32>
      %swap3A_493 = arith.constant 0 : i32
      %swap3A_494 = arith.index_cast %swap3A_493 : i32 to index
      %swap3A_495 = arith.index_cast %add3A_482 : i32 to index
      %swap3A_496 = arith.constant 0 : index
      %swap3A_497 = tpu.vector_load %arg16[%swap3A_494, %swap3A_495, %swap3A_496] {strides = array<i32>} : memref<2x80x16xf32, #tpu.memory_space<vmem>>, vector<1x1x16xf32>,
      %swap3A_498 = vector.shape_cast %swap3A_497 : vector<1x1x16xf32> to vector<16xf32>
      %swap3A_499 = vector.shape_cast %mul3A_492 : vector<16xf32> to vector<1x1x16xf32>
      tpu.vector_store %arg16[%swap3A_494, %swap3A_495, %swap3A_496], %swap3A_499 {strides = array<i32>} : memref<2x80x16xf32, #tpu.memory_space<vmem>>, vector<1x1x16xf32>,
      %mul3A_500 = arith.constant 16 : i32
      %mul3A_501 = arith.muli %scan3A_328, %mul3A_500 : i32
      %add3A_502 = arith.constant 8 : i32
      %add3A_503 = arith.addi %mul3A_501, %add3A_502 : i32
      %get3A_504 = arith.constant 0 : i32
      %get3A_505 = arith.index_cast %get3A_504 : i32 to index
      %get3A_506 = arith.index_cast %add3A_503 : i32 to index
      %get3A_507 = arith.constant 0 : index
      %get3A_508 = tpu.vector_load %arg15[%get3A_505, %get3A_506, %get3A_507] {strides = array<i32>} : memref<2x80x16xf32, #tpu.memory_space<vmem>>, vector<1x1x16xf32>,
      %get3A_509 = vector.shape_cast %get3A_508 : vector<1x1x16xf32> to vector<16xf32>
      %slice3A_510 = vector.extract_strided_slice %get3A_334 {offsets = [8], sizes = [1], strides = [1]} : vector<16xf32> to vector<1xf32>
      %squeeze3A_511 = vector.extract %slice3A_510[0] : f32 from vector<1xf32>
      %mul3A_512 = vector.broadcast %squeeze3A_511 : f32 to vector<16xf32>
      %mul3A_513 = arith.mulf %get3A_509, %mul3A_512 : vector<16xf32>
      %swap3A_514 = arith.constant 0 : i32
      %swap3A_515 = arith.index_cast %swap3A_514 : i32 to index
      %swap3A_516 = arith.index_cast %add3A_503 : i32 to index
      %swap3A_517 = arith.constant 0 : index
      %swap3A_518 = tpu.vector_load %arg16[%swap3A_515, %swap3A_516, %swap3A_517] {strides = array<i32>} : memref<2x80x16xf32, #tpu.memory_space<vmem>>, vector<1x1x16xf32>,
      %swap3A_519 = vector.shape_cast %swap3A_518 : vector<1x1x16xf32> to vector<16xf32>
      %swap3A_520 = vector.shape_cast %mul3A_513 : vector<16xf32> to vector<1x1x16xf32>
      tpu.vector_store %arg16[%swap3A_515, %swap3A_516, %swap3A_517], %swap3A_520 {strides = array<i32>} : memref<2x80x16xf32, #tpu.memory_space<vmem>>, vector<1x1x16xf32>,
      %mul3A_521 = arith.constant 16 : i32
      %mul3A_522 = arith.muli %scan3A_328, %mul3A_521 : i32
      %add3A_523 = arith.constant 9 : i32
      %add3A_524 = arith.addi %mul3A_522, %add3A_523 : i32
      %get3A_525 = arith.constant 0 : i32
      %get3A_526 = arith.index_cast %get3A_525 : i32 to index
      %get3A_527 = arith.index_cast %add3A_524 : i32 to index
      %get3A_528 = arith.constant 0 : index
      %get3A_529 = tpu.vector_load %arg15[%get3A_526, %get3A_527, %get3A_528] {strides = array<i32>} : memref<2x80x16xf32, #tpu.memory_space<vmem>>, vector<1x1x16xf32>,
      %get3A_530 = vector.shape_cast %get3A_529 : vector<1x1x16xf32> to vector<16xf32>
      %slice3A_531 = vector.extract_strided_slice %get3A_334 {offsets = [9], sizes = [1], strides = [1]} : vector<16xf32> to vector<1xf32>
      %squeeze3A_532 = vector.extract %slice3A_531[0] : f32 from vector<1xf32>
      %mul3A_533 = vector.broadcast %squeeze3A_532 : f32 to vector<16xf32>
      %mul3A_534 = arith.mulf %get3A_530, %mul3A_533 : vector<16xf32>
      %swap3A_535 = arith.constant 0 : i32
      %swap3A_536 = arith.index_cast %swap3A_535 : i32 to index
      %swap3A_537 = arith.index_cast %add3A_524 : i32 to index
      %swap3A_538 = arith.constant 0 : index
      %swap3A_539 = tpu.vector_load %arg16[%swap3A_536, %swap3A_537, %swap3A_538] {strides = array<i32>} : memref<2x80x16xf32, #tpu.memory_space<vmem>>, vector<1x1x16xf32>,
      %swap3A_540 = vector.shape_cast %swap3A_539 : vector<1x1x16xf32> to vector<16xf32>
      %swap3A_541 = vector.shape_cast %mul3A_534 : vector<16xf32> to vector<1x1x16xf32>
      tpu.vector_store %arg16[%swap3A_536, %swap3A_537, %swap3A_538], %swap3A_541 {strides = array<i32>} : memref<2x80x16xf32, #tpu.memory_space<vmem>>, vector<1x1x16xf32>,
      %mul3A_542 = arith.constant 16 : i32
      %mul3A_543 = arith.muli %scan3A_328, %mul3A_542 : i32
      %add3A_544 = arith.constant 10 : i32
      %add3A_545 = arith.addi %mul3A_543, %add3A_544 : i32
      %get3A_546 = arith.constant 0 : i32
      %get3A_547 = arith.index_cast %get3A_546 : i32 to index
      %get3A_548 = arith.index_cast %add3A_545 : i32 to index
      %get3A_549 = arith.constant 0 : index
      %get3A_550 = tpu.vector_load %arg15[%get3A_547, %get3A_548, %get3A_549] {strides = array<i32>} : memref<2x80x16xf32, #tpu.memory_space<vmem>>, vector<1x1x16xf32>,
      %get3A_551 = vector.shape_cast %get3A_550 : vector<1x1x16xf32> to vector<16xf32>
      %slice3A_552 = vector.extract_strided_slice %get3A_334 {offsets = [10], sizes = [1], strides = [1]} : vector<16xf32> to vector<1xf32>
      %squeeze3A_553 = vector.extract %slice3A_552[0] : f32 from vector<1xf32>
      %mul3A_554 = vector.broadcast %squeeze3A_553 : f32 to vector<16xf32>
      %mul3A_555 = arith.mulf %get3A_551, %mul3A_554 : vector<16xf32>
      %swap3A_556 = arith.constant 0 : i32
      %swap3A_557 = arith.index_cast %swap3A_556 : i32 to index
      %swap3A_558 = arith.index_cast %add3A_545 : i32 to index
      %swap3A_559 = arith.constant 0 : index
      %swap3A_560 = tpu.vector_load %arg16[%swap3A_557, %swap3A_558, %swap3A_559] {strides = array<i32>} : memref<2x80x16xf32, #tpu.memory_space<vmem>>, vector<1x1x16xf32>,
      %swap3A_561 = vector.shape_cast %swap3A_560 : vector<1x1x16xf32> to vector<16xf32>
      %swap3A_562 = vector.shape_cast %mul3A_555 : vector<16xf32> to vector<1x1x16xf32>
      tpu.vector_store %arg16[%swap3A_557, %swap3A_558, %swap3A_559], %swap3A_562 {strides = array<i32>} : memref<2x80x16xf32, #tpu.memory_space<vmem>>, vector<1x1x16xf32>,
      %mul3A_563 = arith.constant 16 : i32
      %mul3A_564 = arith.muli %scan3A_328, %mul3A_563 : i32
      %add3A_565 = arith.constant 11 : i32
      %add3A_566 = arith.addi %mul3A_564, %add3A_565 : i32
      %get3A_567 = arith.constant 0 : i32
      %get3A_568 = arith.index_cast %get3A_567 : i32 to index
      %get3A_569 = arith.index_cast %add3A_566 : i32 to index
      %get3A_570 = arith.constant 0 : index
      %get3A_571 = tpu.vector_load %arg15[%get3A_568, %get3A_569, %get3A_570] {strides = array<i32>} : memref<2x80x16xf32, #tpu.memory_space<vmem>>, vector<1x1x16xf32>,
      %get3A_572 = vector.shape_cast %get3A_571 : vector<1x1x16xf32> to vector<16xf32>
      %slice3A_573 = vector.extract_strided_slice %get3A_334 {offsets = [11], sizes = [1], strides = [1]} : vector<16xf32> to vector<1xf32>
      %squeeze3A_574 = vector.extract %slice3A_573[0] : f32 from vector<1xf32>
      %mul3A_575 = vector.broadcast %squeeze3A_574 : f32 to vector<16xf32>
      %mul3A_576 = arith.mulf %get3A_572, %mul3A_575 : vector<16xf32>
      %swap3A_577 = arith.constant 0 : i32
      %swap3A_578 = arith.index_cast %swap3A_577 : i32 to index
      %swap3A_579 = arith.index_cast %add3A_566 : i32 to index
      %swap3A_580 = arith.constant 0 : index
      %swap3A_581 = tpu.vector_load %arg16[%swap3A_578, %swap3A_579, %swap3A_580] {strides = array<i32>} : memref<2x80x16xf32, #tpu.memory_space<vmem>>, vector<1x1x16xf32>,
      %swap3A_582 = vector.shape_cast %swap3A_581 : vector<1x1x16xf32> to vector<16xf32>
      %swap3A_583 = vector.shape_cast %mul3A_576 : vector<16xf32> to vector<1x1x16xf32>
      tpu.vector_store %arg16[%swap3A_578, %swap3A_579, %swap3A_580], %swap3A_583 {strides = array<i32>} : memref<2x80x16xf32, #tpu.memory_space<vmem>>, vector<1x1x16xf32>,
      %mul3A_584 = arith.constant 16 : i32
      %mul3A_585 = arith.muli %scan3A_328, %mul3A_584 : i32
      %add3A_586 = arith.constant 12 : i32
      %add3A_587 = arith.addi %mul3A_585, %add3A_586 : i32
      %get3A_588 = arith.constant 0 : i32
      %get3A_589 = arith.index_cast %get3A_588 : i32 to index
      %get3A_590 = arith.index_cast %add3A_587 : i32 to index
      %get3A_591 = arith.constant 0 : index
      %get3A_592 = tpu.vector_load %arg15[%get3A_589, %get3A_590, %get3A_591] {strides = array<i32>} : memref<2x80x16xf32, #tpu.memory_space<vmem>>, vector<1x1x16xf32>,
      %get3A_593 = vector.shape_cast %get3A_592 : vector<1x1x16xf32> to vector<16xf32>
      %slice3A_594 = vector.extract_strided_slice %get3A_334 {offsets = [12], sizes = [1], strides = [1]} : vector<16xf32> to vector<1xf32>
      %squeeze3A_595 = vector.extract %slice3A_594[0] : f32 from vector<1xf32>
      %mul3A_596 = vector.broadcast %squeeze3A_595 : f32 to vector<16xf32>
      %mul3A_597 = arith.mulf %get3A_593, %mul3A_596 : vector<16xf32>
      %swap3A_598 = arith.constant 0 : i32
      %swap3A_599 = arith.index_cast %swap3A_598 : i32 to index
      %swap3A_600 = arith.index_cast %add3A_587 : i32 to index
      %swap3A_601 = arith.constant 0 : index
      %swap3A_602 = tpu.vector_load %arg16[%swap3A_599, %swap3A_600, %swap3A_601] {strides = array<i32>} : memref<2x80x16xf32, #tpu.memory_space<vmem>>, vector<1x1x16xf32>,
      %swap3A_603 = vector.shape_cast %swap3A_602 : vector<1x1x16xf32> to vector<16xf32>
      %swap3A_604 = vector.shape_cast %mul3A_597 : vector<16xf32> to vector<1x1x16xf32>
      tpu.vector_store %arg16[%swap3A_599, %swap3A_600, %swap3A_601], %swap3A_604 {strides = array<i32>} : memref<2x80x16xf32, #tpu.memory_space<vmem>>, vector<1x1x16xf32>,
      %mul3A_605 = arith.constant 16 : i32
      %mul3A_606 = arith.muli %scan3A_328, %mul3A_605 : i32
      %add3A_607 = arith.constant 13 : i32
      %add3A_608 = arith.addi %mul3A_606, %add3A_607 : i32
      %get3A_609 = arith.constant 0 : i32
      %get3A_610 = arith.index_cast %get3A_609 : i32 to index
      %get3A_611 = arith.index_cast %add3A_608 : i32 to index
      %get3A_612 = arith.constant 0 : index
      %get3A_613 = tpu.vector_load %arg15[%get3A_610, %get3A_611, %get3A_612] {strides = array<i32>} : memref<2x80x16xf32, #tpu.memory_space<vmem>>, vector<1x1x16xf32>,
      %get3A_614 = vector.shape_cast %get3A_613 : vector<1x1x16xf32> to vector<16xf32>
      %slice3A_615 = vector.extract_strided_slice %get3A_334 {offsets = [13], sizes = [1], strides = [1]} : vector<16xf32> to vector<1xf32>
      %squeeze3A_616 = vector.extract %slice3A_615[0] : f32 from vector<1xf32>
      %mul3A_617 = vector.broadcast %squeeze3A_616 : f32 to vector<16xf32>
      %mul3A_618 = arith.mulf %get3A_614, %mul3A_617 : vector<16xf32>
      %swap3A_619 = arith.constant 0 : i32
      %swap3A_620 = arith.index_cast %swap3A_619 : i32 to index
      %swap3A_621 = arith.index_cast %add3A_608 : i32 to index
      %swap3A_622 = arith.constant 0 : index
      %swap3A_623 = tpu.vector_load %arg16[%swap3A_620, %swap3A_621, %swap3A_622] {strides = array<i32>} : memref<2x80x16xf32, #tpu.memory_space<vmem>>, vector<1x1x16xf32>,
      %swap3A_624 = vector.shape_cast %swap3A_623 : vector<1x1x16xf32> to vector<16xf32>
      %swap3A_625 = vector.shape_cast %mul3A_618 : vector<16xf32> to vector<1x1x16xf32>
      tpu.vector_store %arg16[%swap3A_620, %swap3A_621, %swap3A_622], %swap3A_625 {strides = array<i32>} : memref<2x80x16xf32, #tpu.memory_space<vmem>>, vector<1x1x16xf32>,
      %mul3A_626 = arith.constant 16 : i32
      %mul3A_627 = arith.muli %scan3A_328, %mul3A_626 : i32
      %add3A_628 = arith.constant 14 : i32
      %add3A_629 = arith.addi %mul3A_627, %add3A_628 : i32
      %get3A_630 = arith.constant 0 : i32
      %get3A_631 = arith.index_cast %get3A_630 : i32 to index
      %get3A_632 = arith.index_cast %add3A_629 : i32 to index
      %get3A_633 = arith.constant 0 : index
      %get3A_634 = tpu.vector_load %arg15[%get3A_631, %get3A_632, %get3A_633] {strides = array<i32>} : memref<2x80x16xf32, #tpu.memory_space<vmem>>, vector<1x1x16xf32>,
      %get3A_635 = vector.shape_cast %get3A_634 : vector<1x1x16xf32> to vector<16xf32>
      %slice3A_636 = vector.extract_strided_slice %get3A_334 {offsets = [14], sizes = [1], strides = [1]} : vector<16xf32> to vector<1xf32>
      %squeeze3A_637 = vector.extract %slice3A_636[0] : f32 from vector<1xf32>
      %mul3A_638 = vector.broadcast %squeeze3A_637 : f32 to vector<16xf32>
      %mul3A_639 = arith.mulf %get3A_635, %mul3A_638 : vector<16xf32>
      %swap3A_640 = arith.constant 0 : i32
      %swap3A_641 = arith.index_cast %swap3A_640 : i32 to index
      %swap3A_642 = arith.index_cast %add3A_629 : i32 to index
      %swap3A_643 = arith.constant 0 : index
      %swap3A_644 = tpu.vector_load %arg16[%swap3A_641, %swap3A_642, %swap3A_643] {strides = array<i32>} : memref<2x80x16xf32, #tpu.memory_space<vmem>>, vector<1x1x16xf32>,
      %swap3A_645 = vector.shape_cast %swap3A_644 : vector<1x1x16xf32> to vector<16xf32>
      %swap3A_646 = vector.shape_cast %mul3A_639 : vector<16xf32> to vector<1x1x16xf32>
      tpu.vector_store %arg16[%swap3A_641, %swap3A_642, %swap3A_643], %swap3A_646 {strides = array<i32>} : memref<2x80x16xf32, #tpu.memory_space<vmem>>, vector<1x1x16xf32>,
      %mul3A_647 = arith.constant 16 : i32
      %mul3A_648 = arith.muli %scan3A_328, %mul3A_647 : i32
      %add3A_649 = arith.constant 15 : i32
      %add3A_650 = arith.addi %mul3A_648, %add3A_649 : i32
      %get3A_651 = arith.constant 0 : i32
      %get3A_652 = arith.index_cast %get3A_651 : i32 to index
      %get3A_653 = arith.index_cast %add3A_650 : i32 to index
      %get3A_654 = arith.constant 0 : index
      %get3A_655 = tpu.vector_load %arg15[%get3A_652, %get3A_653, %get3A_654] {strides = array<i32>} : memref<2x80x16xf32, #tpu.memory_space<vmem>>, vector<1x1x16xf32>,
      %get3A_656 = vector.shape_cast %get3A_655 : vector<1x1x16xf32> to vector<16xf32>
      %slice3A_657 = vector.extract_strided_slice %get3A_334 {offsets = [15], sizes = [1], strides = [1]} : vector<16xf32> to vector<1xf32>
      %squeeze3A_658 = vector.extract %slice3A_657[0] : f32 from vector<1xf32>
      %mul3A_659 = vector.broadcast %squeeze3A_658 : f32 to vector<16xf32>
      %mul3A_660 = arith.mulf %get3A_656, %mul3A_659 : vector<16xf32>
      %swap3A_661 = arith.constant 0 : i32
      %swap3A_662 = arith.index_cast %swap3A_661 : i32 to index
      %swap3A_663 = arith.index_cast %add3A_650 : i32 to index
      %swap3A_664 = arith.constant 0 : index
      %swap3A_665 = tpu.vector_load %arg16[%swap3A_662, %swap3A_663, %swap3A_664] {strides = array<i32>} : memref<2x80x16xf32, #tpu.memory_space<vmem>>, vector<1x1x16xf32>,
      %swap3A_666 = vector.shape_cast %swap3A_665 : vector<1x1x16xf32> to vector<16xf32>
      %swap3A_667 = vector.shape_cast %mul3A_660 : vector<16xf32> to vector<1x1x16xf32>
      tpu.vector_store %arg16[%swap3A_662, %swap3A_663, %swap3A_664], %swap3A_667 {strides = array<i32>} : memref<2x80x16xf32, #tpu.memory_space<vmem>>, vector<1x1x16xf32>,
    }
    %scan3A_109 = arith.constant 5 : i32
    %add3A_110 = arith.constant 124 : i32
    %add3A_111 = arith.addi %mul3A_6, %add3A_110 : i32
    %dma_start3A_112 = arith.constant 0 : i32
    %dma_start3A_113 = arith.constant 0 : i32
    %dma_start3A_114 = arith.constant 0 : i32
    %dma_start3A_115 = tpu.memref_slice %arg16[%dma_start3A_112, %dma_start3A_113, %dma_start3A_114] : memref<2x80x16xf32, #tpu.memory_space<vmem>> -> memref<1x80x16xf32, #tpu.memory_space<vmem>>
    %dma_start3A_116 = tpu.memref_squeeze %dma_start3A_115 : memref<1x80x16xf32, #tpu.memory_space<vmem>> -> memref<80x16xf32, #tpu.memory_space<vmem>>
    %dma_start3A_117 = arith.constant 0 : i32
    %dma_start3A_118 = tpu.memref_slice %arg12[%add3A_111, %dma_start3A_117] : memref<250x80xi32, #tpu.memory_space<vmem>> -> memref<1x80xi32, #tpu.memory_space<vmem>>
    %dma_start3A_119 = tpu.memref_squeeze %dma_start3A_118 : memref<1x80xi32, #tpu.memory_space<vmem>> -> memref<80xi32, #tpu.memory_space<vmem>>
    %dma_start3A_120 = arith.constant 0 : i32
    %dma_start3A_121 = arith.constant 0 : i32
    %dma_start3A_122 = tpu.memref_slice %arg18[%dma_start3A_120, %dma_start3A_121] : memref<10000x16xf32, #tpu.memory_space<vmem_shared>> -> memref<10000x16xf32, #tpu.memory_space<vmem_shared>>
    tpu.enqueue_indirect_dma source(%dma_start3A_116 : memref<80x16xf32, #tpu.memory_space<vmem>>) target(%dma_start3A_122 : memref<10000x16xf32, #tpu.memory_space<vmem_shared>>) offsets(%dma_start3A_119 : memref<80xi32, #tpu.memory_space<vmem>>) semaphore(%arg31 : memref<!tpu.dma_semaphore, #tpu.memory_space<semaphore_mem>>) {add = true}
    %add3A_123 = arith.constant 124 : i32
    %add3A_124 = arith.constant 2 : i32
    %add3A_125 = arith.addi %add3A_123, %add3A_124 : i32
    %lt3A = arith.constant 125 : i32
    %lt3A_126 = arith.cmpi slt, %add3A_125, %lt3A : i32
    %convert_element_type3A_127 = arith.extui %lt3A_126 : i1 to i32
    %cond3A_128 = arith.constant 124 : i32
    %cond3A_129 = arith.constant 0 : i32
    %cond3A_130 = arith.cmpi ne, %convert_element_type3A_127, %cond3A_129 : i32
    scf.if %cond3A_130 {
      %add3A_328 = arith.constant 2 : i32
      %add3A_329 = arith.addi %cond3A_128, %add3A_328 : i32
      %add3A_330 = arith.addi %mul3A_6, %add3A_329 : i32
      %dma_start3A_331 = arith.constant 0 : i32
      %dma_start3A_332 = arith.constant 0 : i32
      %dma_start3A_333 = tpu.memref_slice %arg13[%dma_start3A_331, %dma_start3A_332] : memref<2x80xf32, #tpu.memory_space<vmem>> -> memref<1x80xf32, #tpu.memory_space<vmem>>
      %dma_start3A_334 = tpu.memref_squeeze %dma_start3A_333 : memref<1x80xf32, #tpu.memory_space<vmem>> -> memref<80xf32, #tpu.memory_space<vmem>>
      %dma_start3A_335 = arith.constant 0 : i32
      %dma_start3A_336 = tpu.memref_slice %arg11[%add3A_330, %dma_start3A_335] : memref<250x80xi32, #tpu.memory_space<vmem>> -> memref<1x80xi32, #tpu.memory_space<vmem>>
      %dma_start3A_337 = tpu.memref_squeeze %dma_start3A_336 : memref<1x80xi32, #tpu.memory_space<vmem>> -> memref<80xi32, #tpu.memory_space<vmem>>
      %dma_start3A_338 = arith.constant 0 : i32
      %dma_start3A_339 = tpu.memref_slice %arg6[%dma_start3A_338] : memref<10000xf32, #tpu.memory_space<hbm>> -> memref<10000xf32, #tpu.memory_space<hbm>>
      tpu.enqueue_indirect_dma source(%dma_start3A_339 : memref<10000xf32, #tpu.memory_space<hbm>>) target(%dma_start3A_334 : memref<80xf32, #tpu.memory_space<vmem>>) offsets(%dma_start3A_337 : memref<80xi32, #tpu.memory_space<vmem>>) semaphore(%arg27 : memref<!tpu.dma_semaphore, #tpu.memory_space<semaphore_mem>>)
      %add3A_340 = arith.constant 2 : i32
      %add3A_341 = arith.addi %cond3A_128, %add3A_340 : i32
      %mul3A_342 = arith.constant 10000 : i32
      %mul3A_343 = arith.muli %add3A, %mul3A_342 : i32
      %mul3A_344 = arith.constant 80 : i32
      %mul3A_345 = arith.muli %add3A_341, %mul3A_344 : i32
      %add3A_346 = arith.addi %mul3A_343, %mul3A_345 : i32
      %dma_start3A_347 = arith.constant 0 : i32
      %dma_start3A_348 = arith.constant 0 : i32
      %dma_start3A_349 = arith.constant 0 : i32
      %dma_start3A_350 = tpu.memref_slice %arg15[%dma_start3A_347, %dma_start3A_348, %dma_start3A_349] : memref<2x80x16xf32, #tpu.memory_space<vmem>> -> memref<1x80x16xf32, #tpu.memory_space<vmem>>
      %dma_start3A_351 = tpu.memref_squeeze %dma_start3A_350 : memref<1x80x16xf32, #tpu.memory_space<vmem>> -> memref<80x16xf32, #tpu.memory_space<vmem>>
      %dma_start3A_352 = arith.constant 0 : i32
      %dma_start3A_353 = tpu.memref_slice %arg4[%add3A_346, %dma_start3A_352] : memref<320000x16xf32, #tpu.memory_space<hbm>> -> memref<80x16xf32, #tpu.memory_space<hbm>>
      %dma_start3A_354 = arith.constant 0 : i32
      %dma_start3A_355 = arith.constant 0 : i32
      %dma_start3A_356 = tpu.memref_slice %arg15[%dma_start3A_347, %dma_start3A_354, %dma_start3A_355] : memref<2x80x16xf32, #tpu.memory_space<vmem>> -> memref<1x80x16xf32, #tpu.memory_space<vmem>>
      %dma_start3A_357 = tpu.memref_squeeze %dma_start3A_356 : memref<1x80x16xf32, #tpu.memory_space<vmem>> -> memref<80x16xf32, #tpu.memory_space<vmem>>
      %dma_start3A_358 = arith.constant 0 : i32
      %dma_start3A_359 = tpu.memref_slice %arg4[%add3A_346, %dma_start3A_358] : memref<320000x16xf32, #tpu.memory_space<hbm>> -> memref<80x16xf32, #tpu.memory_space<hbm>>
      tpu.enqueue_dma source(%dma_start3A_359 : memref<80x16xf32, #tpu.memory_space<hbm>>) target(%dma_start3A_357 : memref<80x16xf32, #tpu.memory_space<vmem>>) target_semaphore(%arg29 : memref<!tpu.dma_semaphore, #tpu.memory_space<semaphore_mem>>)
    } else {
    }
    %add3A_131 = arith.constant 123 : i32
    %add3A_132 = arith.addi %mul3A_6, %add3A_131 : i32
    %dma_wait3A_133 = arith.constant 1 : i32
    %dma_wait3A_134 = arith.constant 0 : i32
    %dma_wait3A_135 = arith.constant 0 : i32
    %dma_wait3A_136 = tpu.memref_slice %arg16[%dma_wait3A_133, %dma_wait3A_134, %dma_wait3A_135] : memref<2x80x16xf32, #tpu.memory_space<vmem>> -> memref<1x80x16xf32, #tpu.memory_space<vmem>>
    %dma_wait3A_137 = tpu.memref_squeeze %dma_wait3A_136 : memref<1x80x16xf32, #tpu.memory_space<vmem>> -> memref<80x16xf32, #tpu.memory_space<vmem>>
    %dma_wait3A_138 = arith.constant 0 : i32
    %dma_wait3A_139 = tpu.memref_slice %arg12[%add3A_132, %dma_wait3A_138] : memref<250x80xi32, #tpu.memory_space<vmem>> -> memref<1x80xi32, #tpu.memory_space<vmem>>
    %dma_wait3A_140 = tpu.memref_squeeze %dma_wait3A_139 : memref<1x80xi32, #tpu.memory_space<vmem>> -> memref<80xi32, #tpu.memory_space<vmem>>
    %dma_wait3A_141 = arith.constant 0 : i32
    %dma_wait3A_142 = arith.constant 0 : i32
    %dma_wait3A_143 = tpu.memref_slice %arg18[%dma_wait3A_141, %dma_wait3A_142] : memref<10000x16xf32, #tpu.memory_space<vmem_shared>> -> memref<10000x16xf32, #tpu.memory_space<vmem_shared>>
    tpu.wait_indirect_dma semaphore(%arg32 : memref<!tpu.dma_semaphore, #tpu.memory_space<semaphore_mem>>) src(%dma_wait3A_137 : memref<80x16xf32, #tpu.memory_space<vmem>>) dst(%dma_wait3A_143 : memref<10000x16xf32, #tpu.memory_space<vmem_shared>>)
    %add3A_144 = arith.constant 124 : i32
    %add3A_145 = arith.addi %mul3A_6, %add3A_144 : i32
    %dma_wait3A_146 = arith.constant 0 : i32
    %dma_wait3A_147 = arith.constant 0 : i32
    %dma_wait3A_148 = arith.constant 0 : i32
    %dma_wait3A_149 = tpu.memref_slice %arg16[%dma_wait3A_146, %dma_wait3A_147, %dma_wait3A_148] : memref<2x80x16xf32, #tpu.memory_space<vmem>> -> memref<1x80x16xf32, #tpu.memory_space<vmem>>
    %dma_wait3A_150 = tpu.memref_squeeze %dma_wait3A_149 : memref<1x80x16xf32, #tpu.memory_space<vmem>> -> memref<80x16xf32, #tpu.memory_space<vmem>>
    %dma_wait3A_151 = arith.constant 0 : i32
    %dma_wait3A_152 = tpu.memref_slice %arg12[%add3A_145, %dma_wait3A_151] : memref<250x80xi32, #tpu.memory_space<vmem>> -> memref<1x80xi32, #tpu.memory_space<vmem>>
    %dma_wait3A_153 = tpu.memref_squeeze %dma_wait3A_152 : memref<1x80xi32, #tpu.memory_space<vmem>> -> memref<80xi32, #tpu.memory_space<vmem>>
    %dma_wait3A_154 = arith.constant 0 : i32
    %dma_wait3A_155 = arith.constant 0 : i32
    %dma_wait3A_156 = tpu.memref_slice %arg18[%dma_wait3A_154, %dma_wait3A_155] : memref<10000x16xf32, #tpu.memory_space<vmem_shared>> -> memref<10000x16xf32, #tpu.memory_space<vmem_shared>>
    tpu.wait_indirect_dma semaphore(%arg31 : memref<!tpu.dma_semaphore, #tpu.memory_space<semaphore_mem>>) src(%dma_wait3A_150 : memref<80x16xf32, #tpu.memory_space<vmem>>) dst(%dma_wait3A_156 : memref<10000x16xf32, #tpu.memory_space<vmem_shared>>)
    %dma_start3A_157 = arith.constant 0 : i32
    %dma_start3A_158 = arith.constant 0 : i32
    %dma_start3A_159 = arith.constant 0 : i32
    %dma_start3A_160 = arith.constant 0 : i32
    %dma_start3A_161 = tpu.memref_slice %arg14[%dma_start3A_158, %dma_start3A_159, %dma_start3A_160] : memref<4x80x64xf32, #tpu.memory_space<vmem>> -> memref<1x80x64xf32, #tpu.memory_space<vmem>>
    %dma_start3A_162 = tpu.memref_squeeze %dma_start3A_161 : memref<1x80x64xf32, #tpu.memory_space<vmem>> -> memref<80x64xf32, #tpu.memory_space<vmem>>
    %dma_start3A_163 = arith.constant 0 : i32
    %dma_start3A_164 = tpu.memref_slice %arg11[%dma_start3A_157, %dma_start3A_163] : memref<250x80xi32, #tpu.memory_space<vmem>> -> memref<1x80xi32, #tpu.memory_space<vmem>>
    %dma_start3A_165 = tpu.memref_squeeze %dma_start3A_164 : memref<1x80xi32, #tpu.memory_space<vmem>> -> memref<80xi32, #tpu.memory_space<vmem>>
    %dma_start3A_166 = arith.constant 0 : i32
    %dma_start3A_167 = arith.constant 0 : i32
    %dma_start3A_168 = tpu.memref_slice %arg5[%arg0, %dma_start3A_166, %dma_start3A_167] : memref<2x10000x64xf32, #tpu.memory_space<hbm>> -> memref<1x10000x64xf32, #tpu.memory_space<hbm>>
    %dma_start3A_169 = tpu.memref_squeeze %dma_start3A_168 : memref<1x10000x64xf32, #tpu.memory_space<hbm>> -> memref<10000x64xf32, #tpu.memory_space<hbm>>
    %dma_start3A_170 = arith.constant 0 : i32
    %dma_start3A_171 = arith.constant 0 : i32
    %dma_start3A_172 = tpu.memref_slice %dma_start3A_169[%dma_start3A_170, %dma_start3A_171] : memref<10000x64xf32, #tpu.memory_space<hbm>> -> memref<10000x64xf32, #tpu.memory_space<hbm>>
    tpu.enqueue_indirect_dma source(%dma_start3A_172 : memref<10000x64xf32, #tpu.memory_space<hbm>>) target(%dma_start3A_162 : memref<80x64xf32, #tpu.memory_space<vmem>>) offsets(%dma_start3A_165 : memref<80xi32, #tpu.memory_space<vmem>>) semaphore(%arg19 : memref<!tpu.dma_semaphore, #tpu.memory_space<semaphore_mem>>)
    %dma_start3A_173 = arith.constant 1 : i32
    %dma_start3A_174 = arith.constant 1 : i32
    %dma_start3A_175 = arith.constant 0 : i32
    %dma_start3A_176 = arith.constant 0 : i32
    %dma_start3A_177 = tpu.memref_slice %arg14[%dma_start3A_174, %dma_start3A_175, %dma_start3A_176] : memref<4x80x64xf32, #tpu.memory_space<vmem>> -> memref<1x80x64xf32, #tpu.memory_space<vmem>>
    %dma_start3A_178 = tpu.memref_squeeze %dma_start3A_177 : memref<1x80x64xf32, #tpu.memory_space<vmem>> -> memref<80x64xf32, #tpu.memory_space<vmem>>
    %dma_start3A_179 = arith.constant 0 : i32
    %dma_start3A_180 = tpu.memref_slice %arg11[%dma_start3A_173, %dma_start3A_179] : memref<250x80xi32, #tpu.memory_space<vmem>> -> memref<1x80xi32, #tpu.memory_space<vmem>>
    %dma_start3A_181 = tpu.memref_squeeze %dma_start3A_180 : memref<1x80xi32, #tpu.memory_space<vmem>> -> memref<80xi32, #tpu.memory_space<vmem>>
    %dma_start3A_182 = arith.constant 0 : i32
    %dma_start3A_183 = arith.constant 0 : i32
    %dma_start3A_184 = tpu.memref_slice %arg5[%arg0, %dma_start3A_182, %dma_start3A_183] : memref<2x10000x64xf32, #tpu.memory_space<hbm>> -> memref<1x10000x64xf32, #tpu.memory_space<hbm>>
    %dma_start3A_185 = tpu.memref_squeeze %dma_start3A_184 : memref<1x10000x64xf32, #tpu.memory_space<hbm>> -> memref<10000x64xf32, #tpu.memory_space<hbm>>
    %dma_start3A_186 = arith.constant 0 : i32
    %dma_start3A_187 = arith.constant 0 : i32
    %dma_start3A_188 = tpu.memref_slice %dma_start3A_185[%dma_start3A_186, %dma_start3A_187] : memref<10000x64xf32, #tpu.memory_space<hbm>> -> memref<10000x64xf32, #tpu.memory_space<hbm>>
    tpu.enqueue_indirect_dma source(%dma_start3A_188 : memref<10000x64xf32, #tpu.memory_space<hbm>>) target(%dma_start3A_178 : memref<80x64xf32, #tpu.memory_space<vmem>>) offsets(%dma_start3A_181 : memref<80xi32, #tpu.memory_space<vmem>>) semaphore(%arg20 : memref<!tpu.dma_semaphore, #tpu.memory_space<semaphore_mem>>)
    %dma_start3A_189 = arith.constant 2 : i32
    %dma_start3A_190 = arith.constant 2 : i32
    %dma_start3A_191 = arith.constant 0 : i32
    %dma_start3A_192 = arith.constant 0 : i32
    %dma_start3A_193 = tpu.memref_slice %arg14[%dma_start3A_190, %dma_start3A_191, %dma_start3A_192] : memref<4x80x64xf32, #tpu.memory_space<vmem>> -> memref<1x80x64xf32, #tpu.memory_space<vmem>>
    %dma_start3A_194 = tpu.memref_squeeze %dma_start3A_193 : memref<1x80x64xf32, #tpu.memory_space<vmem>> -> memref<80x64xf32, #tpu.memory_space<vmem>>
    %dma_start3A_195 = arith.constant 0 : i32
    %dma_start3A_196 = tpu.memref_slice %arg11[%dma_start3A_189, %dma_start3A_195] : memref<250x80xi32, #tpu.memory_space<vmem>> -> memref<1x80xi32, #tpu.memory_space<vmem>>
    %dma_start3A_197 = tpu.memref_squeeze %dma_start3A_196 : memref<1x80xi32, #tpu.memory_space<vmem>> -> memref<80xi32, #tpu.memory_space<vmem>>
    %dma_start3A_198 = arith.constant 0 : i32
    %dma_start3A_199 = arith.constant 0 : i32
    %dma_start3A_200 = tpu.memref_slice %arg5[%arg0, %dma_start3A_198, %dma_start3A_199] : memref<2x10000x64xf32, #tpu.memory_space<hbm>> -> memref<1x10000x64xf32, #tpu.memory_space<hbm>>
    %dma_start3A_201 = tpu.memref_squeeze %dma_start3A_200 : memref<1x10000x64xf32, #tpu.memory_space<hbm>> -> memref<10000x64xf32, #tpu.memory_space<hbm>>
    %dma_start3A_202 = arith.constant 0 : i32
    %dma_start3A_203 = arith.constant 0 : i32
    %dma_start3A_204 = tpu.memref_slice %dma_start3A_201[%dma_start3A_202, %dma_start3A_203] : memref<10000x64xf32, #tpu.memory_space<hbm>> -> memref<10000x64xf32, #tpu.memory_space<hbm>>
    tpu.enqueue_indirect_dma source(%dma_start3A_204 : memref<10000x64xf32, #tpu.memory_space<hbm>>) target(%dma_start3A_194 : memref<80x64xf32, #tpu.memory_space<vmem>>) offsets(%dma_start3A_197 : memref<80xi32, #tpu.memory_space<vmem>>) semaphore(%arg21 : memref<!tpu.dma_semaphore, #tpu.memory_space<semaphore_mem>>)
    %dma_start3A_205 = arith.constant 3 : i32
    %dma_start3A_206 = arith.constant 3 : i32
    %dma_start3A_207 = arith.constant 0 : i32
    %dma_start3A_208 = arith.constant 0 : i32
    %dma_start3A_209 = tpu.memref_slice %arg14[%dma_start3A_206, %dma_start3A_207, %dma_start3A_208] : memref<4x80x64xf32, #tpu.memory_space<vmem>> -> memref<1x80x64xf32, #tpu.memory_space<vmem>>
    %dma_start3A_210 = tpu.memref_squeeze %dma_start3A_209 : memref<1x80x64xf32, #tpu.memory_space<vmem>> -> memref<80x64xf32, #tpu.memory_space<vmem>>
    %dma_start3A_211 = arith.constant 0 : i32
    %dma_start3A_212 = tpu.memref_slice %arg11[%dma_start3A_205, %dma_start3A_211] : memref<250x80xi32, #tpu.memory_space<vmem>> -> memref<1x80xi32, #tpu.memory_space<vmem>>
    %dma_start3A_213 = tpu.memref_squeeze %dma_start3A_212 : memref<1x80xi32, #tpu.memory_space<vmem>> -> memref<80xi32, #tpu.memory_space<vmem>>
    %dma_start3A_214 = arith.constant 0 : i32
    %dma_start3A_215 = arith.constant 0 : i32
    %dma_start3A_216 = tpu.memref_slice %arg5[%arg0, %dma_start3A_214, %dma_start3A_215] : memref<2x10000x64xf32, #tpu.memory_space<hbm>> -> memref<1x10000x64xf32, #tpu.memory_space<hbm>>
    %dma_start3A_217 = tpu.memref_squeeze %dma_start3A_216 : memref<1x10000x64xf32, #tpu.memory_space<hbm>> -> memref<10000x64xf32, #tpu.memory_space<hbm>>
    %dma_start3A_218 = arith.constant 0 : i32
    %dma_start3A_219 = arith.constant 0 : i32
    %dma_start3A_220 = tpu.memref_slice %dma_start3A_217[%dma_start3A_218, %dma_start3A_219] : memref<10000x64xf32, #tpu.memory_space<hbm>> -> memref<10000x64xf32, #tpu.memory_space<hbm>>
    tpu.enqueue_indirect_dma source(%dma_start3A_220 : memref<10000x64xf32, #tpu.memory_space<hbm>>) target(%dma_start3A_210 : memref<80x64xf32, #tpu.memory_space<vmem>>) offsets(%dma_start3A_213 : memref<80xi32, #tpu.memory_space<vmem>>) semaphore(%arg22 : memref<!tpu.dma_semaphore, #tpu.memory_space<semaphore_mem>>)
    %scan3A_221 = arith.constant 0 : i32
    %scan3A_222 = arith.constant 0 : i32
    %scan3A_223 = arith.constant 62 : i32
    %scan3A_224 = arith.addi %scan3A_222, %scan3A_223 : i32
    %scan3A_225 = arith.constant 1 : i32
    scf.for %scan3A_328 = %scan3A_222 to %scan3A_224 step %scan3A_225  : i32 {
      %mul3A_329 = arith.constant 4 : i32
      %mul3A_330 = arith.muli %mul3A_329, %scan3A_328 : i32
      %add3A_331 = arith.constant 0 : i32
      %add3A_332 = arith.addi %mul3A_330, %add3A_331 : i32
      %dma_wait3A_333 = arith.constant 0 : i32
      %dma_wait3A_334 = arith.constant 0 : i32
      %dma_wait3A_335 = arith.constant 0 : i32
      %dma_wait3A_336 = tpu.memref_slice %arg14[%dma_wait3A_333, %dma_wait3A_334, %dma_wait3A_335] : memref<4x80x64xf32, #tpu.memory_space<vmem>> -> memref<1x80x64xf32, #tpu.memory_space<vmem>>
      %dma_wait3A_337 = tpu.memref_squeeze %dma_wait3A_336 : memref<1x80x64xf32, #tpu.memory_space<vmem>> -> memref<80x64xf32, #tpu.memory_space<vmem>>
      %dma_wait3A_338 = arith.constant 0 : i32
      %dma_wait3A_339 = tpu.memref_slice %arg11[%add3A_332, %dma_wait3A_338] : memref<250x80xi32, #tpu.memory_space<vmem>> -> memref<1x80xi32, #tpu.memory_space<vmem>>
      %dma_wait3A_340 = tpu.memref_squeeze %dma_wait3A_339 : memref<1x80xi32, #tpu.memory_space<vmem>> -> memref<80xi32, #tpu.memory_space<vmem>>
      %dma_wait3A_341 = arith.constant 0 : i32
      %dma_wait3A_342 = arith.constant 0 : i32
      %dma_wait3A_343 = tpu.memref_slice %arg5[%arg0, %dma_wait3A_341, %dma_wait3A_342] : memref<2x10000x64xf32, #tpu.memory_space<hbm>> -> memref<1x10000x64xf32, #tpu.memory_space<hbm>>
      %dma_wait3A_344 = tpu.memref_squeeze %dma_wait3A_343 : memref<1x10000x64xf32, #tpu.memory_space<hbm>> -> memref<10000x64xf32, #tpu.memory_space<hbm>>
      %dma_wait3A_345 = arith.constant 0 : i32
      %dma_wait3A_346 = arith.constant 0 : i32
      %dma_wait3A_347 = tpu.memref_slice %dma_wait3A_344[%dma_wait3A_345, %dma_wait3A_346] : memref<10000x64xf32, #tpu.memory_space<hbm>> -> memref<10000x64xf32, #tpu.memory_space<hbm>>
      tpu.wait_indirect_dma semaphore(%arg19 : memref<!tpu.dma_semaphore, #tpu.memory_space<semaphore_mem>>) src(%dma_wait3A_347 : memref<10000x64xf32, #tpu.memory_space<hbm>>) dst(%dma_wait3A_337 : memref<80x64xf32, #tpu.memory_space<vmem>>)
      %dma_start3A_348 = arith.constant 0 : i32
      %dma_start3A_349 = arith.constant 0 : i32
      %dma_start3A_350 = arith.constant 0 : i32
      %dma_start3A_351 = tpu.memref_slice %arg14[%dma_start3A_348, %dma_start3A_349, %dma_start3A_350] : memref<4x80x64xf32, #tpu.memory_space<vmem>> -> memref<1x80x64xf32, #tpu.memory_space<vmem>>
      %dma_start3A_352 = tpu.memref_squeeze %dma_start3A_351 : memref<1x80x64xf32, #tpu.memory_space<vmem>> -> memref<80x64xf32, #tpu.memory_space<vmem>>
      %dma_start3A_353 = arith.constant 0 : i32
      %dma_start3A_354 = tpu.memref_slice %arg12[%add3A_332, %dma_start3A_353] : memref<250x80xi32, #tpu.memory_space<vmem>> -> memref<1x80xi32, #tpu.memory_space<vmem>>
      %dma_start3A_355 = tpu.memref_squeeze %dma_start3A_354 : memref<1x80xi32, #tpu.memory_space<vmem>> -> memref<80xi32, #tpu.memory_space<vmem>>
      %dma_start3A_356 = arith.constant 0 : i32
      %dma_start3A_357 = arith.constant 0 : i32
      %dma_start3A_358 = tpu.memref_slice %arg17[%dma_start3A_356, %dma_start3A_357] : memref<10000x64xf32, #tpu.memory_space<vmem_shared>> -> memref<10000x64xf32, #tpu.memory_space<vmem_shared>>
      tpu.enqueue_indirect_dma source(%dma_start3A_352 : memref<80x64xf32, #tpu.memory_space<vmem>>) target(%dma_start3A_358 : memref<10000x64xf32, #tpu.memory_space<vmem_shared>>) offsets(%dma_start3A_355 : memref<80xi32, #tpu.memory_space<vmem>>) semaphore(%arg23 : memref<!tpu.dma_semaphore, #tpu.memory_space<semaphore_mem>>) {add = true}
      %mul3A_359 = arith.constant 4 : i32
      %mul3A_360 = arith.muli %mul3A_359, %scan3A_328 : i32
      %add3A_361 = arith.constant 1 : i32
      %add3A_362 = arith.addi %mul3A_360, %add3A_361 : i32
      %dma_wait3A_363 = arith.constant 1 : i32
      %dma_wait3A_364 = arith.constant 0 : i32
      %dma_wait3A_365 = arith.constant 0 : i32
      %dma_wait3A_366 = tpu.memref_slice %arg14[%dma_wait3A_363, %dma_wait3A_364, %dma_wait3A_365] : memref<4x80x64xf32, #tpu.memory_space<vmem>> -> memref<1x80x64xf32, #tpu.memory_space<vmem>>
      %dma_wait3A_367 = tpu.memref_squeeze %dma_wait3A_366 : memref<1x80x64xf32, #tpu.memory_space<vmem>> -> memref<80x64xf32, #tpu.memory_space<vmem>>
      %dma_wait3A_368 = arith.constant 0 : i32
      %dma_wait3A_369 = tpu.memref_slice %arg11[%add3A_362, %dma_wait3A_368] : memref<250x80xi32, #tpu.memory_space<vmem>> -> memref<1x80xi32, #tpu.memory_space<vmem>>
      %dma_wait3A_370 = tpu.memref_squeeze %dma_wait3A_369 : memref<1x80xi32, #tpu.memory_space<vmem>> -> memref<80xi32, #tpu.memory_space<vmem>>
      %dma_wait3A_371 = arith.constant 0 : i32
      %dma_wait3A_372 = arith.constant 0 : i32
      %dma_wait3A_373 = tpu.memref_slice %arg5[%arg0, %dma_wait3A_371, %dma_wait3A_372] : memref<2x10000x64xf32, #tpu.memory_space<hbm>> -> memref<1x10000x64xf32, #tpu.memory_space<hbm>>
      %dma_wait3A_374 = tpu.memref_squeeze %dma_wait3A_373 : memref<1x10000x64xf32, #tpu.memory_space<hbm>> -> memref<10000x64xf32, #tpu.memory_space<hbm>>
      %dma_wait3A_375 = arith.constant 0 : i32
      %dma_wait3A_376 = arith.constant 0 : i32
      %dma_wait3A_377 = tpu.memref_slice %dma_wait3A_374[%dma_wait3A_375, %dma_wait3A_376] : memref<10000x64xf32, #tpu.memory_space<hbm>> -> memref<10000x64xf32, #tpu.memory_space<hbm>>
      tpu.wait_indirect_dma semaphore(%arg20 : memref<!tpu.dma_semaphore, #tpu.memory_space<semaphore_mem>>) src(%dma_wait3A_377 : memref<10000x64xf32, #tpu.memory_space<hbm>>) dst(%dma_wait3A_367 : memref<80x64xf32, #tpu.memory_space<vmem>>)
      %dma_start3A_378 = arith.constant 1 : i32
      %dma_start3A_379 = arith.constant 0 : i32
      %dma_start3A_380 = arith.constant 0 : i32
      %dma_start3A_381 = tpu.memref_slice %arg14[%dma_start3A_378, %dma_start3A_379, %dma_start3A_380] : memref<4x80x64xf32, #tpu.memory_space<vmem>> -> memref<1x80x64xf32, #tpu.memory_space<vmem>>
      %dma_start3A_382 = tpu.memref_squeeze %dma_start3A_381 : memref<1x80x64xf32, #tpu.memory_space<vmem>> -> memref<80x64xf32, #tpu.memory_space<vmem>>
      %dma_start3A_383 = arith.constant 0 : i32
      %dma_start3A_384 = tpu.memref_slice %arg12[%add3A_362, %dma_start3A_383] : memref<250x80xi32, #tpu.memory_space<vmem>> -> memref<1x80xi32, #tpu.memory_space<vmem>>
      %dma_start3A_385 = tpu.memref_squeeze %dma_start3A_384 : memref<1x80xi32, #tpu.memory_space<vmem>> -> memref<80xi32, #tpu.memory_space<vmem>>
      %dma_start3A_386 = arith.constant 0 : i32
      %dma_start3A_387 = arith.constant 0 : i32
      %dma_start3A_388 = tpu.memref_slice %arg17[%dma_start3A_386, %dma_start3A_387] : memref<10000x64xf32, #tpu.memory_space<vmem_shared>> -> memref<10000x64xf32, #tpu.memory_space<vmem_shared>>
      tpu.enqueue_indirect_dma source(%dma_start3A_382 : memref<80x64xf32, #tpu.memory_space<vmem>>) target(%dma_start3A_388 : memref<10000x64xf32, #tpu.memory_space<vmem_shared>>) offsets(%dma_start3A_385 : memref<80xi32, #tpu.memory_space<vmem>>) semaphore(%arg24 : memref<!tpu.dma_semaphore, #tpu.memory_space<semaphore_mem>>) {add = true}
      %mul3A_389 = arith.constant 4 : i32
      %mul3A_390 = arith.muli %mul3A_389, %scan3A_328 : i32
      %add3A_391 = arith.constant 2 : i32
      %add3A_392 = arith.addi %mul3A_390, %add3A_391 : i32
      %dma_wait3A_393 = arith.constant 2 : i32
      %dma_wait3A_394 = arith.constant 0 : i32
      %dma_wait3A_395 = arith.constant 0 : i32
      %dma_wait3A_396 = tpu.memref_slice %arg14[%dma_wait3A_393, %dma_wait3A_394, %dma_wait3A_395] : memref<4x80x64xf32, #tpu.memory_space<vmem>> -> memref<1x80x64xf32, #tpu.memory_space<vmem>>
      %dma_wait3A_397 = tpu.memref_squeeze %dma_wait3A_396 : memref<1x80x64xf32, #tpu.memory_space<vmem>> -> memref<80x64xf32, #tpu.memory_space<vmem>>
      %dma_wait3A_398 = arith.constant 0 : i32
      %dma_wait3A_399 = tpu.memref_slice %arg11[%add3A_392, %dma_wait3A_398] : memref<250x80xi32, #tpu.memory_space<vmem>> -> memref<1x80xi32, #tpu.memory_space<vmem>>
      %dma_wait3A_400 = tpu.memref_squeeze %dma_wait3A_399 : memref<1x80xi32, #tpu.memory_space<vmem>> -> memref<80xi32, #tpu.memory_space<vmem>>
      %dma_wait3A_401 = arith.constant 0 : i32
      %dma_wait3A_402 = arith.constant 0 : i32
      %dma_wait3A_403 = tpu.memref_slice %arg5[%arg0, %dma_wait3A_401, %dma_wait3A_402] : memref<2x10000x64xf32, #tpu.memory_space<hbm>> -> memref<1x10000x64xf32, #tpu.memory_space<hbm>>
      %dma_wait3A_404 = tpu.memref_squeeze %dma_wait3A_403 : memref<1x10000x64xf32, #tpu.memory_space<hbm>> -> memref<10000x64xf32, #tpu.memory_space<hbm>>
      %dma_wait3A_405 = arith.constant 0 : i32
      %dma_wait3A_406 = arith.constant 0 : i32
      %dma_wait3A_407 = tpu.memref_slice %dma_wait3A_404[%dma_wait3A_405, %dma_wait3A_406] : memref<10000x64xf32, #tpu.memory_space<hbm>> -> memref<10000x64xf32, #tpu.memory_space<hbm>>
      tpu.wait_indirect_dma semaphore(%arg21 : memref<!tpu.dma_semaphore, #tpu.memory_space<semaphore_mem>>) src(%dma_wait3A_407 : memref<10000x64xf32, #tpu.memory_space<hbm>>) dst(%dma_wait3A_397 : memref<80x64xf32, #tpu.memory_space<vmem>>)
      %dma_start3A_408 = arith.constant 2 : i32
      %dma_start3A_409 = arith.constant 0 : i32
      %dma_start3A_410 = arith.constant 0 : i32
      %dma_start3A_411 = tpu.memref_slice %arg14[%dma_start3A_408, %dma_start3A_409, %dma_start3A_410] : memref<4x80x64xf32, #tpu.memory_space<vmem>> -> memref<1x80x64xf32, #tpu.memory_space<vmem>>
      %dma_start3A_412 = tpu.memref_squeeze %dma_start3A_411 : memref<1x80x64xf32, #tpu.memory_space<vmem>> -> memref<80x64xf32, #tpu.memory_space<vmem>>
      %dma_start3A_413 = arith.constant 0 : i32
      %dma_start3A_414 = tpu.memref_slice %arg12[%add3A_392, %dma_start3A_413] : memref<250x80xi32, #tpu.memory_space<vmem>> -> memref<1x80xi32, #tpu.memory_space<vmem>>
      %dma_start3A_415 = tpu.memref_squeeze %dma_start3A_414 : memref<1x80xi32, #tpu.memory_space<vmem>> -> memref<80xi32, #tpu.memory_space<vmem>>
      %dma_start3A_416 = arith.constant 0 : i32
      %dma_start3A_417 = arith.constant 0 : i32
      %dma_start3A_418 = tpu.memref_slice %arg17[%dma_start3A_416, %dma_start3A_417] : memref<10000x64xf32, #tpu.memory_space<vmem_shared>> -> memref<10000x64xf32, #tpu.memory_space<vmem_shared>>
      tpu.enqueue_indirect_dma source(%dma_start3A_412 : memref<80x64xf32, #tpu.memory_space<vmem>>) target(%dma_start3A_418 : memref<10000x64xf32, #tpu.memory_space<vmem_shared>>) offsets(%dma_start3A_415 : memref<80xi32, #tpu.memory_space<vmem>>) semaphore(%arg25 : memref<!tpu.dma_semaphore, #tpu.memory_space<semaphore_mem>>) {add = true}
      %mul3A_419 = arith.constant 4 : i32
      %mul3A_420 = arith.muli %mul3A_419, %scan3A_328 : i32
      %add3A_421 = arith.constant 3 : i32
      %add3A_422 = arith.addi %mul3A_420, %add3A_421 : i32
      %dma_wait3A_423 = arith.constant 3 : i32
      %dma_wait3A_424 = arith.constant 0 : i32
      %dma_wait3A_425 = arith.constant 0 : i32
      %dma_wait3A_426 = tpu.memref_slice %arg14[%dma_wait3A_423, %dma_wait3A_424, %dma_wait3A_425] : memref<4x80x64xf32, #tpu.memory_space<vmem>> -> memref<1x80x64xf32, #tpu.memory_space<vmem>>
      %dma_wait3A_427 = tpu.memref_squeeze %dma_wait3A_426 : memref<1x80x64xf32, #tpu.memory_space<vmem>> -> memref<80x64xf32, #tpu.memory_space<vmem>>
      %dma_wait3A_428 = arith.constant 0 : i32
      %dma_wait3A_429 = tpu.memref_slice %arg11[%add3A_422, %dma_wait3A_428] : memref<250x80xi32, #tpu.memory_space<vmem>> -> memref<1x80xi32, #tpu.memory_space<vmem>>
      %dma_wait3A_430 = tpu.memref_squeeze %dma_wait3A_429 : memref<1x80xi32, #tpu.memory_space<vmem>> -> memref<80xi32, #tpu.memory_space<vmem>>
      %dma_wait3A_431 = arith.constant 0 : i32
      %dma_wait3A_432 = arith.constant 0 : i32
      %dma_wait3A_433 = tpu.memref_slice %arg5[%arg0, %dma_wait3A_431, %dma_wait3A_432] : memref<2x10000x64xf32, #tpu.memory_space<hbm>> -> memref<1x10000x64xf32, #tpu.memory_space<hbm>>
      %dma_wait3A_434 = tpu.memref_squeeze %dma_wait3A_433 : memref<1x10000x64xf32, #tpu.memory_space<hbm>> -> memref<10000x64xf32, #tpu.memory_space<hbm>>
      %dma_wait3A_435 = arith.constant 0 : i32
      %dma_wait3A_436 = arith.constant 0 : i32
      %dma_wait3A_437 = tpu.memref_slice %dma_wait3A_434[%dma_wait3A_435, %dma_wait3A_436] : memref<10000x64xf32, #tpu.memory_space<hbm>> -> memref<10000x64xf32, #tpu.memory_space<hbm>>
      tpu.wait_indirect_dma semaphore(%arg22 : memref<!tpu.dma_semaphore, #tpu.memory_space<semaphore_mem>>) src(%dma_wait3A_437 : memref<10000x64xf32, #tpu.memory_space<hbm>>) dst(%dma_wait3A_427 : memref<80x64xf32, #tpu.memory_space<vmem>>)
      %dma_start3A_438 = arith.constant 3 : i32
      %dma_start3A_439 = arith.constant 0 : i32
      %dma_start3A_440 = arith.constant 0 : i32
      %dma_start3A_441 = tpu.memref_slice %arg14[%dma_start3A_438, %dma_start3A_439, %dma_start3A_440] : memref<4x80x64xf32, #tpu.memory_space<vmem>> -> memref<1x80x64xf32, #tpu.memory_space<vmem>>
      %dma_start3A_442 = tpu.memref_squeeze %dma_start3A_441 : memref<1x80x64xf32, #tpu.memory_space<vmem>> -> memref<80x64xf32, #tpu.memory_space<vmem>>
      %dma_start3A_443 = arith.constant 0 : i32
      %dma_start3A_444 = tpu.memref_slice %arg12[%add3A_422, %dma_start3A_443] : memref<250x80xi32, #tpu.memory_space<vmem>> -> memref<1x80xi32, #tpu.memory_space<vmem>>
      %dma_start3A_445 = tpu.memref_squeeze %dma_start3A_444 : memref<1x80xi32, #tpu.memory_space<vmem>> -> memref<80xi32, #tpu.memory_space<vmem>>
      %dma_start3A_446 = arith.constant 0 : i32
      %dma_start3A_447 = arith.constant 0 : i32
      %dma_start3A_448 = tpu.memref_slice %arg17[%dma_start3A_446, %dma_start3A_447] : memref<10000x64xf32, #tpu.memory_space<vmem_shared>> -> memref<10000x64xf32, #tpu.memory_space<vmem_shared>>
      tpu.enqueue_indirect_dma source(%dma_start3A_442 : memref<80x64xf32, #tpu.memory_space<vmem>>) target(%dma_start3A_448 : memref<10000x64xf32, #tpu.memory_space<vmem_shared>>) offsets(%dma_start3A_445 : memref<80xi32, #tpu.memory_space<vmem>>) semaphore(%arg26 : memref<!tpu.dma_semaphore, #tpu.memory_space<semaphore_mem>>) {add = true}
      %mul3A_449 = arith.constant 4 : i32
      %mul3A_450 = arith.muli %mul3A_449, %scan3A_328 : i32
      %add3A_451 = arith.constant 0 : i32
      %add3A_452 = arith.addi %mul3A_450, %add3A_451 : i32
      %dma_wait3A_453 = arith.constant 0 : i32
      %dma_wait3A_454 = arith.constant 0 : i32
      %dma_wait3A_455 = arith.constant 0 : i32
      %dma_wait3A_456 = tpu.memref_slice %arg14[%dma_wait3A_453, %dma_wait3A_454, %dma_wait3A_455] : memref<4x80x64xf32, #tpu.memory_space<vmem>> -> memref<1x80x64xf32, #tpu.memory_space<vmem>>
      %dma_wait3A_457 = tpu.memref_squeeze %dma_wait3A_456 : memref<1x80x64xf32, #tpu.memory_space<vmem>> -> memref<80x64xf32, #tpu.memory_space<vmem>>
      %dma_wait3A_458 = arith.constant 0 : i32
      %dma_wait3A_459 = tpu.memref_slice %arg12[%add3A_332, %dma_wait3A_458] : memref<250x80xi32, #tpu.memory_space<vmem>> -> memref<1x80xi32, #tpu.memory_space<vmem>>
      %dma_wait3A_460 = tpu.memref_squeeze %dma_wait3A_459 : memref<1x80xi32, #tpu.memory_space<vmem>> -> memref<80xi32, #tpu.memory_space<vmem>>
      %dma_wait3A_461 = arith.constant 0 : i32
      %dma_wait3A_462 = arith.constant 0 : i32
      %dma_wait3A_463 = tpu.memref_slice %arg17[%dma_wait3A_461, %dma_wait3A_462] : memref<10000x64xf32, #tpu.memory_space<vmem_shared>> -> memref<10000x64xf32, #tpu.memory_space<vmem_shared>>
      tpu.wait_indirect_dma semaphore(%arg23 : memref<!tpu.dma_semaphore, #tpu.memory_space<semaphore_mem>>) src(%dma_wait3A_457 : memref<80x64xf32, #tpu.memory_space<vmem>>) dst(%dma_wait3A_463 : memref<10000x64xf32, #tpu.memory_space<vmem_shared>>)
      %add3A_464 = arith.constant 4 : i32
      %add3A_465 = arith.addi %add3A_452, %add3A_464 : i32
      %lt3A_466 = arith.constant 250 : i32
      %lt3A_467 = arith.cmpi slt, %add3A_465, %lt3A_466 : i32
      %convert_element_type3A_468 = arith.extui %lt3A_467 : i1 to i32
      %cond3A_469 = arith.constant 0 : i32
      %cond3A_470 = arith.cmpi ne, %convert_element_type3A_468, %cond3A_469 : i32
      scf.if %cond3A_470 {
        %add3A_537 = arith.constant 4 : i32
        %add3A_538 = arith.addi %add3A_452, %add3A_537 : i32
        %dma_start3A_539 = arith.constant 0 : i32
        %dma_start3A_540 = arith.constant 0 : i32
        %dma_start3A_541 = arith.constant 0 : i32
        %dma_start3A_542 = tpu.memref_slice %arg14[%dma_start3A_539, %dma_start3A_540, %dma_start3A_541] : memref<4x80x64xf32, #tpu.memory_space<vmem>> -> memref<1x80x64xf32, #tpu.memory_space<vmem>>
        %dma_start3A_543 = tpu.memref_squeeze %dma_start3A_542 : memref<1x80x64xf32, #tpu.memory_space<vmem>> -> memref<80x64xf32, #tpu.memory_space<vmem>>
        %dma_start3A_544 = arith.constant 0 : i32
        %dma_start3A_545 = tpu.memref_slice %arg11[%add3A_538, %dma_start3A_544] : memref<250x80xi32, #tpu.memory_space<vmem>> -> memref<1x80xi32, #tpu.memory_space<vmem>>
        %dma_start3A_546 = tpu.memref_squeeze %dma_start3A_545 : memref<1x80xi32, #tpu.memory_space<vmem>> -> memref<80xi32, #tpu.memory_space<vmem>>
        %dma_start3A_547 = arith.constant 0 : i32
        %dma_start3A_548 = arith.constant 0 : i32
        %dma_start3A_549 = tpu.memref_slice %arg5[%arg0, %dma_start3A_547, %dma_start3A_548] : memref<2x10000x64xf32, #tpu.memory_space<hbm>> -> memref<1x10000x64xf32, #tpu.memory_space<hbm>>
        %dma_start3A_550 = tpu.memref_squeeze %dma_start3A_549 : memref<1x10000x64xf32, #tpu.memory_space<hbm>> -> memref<10000x64xf32, #tpu.memory_space<hbm>>
        %dma_start3A_551 = arith.constant 0 : i32
        %dma_start3A_552 = arith.constant 0 : i32
        %dma_start3A_553 = tpu.memref_slice %dma_start3A_550[%dma_start3A_551, %dma_start3A_552] : memref<10000x64xf32, #tpu.memory_space<hbm>> -> memref<10000x64xf32, #tpu.memory_space<hbm>>
        tpu.enqueue_indirect_dma source(%dma_start3A_553 : memref<10000x64xf32, #tpu.memory_space<hbm>>) target(%dma_start3A_543 : memref<80x64xf32, #tpu.memory_space<vmem>>) offsets(%dma_start3A_546 : memref<80xi32, #tpu.memory_space<vmem>>) semaphore(%arg19 : memref<!tpu.dma_semaphore, #tpu.memory_space<semaphore_mem>>)
      } else {
      }
      %mul3A_471 = arith.constant 4 : i32
      %mul3A_472 = arith.muli %mul3A_471, %scan3A_328 : i32
      %add3A_473 = arith.constant 1 : i32
      %add3A_474 = arith.addi %mul3A_472, %add3A_473 : i32
      %dma_wait3A_475 = arith.constant 1 : i32
      %dma_wait3A_476 = arith.constant 0 : i32
      %dma_wait3A_477 = arith.constant 0 : i32
      %dma_wait3A_478 = tpu.memref_slice %arg14[%dma_wait3A_475, %dma_wait3A_476, %dma_wait3A_477] : memref<4x80x64xf32, #tpu.memory_space<vmem>> -> memref<1x80x64xf32, #tpu.memory_space<vmem>>
      %dma_wait3A_479 = tpu.memref_squeeze %dma_wait3A_478 : memref<1x80x64xf32, #tpu.memory_space<vmem>> -> memref<80x64xf32, #tpu.memory_space<vmem>>
      %dma_wait3A_480 = arith.constant 0 : i32
      %dma_wait3A_481 = tpu.memref_slice %arg12[%add3A_362, %dma_wait3A_480] : memref<250x80xi32, #tpu.memory_space<vmem>> -> memref<1x80xi32, #tpu.memory_space<vmem>>
      %dma_wait3A_482 = tpu.memref_squeeze %dma_wait3A_481 : memref<1x80xi32, #tpu.memory_space<vmem>> -> memref<80xi32, #tpu.memory_space<vmem>>
      %dma_wait3A_483 = arith.constant 0 : i32
      %dma_wait3A_484 = arith.constant 0 : i32
      %dma_wait3A_485 = tpu.memref_slice %arg17[%dma_wait3A_483, %dma_wait3A_484] : memref<10000x64xf32, #tpu.memory_space<vmem_shared>> -> memref<10000x64xf32, #tpu.memory_space<vmem_shared>>
      tpu.wait_indirect_dma semaphore(%arg24 : memref<!tpu.dma_semaphore, #tpu.memory_space<semaphore_mem>>) src(%dma_wait3A_479 : memref<80x64xf32, #tpu.memory_space<vmem>>) dst(%dma_wait3A_485 : memref<10000x64xf32, #tpu.memory_space<vmem_shared>>)
      %add3A_486 = arith.constant 4 : i32
      %add3A_487 = arith.addi %add3A_474, %add3A_486 : i32
      %lt3A_488 = arith.constant 250 : i32
      %lt3A_489 = arith.cmpi slt, %add3A_487, %lt3A_488 : i32
      %convert_element_type3A_490 = arith.extui %lt3A_489 : i1 to i32
      %cond3A_491 = arith.constant 0 : i32
      %cond3A_492 = arith.cmpi ne, %convert_element_type3A_490, %cond3A_491 : i32
      scf.if %cond3A_492 {
        %add3A_537 = arith.constant 4 : i32
        %add3A_538 = arith.addi %add3A_474, %add3A_537 : i32
        %dma_start3A_539 = arith.constant 1 : i32
        %dma_start3A_540 = arith.constant 0 : i32
        %dma_start3A_541 = arith.constant 0 : i32
        %dma_start3A_542 = tpu.memref_slice %arg14[%dma_start3A_539, %dma_start3A_540, %dma_start3A_541] : memref<4x80x64xf32, #tpu.memory_space<vmem>> -> memref<1x80x64xf32, #tpu.memory_space<vmem>>
        %dma_start3A_543 = tpu.memref_squeeze %dma_start3A_542 : memref<1x80x64xf32, #tpu.memory_space<vmem>> -> memref<80x64xf32, #tpu.memory_space<vmem>>
        %dma_start3A_544 = arith.constant 0 : i32
        %dma_start3A_545 = tpu.memref_slice %arg11[%add3A_538, %dma_start3A_544] : memref<250x80xi32, #tpu.memory_space<vmem>> -> memref<1x80xi32, #tpu.memory_space<vmem>>
        %dma_start3A_546 = tpu.memref_squeeze %dma_start3A_545 : memref<1x80xi32, #tpu.memory_space<vmem>> -> memref<80xi32, #tpu.memory_space<vmem>>
        %dma_start3A_547 = arith.constant 0 : i32
        %dma_start3A_548 = arith.constant 0 : i32
        %dma_start3A_549 = tpu.memref_slice %arg5[%arg0, %dma_start3A_547, %dma_start3A_548] : memref<2x10000x64xf32, #tpu.memory_space<hbm>> -> memref<1x10000x64xf32, #tpu.memory_space<hbm>>
        %dma_start3A_550 = tpu.memref_squeeze %dma_start3A_549 : memref<1x10000x64xf32, #tpu.memory_space<hbm>> -> memref<10000x64xf32, #tpu.memory_space<hbm>>
        %dma_start3A_551 = arith.constant 0 : i32
        %dma_start3A_552 = arith.constant 0 : i32
        %dma_start3A_553 = tpu.memref_slice %dma_start3A_550[%dma_start3A_551, %dma_start3A_552] : memref<10000x64xf32, #tpu.memory_space<hbm>> -> memref<10000x64xf32, #tpu.memory_space<hbm>>
        tpu.enqueue_indirect_dma source(%dma_start3A_553 : memref<10000x64xf32, #tpu.memory_space<hbm>>) target(%dma_start3A_543 : memref<80x64xf32, #tpu.memory_space<vmem>>) offsets(%dma_start3A_546 : memref<80xi32, #tpu.memory_space<vmem>>) semaphore(%arg20 : memref<!tpu.dma_semaphore, #tpu.memory_space<semaphore_mem>>)
      } else {
      }
      %mul3A_493 = arith.constant 4 : i32
      %mul3A_494 = arith.muli %mul3A_493, %scan3A_328 : i32
      %add3A_495 = arith.constant 2 : i32
      %add3A_496 = arith.addi %mul3A_494, %add3A_495 : i32
      %dma_wait3A_497 = arith.constant 2 : i32
      %dma_wait3A_498 = arith.constant 0 : i32
      %dma_wait3A_499 = arith.constant 0 : i32
      %dma_wait3A_500 = tpu.memref_slice %arg14[%dma_wait3A_497, %dma_wait3A_498, %dma_wait3A_499] : memref<4x80x64xf32, #tpu.memory_space<vmem>> -> memref<1x80x64xf32, #tpu.memory_space<vmem>>
      %dma_wait3A_501 = tpu.memref_squeeze %dma_wait3A_500 : memref<1x80x64xf32, #tpu.memory_space<vmem>> -> memref<80x64xf32, #tpu.memory_space<vmem>>
      %dma_wait3A_502 = arith.constant 0 : i32
      %dma_wait3A_503 = tpu.memref_slice %arg12[%add3A_392, %dma_wait3A_502] : memref<250x80xi32, #tpu.memory_space<vmem>> -> memref<1x80xi32, #tpu.memory_space<vmem>>
      %dma_wait3A_504 = tpu.memref_squeeze %dma_wait3A_503 : memref<1x80xi32, #tpu.memory_space<vmem>> -> memref<80xi32, #tpu.memory_space<vmem>>
      %dma_wait3A_505 = arith.constant 0 : i32
      %dma_wait3A_506 = arith.constant 0 : i32
      %dma_wait3A_507 = tpu.memref_slice %arg17[%dma_wait3A_505, %dma_wait3A_506] : memref<10000x64xf32, #tpu.memory_space<vmem_shared>> -> memref<10000x64xf32, #tpu.memory_space<vmem_shared>>
      tpu.wait_indirect_dma semaphore(%arg25 : memref<!tpu.dma_semaphore, #tpu.memory_space<semaphore_mem>>) src(%dma_wait3A_501 : memref<80x64xf32, #tpu.memory_space<vmem>>) dst(%dma_wait3A_507 : memref<10000x64xf32, #tpu.memory_space<vmem_shared>>)
      %add3A_508 = arith.constant 4 : i32
      %add3A_509 = arith.addi %add3A_496, %add3A_508 : i32
      %lt3A_510 = arith.constant 250 : i32
      %lt3A_511 = arith.cmpi slt, %add3A_509, %lt3A_510 : i32
      %convert_element_type3A_512 = arith.extui %lt3A_511 : i1 to i32
      %cond3A_513 = arith.constant 0 : i32
      %cond3A_514 = arith.cmpi ne, %convert_element_type3A_512, %cond3A_513 : i32
      scf.if %cond3A_514 {
        %add3A_537 = arith.constant 4 : i32
        %add3A_538 = arith.addi %add3A_496, %add3A_537 : i32
        %dma_start3A_539 = arith.constant 2 : i32
        %dma_start3A_540 = arith.constant 0 : i32
        %dma_start3A_541 = arith.constant 0 : i32
        %dma_start3A_542 = tpu.memref_slice %arg14[%dma_start3A_539, %dma_start3A_540, %dma_start3A_541] : memref<4x80x64xf32, #tpu.memory_space<vmem>> -> memref<1x80x64xf32, #tpu.memory_space<vmem>>
        %dma_start3A_543 = tpu.memref_squeeze %dma_start3A_542 : memref<1x80x64xf32, #tpu.memory_space<vmem>> -> memref<80x64xf32, #tpu.memory_space<vmem>>
        %dma_start3A_544 = arith.constant 0 : i32
        %dma_start3A_545 = tpu.memref_slice %arg11[%add3A_538, %dma_start3A_544] : memref<250x80xi32, #tpu.memory_space<vmem>> -> memref<1x80xi32, #tpu.memory_space<vmem>>
        %dma_start3A_546 = tpu.memref_squeeze %dma_start3A_545 : memref<1x80xi32, #tpu.memory_space<vmem>> -> memref<80xi32, #tpu.memory_space<vmem>>
        %dma_start3A_547 = arith.constant 0 : i32
        %dma_start3A_548 = arith.constant 0 : i32
        %dma_start3A_549 = tpu.memref_slice %arg5[%arg0, %dma_start3A_547, %dma_start3A_548] : memref<2x10000x64xf32, #tpu.memory_space<hbm>> -> memref<1x10000x64xf32, #tpu.memory_space<hbm>>
        %dma_start3A_550 = tpu.memref_squeeze %dma_start3A_549 : memref<1x10000x64xf32, #tpu.memory_space<hbm>> -> memref<10000x64xf32, #tpu.memory_space<hbm>>
        %dma_start3A_551 = arith.constant 0 : i32
        %dma_start3A_552 = arith.constant 0 : i32
        %dma_start3A_553 = tpu.memref_slice %dma_start3A_550[%dma_start3A_551, %dma_start3A_552] : memref<10000x64xf32, #tpu.memory_space<hbm>> -> memref<10000x64xf32, #tpu.memory_space<hbm>>
        tpu.enqueue_indirect_dma source(%dma_start3A_553 : memref<10000x64xf32, #tpu.memory_space<hbm>>) target(%dma_start3A_543 : memref<80x64xf32, #tpu.memory_space<vmem>>) offsets(%dma_start3A_546 : memref<80xi32, #tpu.memory_space<vmem>>) semaphore(%arg21 : memref<!tpu.dma_semaphore, #tpu.memory_space<semaphore_mem>>)
      } else {
      }
      %mul3A_515 = arith.constant 4 : i32
      %mul3A_516 = arith.muli %mul3A_515, %scan3A_328 : i32
      %add3A_517 = arith.constant 3 : i32
      %add3A_518 = arith.addi %mul3A_516, %add3A_517 : i32
      %dma_wait3A_519 = arith.constant 3 : i32
      %dma_wait3A_520 = arith.constant 0 : i32
      %dma_wait3A_521 = arith.constant 0 : i32
      %dma_wait3A_522 = tpu.memref_slice %arg14[%dma_wait3A_519, %dma_wait3A_520, %dma_wait3A_521] : memref<4x80x64xf32, #tpu.memory_space<vmem>> -> memref<1x80x64xf32, #tpu.memory_space<vmem>>
      %dma_wait3A_523 = tpu.memref_squeeze %dma_wait3A_522 : memref<1x80x64xf32, #tpu.memory_space<vmem>> -> memref<80x64xf32, #tpu.memory_space<vmem>>
      %dma_wait3A_524 = arith.constant 0 : i32
      %dma_wait3A_525 = tpu.memref_slice %arg12[%add3A_422, %dma_wait3A_524] : memref<250x80xi32, #tpu.memory_space<vmem>> -> memref<1x80xi32, #tpu.memory_space<vmem>>
      %dma_wait3A_526 = tpu.memref_squeeze %dma_wait3A_525 : memref<1x80xi32, #tpu.memory_space<vmem>> -> memref<80xi32, #tpu.memory_space<vmem>>
      %dma_wait3A_527 = arith.constant 0 : i32
      %dma_wait3A_528 = arith.constant 0 : i32
      %dma_wait3A_529 = tpu.memref_slice %arg17[%dma_wait3A_527, %dma_wait3A_528] : memref<10000x64xf32, #tpu.memory_space<vmem_shared>> -> memref<10000x64xf32, #tpu.memory_space<vmem_shared>>
      tpu.wait_indirect_dma semaphore(%arg26 : memref<!tpu.dma_semaphore, #tpu.memory_space<semaphore_mem>>) src(%dma_wait3A_523 : memref<80x64xf32, #tpu.memory_space<vmem>>) dst(%dma_wait3A_529 : memref<10000x64xf32, #tpu.memory_space<vmem_shared>>)
      %add3A_530 = arith.constant 4 : i32
      %add3A_531 = arith.addi %add3A_518, %add3A_530 : i32
      %lt3A_532 = arith.constant 250 : i32
      %lt3A_533 = arith.cmpi slt, %add3A_531, %lt3A_532 : i32
      %convert_element_type3A_534 = arith.extui %lt3A_533 : i1 to i32
      %cond3A_535 = arith.constant 0 : i32
      %cond3A_536 = arith.cmpi ne, %convert_element_type3A_534, %cond3A_535 : i32
      scf.if %cond3A_536 {
        %add3A_537 = arith.constant 4 : i32
        %add3A_538 = arith.addi %add3A_518, %add3A_537 : i32
        %dma_start3A_539 = arith.constant 3 : i32
        %dma_start3A_540 = arith.constant 0 : i32
        %dma_start3A_541 = arith.constant 0 : i32
        %dma_start3A_542 = tpu.memref_slice %arg14[%dma_start3A_539, %dma_start3A_540, %dma_start3A_541] : memref<4x80x64xf32, #tpu.memory_space<vmem>> -> memref<1x80x64xf32, #tpu.memory_space<vmem>>
        %dma_start3A_543 = tpu.memref_squeeze %dma_start3A_542 : memref<1x80x64xf32, #tpu.memory_space<vmem>> -> memref<80x64xf32, #tpu.memory_space<vmem>>
        %dma_start3A_544 = arith.constant 0 : i32
        %dma_start3A_545 = tpu.memref_slice %arg11[%add3A_538, %dma_start3A_544] : memref<250x80xi32, #tpu.memory_space<vmem>> -> memref<1x80xi32, #tpu.memory_space<vmem>>
        %dma_start3A_546 = tpu.memref_squeeze %dma_start3A_545 : memref<1x80xi32, #tpu.memory_space<vmem>> -> memref<80xi32, #tpu.memory_space<vmem>>
        %dma_start3A_547 = arith.constant 0 : i32
        %dma_start3A_548 = arith.constant 0 : i32
        %dma_start3A_549 = tpu.memref_slice %arg5[%arg0, %dma_start3A_547, %dma_start3A_548] : memref<2x10000x64xf32, #tpu.memory_space<hbm>> -> memref<1x10000x64xf32, #tpu.memory_space<hbm>>
        %dma_start3A_550 = tpu.memref_squeeze %dma_start3A_549 : memref<1x10000x64xf32, #tpu.memory_space<hbm>> -> memref<10000x64xf32, #tpu.memory_space<hbm>>
        %dma_start3A_551 = arith.constant 0 : i32
        %dma_start3A_552 = arith.constant 0 : i32
        %dma_start3A_553 = tpu.memref_slice %dma_start3A_550[%dma_start3A_551, %dma_start3A_552] : memref<10000x64xf32, #tpu.memory_space<hbm>> -> memref<10000x64xf32, #tpu.memory_space<hbm>>
        tpu.enqueue_indirect_dma source(%dma_start3A_553 : memref<10000x64xf32, #tpu.memory_space<hbm>>) target(%dma_start3A_543 : memref<80x64xf32, #tpu.memory_space<vmem>>) offsets(%dma_start3A_546 : memref<80xi32, #tpu.memory_space<vmem>>) semaphore(%arg22 : memref<!tpu.dma_semaphore, #tpu.memory_space<semaphore_mem>>)
      } else {
      }
    }
    %scan3A_226 = arith.constant 62 : i32
    %dma_wait3A_227 = arith.constant 248 : i32
    %dma_wait3A_228 = arith.constant 0 : i32
    %dma_wait3A_229 = arith.constant 0 : i32
    %dma_wait3A_230 = arith.constant 0 : i32
    %dma_wait3A_231 = tpu.memref_slice %arg14[%dma_wait3A_228, %dma_wait3A_229, %dma_wait3A_230] : memref<4x80x64xf32, #tpu.memory_space<vmem>> -> memref<1x80x64xf32, #tpu.memory_space<vmem>>
    %dma_wait3A_232 = tpu.memref_squeeze %dma_wait3A_231 : memref<1x80x64xf32, #tpu.memory_space<vmem>> -> memref<80x64xf32, #tpu.memory_space<vmem>>
    %dma_wait3A_233 = arith.constant 0 : i32
    %dma_wait3A_234 = tpu.memref_slice %arg11[%dma_wait3A_227, %dma_wait3A_233] : memref<250x80xi32, #tpu.memory_space<vmem>> -> memref<1x80xi32, #tpu.memory_space<vmem>>
    %dma_wait3A_235 = tpu.memref_squeeze %dma_wait3A_234 : memref<1x80xi32, #tpu.memory_space<vmem>> -> memref<80xi32, #tpu.memory_space<vmem>>
    %dma_wait3A_236 = arith.constant 0 : i32
    %dma_wait3A_237 = arith.constant 0 : i32
    %dma_wait3A_238 = tpu.memref_slice %arg5[%arg0, %dma_wait3A_236, %dma_wait3A_237] : memref<2x10000x64xf32, #tpu.memory_space<hbm>> -> memref<1x10000x64xf32, #tpu.memory_space<hbm>>
    %dma_wait3A_239 = tpu.memref_squeeze %dma_wait3A_238 : memref<1x10000x64xf32, #tpu.memory_space<hbm>> -> memref<10000x64xf32, #tpu.memory_space<hbm>>
    %dma_wait3A_240 = arith.constant 0 : i32
    %dma_wait3A_241 = arith.constant 0 : i32
    %dma_wait3A_242 = tpu.memref_slice %dma_wait3A_239[%dma_wait3A_240, %dma_wait3A_241] : memref<10000x64xf32, #tpu.memory_space<hbm>> -> memref<10000x64xf32, #tpu.memory_space<hbm>>
    tpu.wait_indirect_dma semaphore(%arg19 : memref<!tpu.dma_semaphore, #tpu.memory_space<semaphore_mem>>) src(%dma_wait3A_242 : memref<10000x64xf32, #tpu.memory_space<hbm>>) dst(%dma_wait3A_232 : memref<80x64xf32, #tpu.memory_space<vmem>>)
    %dma_start3A_243 = arith.constant 0 : i32
    %dma_start3A_244 = arith.constant 248 : i32
    %dma_start3A_245 = arith.constant 0 : i32
    %dma_start3A_246 = arith.constant 0 : i32
    %dma_start3A_247 = tpu.memref_slice %arg14[%dma_start3A_243, %dma_start3A_245, %dma_start3A_246] : memref<4x80x64xf32, #tpu.memory_space<vmem>> -> memref<1x80x64xf32, #tpu.memory_space<vmem>>
    %dma_start3A_248 = tpu.memref_squeeze %dma_start3A_247 : memref<1x80x64xf32, #tpu.memory_space<vmem>> -> memref<80x64xf32, #tpu.memory_space<vmem>>
    %dma_start3A_249 = arith.constant 0 : i32
    %dma_start3A_250 = tpu.memref_slice %arg12[%dma_start3A_244, %dma_start3A_249] : memref<250x80xi32, #tpu.memory_space<vmem>> -> memref<1x80xi32, #tpu.memory_space<vmem>>
    %dma_start3A_251 = tpu.memref_squeeze %dma_start3A_250 : memref<1x80xi32, #tpu.memory_space<vmem>> -> memref<80xi32, #tpu.memory_space<vmem>>
    %dma_start3A_252 = arith.constant 0 : i32
    %dma_start3A_253 = arith.constant 0 : i32
    %dma_start3A_254 = tpu.memref_slice %arg17[%dma_start3A_252, %dma_start3A_253] : memref<10000x64xf32, #tpu.memory_space<vmem_shared>> -> memref<10000x64xf32, #tpu.memory_space<vmem_shared>>
    tpu.enqueue_indirect_dma source(%dma_start3A_248 : memref<80x64xf32, #tpu.memory_space<vmem>>) target(%dma_start3A_254 : memref<10000x64xf32, #tpu.memory_space<vmem_shared>>) offsets(%dma_start3A_251 : memref<80xi32, #tpu.memory_space<vmem>>) semaphore(%arg23 : memref<!tpu.dma_semaphore, #tpu.memory_space<semaphore_mem>>) {add = true}
    %dma_wait3A_255 = arith.constant 0 : i32
    %dma_wait3A_256 = arith.constant 248 : i32
    %dma_wait3A_257 = arith.constant 0 : i32
    %dma_wait3A_258 = arith.constant 0 : i32
    %dma_wait3A_259 = tpu.memref_slice %arg14[%dma_wait3A_255, %dma_wait3A_257, %dma_wait3A_258] : memref<4x80x64xf32, #tpu.memory_space<vmem>> -> memref<1x80x64xf32, #tpu.memory_space<vmem>>
    %dma_wait3A_260 = tpu.memref_squeeze %dma_wait3A_259 : memref<1x80x64xf32, #tpu.memory_space<vmem>> -> memref<80x64xf32, #tpu.memory_space<vmem>>
    %dma_wait3A_261 = arith.constant 0 : i32
    %dma_wait3A_262 = tpu.memref_slice %arg12[%dma_wait3A_256, %dma_wait3A_261] : memref<250x80xi32, #tpu.memory_space<vmem>> -> memref<1x80xi32, #tpu.memory_space<vmem>>
    %dma_wait3A_263 = tpu.memref_squeeze %dma_wait3A_262 : memref<1x80xi32, #tpu.memory_space<vmem>> -> memref<80xi32, #tpu.memory_space<vmem>>
    %dma_wait3A_264 = arith.constant 0 : i32
    %dma_wait3A_265 = arith.constant 0 : i32
    %dma_wait3A_266 = tpu.memref_slice %arg17[%dma_wait3A_264, %dma_wait3A_265] : memref<10000x64xf32, #tpu.memory_space<vmem_shared>> -> memref<10000x64xf32, #tpu.memory_space<vmem_shared>>
    tpu.wait_indirect_dma semaphore(%arg23 : memref<!tpu.dma_semaphore, #tpu.memory_space<semaphore_mem>>) src(%dma_wait3A_260 : memref<80x64xf32, #tpu.memory_space<vmem>>) dst(%dma_wait3A_266 : memref<10000x64xf32, #tpu.memory_space<vmem_shared>>)
    %dma_wait3A_267 = arith.constant 249 : i32
    %dma_wait3A_268 = arith.constant 1 : i32
    %dma_wait3A_269 = arith.constant 0 : i32
    %dma_wait3A_270 = arith.constant 0 : i32
    %dma_wait3A_271 = tpu.memref_slice %arg14[%dma_wait3A_268, %dma_wait3A_269, %dma_wait3A_270] : memref<4x80x64xf32, #tpu.memory_space<vmem>> -> memref<1x80x64xf32, #tpu.memory_space<vmem>>
    %dma_wait3A_272 = tpu.memref_squeeze %dma_wait3A_271 : memref<1x80x64xf32, #tpu.memory_space<vmem>> -> memref<80x64xf32, #tpu.memory_space<vmem>>
    %dma_wait3A_273 = arith.constant 0 : i32
    %dma_wait3A_274 = tpu.memref_slice %arg11[%dma_wait3A_267, %dma_wait3A_273] : memref<250x80xi32, #tpu.memory_space<vmem>> -> memref<1x80xi32, #tpu.memory_space<vmem>>
    %dma_wait3A_275 = tpu.memref_squeeze %dma_wait3A_274 : memref<1x80xi32, #tpu.memory_space<vmem>> -> memref<80xi32, #tpu.memory_space<vmem>>
    %dma_wait3A_276 = arith.constant 0 : i32
    %dma_wait3A_277 = arith.constant 0 : i32
    %dma_wait3A_278 = tpu.memref_slice %arg5[%arg0, %dma_wait3A_276, %dma_wait3A_277] : memref<2x10000x64xf32, #tpu.memory_space<hbm>> -> memref<1x10000x64xf32, #tpu.memory_space<hbm>>
    %dma_wait3A_279 = tpu.memref_squeeze %dma_wait3A_278 : memref<1x10000x64xf32, #tpu.memory_space<hbm>> -> memref<10000x64xf32, #tpu.memory_space<hbm>>
    %dma_wait3A_280 = arith.constant 0 : i32
    %dma_wait3A_281 = arith.constant 0 : i32
    %dma_wait3A_282 = tpu.memref_slice %dma_wait3A_279[%dma_wait3A_280, %dma_wait3A_281] : memref<10000x64xf32, #tpu.memory_space<hbm>> -> memref<10000x64xf32, #tpu.memory_space<hbm>>
    tpu.wait_indirect_dma semaphore(%arg20 : memref<!tpu.dma_semaphore, #tpu.memory_space<semaphore_mem>>) src(%dma_wait3A_282 : memref<10000x64xf32, #tpu.memory_space<hbm>>) dst(%dma_wait3A_272 : memref<80x64xf32, #tpu.memory_space<vmem>>)
    %dma_start3A_283 = arith.constant 1 : i32
    %dma_start3A_284 = arith.constant 249 : i32
    %dma_start3A_285 = arith.constant 0 : i32
    %dma_start3A_286 = arith.constant 0 : i32
    %dma_start3A_287 = tpu.memref_slice %arg14[%dma_start3A_283, %dma_start3A_285, %dma_start3A_286] : memref<4x80x64xf32, #tpu.memory_space<vmem>> -> memref<1x80x64xf32, #tpu.memory_space<vmem>>
    %dma_start3A_288 = tpu.memref_squeeze %dma_start3A_287 : memref<1x80x64xf32, #tpu.memory_space<vmem>> -> memref<80x64xf32, #tpu.memory_space<vmem>>
    %dma_start3A_289 = arith.constant 0 : i32
    %dma_start3A_290 = tpu.memref_slice %arg12[%dma_start3A_284, %dma_start3A_289] : memref<250x80xi32, #tpu.memory_space<vmem>> -> memref<1x80xi32, #tpu.memory_space<vmem>>
    %dma_start3A_291 = tpu.memref_squeeze %dma_start3A_290 : memref<1x80xi32, #tpu.memory_space<vmem>> -> memref<80xi32, #tpu.memory_space<vmem>>
    %dma_start3A_292 = arith.constant 0 : i32
    %dma_start3A_293 = arith.constant 0 : i32
    %dma_start3A_294 = tpu.memref_slice %arg17[%dma_start3A_292, %dma_start3A_293] : memref<10000x64xf32, #tpu.memory_space<vmem_shared>> -> memref<10000x64xf32, #tpu.memory_space<vmem_shared>>
    tpu.enqueue_indirect_dma source(%dma_start3A_288 : memref<80x64xf32, #tpu.memory_space<vmem>>) target(%dma_start3A_294 : memref<10000x64xf32, #tpu.memory_space<vmem_shared>>) offsets(%dma_start3A_291 : memref<80xi32, #tpu.memory_space<vmem>>) semaphore(%arg24 : memref<!tpu.dma_semaphore, #tpu.memory_space<semaphore_mem>>) {add = true}
    %dma_wait3A_295 = arith.constant 1 : i32
    %dma_wait3A_296 = arith.constant 249 : i32
    %dma_wait3A_297 = arith.constant 0 : i32
    %dma_wait3A_298 = arith.constant 0 : i32
    %dma_wait3A_299 = tpu.memref_slice %arg14[%dma_wait3A_295, %dma_wait3A_297, %dma_wait3A_298] : memref<4x80x64xf32, #tpu.memory_space<vmem>> -> memref<1x80x64xf32, #tpu.memory_space<vmem>>
    %dma_wait3A_300 = tpu.memref_squeeze %dma_wait3A_299 : memref<1x80x64xf32, #tpu.memory_space<vmem>> -> memref<80x64xf32, #tpu.memory_space<vmem>>
    %dma_wait3A_301 = arith.constant 0 : i32
    %dma_wait3A_302 = tpu.memref_slice %arg12[%dma_wait3A_296, %dma_wait3A_301] : memref<250x80xi32, #tpu.memory_space<vmem>> -> memref<1x80xi32, #tpu.memory_space<vmem>>
    %dma_wait3A_303 = tpu.memref_squeeze %dma_wait3A_302 : memref<1x80xi32, #tpu.memory_space<vmem>> -> memref<80xi32, #tpu.memory_space<vmem>>
    %dma_wait3A_304 = arith.constant 0 : i32
    %dma_wait3A_305 = arith.constant 0 : i32
    %dma_wait3A_306 = tpu.memref_slice %arg17[%dma_wait3A_304, %dma_wait3A_305] : memref<10000x64xf32, #tpu.memory_space<vmem_shared>> -> memref<10000x64xf32, #tpu.memory_space<vmem_shared>>
    tpu.wait_indirect_dma semaphore(%arg24 : memref<!tpu.dma_semaphore, #tpu.memory_space<semaphore_mem>>) src(%dma_wait3A_300 : memref<80x64xf32, #tpu.memory_space<vmem>>) dst(%dma_wait3A_306 : memref<10000x64xf32, #tpu.memory_space<vmem_shared>>)
    %barrier3A_307 = arith.constant 0 : index
    tpu.barrier barrier_id(%barrier3A_307)
    %lt3A_308 = arith.constant 15 : i32
    %lt3A_309 = arith.cmpi slt, %arg1, %lt3A_308 : i32
    %convert_element_type3A_310 = arith.extui %lt3A_309 : i1 to i32
    %cond3A_311 = arith.constant 0 : i32
    %cond3A_312 = arith.cmpi ne, %convert_element_type3A_310, %cond3A_311 : i32
    scf.if %cond3A_312 {
      %mul3A_328 = arith.constant 624 : i32
      %mul3A_329 = arith.muli %arg1, %mul3A_328 : i32
      %mul3A_330 = arith.constant 624 : i32
      %mul3A_331 = arith.muli %arg1, %mul3A_330 : i32
      "tpu.region"() ({
        %run_scoped3A = tpu.sem_alloc : memref<!tpu.dma_semaphore, #tpu.memory_space<semaphore_mem>>
        %dma_start3A_332 = arith.constant 0 : i32
        %dma_start3A_333 = tpu.memref_slice %arg9[%arg0, %mul3A_331, %dma_start3A_332] : memref<2x10000x64xf32, #tpu.memory_space<hbm>> -> memref<1x624x64xf32, #tpu.memory_space<hbm>>
        %dma_start3A_334 = tpu.memref_squeeze %dma_start3A_333 : memref<1x624x64xf32, #tpu.memory_space<hbm>> -> memref<624x64xf32, #tpu.memory_space<hbm>>
        %dma_start3A_335 = arith.constant 0 : i32
        %dma_start3A_336 = tpu.memref_slice %arg17[%mul3A_329, %dma_start3A_335] : memref<10000x64xf32, #tpu.memory_space<vmem_shared>> -> memref<624x64xf32, #tpu.memory_space<vmem_shared>>
        tpu.enqueue_dma source(%dma_start3A_336 : memref<624x64xf32, #tpu.memory_space<vmem_shared>>) target(%dma_start3A_334 : memref<624x64xf32, #tpu.memory_space<hbm>>) target_semaphore(%run_scoped3A : memref<!tpu.dma_semaphore, #tpu.memory_space<semaphore_mem>>)
        %dma_wait3A_337 = arith.constant 0 : i32
        %dma_wait3A_338 = tpu.memref_slice %arg9[%arg0, %mul3A_331, %dma_wait3A_337] : memref<2x10000x64xf32, #tpu.memory_space<hbm>> -> memref<1x624x64xf32, #tpu.memory_space<hbm>>
        %dma_wait3A_339 = tpu.memref_squeeze %dma_wait3A_338 : memref<1x624x64xf32, #tpu.memory_space<hbm>> -> memref<624x64xf32, #tpu.memory_space<hbm>>
        %dma_wait3A_340 = arith.constant 0 : i32
        %dma_wait3A_341 = tpu.memref_slice %arg17[%mul3A_329, %dma_wait3A_340] : memref<10000x64xf32, #tpu.memory_space<vmem_shared>> -> memref<624x64xf32, #tpu.memory_space<vmem_shared>>
        tpu.wait_dma2 semaphore(%run_scoped3A : memref<!tpu.dma_semaphore, #tpu.memory_space<semaphore_mem>>) src(%dma_wait3A_341 : memref<624x64xf32, #tpu.memory_space<vmem_shared>>) dst(%dma_wait3A_339 : memref<624x64xf32, #tpu.memory_space<hbm>>)
        tpu.yield
      }) : () -> ()
    } else {
    }
    %eq3A_313 = arith.constant 15 : i32
    %eq3A_314 = arith.cmpi eq, %arg1, %eq3A_313 : i32
    %convert_element_type3A_315 = arith.extui %eq3A_314 : i1 to i32
    %cond3A_316 = arith.constant 0 : i32
    %cond3A_317 = arith.cmpi ne, %convert_element_type3A_315, %cond3A_316 : i32
    scf.if %cond3A_317 {
      "tpu.region"() ({
        %run_scoped3A = tpu.sem_alloc : memref<!tpu.dma_semaphore, #tpu.memory_space<semaphore_mem>>
        %dma_start3A_328 = arith.constant 9360 : i32
        %dma_start3A_329 = arith.constant 0 : i32
        %dma_start3A_330 = tpu.memref_slice %arg9[%arg0, %dma_start3A_328, %dma_start3A_329] : memref<2x10000x64xf32, #tpu.memory_space<hbm>> -> memref<1x640x64xf32, #tpu.memory_space<hbm>>
        %dma_start3A_331 = tpu.memref_squeeze %dma_start3A_330 : memref<1x640x64xf32, #tpu.memory_space<hbm>> -> memref<640x64xf32, #tpu.memory_space<hbm>>
        %dma_start3A_332 = arith.constant 9360 : i32
        %dma_start3A_333 = arith.constant 0 : i32
        %dma_start3A_334 = tpu.memref_slice %arg17[%dma_start3A_332, %dma_start3A_333] : memref<10000x64xf32, #tpu.memory_space<vmem_shared>> -> memref<640x64xf32, #tpu.memory_space<vmem_shared>>
        tpu.enqueue_dma source(%dma_start3A_334 : memref<640x64xf32, #tpu.memory_space<vmem_shared>>) target(%dma_start3A_331 : memref<640x64xf32, #tpu.memory_space<hbm>>) target_semaphore(%run_scoped3A : memref<!tpu.dma_semaphore, #tpu.memory_space<semaphore_mem>>)
        %dma_wait3A_335 = arith.constant 9360 : i32
        %dma_wait3A_336 = arith.constant 0 : i32
        %dma_wait3A_337 = tpu.memref_slice %arg9[%arg0, %dma_wait3A_335, %dma_wait3A_336] : memref<2x10000x64xf32, #tpu.memory_space<hbm>> -> memref<1x640x64xf32, #tpu.memory_space<hbm>>
        %dma_wait3A_338 = tpu.memref_squeeze %dma_wait3A_337 : memref<1x640x64xf32, #tpu.memory_space<hbm>> -> memref<640x64xf32, #tpu.memory_space<hbm>>
        %dma_wait3A_339 = arith.constant 9360 : i32
        %dma_wait3A_340 = arith.constant 0 : i32
        %dma_wait3A_341 = tpu.memref_slice %arg17[%dma_wait3A_339, %dma_wait3A_340] : memref<10000x64xf32, #tpu.memory_space<vmem_shared>> -> memref<640x64xf32, #tpu.memory_space<vmem_shared>>
        tpu.wait_dma2 semaphore(%run_scoped3A : memref<!tpu.dma_semaphore, #tpu.memory_space<semaphore_mem>>) src(%dma_wait3A_341 : memref<640x64xf32, #tpu.memory_space<vmem_shared>>) dst(%dma_wait3A_338 : memref<640x64xf32, #tpu.memory_space<hbm>>)
        tpu.yield
      }) : () -> ()
    } else {
    }
    %lt3A_318 = arith.constant 15 : i32
    %lt3A_319 = arith.cmpi slt, %arg1, %lt3A_318 : i32
    %convert_element_type3A_320 = arith.extui %lt3A_319 : i1 to i32
    %cond3A_321 = arith.constant 0 : i32
    %cond3A_322 = arith.cmpi ne, %convert_element_type3A_320, %cond3A_321 : i32
    scf.if %cond3A_322 {
      %mul3A_328 = arith.constant 624 : i32
      %mul3A_329 = arith.muli %arg1, %mul3A_328 : i32
      %mul3A_330 = arith.constant 624 : i32
      %mul3A_331 = arith.muli %arg1, %mul3A_330 : i32
      "tpu.region"() ({
        %run_scoped3A = tpu.sem_alloc : memref<!tpu.dma_semaphore, #tpu.memory_space<semaphore_mem>>
        %dma_start3A_332 = arith.constant 0 : i32
        %dma_start3A_333 = tpu.memref_slice %arg10[%arg0, %mul3A_331, %dma_start3A_332] : memref<2x10000x16xf32, #tpu.memory_space<hbm>> -> memref<1x624x16xf32, #tpu.memory_space<hbm>>
        %dma_start3A_334 = tpu.memref_squeeze %dma_start3A_333 : memref<1x624x16xf32, #tpu.memory_space<hbm>> -> memref<624x16xf32, #tpu.memory_space<hbm>>
        %dma_start3A_335 = arith.constant 0 : i32
        %dma_start3A_336 = tpu.memref_slice %arg18[%mul3A_329, %dma_start3A_335] : memref<10000x16xf32, #tpu.memory_space<vmem_shared>> -> memref<624x16xf32, #tpu.memory_space<vmem_shared>>
        tpu.enqueue_dma source(%dma_start3A_336 : memref<624x16xf32, #tpu.memory_space<vmem_shared>>) target(%dma_start3A_334 : memref<624x16xf32, #tpu.memory_space<hbm>>) target_semaphore(%run_scoped3A : memref<!tpu.dma_semaphore, #tpu.memory_space<semaphore_mem>>)
        %dma_wait3A_337 = arith.constant 0 : i32
        %dma_wait3A_338 = tpu.memref_slice %arg10[%arg0, %mul3A_331, %dma_wait3A_337] : memref<2x10000x16xf32, #tpu.memory_space<hbm>> -> memref<1x624x16xf32, #tpu.memory_space<hbm>>
        %dma_wait3A_339 = tpu.memref_squeeze %dma_wait3A_338 : memref<1x624x16xf32, #tpu.memory_space<hbm>> -> memref<624x16xf32, #tpu.memory_space<hbm>>
        %dma_wait3A_340 = arith.constant 0 : i32
        %dma_wait3A_341 = tpu.memref_slice %arg18[%mul3A_329, %dma_wait3A_340] : memref<10000x16xf32, #tpu.memory_space<vmem_shared>> -> memref<624x16xf32, #tpu.memory_space<vmem_shared>>
        tpu.wait_dma2 semaphore(%run_scoped3A : memref<!tpu.dma_semaphore, #tpu.memory_space<semaphore_mem>>) src(%dma_wait3A_341 : memref<624x16xf32, #tpu.memory_space<vmem_shared>>) dst(%dma_wait3A_339 : memref<624x16xf32, #tpu.memory_space<hbm>>)
        tpu.yield
      }) : () -> ()
    } else {
    }
    %eq3A_323 = arith.constant 15 : i32
    %eq3A_324 = arith.cmpi eq, %arg1, %eq3A_323 : i32
    %convert_element_type3A_325 = arith.extui %eq3A_324 : i1 to i32
    %cond3A_326 = arith.constant 0 : i32
    %cond3A_327 = arith.cmpi ne, %convert_element_type3A_325, %cond3A_326 : i32
    scf.if %cond3A_327 {
      "tpu.region"() ({
        %run_scoped3A = tpu.sem_alloc : memref<!tpu.dma_semaphore, #tpu.memory_space<semaphore_mem>>
        %dma_start3A_328 = arith.constant 9360 : i32
        %dma_start3A_329 = arith.constant 0 : i32
        %dma_start3A_330 = tpu.memref_slice %arg10[%arg0, %dma_start3A_328, %dma_start3A_329] : memref<2x10000x16xf32, #tpu.memory_space<hbm>> -> memref<1x640x16xf32, #tpu.memory_space<hbm>>
        %dma_start3A_331 = tpu.memref_squeeze %dma_start3A_330 : memref<1x640x16xf32, #tpu.memory_space<hbm>> -> memref<640x16xf32, #tpu.memory_space<hbm>>
        %dma_start3A_332 = arith.constant 9360 : i32
        %dma_start3A_333 = arith.constant 0 : i32
        %dma_start3A_334 = tpu.memref_slice %arg18[%dma_start3A_332, %dma_start3A_333] : memref<10000x16xf32, #tpu.memory_space<vmem_shared>> -> memref<640x16xf32, #tpu.memory_space<vmem_shared>>
        tpu.enqueue_dma source(%dma_start3A_334 : memref<640x16xf32, #tpu.memory_space<vmem_shared>>) target(%dma_start3A_331 : memref<640x16xf32, #tpu.memory_space<hbm>>) target_semaphore(%run_scoped3A : memref<!tpu.dma_semaphore, #tpu.memory_space<semaphore_mem>>)
        %dma_wait3A_335 = arith.constant 9360 : i32
        %dma_wait3A_336 = arith.constant 0 : i32
        %dma_wait3A_337 = tpu.memref_slice %arg10[%arg0, %dma_wait3A_335, %dma_wait3A_336] : memref<2x10000x16xf32, #tpu.memory_space<hbm>> -> memref<1x640x16xf32, #tpu.memory_space<hbm>>
        %dma_wait3A_338 = tpu.memref_squeeze %dma_wait3A_337 : memref<1x640x16xf32, #tpu.memory_space<hbm>> -> memref<640x16xf32, #tpu.memory_space<hbm>>
        %dma_wait3A_339 = arith.constant 9360 : i32
        %dma_wait3A_340 = arith.constant 0 : i32
        %dma_wait3A_341 = tpu.memref_slice %arg18[%dma_wait3A_339, %dma_wait3A_340] : memref<10000x16xf32, #tpu.memory_space<vmem_shared>> -> memref<640x16xf32, #tpu.memory_space<vmem_shared>>
        tpu.wait_dma2 semaphore(%run_scoped3A : memref<!tpu.dma_semaphore, #tpu.memory_space<semaphore_mem>>) src(%dma_wait3A_341 : memref<640x16xf32, #tpu.memory_space<vmem_shared>>) dst(%dma_wait3A_338 : memref<640x16xf32, #tpu.memory_space<hbm>>)
        tpu.yield
      }) : () -> ()
    } else {
    }
    return
  }
}

module attributes {stable_mosaic.version = 14 : i64} {
  func.func @_tc_b_body(%arg0: i32, %arg1: memref<1000x128xf32, #tpu.memory_space<vmem>>, %arg2: memref<128x128xf32, #tpu.memory_space<vmem>>, %arg3: memref<1000x1xf32, #tpu.memory_space<vmem>>, %arg4: memref<1000x1xf32, #tpu.memory_space<vmem>>, %arg5: memref<1000x1xf32, #tpu.memory_space<vmem>>, %arg6: memref<2x1000x64xf32, #tpu.memory_space<vmem>>) attributes {dimension_semantics = [#tpu.dimension_semantics<arbitrary>], iteration_bounds = array<i64: 10>, scalar_prefetch = 0 : i64, scratch_operands = 0 : i64, tpu.core_type = #tpu.core_type<tc>, window_params = [{transform_indices = @transform_0, window_bounds = array<i64: 1000, 128>}, {pipeline_mode = #tpu.pipeline_mode<synchronous>, transform_indices = @transform_1, window_bounds = array<i64: 128, 128>}, {transform_indices = @transform_2, window_bounds = array<i64: 1000, 1>}, {transform_indices = @transform_3, window_bounds = array<i64: 1000, 1>}, {transform_indices = @transform_4, window_bounds = array<i64: 1000, 1>}, {transform_indices = @transform_5, window_bounds = array<i64: 2, 1000, 64>}]} {
    %get3A = arith.constant 0 : index
    %get3A_0 = arith.constant 0 : index
    %get3A_1 = vector.load %arg3[%get3A, %get3A_0] : memref<1000x1xf32, #tpu.memory_space<vmem>>, vector<1000x1xf32>
    %get3A_2 = arith.constant 0 : index
    %get3A_3 = arith.constant 0 : index
    %get3A_4 = vector.load %arg4[%get3A_2, %get3A_3] : memref<1000x1xf32, #tpu.memory_space<vmem>>, vector<1000x1xf32>
    %add3A = arith.addf %get3A_1, %get3A_4 : vector<1000x1xf32>
    %add3A_5 = arith.constant 1.000000e+00 : f32
    %add3A_6 = vector.broadcast %add3A_5 : f32 to vector<1000x1xf32>
    %add3A_7 = arith.addf %add3A, %add3A_6 : vector<1000x1xf32>
    %rsqrt3A = math.rsqrt %add3A_7 : vector<1000x1xf32>
    %swap3A = arith.constant 0 : index
    %swap3A_8 = arith.constant 0 : index
    %swap3A_9 = vector.load %arg5[%swap3A, %swap3A_8] : memref<1000x1xf32, #tpu.memory_space<vmem>>, vector<1000x1xf32>
    tpu.vector_store %arg5[%swap3A, %swap3A_8], %rsqrt3A {strides = array<i32>} : memref<1000x1xf32, #tpu.memory_space<vmem>>, vector<1000x1xf32>,
    %get3A_10 = arith.constant 0 : index
    %get3A_11 = arith.constant 0 : index
    %get3A_12 = vector.load %arg1[%get3A_10, %get3A_11] : memref<1000x128xf32, #tpu.memory_space<vmem>>, vector<1000x128xf32>
    %get3A_13 = arith.constant 0 : index
    %get3A_14 = arith.constant 0 : index
    %get3A_15 = vector.load %arg2[%get3A_13, %get3A_14] : memref<128x128xf32, #tpu.memory_space<vmem>>, vector<128x128xf32>
    %dot_general3A = arith.constant dense<0.000000e+00> : vector<1000x128xf32>
    %dot_general3A_16 = tpu.matmul %get3A_12, %get3A_15, %dot_general3A {dimension_numbers = #tpu.dot_dimension_numbers<[1], [0], [0], [1], [0, 0, 1, 1], [], []>, precision = #tpu.contract_precision<fp32>, transpose_lhs_hint = false} : vector<1000x128xf32>, vector<128x128xf32>, vector<1000x128xf32> -> vector<1000x128xf32>
    %mul3A = vector.broadcast %rsqrt3A : vector<1000x1xf32> to vector<1000x128xf32>
    %mul3A_17 = arith.mulf %mul3A, %dot_general3A_16 : vector<1000x128xf32>
    %slice3A = vector.extract_strided_slice %mul3A_17 {offsets = [0, 0], sizes = [1000, 64], strides = [1, 1]} : vector<1000x128xf32> to vector<1000x64xf32>
    %swap3A_18 = arith.constant 0 : index
    %swap3A_19 = arith.constant 0 : index
    %swap3A_20 = arith.constant 0 : index
    %swap3A_21 = vector.load %arg6[%swap3A_18, %swap3A_19, %swap3A_20] : memref<2x1000x64xf32, #tpu.memory_space<vmem>>, vector<1x1000x64xf32>
    %swap3A_22 = vector.shape_cast %swap3A_21 : vector<1x1000x64xf32> to vector<1000x64xf32>
    %swap3A_23 = vector.shape_cast %slice3A : vector<1000x64xf32> to vector<1x1000x64xf32>
    tpu.vector_store %arg6[%swap3A_18, %swap3A_19, %swap3A_20], %swap3A_23 {strides = array<i32>} : memref<2x1000x64xf32, #tpu.memory_space<vmem>>, vector<1x1000x64xf32>,
    %slice3A_24 = vector.extract_strided_slice %mul3A_17 {offsets = [0, 64], sizes = [1000, 64], strides = [1, 1]} : vector<1000x128xf32> to vector<1000x64xf32>
    %swap3A_25 = arith.constant 1 : index
    %swap3A_26 = arith.constant 0 : index
    %swap3A_27 = arith.constant 0 : index
    %swap3A_28 = vector.load %arg6[%swap3A_25, %swap3A_26, %swap3A_27] : memref<2x1000x64xf32, #tpu.memory_space<vmem>>, vector<1x1000x64xf32>
    %swap3A_29 = vector.shape_cast %swap3A_28 : vector<1x1000x64xf32> to vector<1000x64xf32>
    %swap3A_30 = vector.shape_cast %slice3A_24 : vector<1000x64xf32> to vector<1x1000x64xf32>
    tpu.vector_store %arg6[%swap3A_25, %swap3A_26, %swap3A_27], %swap3A_30 {strides = array<i32>} : memref<2x1000x64xf32, #tpu.memory_space<vmem>>, vector<1x1000x64xf32>,
    return
  }
  func.func @transform_0(%arg0: i32) -> (i32, i32) {
    %c0_i32 = arith.constant 0 : i32
    %c0_i32_0 = arith.constant 0 : i32
    return %arg0, %c0_i32 : i32, i32
  }
  func.func @transform_1(%arg0: i32) -> (i32, i32) {
    %c0_i32 = arith.constant 0 : i32
    %c0_i32_0 = arith.constant 0 : i32
    %c0_i32_1 = arith.constant 0 : i32
    return %c0_i32, %c0_i32_0 : i32, i32
  }
  func.func @transform_2(%arg0: i32) -> (i32, i32) {
    %c0_i32 = arith.constant 0 : i32
    %c0_i32_0 = arith.constant 0 : i32
    return %arg0, %c0_i32 : i32, i32
  }
  func.func @transform_3(%arg0: i32) -> (i32, i32) {
    %c0_i32 = arith.constant 0 : i32
    %c0_i32_0 = arith.constant 0 : i32
    return %arg0, %c0_i32 : i32, i32
  }
  func.func @transform_4(%arg0: i32) -> (i32, i32) {
    %c0_i32 = arith.constant 0 : i32
    %c0_i32_0 = arith.constant 0 : i32
    return %arg0, %c0_i32 : i32, i32
  }
  func.func @transform_5(%arg0: i32) -> (i32, i32, i32) {
    %c0_i32 = arith.constant 0 : i32
    %c0_i32_0 = arith.constant 0 : i32
    %c0_i32_1 = arith.constant 0 : i32
    return %c0_i32, %arg0, %c0_i32_0 : i32, i32, i32
  }
}

module attributes {stable_mosaic.version = 14 : i64} {
  func.func @_tc_d_body(%arg0: i32, %arg1: memref<2x1000x64xf32, #tpu.memory_space<vmem>>, %arg2: memref<2x1000x16xf32, #tpu.memory_space<vmem>>, %arg3: memref<2x1000x64xf32, #tpu.memory_space<vmem>>, %arg4: memref<1000x1xf32, #tpu.memory_space<vmem>>, %arg5: memref<16x128xf32, #tpu.memory_space<vmem>>, %arg6: memref<128x128xf32, #tpu.memory_space<vmem>>, %arg7: memref<2x1000x64xf32, #tpu.memory_space<vmem>>) attributes {dimension_semantics = [#tpu.dimension_semantics<arbitrary>], iteration_bounds = array<i64: 10>, scalar_prefetch = 0 : i64, scratch_operands = 0 : i64, tpu.core_type = #tpu.core_type<tc>, window_params = [{transform_indices = @transform_0, window_bounds = array<i64: 2, 1000, 64>}, {transform_indices = @transform_1, window_bounds = array<i64: 2, 1000, 16>}, {transform_indices = @transform_2, window_bounds = array<i64: 2, 1000, 64>}, {transform_indices = @transform_3, window_bounds = array<i64: 1000, 1>}, {pipeline_mode = #tpu.pipeline_mode<synchronous>, transform_indices = @transform_4, window_bounds = array<i64: 16, 128>}, {pipeline_mode = #tpu.pipeline_mode<synchronous>, transform_indices = @transform_5, window_bounds = array<i64: 128, 128>}, {transform_indices = @transform_6, window_bounds = array<i64: 2, 1000, 64>}]} {
    %get3A = arith.constant 0 : index
    %get3A_0 = arith.constant 0 : index
    %get3A_1 = vector.load %arg4[%get3A, %get3A_0] : memref<1000x1xf32, #tpu.memory_space<vmem>>, vector<1000x1xf32>
    %get3A_2 = arith.constant 0 : index
    %get3A_3 = arith.constant 0 : index
    %get3A_4 = arith.constant 0 : index
    %get3A_5 = vector.load %arg2[%get3A_2, %get3A_3, %get3A_4] : memref<2x1000x16xf32, #tpu.memory_space<vmem>>, vector<1x1000x16xf32>
    %get3A_6 = vector.shape_cast %get3A_5 : vector<1x1000x16xf32> to vector<1000x16xf32>
    %get3A_7 = arith.constant 1 : index
    %get3A_8 = arith.constant 0 : index
    %get3A_9 = arith.constant 0 : index
    %get3A_10 = vector.load %arg2[%get3A_7, %get3A_8, %get3A_9] : memref<2x1000x16xf32, #tpu.memory_space<vmem>>, vector<1x1000x16xf32>
    %get3A_11 = vector.shape_cast %get3A_10 : vector<1x1000x16xf32> to vector<1000x16xf32>
    %add3A = arith.addf %get3A_6, %get3A_11 : vector<1000x16xf32>
    %get3A_12 = arith.constant 0 : index
    %get3A_13 = arith.constant 0 : index
    %get3A_14 = arith.constant 0 : index
    %get3A_15 = vector.load %arg1[%get3A_12, %get3A_13, %get3A_14] : memref<2x1000x64xf32, #tpu.memory_space<vmem>>, vector<1x1000x64xf32>
    %get3A_16 = vector.shape_cast %get3A_15 : vector<1x1000x64xf32> to vector<1000x64xf32>
    %get3A_17 = arith.constant 1 : index
    %get3A_18 = arith.constant 0 : index
    %get3A_19 = arith.constant 0 : index
    %get3A_20 = vector.load %arg1[%get3A_17, %get3A_18, %get3A_19] : memref<2x1000x64xf32, #tpu.memory_space<vmem>>, vector<1x1000x64xf32>
    %get3A_21 = vector.shape_cast %get3A_20 : vector<1x1000x64xf32> to vector<1000x64xf32>
    %concatenate3A = tpu.concatenate %get3A_16, %get3A_21 in 1 : vector<1000x64xf32>, vector<1000x64xf32> -> vector<1000x128xf32>
    %get3A_22 = arith.constant 0 : index
    %get3A_23 = arith.constant 0 : index
    %get3A_24 = arith.constant 0 : index
    %get3A_25 = vector.load %arg3[%get3A_22, %get3A_23, %get3A_24] : memref<2x1000x64xf32, #tpu.memory_space<vmem>>, vector<1x1000x64xf32>
    %get3A_26 = vector.shape_cast %get3A_25 : vector<1x1000x64xf32> to vector<1000x64xf32>
    %get3A_27 = arith.constant 1 : index
    %get3A_28 = arith.constant 0 : index
    %get3A_29 = arith.constant 0 : index
    %get3A_30 = vector.load %arg3[%get3A_27, %get3A_28, %get3A_29] : memref<2x1000x64xf32, #tpu.memory_space<vmem>>, vector<1x1000x64xf32>
    %get3A_31 = vector.shape_cast %get3A_30 : vector<1x1000x64xf32> to vector<1000x64xf32>
    %concatenate3A_32 = tpu.concatenate %get3A_26, %get3A_31 in 1 : vector<1000x64xf32>, vector<1000x64xf32> -> vector<1000x128xf32>
    %get3A_33 = arith.constant 0 : index
    %get3A_34 = arith.constant 0 : index
    %get3A_35 = vector.load %arg5[%get3A_33, %get3A_34] : memref<16x128xf32, #tpu.memory_space<vmem>>, vector<16x128xf32>
    %dot_general3A = arith.constant dense<0.000000e+00> : vector<1000x128xf32>
    %dot_general3A_36 = tpu.matmul %add3A, %get3A_35, %dot_general3A {dimension_numbers = #tpu.dot_dimension_numbers<[1], [0], [0], [1], [0, 0, 1, 1], [], []>, precision = #tpu.contract_precision<fp32>, transpose_lhs_hint = false} : vector<1000x16xf32>, vector<16x128xf32>, vector<1000x128xf32> -> vector<1000x128xf32>
    %add3A_37 = arith.addf %concatenate3A, %dot_general3A_36 : vector<1000x128xf32>
    %add3A_38 = arith.addf %add3A_37, %concatenate3A_32 : vector<1000x128xf32>
    %mul3A = vector.broadcast %get3A_1 : vector<1000x1xf32> to vector<1000x128xf32>
    %mul3A_39 = arith.mulf %mul3A, %add3A_38 : vector<1000x128xf32>
    %max3A = arith.constant 0.000000e+00 : f32
    %max3A_40 = vector.broadcast %max3A : f32 to vector<1000x128xf32>
    %max3A_41 = arith.maximumf %mul3A_39, %max3A_40 : vector<1000x128xf32>
    %get3A_42 = arith.constant 0 : index
    %get3A_43 = arith.constant 0 : index
    %get3A_44 = vector.load %arg6[%get3A_42, %get3A_43] : memref<128x128xf32, #tpu.memory_space<vmem>>, vector<128x128xf32>
    %dot_general3A_45 = arith.constant dense<0.000000e+00> : vector<1000x128xf32>
    %dot_general3A_46 = tpu.matmul %max3A_41, %get3A_44, %dot_general3A_45 {dimension_numbers = #tpu.dot_dimension_numbers<[1], [0], [0], [1], [0, 0, 1, 1], [], []>, precision = #tpu.contract_precision<fp32>, transpose_lhs_hint = false} : vector<1000x128xf32>, vector<128x128xf32>, vector<1000x128xf32> -> vector<1000x128xf32>
    %mul3A_47 = vector.broadcast %get3A_1 : vector<1000x1xf32> to vector<1000x128xf32>
    %mul3A_48 = arith.mulf %mul3A_47, %dot_general3A_46 : vector<1000x128xf32>
    %slice3A = vector.extract_strided_slice %mul3A_48 {offsets = [0, 0], sizes = [1000, 64], strides = [1, 1]} : vector<1000x128xf32> to vector<1000x64xf32>
    %swap3A = arith.constant 0 : index
    %swap3A_49 = arith.constant 0 : index
    %swap3A_50 = arith.constant 0 : index
    %swap3A_51 = vector.load %arg7[%swap3A, %swap3A_49, %swap3A_50] : memref<2x1000x64xf32, #tpu.memory_space<vmem>>, vector<1x1000x64xf32>
    %swap3A_52 = vector.shape_cast %swap3A_51 : vector<1x1000x64xf32> to vector<1000x64xf32>
    %swap3A_53 = vector.shape_cast %slice3A : vector<1000x64xf32> to vector<1x1000x64xf32>
    tpu.vector_store %arg7[%swap3A, %swap3A_49, %swap3A_50], %swap3A_53 {strides = array<i32>} : memref<2x1000x64xf32, #tpu.memory_space<vmem>>, vector<1x1000x64xf32>,
    %slice3A_54 = vector.extract_strided_slice %mul3A_48 {offsets = [0, 64], sizes = [1000, 64], strides = [1, 1]} : vector<1000x128xf32> to vector<1000x64xf32>
    %swap3A_55 = arith.constant 1 : index
    %swap3A_56 = arith.constant 0 : index
    %swap3A_57 = arith.constant 0 : index
    %swap3A_58 = vector.load %arg7[%swap3A_55, %swap3A_56, %swap3A_57] : memref<2x1000x64xf32, #tpu.memory_space<vmem>>, vector<1x1000x64xf32>
    %swap3A_59 = vector.shape_cast %swap3A_58 : vector<1x1000x64xf32> to vector<1000x64xf32>
    %swap3A_60 = vector.shape_cast %slice3A_54 : vector<1000x64xf32> to vector<1x1000x64xf32>
    tpu.vector_store %arg7[%swap3A_55, %swap3A_56, %swap3A_57], %swap3A_60 {strides = array<i32>} : memref<2x1000x64xf32, #tpu.memory_space<vmem>>, vector<1x1000x64xf32>,
    return
  }
  func.func @transform_0(%arg0: i32) -> (i32, i32, i32) {
    %c0_i32 = arith.constant 0 : i32
    %c0_i32_0 = arith.constant 0 : i32
    %c0_i32_1 = arith.constant 0 : i32
    return %c0_i32, %arg0, %c0_i32_0 : i32, i32, i32
  }
  func.func @transform_1(%arg0: i32) -> (i32, i32, i32) {
    %c0_i32 = arith.constant 0 : i32
    %c0_i32_0 = arith.constant 0 : i32
    %c0_i32_1 = arith.constant 0 : i32
    return %c0_i32, %arg0, %c0_i32_0 : i32, i32, i32
  }
  func.func @transform_2(%arg0: i32) -> (i32, i32, i32) {
    %c0_i32 = arith.constant 0 : i32
    %c0_i32_0 = arith.constant 0 : i32
    %c0_i32_1 = arith.constant 0 : i32
    return %c0_i32, %arg0, %c0_i32_0 : i32, i32, i32
  }
  func.func @transform_3(%arg0: i32) -> (i32, i32) {
    %c0_i32 = arith.constant 0 : i32
    %c0_i32_0 = arith.constant 0 : i32
    return %arg0, %c0_i32 : i32, i32
  }
  func.func @transform_4(%arg0: i32) -> (i32, i32) {
    %c0_i32 = arith.constant 0 : i32
    %c0_i32_0 = arith.constant 0 : i32
    %c0_i32_1 = arith.constant 0 : i32
    return %c0_i32, %c0_i32_0 : i32, i32
  }
  func.func @transform_5(%arg0: i32) -> (i32, i32) {
    %c0_i32 = arith.constant 0 : i32
    %c0_i32_0 = arith.constant 0 : i32
    %c0_i32_1 = arith.constant 0 : i32
    return %c0_i32, %c0_i32_0 : i32, i32
  }
  func.func @transform_6(%arg0: i32) -> (i32, i32, i32) {
    %c0_i32 = arith.constant 0 : i32
    %c0_i32_0 = arith.constant 0 : i32
    %c0_i32_1 = arith.constant 0 : i32
    return %c0_i32, %arg0, %c0_i32_0 : i32, i32, i32
  }
}

module attributes {stable_mosaic.version = 14 : i64} {
  func.func @_tc_f_body(%arg0: i32, %arg1: memref<2x1000x64xf32, #tpu.memory_space<vmem>>, %arg2: memref<2x1000x16xf32, #tpu.memory_space<vmem>>, %arg3: memref<2x1000x64xf32, #tpu.memory_space<vmem>>, %arg4: memref<1000x1xf32, #tpu.memory_space<vmem>>, %arg5: memref<2x1000x16xf32, #tpu.memory_space<vmem>>, %arg6: memref<2x1000x1xf32, #tpu.memory_space<vmem>>, %arg7: memref<1000x1xi32, #tpu.memory_space<vmem>>, %arg8: memref<16x128xf32, #tpu.memory_space<vmem>>, %arg9: memref<16x128xf32, #tpu.memory_space<vmem>>, %arg10: memref<256x64xf32, #tpu.memory_space<vmem>>, %arg11: memref<1x64xf32, #tpu.memory_space<vmem>>, %arg12: memref<1x128xf32, #tpu.memory_space<vmem>>, %arg13: memref<32x64xf32, #tpu.memory_space<vmem>>, %arg14: memref<32x146xf32, #tpu.memory_space<vmem>>) attributes {dimension_semantics = [#tpu.dimension_semantics<arbitrary>], iteration_bounds = array<i64: 10>, scalar_prefetch = 0 : i64, scratch_operands = 1 : i64, tpu.core_type = #tpu.core_type<tc>, window_params = [{transform_indices = @transform_0, window_bounds = array<i64: 2, 1000, 64>}, {transform_indices = @transform_1, window_bounds = array<i64: 2, 1000, 16>}, {transform_indices = @transform_2, window_bounds = array<i64: 2, 1000, 64>}, {transform_indices = @transform_3, window_bounds = array<i64: 1000, 1>}, {transform_indices = @transform_4, window_bounds = array<i64: 2, 1000, 16>}, {transform_indices = @transform_5, window_bounds = array<i64: 2, 1000, 1>}, {transform_indices = @transform_6, window_bounds = array<i64: 1000, 1>}, {pipeline_mode = #tpu.pipeline_mode<synchronous>, transform_indices = @transform_7, window_bounds = array<i64: 16, 128>}, {pipeline_mode = #tpu.pipeline_mode<synchronous>, transform_indices = @transform_8, window_bounds = array<i64: 16, 128>}, {pipeline_mode = #tpu.pipeline_mode<synchronous>, transform_indices = @transform_9, window_bounds = array<i64: 256, 64>}, {pipeline_mode = #tpu.pipeline_mode<synchronous>, transform_indices = @transform_10, window_bounds = array<i64: 1, 64>}, {pipeline_mode = #tpu.pipeline_mode<synchronous>, transform_indices = @transform_11, window_bounds = array<i64: 1, 128>}, {pipeline_mode = #tpu.pipeline_mode<synchronous>, transform_indices = @transform_12, window_bounds = array<i64: 32, 64>}]} {
    %eq3A = arith.constant 0 : i32
    %eq3A_0 = arith.cmpi eq, %arg0, %eq3A : i32
    %convert_element_type3A = arith.extui %eq3A_0 : i1 to i32
    %cond3A = arith.constant 0 : i32
    %cond3A_1 = arith.cmpi ne, %convert_element_type3A, %cond3A : i32
    scf.if %cond3A_1 {
      %broadcast_in_dim3A_88 = arith.constant 0.000000e+00 : f32
      %broadcast_in_dim3A_89 = vector.broadcast %broadcast_in_dim3A_88 : f32 to vector<32x146xf32>
      %swap3A_90 = arith.constant 0 : index
      %swap3A_91 = arith.constant 0 : index
      %swap3A_92 = vector.load %arg14[%swap3A_90, %swap3A_91] : memref<32x146xf32, #tpu.memory_space<vmem>>, vector<32x146xf32>
      tpu.vector_store %arg14[%swap3A_90, %swap3A_91], %broadcast_in_dim3A_89 {strides = array<i32>} : memref<32x146xf32, #tpu.memory_space<vmem>>, vector<32x146xf32>,
    } else {
    }
    %get3A = arith.constant 0 : index
    %get3A_2 = arith.constant 0 : index
    %get3A_3 = vector.load %arg4[%get3A, %get3A_2] : memref<1000x1xf32, #tpu.memory_space<vmem>>, vector<1000x1xf32>
    %get3A_4 = arith.constant 0 : index
    %get3A_5 = arith.constant 0 : index
    %get3A_6 = arith.constant 0 : index
    %get3A_7 = vector.load %arg2[%get3A_4, %get3A_5, %get3A_6] : memref<2x1000x16xf32, #tpu.memory_space<vmem>>, vector<1x1000x16xf32>
    %get3A_8 = vector.shape_cast %get3A_7 : vector<1x1000x16xf32> to vector<1000x16xf32>
    %get3A_9 = arith.constant 1 : index
    %get3A_10 = arith.constant 0 : index
    %get3A_11 = arith.constant 0 : index
    %get3A_12 = vector.load %arg2[%get3A_9, %get3A_10, %get3A_11] : memref<2x1000x16xf32, #tpu.memory_space<vmem>>, vector<1x1000x16xf32>
    %get3A_13 = vector.shape_cast %get3A_12 : vector<1x1000x16xf32> to vector<1000x16xf32>
    %add3A = arith.addf %get3A_8, %get3A_13 : vector<1000x16xf32>
    %get3A_14 = arith.constant 0 : index
    %get3A_15 = arith.constant 0 : index
    %get3A_16 = arith.constant 0 : index
    %get3A_17 = vector.load %arg1[%get3A_14, %get3A_15, %get3A_16] : memref<2x1000x64xf32, #tpu.memory_space<vmem>>, vector<1x1000x64xf32>
    %get3A_18 = vector.shape_cast %get3A_17 : vector<1x1000x64xf32> to vector<1000x64xf32>
    %get3A_19 = arith.constant 1 : index
    %get3A_20 = arith.constant 0 : index
    %get3A_21 = arith.constant 0 : index
    %get3A_22 = vector.load %arg1[%get3A_19, %get3A_20, %get3A_21] : memref<2x1000x64xf32, #tpu.memory_space<vmem>>, vector<1x1000x64xf32>
    %get3A_23 = vector.shape_cast %get3A_22 : vector<1x1000x64xf32> to vector<1000x64xf32>
    %concatenate3A = tpu.concatenate %get3A_18, %get3A_23 in 1 : vector<1000x64xf32>, vector<1000x64xf32> -> vector<1000x128xf32>
    %get3A_24 = arith.constant 0 : index
    %get3A_25 = arith.constant 0 : index
    %get3A_26 = arith.constant 0 : index
    %get3A_27 = vector.load %arg3[%get3A_24, %get3A_25, %get3A_26] : memref<2x1000x64xf32, #tpu.memory_space<vmem>>, vector<1x1000x64xf32>
    %get3A_28 = vector.shape_cast %get3A_27 : vector<1x1000x64xf32> to vector<1000x64xf32>
    %get3A_29 = arith.constant 1 : index
    %get3A_30 = arith.constant 0 : index
    %get3A_31 = arith.constant 0 : index
    %get3A_32 = vector.load %arg3[%get3A_29, %get3A_30, %get3A_31] : memref<2x1000x64xf32, #tpu.memory_space<vmem>>, vector<1x1000x64xf32>
    %get3A_33 = vector.shape_cast %get3A_32 : vector<1x1000x64xf32> to vector<1000x64xf32>
    %concatenate3A_34 = tpu.concatenate %get3A_28, %get3A_33 in 1 : vector<1000x64xf32>, vector<1000x64xf32> -> vector<1000x128xf32>
    %get3A_35 = arith.constant 0 : index
    %get3A_36 = arith.constant 0 : index
    %get3A_37 = vector.load %arg8[%get3A_35, %get3A_36] : memref<16x128xf32, #tpu.memory_space<vmem>>, vector<16x128xf32>
    %dot_general3A = arith.constant dense<0.000000e+00> : vector<1000x128xf32>
    %dot_general3A_38 = tpu.matmul %add3A, %get3A_37, %dot_general3A {dimension_numbers = #tpu.dot_dimension_numbers<[1], [0], [0], [1], [0, 0, 1, 1], [], []>, precision = #tpu.contract_precision<fp32>, transpose_lhs_hint = false} : vector<1000x16xf32>, vector<16x128xf32>, vector<1000x128xf32> -> vector<1000x128xf32>
    %add3A_39 = arith.addf %concatenate3A, %dot_general3A_38 : vector<1000x128xf32>
    %add3A_40 = arith.addf %add3A_39, %concatenate3A_34 : vector<1000x128xf32>
    %mul3A = vector.broadcast %get3A_3 : vector<1000x1xf32> to vector<1000x128xf32>
    %mul3A_41 = arith.mulf %mul3A, %add3A_40 : vector<1000x128xf32>
    %max3A = arith.constant 0.000000e+00 : f32
    %max3A_42 = vector.broadcast %max3A : f32 to vector<1000x128xf32>
    %max3A_43 = arith.maximumf %mul3A_41, %max3A_42 : vector<1000x128xf32>
    %get3A_44 = arith.constant 0 : index
    %get3A_45 = arith.constant 0 : index
    %get3A_46 = arith.constant 0 : index
    %get3A_47 = vector.load %arg5[%get3A_44, %get3A_45, %get3A_46] : memref<2x1000x16xf32, #tpu.memory_space<vmem>>, vector<1x1000x16xf32>
    %get3A_48 = vector.shape_cast %get3A_47 : vector<1x1000x16xf32> to vector<1000x16xf32>
    %get3A_49 = arith.constant 1 : index
    %get3A_50 = arith.constant 0 : index
    %get3A_51 = arith.constant 0 : index
    %get3A_52 = vector.load %arg5[%get3A_49, %get3A_50, %get3A_51] : memref<2x1000x16xf32, #tpu.memory_space<vmem>>, vector<1x1000x16xf32>
    %get3A_53 = vector.shape_cast %get3A_52 : vector<1x1000x16xf32> to vector<1000x16xf32>
    %add3A_54 = arith.addf %get3A_48, %get3A_53 : vector<1000x16xf32>
    %get3A_55 = arith.constant 0 : index
    %get3A_56 = arith.constant 0 : index
    %get3A_57 = arith.constant 0 : index
    %get3A_58 = vector.load %arg6[%get3A_55, %get3A_56, %get3A_57] : memref<2x1000x1xf32, #tpu.memory_space<vmem>>, vector<1x1000x1xf32>
    %get3A_59 = vector.shape_cast %get3A_58 : vector<1x1000x1xf32> to vector<1000x1xf32>
    %get3A_60 = arith.constant 1 : index
    %get3A_61 = arith.constant 0 : index
    %get3A_62 = arith.constant 0 : index
    %get3A_63 = vector.load %arg6[%get3A_60, %get3A_61, %get3A_62] : memref<2x1000x1xf32, #tpu.memory_space<vmem>>, vector<1x1000x1xf32>
    %get3A_64 = vector.shape_cast %get3A_63 : vector<1x1000x1xf32> to vector<1000x1xf32>
    %add3A_65 = arith.addf %get3A_59, %get3A_64 : vector<1000x1xf32>
    %broadcast_in_dim3A = arith.constant 1.000000e+00 : f32
    %broadcast_in_dim3A_66 = vector.broadcast %broadcast_in_dim3A : f32 to vector<1000x1xf32>
    %concatenate3A_67 = tpu.concatenate %max3A_43, %add3A_54, %add3A_65, %broadcast_in_dim3A_66 in 1 : vector<1000x128xf32>, vector<1000x16xf32>, vector<1000x1xf32>, vector<1000x1xf32> -> vector<1000x146xf32>
    %get3A_68 = arith.constant 0 : index
    %get3A_69 = arith.constant 0 : index
    %get3A_70 = vector.load %arg7[%get3A_68, %get3A_69] : memref<1000x1xi32, #tpu.memory_space<vmem>>, vector<1000x1xi32>
    %iota3A = tpu.iota {dimensions = array<i32: 1>} : vector<1000x32xi32>
    %eq3A_71 = vector.broadcast %get3A_70 : vector<1000x1xi32> to vector<1000x32xi32>
    %eq3A_72 = arith.cmpi eq, %eq3A_71, %iota3A : vector<1000x32xi32>
    %convert_element_type3A_73 = arith.extui %eq3A_72 : vector<1000x32xi1> to vector<1000x32xi32>
    %convert_element_type3A_74 = arith.sitofp %convert_element_type3A_73 : vector<1000x32xi32> to vector<1000x32xf32>
    %get3A_75 = arith.constant 0 : index
    %get3A_76 = arith.constant 0 : index
    %get3A_77 = vector.load %arg14[%get3A_75, %get3A_76] : memref<32x146xf32, #tpu.memory_space<vmem>>, vector<32x146xf32>
    %dot_general3A_78 = arith.constant dense<0.000000e+00> : vector<32x146xf32>
    %dot_general3A_79 = tpu.matmul %convert_element_type3A_74, %concatenate3A_67, %dot_general3A_78 {dimension_numbers = #tpu.dot_dimension_numbers<[0], [0], [1], [1], [0, 1, 1, 1], [], []>, precision = #tpu.contract_precision<fp32>, transpose_lhs_hint = false} : vector<1000x32xf32>, vector<1000x146xf32>, vector<32x146xf32> -> vector<32x146xf32>
    %add3A_80 = arith.addf %get3A_77, %dot_general3A_79 : vector<32x146xf32>
    %swap3A = arith.constant 0 : index
    %swap3A_81 = arith.constant 0 : index
    %swap3A_82 = vector.load %arg14[%swap3A, %swap3A_81] : memref<32x146xf32, #tpu.memory_space<vmem>>, vector<32x146xf32>
    tpu.vector_store %arg14[%swap3A, %swap3A_81], %add3A_80 {strides = array<i32>} : memref<32x146xf32, #tpu.memory_space<vmem>>, vector<32x146xf32>,
    %eq3A_83 = arith.constant 9 : i32
    %eq3A_84 = arith.cmpi eq, %arg0, %eq3A_83 : i32
    %convert_element_type3A_85 = arith.extui %eq3A_84 : i1 to i32
    %cond3A_86 = arith.constant 0 : i32
    %cond3A_87 = arith.cmpi ne, %convert_element_type3A_85, %cond3A_86 : i32
    scf.if %cond3A_87 {
      %get3A_88 = arith.constant 0 : index
      %get3A_89 = arith.constant 0 : index
      %get3A_90 = vector.load %arg14[%get3A_88, %get3A_89] : memref<32x146xf32, #tpu.memory_space<vmem>>, vector<32x146xf32>
      %slice3A = vector.extract_strided_slice %get3A_90 {offsets = [0, 145], sizes = [32, 1], strides = [1, 1]} : vector<32x146xf32> to vector<32x1xf32>
      %max3A_91 = arith.constant 1.000000e+00 : f32
      %max3A_92 = vector.broadcast %max3A_91 : f32 to vector<32x1xf32>
      %max3A_93 = arith.maximumf %slice3A, %max3A_92 : vector<32x1xf32>
      %slice3A_94 = vector.extract_strided_slice %get3A_90 {offsets = [0, 144], sizes = [32, 1], strides = [1, 1]} : vector<32x146xf32> to vector<32x1xf32>
      %max3A_95 = arith.constant 1.000000e+00 : f32
      %max3A_96 = vector.broadcast %max3A_95 : f32 to vector<32x1xf32>
      %max3A_97 = arith.maximumf %slice3A_94, %max3A_96 : vector<32x1xf32>
      %slice3A_98 = vector.extract_strided_slice %get3A_90 {offsets = [0, 0], sizes = [32, 128], strides = [1, 1]} : vector<32x146xf32> to vector<32x128xf32>
      %div3A = vector.broadcast %max3A_93 : vector<32x1xf32> to vector<32x128xf32>
      %div3A_99 = arith.divf %slice3A_98, %div3A : vector<32x128xf32>
      %slice3A_100 = vector.extract_strided_slice %get3A_90 {offsets = [0, 128], sizes = [32, 16], strides = [1, 1]} : vector<32x146xf32> to vector<32x16xf32>
      %get3A_101 = arith.constant 0 : index
      %get3A_102 = arith.constant 0 : index
      %get3A_103 = vector.load %arg9[%get3A_101, %get3A_102] : memref<16x128xf32, #tpu.memory_space<vmem>>, vector<16x128xf32>
      %dot_general3A_104 = arith.constant dense<0.000000e+00> : vector<32x128xf32>
      %dot_general3A_105 = tpu.matmul %slice3A_100, %get3A_103, %dot_general3A_104 {dimension_numbers = #tpu.dot_dimension_numbers<[1], [0], [0], [1], [0, 0, 1, 1], [], []>, precision = #tpu.contract_precision<fp32>, transpose_lhs_hint = false} : vector<32x16xf32>, vector<16x128xf32>, vector<32x128xf32> -> vector<32x128xf32>
      %div3A_106 = vector.broadcast %max3A_97 : vector<32x1xf32> to vector<32x128xf32>
      %div3A_107 = arith.divf %dot_general3A_105, %div3A_106 : vector<32x128xf32>
      %get3A_108 = arith.constant 0 : index
      %get3A_109 = arith.constant 0 : index
      %get3A_110 = vector.load %arg12[%get3A_108, %get3A_109] : memref<1x128xf32, #tpu.memory_space<vmem>>, vector<1x128xf32>
      %add3A_111 = vector.broadcast %get3A_110 : vector<1x128xf32> to vector<32x128xf32>
      %add3A_112 = arith.addf %div3A_107, %add3A_111 : vector<32x128xf32>
      %concatenate3A_113 = tpu.concatenate %div3A_99, %add3A_112 in 1 : vector<32x128xf32>, vector<32x128xf32> -> vector<32x256xf32>
      %get3A_114 = arith.constant 0 : index
      %get3A_115 = arith.constant 0 : index
      %get3A_116 = vector.load %arg10[%get3A_114, %get3A_115] : memref<256x64xf32, #tpu.memory_space<vmem>>, vector<256x64xf32>
      %dot_general3A_117 = arith.constant dense<0.000000e+00> : vector<32x64xf32>
      %dot_general3A_118 = tpu.matmul %concatenate3A_113, %get3A_116, %dot_general3A_117 {dimension_numbers = #tpu.dot_dimension_numbers<[1], [0], [0], [1], [0, 0, 1, 1], [], []>, precision = #tpu.contract_precision<fp32>, transpose_lhs_hint = false} : vector<32x256xf32>, vector<256x64xf32>, vector<32x64xf32> -> vector<32x64xf32>
      %get3A_119 = arith.constant 0 : index
      %get3A_120 = arith.constant 0 : index
      %get3A_121 = vector.load %arg11[%get3A_119, %get3A_120] : memref<1x64xf32, #tpu.memory_space<vmem>>, vector<1x64xf32>
      %add3A_122 = vector.broadcast %get3A_121 : vector<1x64xf32> to vector<32x64xf32>
      %add3A_123 = arith.addf %dot_general3A_118, %add3A_122 : vector<32x64xf32>
      %swap3A_124 = arith.constant 0 : index
      %swap3A_125 = arith.constant 0 : index
      %swap3A_126 = vector.load %arg13[%swap3A_124, %swap3A_125] : memref<32x64xf32, #tpu.memory_space<vmem>>, vector<32x64xf32>
      tpu.vector_store %arg13[%swap3A_124, %swap3A_125], %add3A_123 {strides = array<i32>} : memref<32x64xf32, #tpu.memory_space<vmem>>, vector<32x64xf32>,
    } else {
    }
    return
  }
  func.func @transform_0(%arg0: i32) -> (i32, i32, i32) {
    %c0_i32 = arith.constant 0 : i32
    %c0_i32_0 = arith.constant 0 : i32
    %c0_i32_1 = arith.constant 0 : i32
    return %c0_i32, %arg0, %c0_i32_0 : i32, i32, i32
  }
  func.func @transform_1(%arg0: i32) -> (i32, i32, i32) {
    %c0_i32 = arith.constant 0 : i32
    %c0_i32_0 = arith.constant 0 : i32
    %c0_i32_1 = arith.constant 0 : i32
    return %c0_i32, %arg0, %c0_i32_0 : i32, i32, i32
  }
  func.func @transform_2(%arg0: i32) -> (i32, i32, i32) {
    %c0_i32 = arith.constant 0 : i32
    %c0_i32_0 = arith.constant 0 : i32
    %c0_i32_1 = arith.constant 0 : i32
    return %c0_i32, %arg0, %c0_i32_0 : i32, i32, i32
  }
  func.func @transform_3(%arg0: i32) -> (i32, i32) {
    %c0_i32 = arith.constant 0 : i32
    %c0_i32_0 = arith.constant 0 : i32
    return %arg0, %c0_i32 : i32, i32
  }
  func.func @transform_4(%arg0: i32) -> (i32, i32, i32) {
    %c0_i32 = arith.constant 0 : i32
    %c0_i32_0 = arith.constant 0 : i32
    %c0_i32_1 = arith.constant 0 : i32
    return %c0_i32, %arg0, %c0_i32_0 : i32, i32, i32
  }
  func.func @transform_5(%arg0: i32) -> (i32, i32, i32) {
    %c0_i32 = arith.constant 0 : i32
    %c0_i32_0 = arith.constant 0 : i32
    %c0_i32_1 = arith.constant 0 : i32
    return %c0_i32, %arg0, %c0_i32_0 : i32, i32, i32
  }
  func.func @transform_6(%arg0: i32) -> (i32, i32) {
    %c0_i32 = arith.constant 0 : i32
    %c0_i32_0 = arith.constant 0 : i32
    return %arg0, %c0_i32 : i32, i32
  }
  func.func @transform_7(%arg0: i32) -> (i32, i32) {
    %c0_i32 = arith.constant 0 : i32
    %c0_i32_0 = arith.constant 0 : i32
    %c0_i32_1 = arith.constant 0 : i32
    return %c0_i32, %c0_i32_0 : i32, i32
  }
  func.func @transform_8(%arg0: i32) -> (i32, i32) {
    %c0_i32 = arith.constant 0 : i32
    %c0_i32_0 = arith.constant 0 : i32
    %c0_i32_1 = arith.constant 0 : i32
    return %c0_i32, %c0_i32_0 : i32, i32
  }
  func.func @transform_9(%arg0: i32) -> (i32, i32) {
    %c0_i32 = arith.constant 0 : i32
    %c0_i32_0 = arith.constant 0 : i32
    %c0_i32_1 = arith.constant 0 : i32
    return %c0_i32, %c0_i32_0 : i32, i32
  }
  func.func @transform_10(%arg0: i32) -> (i32, i32) {
    %c0_i32 = arith.constant 0 : i32
    %c0_i32_0 = arith.constant 0 : i32
    %c0_i32_1 = arith.constant 0 : i32
    return %c0_i32, %c0_i32_0 : i32, i32
  }
  func.func @transform_11(%arg0: i32) -> (i32, i32) {
    %c0_i32 = arith.constant 0 : i32
    %c0_i32_0 = arith.constant 0 : i32
    %c0_i32_1 = arith.constant 0 : i32
    return %c0_i32, %c0_i32_0 : i32, i32
  }
  func.func @transform_12(%arg0: i32) -> (i32, i32) {
    %c0_i32 = arith.constant 0 : i32
    %c0_i32_0 = arith.constant 0 : i32
    %c0_i32_1 = arith.constant 0 : i32
    return %c0_i32, %c0_i32_0 : i32, i32
  }
}

</mosaic_0001>

<sc_bundles>
// kernel: kernel.11.cloned.1.call-start
scs
__scs_entry_jumppad:
0x0: {  	(pc) =	sbr.rel $0x88, $3  }
0x1: {  	(tag) =	ssettag $0x0;
	lr =	simm.s32 $0x1  }
0x2: {  	[smem:$0x3F95] =	sst lr;
	_ =	strace $0xD0000000  }
0x3: {  	_ = 	snop  }
0x4: {  	_ = 	snop  }
0x5: {  	_ = 	snop  }
0x6: {  	_ = 	snop  }
0x7: {  	_ = 	snop  }
__scs_overlays_trampoline_lowered:
0x8: {  	[smem:$0x3FA4] =	sst s0  }
0x9: {  	[smem:$0x3FA5] =	sst s1  }
0xa: {  	[smem:$0x3FA6] =	sst s2  }
0xb: {  	[smem:$0x3FA7] =	sst s3  }
0xc: {  	[smem:$0x3FA8] =	sst s4  }
0xd: {  	[smem:$0x3FA9] =	sst s5  }
0xe: {  	[smem:$0x3FAA] =	sst s6  }
0xf: {  	[smem:$0x3FAB] =	sst s7  }
0x10: {  	[smem:$0x3FAC] =	sst s8  }
0x11: {  	[smem:$0x3FAD] =	sst s9;
	s0 =	simm.s32 @!p0 $0x0  }
0x12: {  	s1 =	sld [smem:$0x3F93];
	s0 =	simm.s32 @p0 $0x1  }
0x13: {  	[smem:$0x3FAE] =	sst s0;
	s0 =	simm.s32 @!p1 $0x0  }
0x14: {  	s2 =	sld [smem:$0x3F92];
	s0 =	simm.s32 @p1 $0x1  }
0x15: {  	[smem:$0x3FAF] =	sst s0;
	s0 =	simm.s32 @!p2 $0x0  }
0x16: {  	s3 =	sld [smem:$0x3FDB];
	s0 =	simm.s32 @p2 $0x1  }
0x17: {  	s4 =	simm.s32 $0x1BF5;
	[smem:$0x3FB1] =	sst s0  }
0x18: {  	s0 =	sld [smem:$0x3F94];
	_ =	swait.ge [sflag:s4], $0x0  }
0x19: {  	s7 =	sld [smem:$0x3F95]  }
0x1a: {  	s8 =	sadd.s32 $0xFFFFE003, lr  }
0x1b: {  	s9 =	sadd.s32 $0xFFFFFEF7, lr;
	s5 =	simm.s32 $0xFFFFFFFF;
	p2 =	slt.u32 s8, $0xFFFFF086  }
0x1c: {  	p1 =	slt.u32 s9, $0xF7A;
	s5 =	simm.s32 @!p2 $0x0  }
0x1d: {  	s5 =	simm.s32 @p1 $0x1;
	p0 =	seq.s32 s7, s2  }
0x1e: {  	s7 =	smul.u32 @!p0 $0xF7A, s2;
	p2 =	seq.s32 @!p0 s5, $0x0  }
0x1f: {  	s9 =	smul.u32 $0xF7A, s1;
	s8 =	simm.s32 @!p0 $0x1BF5;
	p2 =	por !p2, p0  }
0x20: {  	[sflag:s8] =	ssyncset.s32 @!p0 $0xFFFFF086;
	s6 =	sadd.s32 @!p0 s3, s7;
	s7 =	simm.s32 @!p0 $0x108  }
0x21: {  	s3 =	sadd.s32 s3, s9;
	s6 =	sadd.s32 @!p0 $0x88, s6;
	s7 =	simm.s32 @p2 $0x1082  }
0x22: {  	[simem:s7], [sflag:s8] =	dma.local @!p0 [hbm:s6], $0xF7A  }
0x23: {  	s9 =	sor.u32 $0xD0000000, s2;
	s6 =	simm.s32 $0x108;
	_ =	swait.ge @!p0 [sflag:s8], $0x0  }
0x24: {  	s3 =	sadd.s32 $0x88, s3;
	s6 =	simm.s32 @!p1 $0x1082;
	[sflag:s4] =	ssyncset.s32 $0xFFFFF086  }
0x25: {  	[simem:s6], [sflag:s4] =	dma.local [hbm:s3], $0xF7A  }
0x26: {  	[smem:$0x3F95] =	sst s1;
	(tag) =	ssettag s2;
	_ =	strace s9  }
0x27: {  	s1 =	sld [smem:$0x3FA5]  }
0x28: {  	s2 =	sld [smem:$0x3FA6]  }
0x29: {  	s4 =	sld [smem:$0x3FA8]  }
0x2a: {  	p0 =	seq.s32 s5, $0x0;
	s5 =	sld [smem:$0x3FA9]  }
0x2b: {  	s6 =	sld [smem:$0x3FAA]  }
0x2c: {  	s7 =	sld [smem:$0x3FAB]  }
0x2d: {  	s3 =	simm.s32 $0x108;
	s8 =	sld [smem:$0x3FAC]  }
0x2e: {  	s3 =	simm.s32 @!p0 $0x1082;
	s9 =	sld [smem:$0x3FAD]  }
0x2f: {  	lr =	sadd.s32 s0, s3;
	s0 =	sld [smem:$0x3FA4]  }
0x30: {  	s3 =	sld [smem:$0x3FA7]  }
0x31: {  	[smem:$0x3FB0] =	sst s10  }
0x32: {  	s10 =	sld [smem:$0x3FAE];
	_ =	sdelay $0x3  }
0x33: {  	p0 =	seq.s32 s10, $0x1;
	s10 =	sld [smem:$0x3FB0];
	_ =	sdelay $0x3  }
0x34: {  	[smem:$0x3FB0] =	sst s10  }
0x35: {  	s10 =	sld [smem:$0x3FAF];
	_ =	sdelay $0x3  }
0x36: {  	p1 =	seq.s32 s10, $0x1;
	s10 =	sld [smem:$0x3FB0];
	_ =	sdelay $0x3  }
0x37: {  	[smem:$0x3FB0] =	sst s10  }
0x38: {  	s10 =	sld [smem:$0x3FB1]  }
0x39: {  	_ = 	snop;
	(pc) =	sbr.ind lr, $3  }
0x3a: {  	_ = 	snop  }
0x3b: {  	_ = 	snop  }
0x3c: {  	p2 =	seq.s32 s10, $0x1;
	s10 =	sld [smem:$0x3FB0]  }
0x3d: {  	_ =	shalt  }
0x3e: {  	_ =	shalt  }
0x3f: {  	_ =	shalt  }
0x40: {  	_ =	shalt  }
0x41: {  	_ =	shalt  }
0x42: {  	_ =	shalt  }
0x43: {  	_ =	shalt  }
0x44: {  	_ =	shalt  }
0x45: {  	_ =	shalt  }
0x46: {  	_ =	shalt  }
0x47: {  	_ =	shalt  }
0x48: {  	_ =	shalt  }
0x49: {  	_ =	shalt  }
0x4a: {  	_ =	shalt  }
0x4b: {  	_ =	shalt  }
0x4c: {  	_ =	shalt  }
0x4d: {  	_ =	shalt  }
0x4e: {  	_ =	shalt  }
0x4f: {  	_ =	shalt  }
0x50: {  	_ =	shalt  }
0x51: {  	_ =	shalt  }
0x52: {  	_ =	shalt  }
0x53: {  	_ =	shalt  }
0x54: {  	_ =	shalt  }
0x55: {  	_ =	shalt  }
0x56: {  	_ =	shalt  }
0x57: {  	_ =	shalt  }
0x58: {  	_ =	shalt  }
0x59: {  	_ =	shalt  }
0x5a: {  	_ =	shalt  }
0x5b: {  	_ =	shalt  }
0x5c: {  	_ =	shalt  }
0x5d: {  	_ =	shalt  }
0x5e: {  	_ =	shalt  }
0x5f: {  	_ =	shalt  }
0x60: {  	_ =	shalt  }
0x61: {  	_ =	shalt  }
0x62: {  	_ =	shalt  }
0x63: {  	_ =	shalt  }
0x64: {  	_ =	shalt  }
0x65: {  	_ =	shalt  }
0x66: {  	_ =	shalt  }
0x67: {  	_ =	shalt  }
0x68: {  	_ =	shalt  }
0x69: {  	_ =	shalt  }
0x6a: {  	_ =	shalt  }
0x6b: {  	_ =	shalt  }
0x6c: {  	_ =	shalt  }
0x6d: {  	_ =	shalt  }
0x6e: {  	_ =	shalt  }
0x6f: {  	_ =	shalt  }
0x70: {  	_ =	shalt  }
0x71: {  	_ =	shalt  }
0x72: {  	_ =	shalt  }
0x73: {  	_ =	shalt  }
0x74: {  	_ =	shalt  }
0x75: {  	_ =	shalt  }
0x76: {  	_ =	shalt  }
0x77: {  	_ =	shalt  }
0x78: {  	_ =	shalt  }
0x79: {  	_ =	shalt  }
0x7a: {  	_ =	shalt  }
0x7b: {  	_ =	shalt  }
0x7c: {  	_ =	shalt  }
0x7d: {  	_ =	shalt  }
0x7e: {  	_ =	shalt  }
0x7f: {  	_ =	shalt  }
0x80: {  	_ =	shalt  }
0x81: {  	_ =	shalt  }
0x82: {  	_ =	shalt  }
0x83: {  	_ =	shalt  }
0x84: {  	_ =	shalt  }
0x85: {  	_ =	shalt  }
0x86: {  	_ =	shalt  }
0x87: {  	_ =	shalt  }
.Lfunc_end0:
.L_simem_size_0:
called_computation.1_lowered:
.L_overlay_start_0:
0x88: {  	s2 =	sld [smem:$0x3FD9]  }
0x89: {  	s3 =	sld [smem:$0x3FFE];
	_ =	sdelay $0x1  }
0x8a: {  	s1 =	srdreg.scid  }
0x8b: {  	s0 =	sand.u32 $0x1, s1  }
0x8c: {  	s16 =	sshll.u32 s0, $0xA;
	s2 =	sadd.s32 s3, s2  }
0x8d: {  	s2 =	sadd.s32 s2, s16  }
0x8e: {  	[smem:$0x3FBC] =	sst s2  }
0x8f: {  	_ = 	snop  }
0x90: {  	(tm) =	ssettm $0x1  }
0x91: {  	s17 =	sld [smem:$0x3FFB];
	_ =	sdelay $0x3  }
0x92: {  	_ =	strace s17  }
0x93: {  	s2 =	sld [smem:$0x3FFC];
	_ =	sdelay $0x3  }
0x94: {  	_ =	strace s2  }
0x95: {  	s2 =	sld [smem:$0x3FFD];
	_ =	sdelay $0x3  }
0x96: {  	_ =	strace s2  }
0x97: {  	_ =	strace $0x8FFFFFFF  }
0x98: {  	s18 =	sld [smem:$0x3FDB];
	_ =	sdelay $0x1  }
0x99: {  	s19 =	simm.s32 $_scs_section_size  }
0x9a: {  	s4 =	simm.s32 $_size__tile_overlayer_lowered;
	s5 =	simm.s32 $_tile_overlayer_lowered  }
0x9b: {  	s22 =	simm.s32 $0x1BFF;
	s21 =	sshll.u32 s5, $0x1;
	s2 =	sadd.s32 s19, s18  }
0x9c: {  	s6 =	simm.s32 $0x0;
	s20 =	sshll.u32 s4, $0x1;
	s4 =	sadd.s32 s21, s2  }
0x9d: {  	[timem:s6], [sflag:s22] =	dma.local [hbm:s4], s20  }
0x9e: {  	_ =	swait.ge [sflag:s22], s20  }
0x9f: {  	s3 =	ssub.s32 $0x0, s20;
	[sflag:s22] =	ssyncset.done $0x0  }
0xa0: {  	[sflag:s22] =	ssyncadd.s32 s3;
	_ =	sdelay $0x1  }
0xa1: {  	s23 =	simm.s32 $0x1B8B  }
0xa2: {  	_ =	swait.ge [sflag:s23], $0x1  }
0xa3: {  	[sflag:s23] =	ssyncset.done $0x0  }
0xa4: {  	s25 =	simm.s32 $0x1B8E;
	s24 =	sld [smem:$0x3FFE];
	[sflag:s23] =	ssyncadd.s32 $0xFFFFFFFF  }
0xa5: {  	s26 =	simm.s32 $execute0_lowered;
	[smem:$0x3FD2] =	sst s25  }
0xa6: {  	s4 =	sshll.u32 s26, $0x1;
	_ =	strace $0x80000049;
	[dreg:$0x1] =	wrdreg $0xFFFFFFFF  }
0xa7: {  	s28 =	simm.s32 $_size_execute0_lowered;
	s2 =	sadd.s32 s2, s4;
	[dreg:$0x0] =	wrdreg $0x0  }
0xa8: {  	s4 =	sshll.u32 s28, $0x1;
	[dreg:$0x2] =	wrdreg s2  }
0xa9: {  	[dreg:$0x3] =	wrdreg s4  }
0xaa: {  	[dreg:$0x4] =	wrdreg $0xC0  }
0xab: {  	_ =	task [dreg:s6], $0x5FFFF  }
0xac: {  	[dreg:$0x1] =	wrdreg $0xFFFFFFFF  }
0xad: {  	[dreg:$0x0] =	wrdreg $0x60  }
0xae: {  	[dreg:$0x2] =	wrdreg s24  }
0xaf: {  	[dreg:$0x3] =	wrdreg $0x100E00  }
0xb0: {  	[dreg:$0x4] =	wrdreg $0x19D200  }
0xb1: {  	[dreg:$0x5] =	wrdreg $0x9  }
0xb2: {  	_ =	task.clear_ibuf [dreg:s6], $0x6FFFF;
	_ =	strace $0x90000049  }
0xb3: {  	s29 =	simm.s32 $0x9;
	_ =	strace $0x8000004B  }
0xb4: {  	_ =	swait.ge [sflag:s29], $0x1  }
0xb5: {  	[sflag:s29] =	ssyncadd.s32 $0xFFFFFFFF  }
0xb6: {  	_ =	strace $0x9000004B  }
0xb7: {  	_ =	sfence  }
0xb8: {  	s30 =	sld [smem:$0x0];
	_ =	sdelay $0x2  }
0xb9: {  	s31 =	sshll.u32 s1, $0xD;
	s1 =	sshrl.u32 s1, $0x2  }
0xba: {  	s3 =	sand.u32 $0x4000, s31;
	s1 =	sadd.s32 s1, s30  }
0xbb: {  	s0 =	sor.u32 s3, s0;
	s1 =	sshll.u32 s1, $0x11  }
0xbc: {  	s0 =	sor.u32 s1, s0  }
0xbd: {  	s0 =	sadd.s32 $0x8F2B, s0  }
0xbe: {  	[sflag:s0] =	ssyncadd.remote.s32 $0x1  }
0xbf: {  	_ =	sfence.sel $0xFFFF  }
0xc0: {  	[dreg:$0x0] =	wrdreg $0xFFFFFFFF;
	(pc) =	sbr.abs _section_cstart, $3  }
0xc1: {  	[dreg:$0x1] =	wrdreg $0xFFFFFFFF  }
0xc2: {  	_ =	task.clear_ibuf [dreg:s6], $0x2FFFF;
	_ =	strace $0x9FFFFFFF  }
0xc3: {  	(tm) =	ssettm $0x7FFFFFFF  }
tec
execute0_lowered:
.L_overlay_start_1:
0x0: {  	(tag) =	ssettag $0x1  }
0x1: {  	s0 =	rddreg [dreg:$0x0]  }
0x2: {  	s1 =	rddreg [dreg:$0x1]  }
0x3: {  	s2 =	rddreg [dreg:$0x2];
	s4 =	srdreg.scid  }
0x4: {  	s3 =	simm.s32 $0x0;
	s19 =	stileid.u32;
	s28 =	simm.s32 $0x1  }
0x5: {  	s29 =	simm.s32 $0x2;
	s31 =	simm.s32 $0x3;
	s6 =	sand.u32 $0x1, s4  }
0x6: {  	[smem:$0x7FF] =	sst s3;
	s8 =	sadd.s32 $0xD400, s0;
	s15 =	smul.u32 $0x2710, s19  }
0x7: {  	s9 =	sadd.s32 $0x3600, s0;
	s4 =	sadd.s32 $0x4F9200, s0;
	s22 =	smul.u32 $0x4E2, s19  }
0x8: {  	s5 =	sadd.s32 $0x1C200, s0;
	s12 =	sadd.s32 $0xC4000, s0;
	s18 =	smul.u32 $0x9C00, s19  }
0x9: {  	s20 =	sadd.s32 $0x17200, s0;
	s13 =	sadd.s32 $0xE1800, s0;
	s23 =	smul.u32 $0x2700, s19  }
0xa: {  	p1 =	seq.s32 s19, $0xF;
	s30 =	smov.u32 s2;
	p0 =	sne.s32 s19, $0x0  }
0xb: {  	s7 =	smul.u32 $0x9C400, s6;
	_ =	strace $0x8000004A;
	[dreg:$0x4] =	wrdreg s12  }
0xc: {  	[dreg:$0x5] =	wrdreg s20;
	s21 =	ssub.s32 $0x2, s6;
	s16 =	sshll.u32 s6, $0x4  }
0xd: {  	s17 =	smul.u32 $0x27100, s6;
	s14 =	sshrl.u32 s21, $0x1;
	s15 =	sshrl.u32 s15, $0x3  }
0xe: {  	s16 =	sor.u32 s19, s16;
	s20 =	sadd.s32 s8, s22;
	s10 =	sshrl.u32 s7, $0x3  }
0xf: {  	s12 =	ssub.s32 s21, s14;
	s15 =	sadd.s32 $0x4E20, s15;
	[dreg:$0x6] =	wrdreg s20  }
0x10: {  	s14 =	sadd.s32 s9, s22;
	s7 =	sadd.s32 s18, s7;
	s24 =	smul.u32 $0x27100, s16  }
0x11: {  	s25 =	sadd.s32 s23, s17;
	s17 =	sshrl.u32 s17, $0x3;
	s20 =	smul.u32 $0x4E20, s16  }
0x12: {  	s11 =	sadd.s32 s10, s0;
	s0 =	sadd.s32 $0xD7A00, s0;
	s8 =	sadd.s32 s8, s15  }
0x13: {  	[dreg:$0x8] =	wrdreg s14;
	s9 =	sadd.s32 s9, s15;
	s7 =	sshrl.u32 s7, $0x3  }
0x14: {  	s26 =	sshrl.u32 s25, $0x3;
	s14 =	smul.u32 $0x9C40, s6;
	[dreg:$0x7] =	wrdreg s8  }
0x15: {  	s10 =	sadd.s32 s13, s10;
	s15 =	smul.u32 $0x7D, s6;
	[dreg:$0x9] =	wrdreg s9  }
0x16: {  	s7 =	sadd.s32 s13, s7;
	s9 =	sshrl.u32 s24, $0x3;
	s22 =	sadd.s32 $0x12480, s10  }
0x17: {  	s8 =	sadd.s32 $0x24900, s2;
	[dreg:$0xa] =	wrdreg s7;
	s7 =	sadd.s32 s0, s26  }
0x18: {  	s0 =	sadd.s32 s0, s17;
	s13 =	sshrl.u32 s14, $0x2;
	s21 =	sadd.s32 s4, s9  }
0x19: {  	s17 =	smul.u32 $0x2710, s16;
	[dreg:$0xf] =	wrdreg s22;
	s25 =	sadd.s32 $0x1, s15  }
0x1a: {  	s14 =	simm.s32 $0xA;
	s16 =	simm.s32 $0x4;
	s22 =	simm.s32 $0x5  }
0x1b: {  	s9 =	simm.s32 $0x8;
	[dreg:$0xb] =	wrdreg s7;
	s7 =	sadd.s32 s4, s20  }
0x1c: {  	s6 =	sadd.s32 $0xA0, s21;
	s20 =	sadd.s32 $0x9CE00, s11;
	[dreg:$0x17] =	wrdreg s25  }
0x1d: {  	s0 =	sadd.s32 $0x4920, s0;
	s24 =	sadd.s32 $0x50, s13;
	[dreg:$0xc] =	wrdreg s13  }
0x1e: {  	s26 =	sadd.s32 $0x74E0, s13;
	s11 =	simm.s32 $0x9;
	[dreg:$0xd] =	wrdreg s7  }
0x1f: {  	s25 =	simm.s32 $0xC4E0;
	s21 =	simm.s32 $0x6;
	[dreg:$0xe] =	wrdreg s6  }
0x20: {  	s6 =	sadd.s32 s18, s1;
	s7 =	sadd.s32 s23, s2;
	[dreg:$0x10] =	wrdreg s0  }
0x21: {  	s23 =	smax.u32 s12, $0x1;
	s0 =	sadd.s32 $0x92400, s1;
	[dreg:$0x16] =	wrdreg s24  }
0x22: {  	[dreg:$0x18] =	wrdreg s26;
	s12 =	simm.s32 $0xB;
	s18 =	simm.s32 $0xC  }
0x23: {  	s24 =	simm.s32 $0xB0E0;
	[dreg:$0x11] =	wrdreg s23;
	s0 =	sshrl.u32 @p1 s0, $0x3  }
0x24: {  	s26 =	simm.s32 $0xD8E0;
	[dreg:$0x12] =	wrdreg s0;
	s0 =	sshrl.u32 @p1 s8, $0x3  }
0x25: {  	s23 =	simm.s32 $0x9CE0;
	[dreg:$0x13] =	wrdreg s0;
	s0 =	sshrl.u32 @!p1 s6, $0x3  }
0x26: {  	s8 =	simm.s32 $0x50;
	[dreg:$0x14] =	wrdreg s0;
	s0 =	sshrl.u32 @!p1 s7, $0x3  }
0x27: {  	s7 =	simm.s32 $0x0;
	[dreg:$0x15] =	wrdreg s0;
	s0 =	simm.s32 $0x7  }
.LBB2_1:
0x28: {  	[dreg:$0x19] =	wrdreg s7  }
0x29: {  	s2 =	rddreg [dreg:$0x6];
	s6 =	simm.s32 $0xF  }
0x2a: {  	[tilespmem:s3], [sflag:$0xF] =	stream.linear.gather [hbm4b:s2+s3], $0x2710, $0x38;
	[tilespmem:$0x1C430] =	vst v63  }
0x2b: {  	_ =	swait.ge [sflag:s6], $0x2710  }
0x2c: {  	[sflag:s6] =	ssyncset.done $0x0  }
0x2d: {  	s19 =	simm.s32 $0x2710;
	s13 =	rddreg [dreg:$0x7];
	[sflag:s6] =	ssyncadd.s32 $0xFFFFD8F0  }
0x2e: {  	[tilespmem:s19], [sflag:$0xF] =	stream.linear.gather [hbm4b:s13+s3], $0x2710, $0x38;
	[tilespmem:$0x1C430] =	vst v63  }
0x2f: {  	_ =	swait.ge [sflag:s6], $0x2710  }
0x30: {  	[sflag:s6] =	ssyncset.done $0x0  }
0x31: {  	s10 =	simm.s32 $0x4E20;
	s7 =	rddreg [dreg:$0x8];
	[sflag:s6] =	ssyncadd.s32 $0xFFFFD8F0  }
0x32: {  	[tilespmem:s10], [sflag:$0xF] =	stream.linear.gather [hbm4b:s7+s3], $0x2710, $0x38;
	[tilespmem:$0x1C430] =	vst v63  }
0x33: {  	_ =	swait.ge [sflag:s6], $0x2710  }
0x34: {  	[sflag:s6] =	ssyncset.done $0x0  }
0x35: {  	s19 =	simm.s32 $0x7530;
	s13 =	rddreg [dreg:$0x9];
	[sflag:s6] =	ssyncadd.s32 $0xFFFFD8F0  }
0x36: {  	[tilespmem:s19], [sflag:$0xF] =	stream.linear.gather [hbm4b:s13+s3], $0x2710, $0x38;
	[tilespmem:$0x1C430] =	vst v63  }
0x37: {  	_ =	swait.ge [sflag:s6], $0x2710  }
0x38: {  	s7 =	simm.s32 @!p0 $0x1C0F;
	[sflag:s6] =	ssyncset.done $0x0  }
0x39: {  	s2 =	rddreg [dreg:$0x4];
	[sflag:s6] =	ssyncadd.s32 $0xFFFFD8F0;
	s6 =	sshrl.u32 @!p0 s1, $0x3  }
0x3a: {  	[spmem:s6], [sflag:s7] =	dma.local @!p0 [hbm:s2], $0x13880  }
0x3b: {  	s6 =	simm.s32 @!p0 $0xF  }
0x3c: {  	_ =	swait.ge @!p0 [sflag:s6], $0x13880  }
0x3d: {  	[sflag:s6] =	ssyncset.done @!p0 $0x0  }
0x3e: {  	s10 =	sshrl.u32 @!p0 s30, $0x3;
	s2 =	rddreg [dreg:$0x5];
	[sflag:s6] =	ssyncadd.s32 @!p0 $0xFFFEC780  }
0x3f: {  	[spmem:s10], [sflag:s7] =	dma.local @!p0 [hbm:s2], $0x4E20  }
0x40: {  	_ =	swait.ge @!p0 [sflag:s6], $0x4E20  }
0x41: {  	[sflag:s6] =	ssyncset.done @!p0 $0x0  }
0x42: {  	s10 =	simm.s32 $0x9C40;
	s7 =	rddreg [dreg:$0xc];
	[sflag:s6] =	ssyncadd.s32 @!p0 $0xFFFFB1E0  }
0x43: {  	[tilespmem:s10], [sflag:$0x9] =	stream.indirect.gather [hbm4b:s5+s8], $0x1, s7, s8, $0xb8;
	[tilespmem:$0x1C430] =	vst v63  }
0x44: {  	s19 =	simm.s32 $0xECE0;
	s13 =	rddreg [dreg:$0xd]  }
0x45: {  	[tilespmem:s19], [sflag:$0xB] =	stream.linear.gather [hbm4b:s13+s3], $0x500, $0x38;
	[tilespmem:$0x1C430] =	vst v63  }
0x46: {  	s7 =	rddreg [dreg:$0x16];
	s10 =	simm.s32 $0x9C90  }
0x47: {  	[tilespmem:s10], [sflag:$0xA] =	stream.indirect.gather [hbm4b:s5+s8], $0x1, s7, s8, $0xb8;
	[tilespmem:$0x1C430] =	vst v63  }
0x48: {  	s13 =	rddreg [dreg:$0xe];
	s19 =	simm.s32 $0xF1E0  }
0x49: {  	[tilespmem:s19], [sflag:$0xC] =	stream.linear.gather [hbm4b:s13+s3], $0x500, $0x38;
	[tilespmem:$0x1C430] =	vst v63  }
0x4a: {  	s10 =	simm.s32 $0x0;
	[bflag:$0x0] =	sbarrier.arrive $0xFFFF  }
.LBB2_2:
0x4b: {  	_ =	swait.ge [sflag:s11], $0x50  }
0x4c: {  	[sflag:s11] =	ssyncset.done $0x0  }
0x4d: {  	[sflag:s11] =	ssyncadd.s32 $0xFFFFFFB0  }
0x4e: {  	_ =	swait.ge [sflag:s12], $0x500  }
0x4f: {  	p2 =	seq.s32 s10, $0x0;
	[sflag:s12] =	ssyncset.done $0x0  }
0x50: {  	s6 =	simm.s32 @!p2 $0xD;
	[sflag:s12] =	ssyncadd.s32 $0xFFFFFB00  }
0x51: {  	_ =	swait.ge @!p2 [sflag:s6], $0x500  }
0x52: {  	[sflag:s6] =	ssyncset.done @!p2 $0x0  }
0x53: {  	[sflag:s6] =	ssyncadd.s32 @!p2 $0xFFFFFB00;
	s6 =	simm.s32 $0x0  }
0x54: {  	s7 =	simm.s32 $0x9C40;
	v1 =	vld [tilespmem:s6+$0xECE0]  }
0x55: {  	s19 =	sshll.u32 s10, $0x1;
	s13 =	simm.s32 $0x400;
	v0 =	vld [tilespmem:s7+$0x0]  }
.LBB2_3:
0x56: {  	p3 =	sne.s32 s13, $0x1000;
	v2 =	vld [tilespmem:s6+$0xECF0]  }
0x57: {  	v3 =	vld [tilespmem:s6+$0xED00]  }
0x58: {  	v4 =	vld [tilespmem:s6+$0xED10]  }
0x59: {  	v5 =	vld [tilespmem:s6+$0xED20]  }
0x5a: {  	v6 =	vbroadcast v0, $0x0;
	v7 =	vbroadcast v0, $0x1;
	v8 =	vld [tilespmem:s6+$0xED30]  }
0x5b: {  	v9 =	vbroadcast v0, $0x2;
	v10 =	vbroadcast v0, $0x3;
	v11 =	vld [tilespmem:s6+$0xED40]  }
0x5c: {  	v1 =	vmul.f32 v6, v1;
	v2 =	vmul.f32 v2, v7;
	v6 =	vld [tilespmem:s6+$0xED50]  }
0x5d: {  	v3 =	vmul.f32 v3, v9;
	v4 =	vmul.f32 v4, v10;
	v7 =	vld [tilespmem:s6+$0xED60]  }
0x5e: {  	v9 =	vbroadcast v0, $0x5;
	[tilespmem:s6+$0xF6E0] =	vst v1;
	v1 =	vbroadcast v0, $0x4;
	v10 =	vld [tilespmem:s6+$0xED70]  }
0x5f: {  	v12 =	vbroadcast v0, $0x7;
	[tilespmem:s6+$0xF6F0] =	vst v2;
	v2 =	vbroadcast v0, $0x6;
	v13 =	vld [tilespmem:s6+$0xED80]  }
0x60: {  	[tilespmem:s6+$0xF700] =	vst v3;
	v1 =	vmul.f32 v5, v1;
	v3 =	vmul.f32 v8, v9;
	v5 =	vld [tilespmem:s6+$0xED90]  }
0x61: {  	[tilespmem:s6+$0xF710] =	vst v4;
	v2 =	vmul.f32 v11, v2;
	v4 =	vmul.f32 v6, v12;
	v6 =	vld [tilespmem:s6+$0xEDA0]  }
0x62: {  	v8 =	vbroadcast v0, $0x9;
	[tilespmem:s6+$0xF720] =	vst v1;
	v1 =	vbroadcast v0, $0x8;
	v9 =	vld [tilespmem:s6+$0xEDB0]  }
0x63: {  	v11 =	vbroadcast v0, $0xB;
	[tilespmem:s6+$0xF730] =	vst v3;
	v3 =	vbroadcast v0, $0xA;
	v12 =	vld [tilespmem:s6+$0xEDC0]  }
0x64: {  	[tilespmem:s6+$0xF740] =	vst v2;
	v1 =	vmul.f32 v7, v1;
	v2 =	vmul.f32 v10, v8;
	v7 =	vld [tilespmem:s6+$0xEDD0]  }
0x65: {  	[tilespmem:s6+$0xF750] =	vst v4;
	v3 =	vmul.f32 v13, v3;
	v4 =	vmul.f32 v5, v11  }
0x66: {  	v5 =	vbroadcast v0, $0xD;
	[tilespmem:s6+$0xF760] =	vst v1;
	v1 =	vbroadcast v0, $0xC  }
0x67: {  	[tilespmem:s6+$0xF770] =	vst v2;
	v2 =	vbroadcast v0, $0xE;
	v0 =	vbroadcast v0, $0xF  }
0x68: {  	[tilespmem:s6+$0xF780] =	vst v3;
	v1 =	vmul.f32 v6, v1;
	v3 =	vmul.f32 v9, v5  }
0x69: {  	[tilespmem:s6+$0xF790] =	vst v4;
	v2 =	vmul.f32 v12, v2;
	v0 =	vmul.f32 v7, v0  }
.Ltmp0:
0x6a: {  	[tilespmem:s6+$0xF7A0] =	vst v1;
	(pc) =	sbr.rel @p3 .LBB2_3-.Ltmp0, $4  }
0x6b: {  	[tilespmem:s6+$0xF7B0] =	vst v3  }
0x6c: {  	s2 =	sshra.s32 s13, $0x2;
	[tilespmem:s6+$0xF7C0] =	vst v2  }
0x6d: {  	s7 =	sadd.s32 $0x10, s7;
	v1 =	vld [tilespmem:s2+$0xECE0];
	[tilespmem:s6+$0xF7D0] =	vst v0;
	s6 =	smov.u32 s2  }
0x6e: {  	s13 =	sadd.s32 $0x400, s13;
	v0 =	vld [tilespmem:s7+$0x0]  }
0x6f: {  	_ =	sdelay $0x1  }
0x70: {  	v2 =	vld [tilespmem:s6+$0xECF0]  }
0x71: {  	v3 =	vld [tilespmem:s6+$0xED00]  }
0x72: {  	v4 =	vld [tilespmem:s6+$0xED10];
	v6 =	vbroadcast v0, $0x0  }
0x73: {  	v5 =	vld [tilespmem:s6+$0xED20];
	v9 =	vbroadcast v0, $0x1  }
0x74: {  	v7 =	vld [tilespmem:s6+$0xED30];
	v11 =	vbroadcast v0, $0x2;
	v1 =	vmul.f32 v6, v1  }
0x75: {  	v8 =	vld [tilespmem:s6+$0xED40];
	v49 =	vbroadcast v0, $0x3;
	v2 =	vmul.f32 v2, v9  }
0x76: {  	v48 =	vld [tilespmem:s6+$0xED50];
	v50 =	vbroadcast v0, $0x4;
	v3 =	vmul.f32 v3, v11;
	[tilespmem:s6+$0xF6E0] =	vst v1  }
0x77: {  	v54 =	vld [tilespmem:s6+$0xEDB0];
	v51 =	vbroadcast v0, $0x5;
	v4 =	vmul.f32 v4, v49;
	[tilespmem:s6+$0xF6F0] =	vst v2  }
0x78: {  	v10 =	vld [tilespmem:s6+$0xED60];
	v53 =	vbroadcast v0, $0x6;
	v5 =	vmul.f32 v5, v50;
	[tilespmem:s6+$0xF700] =	vst v3  }
0x79: {  	v55 =	vbroadcast v0, $0x7;
	v7 =	vmul.f32 v7, v51;
	v1 =	vld [tilespmem:s6+$0xED70];
	[tilespmem:s6+$0xF710] =	vst v4  }
0x7a: {  	v62 =	vbroadcast v0, $0xD;
	v8 =	vmul.f32 v8, v53;
	v2 =	vld [tilespmem:s6+$0xED80];
	[tilespmem:s6+$0xF720] =	vst v5  }
0x7b: {  	v56 =	vbroadcast v0, $0x8;
	v6 =	vmul.f32 v48, v55;
	v3 =	vld [tilespmem:s6+$0xED90];
	[tilespmem:s6+$0xF730] =	vst v7  }
0x7c: {  	v52 =	vld [tilespmem:s6+$0xEDA0];
	v58 =	vbroadcast v0, $0x9;
	v63 =	vmul.f32 v54, v62;
	[tilespmem:s6+$0xF740] =	vst v8  }
0x7d: {  	v57 =	vld [tilespmem:s6+$0xEDC0];
	v59 =	vbroadcast v0, $0xA;
	v7 =	vmul.f32 v10, v56;
	[tilespmem:s6+$0xF750] =	vst v6  }
0x7e: {  	v60 =	vld [tilespmem:s6+$0xEDD0];
	v12 =	vbroadcast v0, $0xB;
	[tilespmem:s6+$0xF7B0] =	vst v63;
	v1 =	vmul.f32 v1, v58  }
0x7f: {  	v61 =	vbroadcast v0, $0xC;
	[tilespmem:s6+$0xF760] =	vst v7;
	v2 =	vmul.f32 v2, v59  }
0x80: {  	v3 =	vmul.f32 v3, v12;
	[tilespmem:s6+$0xF770] =	vst v1;
	v1 =	vbroadcast v0, $0xE  }
0x81: {  	s2 =	sadd.s32 s15, s19;
	[tilespmem:s6+$0xF780] =	vst v2;
	v2 =	vmul.f32 v52, v61;
	v0 =	vbroadcast v0, $0xF  }
0x82: {  	s2 =	smul.u32 $0x140, s2;
	[tilespmem:s6+$0xF790] =	vst v3;
	v1 =	vmul.f32 v57, v1  }
0x83: {  	s7 =	sadd.s32 $0x2, s19;
	[tilespmem:s6+$0xF7A0] =	vst v2;
	v0 =	vmul.f32 v60, v0  }
0x84: {  	s13 =	sadd.s32 s15, s7;
	s2 =	sshra.s32 s2, $0x2;
	[tilespmem:s6+$0xF7C0] =	vst v1  }
0x85: {  	s2 =	sadd.s32 $0x4E20, s2;
	[tilespmem:s6+$0xF7D0] =	vst v0;
	s6 =	smul.u32 $0x140, s13;
	s13 =	simm.s32 $0xF6E0  }
0x86: {  	[spmem:s30] =	stream.indirect.scatter.add.f32 [tilespmem:s13], [sflag:$0xD], $0x10, s2, s8, $0xb8;
	[tilespmem:$0x1C430] =	vst v63  }
0x87: {  	s13 =	simm.s32 $0x9C40;
	s2 =	sshra.s32 s6, $0x2;
	s6 =	smul.u32 $0x50, s7  }
0x88: {  	[tilespmem:s13], [sflag:$0x9] =	stream.indirect.gather [hbm4b:s5+s8], $0x1, s2, s8, $0xb8;
	[tilespmem:$0x1C430] =	vst v63  }
0x89: {  	s7 =	sadd.s32 s17, s6  }
0x8a: {  	s2 =	sshll.u32 s7, $0x1  }
0x8b: {  	s2 =	sand.u32 $0x1FFFFFE0, s2  }
0x8c: {  	s13 =	simm.s32 $0xECE0;
	s2 =	sadd.s32 s4, s2  }
0x8d: {  	[tilespmem:s13], [sflag:$0xB] =	stream.linear.gather [hbm4b:s2+s3], $0x500, $0x38;
	[tilespmem:$0x1C430] =	vst v63  }
0x8e: {  	_ =	swait.ge [sflag:s14], $0x50  }
0x8f: {  	[sflag:s14] =	ssyncset.done $0x0  }
0x90: {  	[sflag:s14] =	ssyncadd.s32 $0xFFFFFFB0  }
0x91: {  	_ =	swait.ge [sflag:s18], $0x500  }
0x92: {  	[sflag:s18] =	ssyncset.done $0x0  }
0x93: {  	s2 =	simm.s32 @!p2 $0xE;
	[sflag:s18] =	ssyncadd.s32 $0xFFFFFB00  }
0x94: {  	_ =	swait.ge @!p2 [sflag:s2], $0x500  }
0x95: {  	[sflag:s2] =	ssyncset.done @!p2 $0x0  }
0x96: {  	s6 =	simm.s32 $0x0;
	[sflag:s2] =	ssyncadd.s32 @!p2 $0xFFFFFB00  }
0x97: {  	s7 =	simm.s32 $0x9C90;
	v1 =	vld [tilespmem:s6+$0xF1E0]  }
0x98: {  	s13 =	simm.s32 $0x400;
	v0 =	vld [tilespmem:s7+$0x0]  }
.LBB2_5:
0x99: {  	p2 =	sne.s32 s13, $0x1000;
	v2 =	vld [tilespmem:s6+$0xF1F0]  }
0x9a: {  	v3 =	vld [tilespmem:s6+$0xF200]  }
0x9b: {  	v4 =	vld [tilespmem:s6+$0xF210]  }
0x9c: {  	v5 =	vld [tilespmem:s6+$0xF220]  }
0x9d: {  	v6 =	vbroadcast v0, $0x0;
	v7 =	vbroadcast v0, $0x1;
	v8 =	vld [tilespmem:s6+$0xF230]  }
0x9e: {  	v9 =	vbroadcast v0, $0x2;
	v10 =	vbroadcast v0, $0x3;
	v11 =	vld [tilespmem:s6+$0xF240]  }
0x9f: {  	v1 =	vmul.f32 v6, v1;
	v2 =	vmul.f32 v2, v7;
	v6 =	vld [tilespmem:s6+$0xF250]  }
0xa0: {  	v3 =	vmul.f32 v3, v9;
	v4 =	vmul.f32 v4, v10;
	v7 =	vld [tilespmem:s6+$0xF260]  }
0xa1: {  	v9 =	vbroadcast v0, $0x5;
	[tilespmem:s6+$0xFBE0] =	vst v1;
	v1 =	vbroadcast v0, $0x4;
	v10 =	vld [tilespmem:s6+$0xF270]  }
0xa2: {  	v12 =	vbroadcast v0, $0x7;
	[tilespmem:s6+$0xFBF0] =	vst v2;
	v2 =	vbroadcast v0, $0x6;
	v13 =	vld [tilespmem:s6+$0xF280]  }
0xa3: {  	[tilespmem:s6+$0xFC00] =	vst v3;
	v1 =	vmul.f32 v5, v1;
	v3 =	vmul.f32 v8, v9;
	v5 =	vld [tilespmem:s6+$0xF290]  }
0xa4: {  	[tilespmem:s6+$0xFC10] =	vst v4;
	v2 =	vmul.f32 v11, v2;
	v4 =	vmul.f32 v6, v12;
	v6 =	vld [tilespmem:s6+$0xF2A0]  }
0xa5: {  	v8 =	vbroadcast v0, $0x9;
	[tilespmem:s6+$0xFC20] =	vst v1;
	v1 =	vbroadcast v0, $0x8;
	v9 =	vld [tilespmem:s6+$0xF2B0]  }
0xa6: {  	v11 =	vbroadcast v0, $0xB;
	[tilespmem:s6+$0xFC30] =	vst v3;
	v3 =	vbroadcast v0, $0xA;
	v12 =	vld [tilespmem:s6+$0xF2C0]  }
0xa7: {  	[tilespmem:s6+$0xFC40] =	vst v2;
	v1 =	vmul.f32 v7, v1;
	v2 =	vmul.f32 v10, v8;
	v7 =	vld [tilespmem:s6+$0xF2D0]  }
0xa8: {  	[tilespmem:s6+$0xFC50] =	vst v4;
	v3 =	vmul.f32 v13, v3;
	v4 =	vmul.f32 v5, v11  }
0xa9: {  	v5 =	vbroadcast v0, $0xD;
	[tilespmem:s6+$0xFC60] =	vst v1;
	v1 =	vbroadcast v0, $0xC  }
0xaa: {  	[tilespmem:s6+$0xFC70] =	vst v2;
	v2 =	vbroadcast v0, $0xE;
	v0 =	vbroadcast v0, $0xF  }
0xab: {  	[tilespmem:s6+$0xFC80] =	vst v3;
	v1 =	vmul.f32 v6, v1;
	v3 =	vmul.f32 v9, v5  }
0xac: {  	[tilespmem:s6+$0xFC90] =	vst v4;
	v2 =	vmul.f32 v12, v2;
	v0 =	vmul.f32 v7, v0  }
.Ltmp1:
0xad: {  	[tilespmem:s6+$0xFCA0] =	vst v1;
	(pc) =	sbr.rel @p2 .LBB2_5-.Ltmp1, $4  }
0xae: {  	[tilespmem:s6+$0xFCB0] =	vst v3  }
0xaf: {  	s2 =	sshra.s32 s13, $0x2;
	[tilespmem:s6+$0xFCC0] =	vst v2  }
0xb0: {  	s7 =	sadd.s32 $0x10, s7;
	v1 =	vld [tilespmem:s2+$0xF1E0];
	[tilespmem:s6+$0xFCD0] =	vst v0;
	s6 =	smov.u32 s2  }
0xb1: {  	s13 =	sadd.s32 $0x400, s13;
	v0 =	vld [tilespmem:s7+$0x0]  }
0xb2: {  	_ =	sdelay $0x2  }
0xb3: {  	v2 =	vld [tilespmem:s6+$0xF1F0]  }
0xb4: {  	v3 =	vld [tilespmem:s6+$0xF200];
	v6 =	vbroadcast v0, $0x0  }
0xb5: {  	v4 =	vld [tilespmem:s6+$0xF210];
	v9 =	vbroadcast v0, $0x1;
	v11 =	vbroadcast v0, $0x2  }
0xb6: {  	v5 =	vld [tilespmem:s6+$0xF220];
	v44 =	vbroadcast v0, $0x3;
	v46 =	vbroadcast v0, $0x4  }
0xb7: {  	v7 =	vld [tilespmem:s6+$0xF230];
	v48 =	vbroadcast v0, $0x5;
	v1 =	vmul.f32 v6, v1  }
0xb8: {  	v8 =	vld [tilespmem:s6+$0xF240];
	v50 =	vbroadcast v0, $0x6;
	v2 =	vmul.f32 v2, v9  }
0xb9: {  	v42 =	vld [tilespmem:s6+$0xF250];
	v52 =	vbroadcast v0, $0x7;
	v3 =	vmul.f32 v3, v11;
	[tilespmem:s6+$0xFBE0] =	vst v1  }
0xba: {  	v49 =	vld [tilespmem:s6+$0xF2A0];
	v53 =	vbroadcast v0, $0x8;
	v4 =	vmul.f32 v4, v44;
	[tilespmem:s6+$0xFBF0] =	vst v2  }
0xbb: {  	v51 =	vld [tilespmem:s6+$0xF2B0];
	v55 =	vbroadcast v0, $0x9;
	v5 =	vmul.f32 v5, v46;
	[tilespmem:s6+$0xFC00] =	vst v3  }
0xbc: {  	v57 =	vld [tilespmem:s6+$0xF2D0];
	v56 =	vbroadcast v0, $0xA;
	v7 =	vmul.f32 v7, v48;
	[tilespmem:s6+$0xFC10] =	vst v4  }
0xbd: {  	v10 =	vld [tilespmem:s6+$0xF260];
	v58 =	vbroadcast v0, $0xC;
	v8 =	vmul.f32 v8, v50;
	[tilespmem:s6+$0xFC20] =	vst v5  }
0xbe: {  	v43 =	vld [tilespmem:s6+$0xF270];
	v59 =	vbroadcast v0, $0xD;
	v6 =	vmul.f32 v42, v52;
	[tilespmem:s6+$0xFC30] =	vst v7  }
0xbf: {  	v45 =	vld [tilespmem:s6+$0xF280];
	v62 =	vbroadcast v0, $0xF;
	v61 =	vmul.f32 v49, v58;
	[tilespmem:s6+$0xFC40] =	vst v8  }
0xc0: {  	v47 =	vld [tilespmem:s6+$0xF290];
	v12 =	vbroadcast v0, $0xB;
	v63 =	vmul.f32 v51, v59;
	[tilespmem:s6+$0xFC50] =	vst v6  }
0xc1: {  	v54 =	vld [tilespmem:s6+$0xF2C0];
	v60 =	vbroadcast v0, $0xE;
	v0 =	vmul.f32 v57, v62;
	[tilespmem:s6+$0xFCA0] =	vst v61  }
0xc2: {  	s2 =	rddreg [dreg:$0x17];
	v7 =	vmul.f32 v10, v53;
	[tilespmem:s6+$0xFCB0] =	vst v63  }
0xc3: {  	s2 =	sadd.s32 s19, s2;
	v1 =	vmul.f32 v43, v55;
	[tilespmem:s6+$0xFCD0] =	vst v0  }
0xc4: {  	p2 =	seq.s32 s10, $0x3D;
	s2 =	smul.u32 $0x140, s2;
	v2 =	vmul.f32 v45, v56;
	[tilespmem:s6+$0xFC60] =	vst v7  }
.Ltmp2:
0xc5: {  	v3 =	vmul.f32 v47, v12;
	[tilespmem:s6+$0xFC70] =	vst v1;
	(pc) =	sbr.rel @p2 .LBB2_8-.Ltmp2, $4  }
0xc6: {  	[tilespmem:s6+$0xFC80] =	vst v2;
	v1 =	vmul.f32 v54, v60  }
0xc7: {  	s2 =	sshra.s32 s2, $0x2;
	[tilespmem:s6+$0xFC90] =	vst v3  }
0xc8: {  	s13 =	simm.s32 $0xFBE0;
	s2 =	sadd.s32 $0x4E20, s2;
	[tilespmem:s6+$0xFCC0] =	vst v1  }
0xc9: {  	[spmem:s30] =	stream.indirect.scatter.add.f32 [tilespmem:s13], [sflag:$0xE], $0x10, s2, s8, $0xb8;
	[tilespmem:$0x1C430] =	vst v63  }
0xca: {  	s2 =	sadd.s32 $0x3, s19  }
0xcb: {  	s6 =	sadd.s32 s15, s2;
	s2 =	smul.u32 $0x50, s2  }
0xcc: {  	s6 =	smul.u32 $0x140, s6  }
0xcd: {  	s7 =	simm.s32 $0x9C90;
	s2 =	sadd.s32 s17, s2  }
.Ltmp3:
0xce: {  	s6 =	sshra.s32 s6, $0x2;
	s2 =	sshll.u32 s2, $0x1;
	(pc) =	sbr.rel .LBB2_2-.Ltmp3, $4  }
0xcf: {  	[tilespmem:s7], [sflag:$0xA] =	stream.indirect.gather [hbm4b:s5+s8], $0x1, s6, s8, $0xb8;
	[tilespmem:$0x1C430] =	vst v63  }
0xd0: {  	s2 =	sand.u32 $0x1FFFFFE0, s2  }
0xd1: {  	s19 =	simm.s32 $0xF1E0;
	s10 =	sadd.s32 $0x1, s10;
	s2 =	sadd.s32 s4, s2  }
0xd2: {  	[tilespmem:s19], [sflag:$0xC] =	stream.linear.gather [hbm4b:s2+s3], $0x500, $0x38;
	[tilespmem:$0x1C430] =	vst v63  }
.LBB2_8:
0xd3: {  	_ =	swait.ge [sflag:s11], $0x50  }
0xd4: {  	[sflag:s11] =	ssyncset.done $0x0  }
0xd5: {  	[sflag:s11] =	ssyncadd.s32 $0xFFFFFFB0  }
0xd6: {  	_ =	swait.ge [sflag:s12], $0x500  }
0xd7: {  	[sflag:s12] =	ssyncset.done $0x0  }
0xd8: {  	s13 =	simm.s32 $0xD;
	[sflag:s12] =	ssyncadd.s32 $0xFFFFFB00  }
0xd9: {  	_ =	swait.ge [sflag:s13], $0x500  }
0xda: {  	[sflag:s13] =	ssyncset.done $0x0  }
0xdb: {  	s6 =	simm.s32 $0x0;
	[sflag:s13] =	ssyncadd.s32 $0xFFFFFB00  }
0xdc: {  	s7 =	simm.s32 $0x9C40;
	v1 =	vld [tilespmem:s6+$0xECE0]  }
0xdd: {  	s10 =	simm.s32 $0x400;
	v0 =	vld [tilespmem:s7+$0x0]  }
.LBB2_9:
0xde: {  	p2 =	sne.s32 s10, $0x1000;
	v2 =	vld [tilespmem:s6+$0xECF0]  }
0xdf: {  	v3 =	vld [tilespmem:s6+$0xED00]  }
0xe0: {  	v4 =	vld [tilespmem:s6+$0xED10]  }
0xe1: {  	v5 =	vld [tilespmem:s6+$0xED20]  }
0xe2: {  	v6 =	vbroadcast v0, $0x0;
	v7 =	vbroadcast v0, $0x1;
	v8 =	vld [tilespmem:s6+$0xED30]  }
0xe3: {  	v9 =	vbroadcast v0, $0x2;
	v10 =	vbroadcast v0, $0x3;
	v11 =	vld [tilespmem:s6+$0xED40]  }
0xe4: {  	v1 =	vmul.f32 v6, v1;
	v2 =	vmul.f32 v2, v7;
	v6 =	vld [tilespmem:s6+$0xED50]  }
0xe5: {  	v3 =	vmul.f32 v3, v9;
	v4 =	vmul.f32 v4, v10;
	v7 =	vld [tilespmem:s6+$0xED60]  }
0xe6: {  	v9 =	vbroadcast v0, $0x5;
	[tilespmem:s6+$0xF6E0] =	vst v1;
	v1 =	vbroadcast v0, $0x4;
	v10 =	vld [tilespmem:s6+$0xED70]  }
0xe7: {  	v12 =	vbroadcast v0, $0x7;
	[tilespmem:s6+$0xF6F0] =	vst v2;
	v2 =	vbroadcast v0, $0x6;
	v13 =	vld [tilespmem:s6+$0xED80]  }
0xe8: {  	[tilespmem:s6+$0xF700] =	vst v3;
	v1 =	vmul.f32 v5, v1;
	v3 =	vmul.f32 v8, v9;
	v5 =	vld [tilespmem:s6+$0xED90]  }
0xe9: {  	[tilespmem:s6+$0xF710] =	vst v4;
	v2 =	vmul.f32 v11, v2;
	v4 =	vmul.f32 v6, v12;
	v6 =	vld [tilespmem:s6+$0xEDA0]  }
0xea: {  	v8 =	vbroadcast v0, $0x9;
	[tilespmem:s6+$0xF720] =	vst v1;
	v1 =	vbroadcast v0, $0x8;
	v9 =	vld [tilespmem:s6+$0xEDB0]  }
0xeb: {  	v11 =	vbroadcast v0, $0xB;
	[tilespmem:s6+$0xF730] =	vst v3;
	v3 =	vbroadcast v0, $0xA;
	v12 =	vld [tilespmem:s6+$0xEDC0]  }
0xec: {  	[tilespmem:s6+$0xF740] =	vst v2;
	v1 =	vmul.f32 v7, v1;
	v2 =	vmul.f32 v10, v8;
	v7 =	vld [tilespmem:s6+$0xEDD0]  }
0xed: {  	[tilespmem:s6+$0xF750] =	vst v4;
	v3 =	vmul.f32 v13, v3;
	v4 =	vmul.f32 v5, v11  }
0xee: {  	v5 =	vbroadcast v0, $0xD;
	[tilespmem:s6+$0xF760] =	vst v1;
	v1 =	vbroadcast v0, $0xC  }
0xef: {  	[tilespmem:s6+$0xF770] =	vst v2;
	v2 =	vbroadcast v0, $0xE;
	v0 =	vbroadcast v0, $0xF  }
0xf0: {  	[tilespmem:s6+$0xF780] =	vst v3;
	v1 =	vmul.f32 v6, v1;
	v3 =	vmul.f32 v9, v5  }
0xf1: {  	[tilespmem:s6+$0xF790] =	vst v4;
	v2 =	vmul.f32 v12, v2;
	v0 =	vmul.f32 v7, v0  }
.Ltmp4:
0xf2: {  	[tilespmem:s6+$0xF7A0] =	vst v1;
	(pc) =	sbr.rel @p2 .LBB2_9-.Ltmp4, $4  }
0xf3: {  	[tilespmem:s6+$0xF7B0] =	vst v3  }
0xf4: {  	s2 =	sshra.s32 s10, $0x2;
	[tilespmem:s6+$0xF7C0] =	vst v2  }
0xf5: {  	s7 =	sadd.s32 $0x10, s7;
	v1 =	vld [tilespmem:s2+$0xECE0];
	[tilespmem:s6+$0xF7D0] =	vst v0;
	s6 =	smov.u32 s2  }
0xf6: {  	s10 =	sadd.s32 $0x400, s10;
	v0 =	vld [tilespmem:s7+$0x0]  }
0xf7: {  	_ =	sdelay $0x2  }
0xf8: {  	v2 =	vld [tilespmem:s6+$0xECF0]  }
0xf9: {  	v3 =	vld [tilespmem:s6+$0xED00];
	v6 =	vbroadcast v0, $0x0  }
0xfa: {  	v4 =	vld [tilespmem:s6+$0xED10];
	v9 =	vbroadcast v0, $0x1;
	v11 =	vbroadcast v0, $0x2  }
0xfb: {  	v5 =	vld [tilespmem:s6+$0xED20];
	v44 =	vbroadcast v0, $0x3;
	v46 =	vbroadcast v0, $0x4  }
0xfc: {  	v7 =	vld [tilespmem:s6+$0xED30];
	v48 =	vbroadcast v0, $0x5;
	v1 =	vmul.f32 v6, v1  }
0xfd: {  	v8 =	vld [tilespmem:s6+$0xED40];
	v50 =	vbroadcast v0, $0x6;
	v2 =	vmul.f32 v2, v9  }
0xfe: {  	v42 =	vld [tilespmem:s6+$0xED50];
	v52 =	vbroadcast v0, $0x7;
	v3 =	vmul.f32 v3, v11;
	[tilespmem:s6+$0xF6E0] =	vst v1  }
0xff: {  	v49 =	vld [tilespmem:s6+$0xEDA0];
	v53 =	vbroadcast v0, $0x8;
	v4 =	vmul.f32 v4, v44;
	[tilespmem:s6+$0xF6F0] =	vst v2  }
0x100: {  	v51 =	vld [tilespmem:s6+$0xEDB0];
	v55 =	vbroadcast v0, $0x9;
	v5 =	vmul.f32 v5, v46;
	[tilespmem:s6+$0xF700] =	vst v3  }
0x101: {  	v57 =	vld [tilespmem:s6+$0xEDD0];
	v56 =	vbroadcast v0, $0xA;
	v7 =	vmul.f32 v7, v48;
	[tilespmem:s6+$0xF710] =	vst v4  }
0x102: {  	v10 =	vld [tilespmem:s6+$0xED60];
	v58 =	vbroadcast v0, $0xC;
	v8 =	vmul.f32 v8, v50;
	[tilespmem:s6+$0xF720] =	vst v5  }
0x103: {  	v43 =	vld [tilespmem:s6+$0xED70];
	v59 =	vbroadcast v0, $0xD;
	v6 =	vmul.f32 v42, v52;
	[tilespmem:s6+$0xF730] =	vst v7  }
0x104: {  	v45 =	vld [tilespmem:s6+$0xED80];
	v62 =	vbroadcast v0, $0xF;
	v61 =	vmul.f32 v49, v58;
	[tilespmem:s6+$0xF740] =	vst v8  }
0x105: {  	v47 =	vld [tilespmem:s6+$0xED90];
	v12 =	vbroadcast v0, $0xB;
	v63 =	vmul.f32 v51, v59;
	[tilespmem:s6+$0xF750] =	vst v6  }
0x106: {  	v54 =	vld [tilespmem:s6+$0xEDC0];
	v60 =	vbroadcast v0, $0xE;
	v0 =	vmul.f32 v57, v62;
	[tilespmem:s6+$0xF7A0] =	vst v61  }
0x107: {  	v7 =	vmul.f32 v10, v53;
	[tilespmem:s6+$0xF7B0] =	vst v63  }
0x108: {  	v1 =	vmul.f32 v43, v55;
	[tilespmem:s6+$0xF7D0] =	vst v0  }
0x109: {  	v2 =	vmul.f32 v45, v56;
	[tilespmem:s6+$0xF760] =	vst v7  }
0x10a: {  	v3 =	vmul.f32 v47, v12;
	[tilespmem:s6+$0xF770] =	vst v1  }
0x10b: {  	[tilespmem:s6+$0xF780] =	vst v2;
	v1 =	vmul.f32 v54, v60  }
0x10c: {  	[tilespmem:s6+$0xF790] =	vst v3  }
0x10d: {  	s2 =	rddreg [dreg:$0x18];
	s10 =	simm.s32 $0xF6E0;
	s19 =	simm.s32 $0xE;
	[tilespmem:s6+$0xF7C0] =	vst v1  }
0x10e: {  	[spmem:s30] =	stream.indirect.scatter.add.f32 [tilespmem:s10], [sflag:$0xD], $0x10, s2, s8, $0xb8;
	[tilespmem:$0x1C430] =	vst v63  }
0x10f: {  	_ =	swait.ge [sflag:s19], $0x500  }
0x110: {  	[sflag:s19] =	ssyncset.done $0x0  }
0x111: {  	[sflag:s19] =	ssyncadd.s32 $0xFFFFFB00  }
0x112: {  	_ =	swait.ge [sflag:s13], $0x500  }
0x113: {  	[sflag:s13] =	ssyncset.done $0x0  }
0x114: {  	s6 =	simm.s32 $0x0;
	[sflag:s13] =	ssyncadd.s32 $0xFFFFFB00  }
0x115: {  	[tilespmem:s23], [sflag:$0x1] =	stream.indirect.gather [hbm4b:s20+s8], $0x40, s6, s8, $0xb8;
	[tilespmem:$0x1C430] =	vst v63  }
0x116: {  	_ = 	snop  }
0x117: {  	[tilespmem:s24], [sflag:$0x2] =	stream.indirect.gather [hbm4b:s20+s8], $0x40, s8, s8, $0xb8;
	[tilespmem:$0x1C430] =	vst v63  }
0x118: {  	s7 =	simm.s32 $0xA0  }
0x119: {  	[tilespmem:s25], [sflag:$0x3] =	stream.indirect.gather [hbm4b:s20+s8], $0x40, s7, s8, $0xb8;
	[tilespmem:$0x1C430] =	vst v63  }
0x11a: {  	s10 =	simm.s32 $0xF0  }
0x11b: {  	[tilespmem:s26], [sflag:$0x4] =	stream.indirect.gather [hbm4b:s20+s8], $0x40, s10, s8, $0xb8;
	[tilespmem:$0x1C430] =	vst v63  }
0x11c: {  	_ =	swait.ge [sflag:s28], $0x1400  }
0x11d: {  	[sflag:s28] =	ssyncset.done $0x0  }
0x11e: {  	s13 =	simm.s32 $0x4E20;
	[sflag:s28] =	ssyncadd.s32 $0xFFFFEC00  }
0x11f: {  	[spmem:s1] =	stream.indirect.scatter.add.f32 [tilespmem:s23], [sflag:$0x5], $0x40, s13, s8, $0xb8;
	[tilespmem:$0x1C430] =	vst v63  }
0x120: {  	_ =	swait.ge [sflag:s29], $0x1400  }
0x121: {  	[sflag:s29] =	ssyncset.done $0x0  }
0x122: {  	s19 =	simm.s32 $0x4E70;
	[sflag:s29] =	ssyncadd.s32 $0xFFFFEC00  }
0x123: {  	[spmem:s1] =	stream.indirect.scatter.add.f32 [tilespmem:s24], [sflag:$0x6], $0x40, s19, s8, $0xb8;
	[tilespmem:$0x1C430] =	vst v63  }
0x124: {  	_ =	swait.ge [sflag:s31], $0x1400  }
0x125: {  	[sflag:s31] =	ssyncset.done $0x0  }
0x126: {  	s6 =	simm.s32 $0x4EC0;
	[sflag:s31] =	ssyncadd.s32 $0xFFFFEC00  }
0x127: {  	[spmem:s1] =	stream.indirect.scatter.add.f32 [tilespmem:s25], [sflag:$0x7], $0x40, s6, s8, $0xb8;
	[tilespmem:$0x1C430] =	vst v63  }
0x128: {  	_ =	swait.ge [sflag:s16], $0x1400  }
0x129: {  	[sflag:s16] =	ssyncset.done $0x0  }
0x12a: {  	s7 =	simm.s32 $0x4F10;
	[sflag:s16] =	ssyncadd.s32 $0xFFFFEC00  }
0x12b: {  	[spmem:s1] =	stream.indirect.scatter.add.f32 [tilespmem:s26], [sflag:$0x8], $0x40, s7, s8, $0xb8;
	[tilespmem:$0x1C430] =	vst v63  }
0x12c: {  	_ =	swait.ge [sflag:s22], $0x1400  }
0x12d: {  	[sflag:s22] =	ssyncset.done $0x0  }
0x12e: {  	s10 =	simm.s32 $0x140;
	[sflag:s22] =	ssyncadd.s32 $0xFFFFEC00  }
0x12f: {  	[tilespmem:s23], [sflag:$0x1] =	stream.indirect.gather [hbm4b:s20+s8], $0x40, s10, s8, $0xb8;
	[tilespmem:$0x1C430] =	vst v63  }
0x130: {  	_ =	swait.ge [sflag:s21], $0x1400  }
0x131: {  	[sflag:s21] =	ssyncset.done $0x0  }
0x132: {  	s13 =	simm.s32 $0x190;
	[sflag:s21] =	ssyncadd.s32 $0xFFFFEC00  }
0x133: {  	[tilespmem:s24], [sflag:$0x2] =	stream.indirect.gather [hbm4b:s20+s8], $0x40, s13, s8, $0xb8;
	[tilespmem:$0x1C430] =	vst v63  }
0x134: {  	_ =	swait.ge [sflag:s0], $0x1400  }
0x135: {  	[sflag:s0] =	ssyncset.done $0x0  }
0x136: {  	s19 =	simm.s32 $0x1E0;
	[sflag:s0] =	ssyncadd.s32 $0xFFFFEC00  }
0x137: {  	[tilespmem:s25], [sflag:$0x3] =	stream.indirect.gather [hbm4b:s20+s8], $0x40, s19, s8, $0xb8;
	[tilespmem:$0x1C430] =	vst v63  }
0x138: {  	_ =	swait.ge [sflag:s9], $0x1400  }
0x139: {  	[sflag:s9] =	ssyncset.done $0x0  }
0x13a: {  	s6 =	simm.s32 $0x500;
	s7 =	simm.s32 $0x230;
	[sflag:s9] =	ssyncadd.s32 $0xFFFFEC00  }
.LBB2_11:
0x13b: {  	[tilespmem:s26], [sflag:$0x4] =	stream.indirect.gather [hbm4b:s20+s8], $0x40, s7, s8, $0xb8;
	[tilespmem:$0x1C430] =	vst v63  }
0x13c: {  	s2 =	smov.u32 s6  }
0x13d: {  	p2 =	sne.s32 s6, $0x12C00;
	s6 =	sadd.s32 $0x500, s6;
	_ =	swait.ge [sflag:s28], $0x1400  }
0x13e: {  	s7 =	sshra.s32 s2, $0x2;
	[sflag:s28] =	ssyncset.done $0x0  }
0x13f: {  	s2 =	sadd.s32 $0x4E20, s7;
	[sflag:s28] =	ssyncadd.s32 $0xFFFFEC00  }
0x140: {  	[spmem:s1] =	stream.indirect.scatter.add.f32 [tilespmem:s23], [sflag:$0x5], $0x40, s2, s8, $0xb8;
	[tilespmem:$0x1C430] =	vst v63  }
0x141: {  	_ =	swait.ge [sflag:s29], $0x1400  }
0x142: {  	[sflag:s29] =	ssyncset.done $0x0  }
0x143: {  	s2 =	sadd.s32 $0x4E70, s7;
	[sflag:s29] =	ssyncadd.s32 $0xFFFFEC00  }
0x144: {  	[spmem:s1] =	stream.indirect.scatter.add.f32 [tilespmem:s24], [sflag:$0x6], $0x40, s2, s8, $0xb8;
	[tilespmem:$0x1C430] =	vst v63  }
0x145: {  	_ =	swait.ge [sflag:s31], $0x1400  }
0x146: {  	[sflag:s31] =	ssyncset.done $0x0  }
0x147: {  	s2 =	sadd.s32 $0x4EC0, s7;
	[sflag:s31] =	ssyncadd.s32 $0xFFFFEC00  }
0x148: {  	[spmem:s1] =	stream.indirect.scatter.add.f32 [tilespmem:s25], [sflag:$0x7], $0x40, s2, s8, $0xb8;
	[tilespmem:$0x1C430] =	vst v63  }
0x149: {  	_ =	swait.ge [sflag:s16], $0x1400  }
0x14a: {  	[sflag:s16] =	ssyncset.done $0x0  }
0x14b: {  	s2 =	sadd.s32 $0x4F10, s7;
	[sflag:s16] =	ssyncadd.s32 $0xFFFFEC00  }
0x14c: {  	[spmem:s1] =	stream.indirect.scatter.add.f32 [tilespmem:s26], [sflag:$0x8], $0x40, s2, s8, $0xb8;
	[tilespmem:$0x1C430] =	vst v63  }
0x14d: {  	_ =	swait.ge [sflag:s22], $0x1400  }
0x14e: {  	[sflag:s22] =	ssyncset.done $0x0  }
0x14f: {  	s2 =	sadd.s32 $0x140, s7;
	[sflag:s22] =	ssyncadd.s32 $0xFFFFEC00  }
0x150: {  	[tilespmem:s23], [sflag:$0x1] =	stream.indirect.gather [hbm4b:s20+s8], $0x40, s2, s8, $0xb8;
	[tilespmem:$0x1C430] =	vst v63  }
0x151: {  	_ =	swait.ge [sflag:s21], $0x1400  }
0x152: {  	[sflag:s21] =	ssyncset.done $0x0  }
0x153: {  	s2 =	sadd.s32 $0x190, s7;
	[sflag:s21] =	ssyncadd.s32 $0xFFFFEC00  }
0x154: {  	[tilespmem:s24], [sflag:$0x2] =	stream.indirect.gather [hbm4b:s20+s8], $0x40, s2, s8, $0xb8;
	[tilespmem:$0x1C430] =	vst v63  }
0x155: {  	_ =	swait.ge [sflag:s0], $0x1400  }
0x156: {  	[sflag:s0] =	ssyncset.done $0x0  }
.Ltmp5:
0x157: {  	s2 =	sadd.s32 $0x1E0, s7;
	[sflag:s0] =	ssyncadd.s32 $0xFFFFEC00;
	(pc) =	sbr.rel @p2 .LBB2_11-.Ltmp5, $4  }
0x158: {  	[tilespmem:s25], [sflag:$0x3] =	stream.indirect.gather [hbm4b:s20+s8], $0x40, s2, s8, $0xb8;
	[tilespmem:$0x1C430] =	vst v63  }
0x159: {  	_ =	swait.ge [sflag:s9], $0x1400  }
0x15a: {  	[sflag:s9] =	ssyncset.done $0x0  }
0x15b: {  	s7 =	sadd.s32 $0x230, s7;
	[sflag:s9] =	ssyncadd.s32 $0xFFFFEC00  }
0x15c: {  	[tilespmem:s26], [sflag:$0x4] =	stream.indirect.gather [hbm4b:s20+s8], $0x40, s7, s8, $0xb8;
	[tilespmem:$0x1C430] =	vst v63  }
0x15d: {  	_ =	swait.ge [sflag:s28], $0x1400  }
0x15e: {  	[sflag:s28] =	ssyncset.done $0x0  }
0x15f: {  	s2 =	simm.s32 $0x9A60;
	[sflag:s28] =	ssyncadd.s32 $0xFFFFEC00  }
0x160: {  	[spmem:s1] =	stream.indirect.scatter.add.f32 [tilespmem:s23], [sflag:$0x5], $0x40, s2, s8, $0xb8;
	[tilespmem:$0x1C430] =	vst v63  }
0x161: {  	_ =	swait.ge [sflag:s29], $0x1400  }
0x162: {  	[sflag:s29] =	ssyncset.done $0x0  }
0x163: {  	s7 =	simm.s32 $0x9AB0;
	[sflag:s29] =	ssyncadd.s32 $0xFFFFEC00  }
0x164: {  	[spmem:s1] =	stream.indirect.scatter.add.f32 [tilespmem:s24], [sflag:$0x6], $0x40, s7, s8, $0xb8;
	[tilespmem:$0x1C430] =	vst v63  }
0x165: {  	_ =	swait.ge [sflag:s31], $0x1400  }
0x166: {  	[sflag:s31] =	ssyncset.done $0x0  }
0x167: {  	s10 =	simm.s32 $0x9B00;
	[sflag:s31] =	ssyncadd.s32 $0xFFFFEC00  }
0x168: {  	[spmem:s1] =	stream.indirect.scatter.add.f32 [tilespmem:s25], [sflag:$0x7], $0x40, s10, s8, $0xb8;
	[tilespmem:$0x1C430] =	vst v63  }
0x169: {  	_ =	swait.ge [sflag:s16], $0x1400  }
0x16a: {  	[sflag:s16] =	ssyncset.done $0x0  }
0x16b: {  	s13 =	simm.s32 $0x9B50;
	[sflag:s16] =	ssyncadd.s32 $0xFFFFEC00  }
0x16c: {  	[spmem:s1] =	stream.indirect.scatter.add.f32 [tilespmem:s26], [sflag:$0x8], $0x40, s13, s8, $0xb8;
	[tilespmem:$0x1C430] =	vst v63  }
0x16d: {  	_ =	swait.ge [sflag:s22], $0x1400  }
0x16e: {  	[sflag:s22] =	ssyncset.done $0x0  }
0x16f: {  	s19 =	simm.s32 $0x4D80;
	[sflag:s22] =	ssyncadd.s32 $0xFFFFEC00  }
0x170: {  	[tilespmem:s23], [sflag:$0x1] =	stream.indirect.gather [hbm4b:s20+s8], $0x40, s19, s8, $0xb8;
	[tilespmem:$0x1C430] =	vst v63  }
0x171: {  	_ =	swait.ge [sflag:s21], $0x1400  }
0x172: {  	[sflag:s21] =	ssyncset.done $0x0  }
0x173: {  	s6 =	simm.s32 $0x4DD0;
	[sflag:s21] =	ssyncadd.s32 $0xFFFFEC00  }
0x174: {  	[tilespmem:s24], [sflag:$0x2] =	stream.indirect.gather [hbm4b:s20+s8], $0x40, s6, s8, $0xb8;
	[tilespmem:$0x1C430] =	vst v63  }
0x175: {  	_ =	swait.ge [sflag:s0], $0x1400  }
0x176: {  	[sflag:s0] =	ssyncset.done $0x0  }
0x177: {  	[sflag:s0] =	ssyncadd.s32 $0xFFFFEC00  }
0x178: {  	_ =	swait.ge [sflag:s9], $0x1400  }
0x179: {  	[sflag:s9] =	ssyncset.done $0x0  }
0x17a: {  	[sflag:s9] =	ssyncadd.s32 $0xFFFFEC00  }
0x17b: {  	_ =	swait.ge [sflag:s28], $0x1400  }
0x17c: {  	[sflag:s28] =	ssyncset.done $0x0  }
0x17d: {  	s7 =	simm.s32 $0x9BA0;
	[sflag:s28] =	ssyncadd.s32 $0xFFFFEC00  }
0x17e: {  	[spmem:s1] =	stream.indirect.scatter.add.f32 [tilespmem:s23], [sflag:$0x5], $0x40, s7, s8, $0xb8;
	[tilespmem:$0x1C430] =	vst v63  }
0x17f: {  	_ =	swait.ge [sflag:s22], $0x1400  }
0x180: {  	[sflag:s22] =	ssyncset.done $0x0  }
0x181: {  	[sflag:s22] =	ssyncadd.s32 $0xFFFFEC00  }
0x182: {  	_ =	swait.ge [sflag:s29], $0x1400  }
0x183: {  	[sflag:s29] =	ssyncset.done $0x0  }
0x184: {  	s10 =	simm.s32 $0x9BF0;
	[sflag:s29] =	ssyncadd.s32 $0xFFFFEC00  }
0x185: {  	[spmem:s1] =	stream.indirect.scatter.add.f32 [tilespmem:s24], [sflag:$0x6], $0x40, s10, s8, $0xb8;
	[tilespmem:$0x1C430] =	vst v63  }
0x186: {  	_ =	swait.ge [sflag:s21], $0x1400  }
0x187: {  	[sflag:s21] =	ssyncset.done $0x0  }
0x188: {  	[sflag:s21] =	ssyncadd.s32 $0xFFFFEC00  }
0x189: {  	[bflag:$0x0] =	sbarrier.arrive $0xFFFF  }
0x18a: {  	s6 =	rddreg [dreg:$0xf]  }
0x18b: {  	s2 =	simm.s32 @p1 $0x1FCF;
	s7 =	rddreg [dreg:$0x12]  }
0x18c: {  	[hbm:s6], [sflag:s2] =	dma.local @p1 [spmem:s7], $0x1400  }
0x18d: {  	s6 =	simm.s32 @p1 $0xF  }
0x18e: {  	_ =	swait.ge @p1 [sflag:s6], $0x1400  }
0x18f: {  	[sflag:s6] =	ssyncset.done @p1 $0x0;
	s7 =	rddreg [dreg:$0x10]  }
0x190: {  	s10 =	rddreg [dreg:$0x13];
	[sflag:s6] =	ssyncadd.s32 @p1 $0xFFFFEC00  }
0x191: {  	[hbm:s7], [sflag:s2] =	dma.local @p1 [spmem:s10], $0x500  }
0x192: {  	s2 =	stileid.u32;
	_ =	swait.ge @p1 [sflag:s6], $0x500  }
0x193: {  	s2 =	sshll.u32 @!p1 s2, $0x6;
	[sflag:s6] =	ssyncset.done @p1 $0x0;
	s7 =	rddreg [dreg:$0x14]  }
0x194: {  	s2 =	sor.u32 @!p1 $0x1C0F, s2;
	[sflag:s6] =	ssyncadd.s32 @p1 $0xFFFFFB00;
	s6 =	rddreg [dreg:$0xa]  }
0x195: {  	[hbm:s6], [sflag:s2] =	dma.local @!p1 [spmem:s7], $0x1380  }
0x196: {  	s6 =	simm.s32 @!p1 $0xF  }
0x197: {  	_ =	swait.ge @!p1 [sflag:s6], $0x1380  }
0x198: {  	[sflag:s6] =	ssyncset.done @!p1 $0x0;
	s7 =	rddreg [dreg:$0xb]  }
0x199: {  	s10 =	rddreg [dreg:$0x15];
	[sflag:s6] =	ssyncadd.s32 @!p1 $0xFFFFEC80  }
0x19a: {  	[hbm:s7], [sflag:s2] =	dma.local @!p1 [spmem:s10], $0x4E0  }
0x19b: {  	_ =	swait.ge @!p1 [sflag:s6], $0x4E0  }
0x19c: {  	s13 =	rddreg [dreg:$0x19]  }
0x19d: {  	s19 =	rddreg [dreg:$0x11];
	s7 =	sadd.s32 $0x1, s13  }
0x19e: {  	p2 =	sne.s32 s7, s19  }
.Ltmp6:
0x19f: {  	_ = 	snop;
	(pc) =	sbr.rel @p2 .LBB2_1-.Ltmp6, $3  }
0x1a0: {  	_ =	sdelay $0x1  }
0x1a1: {  	[sflag:s6] =	ssyncset.done @!p1 $0x0  }
0x1a2: {  	[sflag:s6] =	ssyncadd.s32 @!p1 $0xFFFFFB20  }
0x1a3: {  	_ =	sfence.sel $0x180000  }
0x1a4: {  	[bflag:$0x0] =	sbarrier.arrive $0xFFFF  }
0x1a5: {  	_ =	strace $0x9000004A  }
0x1a6: {  	[bflag:$0x2] =	sbarrier.arrive $0xFFFF  }
0x1a7: {  	s0 =	rddreg [dreg:$0x3]  }
0x1a8: {  	s0 =	sadd.s32 @!p0 $0x100000, s0  }
0x1a9: {  	[sflag:s0] =	ssyncadd.tile.s32 @!p0 $0x1;
	_ =	shalt  }
.Lfunc_end2:
_tile_overlayer_lowered:
.L_overlay_start_2:
0x1aa: {  	(tag) =	ssettag $0x2  }
0x1ab: {  	s0 =	rddreg [dreg:$0x0];
	s2 =	stileid.u32  }
0x1ac: {  	s1 =	rddreg [dreg:$0x1];
	p0 =	sne.s32 s2, $0x0  }
0x1ad: {  	s3 =	rddreg [dreg:$0x2];
	[bflag:$0x3] =	sbarrier.arrive $0xFFFF;
	s2 =	simm.s32 @!p0 $0x1C0F  }
0x1ae: {  	[timem:s3], [sflag:s2] =	dma.local @!p0 [hbm:s0], s1  }
0x1af: {  	s0 =	simm.s32 @!p0 $0xF  }
0x1b0: {  	_ =	swait.ge @!p0 [sflag:s0], s1  }
0x1b1: {  	s1 =	ssub.s32 @!p0 $0x0, s1;
	[sflag:s0] =	ssyncset.done @!p0 $0x0  }
0x1b2: {  	[sflag:s0] =	ssyncadd.s32 @!p0 s1  }
0x1b3: {  	[bflag:$0x3] =	sbarrier.arrive $0xFFFF  }
0x1b4: {  	_ =	shalt  }

// kernel: kernel.14.cloned.1.call-start
scs
__scs_entry_jumppad:
0x0: {  	(pc) =	sbr.rel $0x88, $3  }
0x1: {  	(tag) =	ssettag $0x0;
	lr =	simm.s32 $0x1  }
0x2: {  	[smem:$0x3F95] =	sst lr;
	_ =	strace $0xD0000000  }
0x3: {  	_ = 	snop  }
0x4: {  	_ = 	snop  }
0x5: {  	_ = 	snop  }
0x6: {  	_ = 	snop  }
0x7: {  	_ = 	snop  }
__scs_overlays_trampoline_lowered:
0x8: {  	[smem:$0x3FA4] =	sst s0  }
0x9: {  	[smem:$0x3FA5] =	sst s1  }
0xa: {  	[smem:$0x3FA6] =	sst s2  }
0xb: {  	[smem:$0x3FA7] =	sst s3  }
0xc: {  	[smem:$0x3FA8] =	sst s4  }
0xd: {  	[smem:$0x3FA9] =	sst s5  }
0xe: {  	[smem:$0x3FAA] =	sst s6  }
0xf: {  	[smem:$0x3FAB] =	sst s7  }
0x10: {  	[smem:$0x3FAC] =	sst s8  }
0x11: {  	[smem:$0x3FAD] =	sst s9;
	s0 =	simm.s32 @!p0 $0x0  }
0x12: {  	s1 =	sld [smem:$0x3F93];
	s0 =	simm.s32 @p0 $0x1  }
0x13: {  	[smem:$0x3FAE] =	sst s0;
	s0 =	simm.s32 @!p1 $0x0  }
0x14: {  	s2 =	sld [smem:$0x3F92];
	s0 =	simm.s32 @p1 $0x1  }
0x15: {  	[smem:$0x3FAF] =	sst s0;
	s0 =	simm.s32 @!p2 $0x0  }
0x16: {  	s3 =	sld [smem:$0x3FDB];
	s0 =	simm.s32 @p2 $0x1  }
0x17: {  	s4 =	simm.s32 $0x1BF5;
	[smem:$0x3FB1] =	sst s0  }
0x18: {  	s0 =	sld [smem:$0x3F94];
	_ =	swait.ge [sflag:s4], $0x0  }
0x19: {  	s7 =	sld [smem:$0x3F95]  }
0x1a: {  	s8 =	sadd.s32 $0xFFFFE003, lr  }
0x1b: {  	s9 =	sadd.s32 $0xFFFFFEF7, lr;
	s5 =	simm.s32 $0xFFFFFFFF;
	p2 =	slt.u32 s8, $0xFFFFF086  }
0x1c: {  	p1 =	slt.u32 s9, $0xF7A;
	s5 =	simm.s32 @!p2 $0x0  }
0x1d: {  	s5 =	simm.s32 @p1 $0x1;
	p0 =	seq.s32 s7, s2  }
0x1e: {  	s7 =	smul.u32 @!p0 $0xF7A, s2;
	p2 =	seq.s32 @!p0 s5, $0x0  }
0x1f: {  	s9 =	smul.u32 $0xF7A, s1;
	s8 =	simm.s32 @!p0 $0x1BF5;
	p2 =	por !p2, p0  }
0x20: {  	[sflag:s8] =	ssyncset.s32 @!p0 $0xFFFFF086;
	s6 =	sadd.s32 @!p0 s3, s7;
	s7 =	simm.s32 @!p0 $0x108  }
0x21: {  	s3 =	sadd.s32 s3, s9;
	s6 =	sadd.s32 @!p0 $0x88, s6;
	s7 =	simm.s32 @p2 $0x1082  }
0x22: {  	[simem:s7], [sflag:s8] =	dma.local @!p0 [hbm:s6], $0xF7A  }
0x23: {  	s9 =	sor.u32 $0xD0000000, s2;
	s6 =	simm.s32 $0x108;
	_ =	swait.ge @!p0 [sflag:s8], $0x0  }
0x24: {  	s3 =	sadd.s32 $0x88, s3;
	s6 =	simm.s32 @!p1 $0x1082;
	[sflag:s4] =	ssyncset.s32 $0xFFFFF086  }
0x25: {  	[simem:s6], [sflag:s4] =	dma.local [hbm:s3], $0xF7A  }
0x26: {  	[smem:$0x3F95] =	sst s1;
	(tag) =	ssettag s2;
	_ =	strace s9  }
0x27: {  	s1 =	sld [smem:$0x3FA5]  }
0x28: {  	s2 =	sld [smem:$0x3FA6]  }
0x29: {  	s4 =	sld [smem:$0x3FA8]  }
0x2a: {  	p0 =	seq.s32 s5, $0x0;
	s5 =	sld [smem:$0x3FA9]  }
0x2b: {  	s6 =	sld [smem:$0x3FAA]  }
0x2c: {  	s7 =	sld [smem:$0x3FAB]  }
0x2d: {  	s3 =	simm.s32 $0x108;
	s8 =	sld [smem:$0x3FAC]  }
0x2e: {  	s3 =	simm.s32 @!p0 $0x1082;
	s9 =	sld [smem:$0x3FAD]  }
0x2f: {  	lr =	sadd.s32 s0, s3;
	s0 =	sld [smem:$0x3FA4]  }
0x30: {  	s3 =	sld [smem:$0x3FA7]  }
0x31: {  	[smem:$0x3FB0] =	sst s10  }
0x32: {  	s10 =	sld [smem:$0x3FAE];
	_ =	sdelay $0x3  }
0x33: {  	p0 =	seq.s32 s10, $0x1;
	s10 =	sld [smem:$0x3FB0];
	_ =	sdelay $0x3  }
0x34: {  	[smem:$0x3FB0] =	sst s10  }
0x35: {  	s10 =	sld [smem:$0x3FAF];
	_ =	sdelay $0x3  }
0x36: {  	p1 =	seq.s32 s10, $0x1;
	s10 =	sld [smem:$0x3FB0];
	_ =	sdelay $0x3  }
0x37: {  	[smem:$0x3FB0] =	sst s10  }
0x38: {  	s10 =	sld [smem:$0x3FB1]  }
0x39: {  	_ = 	snop;
	(pc) =	sbr.ind lr, $3  }
0x3a: {  	_ = 	snop  }
0x3b: {  	_ = 	snop  }
0x3c: {  	p2 =	seq.s32 s10, $0x1;
	s10 =	sld [smem:$0x3FB0]  }
0x3d: {  	_ =	shalt  }
0x3e: {  	_ =	shalt  }
0x3f: {  	_ =	shalt  }
0x40: {  	_ =	shalt  }
0x41: {  	_ =	shalt  }
0x42: {  	_ =	shalt  }
0x43: {  	_ =	shalt  }
0x44: {  	_ =	shalt  }
0x45: {  	_ =	shalt  }
0x46: {  	_ =	shalt  }
0x47: {  	_ =	shalt  }
0x48: {  	_ =	shalt  }
0x49: {  	_ =	shalt  }
0x4a: {  	_ =	shalt  }
0x4b: {  	_ =	shalt  }
0x4c: {  	_ =	shalt  }
0x4d: {  	_ =	shalt  }
0x4e: {  	_ =	shalt  }
0x4f: {  	_ =	shalt  }
0x50: {  	_ =	shalt  }
0x51: {  	_ =	shalt  }
0x52: {  	_ =	shalt  }
0x53: {  	_ =	shalt  }
0x54: {  	_ =	shalt  }
0x55: {  	_ =	shalt  }
0x56: {  	_ =	shalt  }
0x57: {  	_ =	shalt  }
0x58: {  	_ =	shalt  }
0x59: {  	_ =	shalt  }
0x5a: {  	_ =	shalt  }
0x5b: {  	_ =	shalt  }
0x5c: {  	_ =	shalt  }
0x5d: {  	_ =	shalt  }
0x5e: {  	_ =	shalt  }
0x5f: {  	_ =	shalt  }
0x60: {  	_ =	shalt  }
0x61: {  	_ =	shalt  }
0x62: {  	_ =	shalt  }
0x63: {  	_ =	shalt  }
0x64: {  	_ =	shalt  }
0x65: {  	_ =	shalt  }
0x66: {  	_ =	shalt  }
0x67: {  	_ =	shalt  }
0x68: {  	_ =	shalt  }
0x69: {  	_ =	shalt  }
0x6a: {  	_ =	shalt  }
0x6b: {  	_ =	shalt  }
0x6c: {  	_ =	shalt  }
0x6d: {  	_ =	shalt  }
0x6e: {  	_ =	shalt  }
0x6f: {  	_ =	shalt  }
0x70: {  	_ =	shalt  }
0x71: {  	_ =	shalt  }
0x72: {  	_ =	shalt  }
0x73: {  	_ =	shalt  }
0x74: {  	_ =	shalt  }
0x75: {  	_ =	shalt  }
0x76: {  	_ =	shalt  }
0x77: {  	_ =	shalt  }
0x78: {  	_ =	shalt  }
0x79: {  	_ =	shalt  }
0x7a: {  	_ =	shalt  }
0x7b: {  	_ =	shalt  }
0x7c: {  	_ =	shalt  }
0x7d: {  	_ =	shalt  }
0x7e: {  	_ =	shalt  }
0x7f: {  	_ =	shalt  }
0x80: {  	_ =	shalt  }
0x81: {  	_ =	shalt  }
0x82: {  	_ =	shalt  }
0x83: {  	_ =	shalt  }
0x84: {  	_ =	shalt  }
0x85: {  	_ =	shalt  }
0x86: {  	_ =	shalt  }
0x87: {  	_ =	shalt  }
.Lfunc_end0:
.L_simem_size_0:
called_computation.2_lowered:
.L_overlay_start_0:
0x88: {  	s2 =	sld [smem:$0x3FD9]  }
0x89: {  	s3 =	sld [smem:$0x3FFE];
	_ =	sdelay $0x1  }
0x8a: {  	s1 =	srdreg.scid  }
0x8b: {  	s0 =	sand.u32 $0x1, s1  }
0x8c: {  	s16 =	sshll.u32 s0, $0xA;
	s2 =	sadd.s32 s3, s2  }
0x8d: {  	s2 =	sadd.s32 s2, s16  }
0x8e: {  	[smem:$0x3FBC] =	sst s2  }
0x8f: {  	_ = 	snop  }
0x90: {  	(tm) =	ssettm $0x1  }
0x91: {  	s17 =	sld [smem:$0x3FFB];
	_ =	sdelay $0x3  }
0x92: {  	_ =	strace s17  }
0x93: {  	s2 =	sld [smem:$0x3FFC];
	_ =	sdelay $0x3  }
0x94: {  	_ =	strace s2  }
0x95: {  	s2 =	sld [smem:$0x3FFD];
	_ =	sdelay $0x3  }
0x96: {  	_ =	strace s2  }
0x97: {  	_ =	strace $0x8FFFFFFF  }
0x98: {  	s18 =	sld [smem:$0x3FDB];
	_ =	sdelay $0x1  }
0x99: {  	s19 =	simm.s32 $_scs_section_size  }
0x9a: {  	s4 =	simm.s32 $_size__tile_overlayer_lowered;
	s5 =	simm.s32 $_tile_overlayer_lowered  }
0x9b: {  	s22 =	simm.s32 $0x1BFF;
	s21 =	sshll.u32 s5, $0x1;
	s2 =	sadd.s32 s19, s18  }
0x9c: {  	s6 =	simm.s32 $0x0;
	s20 =	sshll.u32 s4, $0x1;
	s4 =	sadd.s32 s21, s2  }
0x9d: {  	[timem:s6], [sflag:s22] =	dma.local [hbm:s4], s20  }
0x9e: {  	_ =	swait.ge [sflag:s22], s20  }
0x9f: {  	s3 =	ssub.s32 $0x0, s20;
	[sflag:s22] =	ssyncset.done $0x0  }
0xa0: {  	[sflag:s22] =	ssyncadd.s32 s3;
	_ =	sdelay $0x1  }
0xa1: {  	s23 =	simm.s32 $0x1B8B  }
0xa2: {  	_ =	swait.ge [sflag:s23], $0x1  }
0xa3: {  	[sflag:s23] =	ssyncset.done $0x0  }
0xa4: {  	s25 =	simm.s32 $0x1B8E;
	s24 =	sld [smem:$0x3FFE];
	[sflag:s23] =	ssyncadd.s32 $0xFFFFFFFF  }
0xa5: {  	s26 =	simm.s32 $execute0_lowered;
	[smem:$0x3FD2] =	sst s25  }
0xa6: {  	s4 =	sshll.u32 s26, $0x1;
	_ =	strace $0x8000004C;
	[dreg:$0x1] =	wrdreg $0xFFFFFFFF  }
0xa7: {  	s28 =	simm.s32 $_size_execute0_lowered;
	s2 =	sadd.s32 s2, s4;
	[dreg:$0x0] =	wrdreg $0x0  }
0xa8: {  	s4 =	sshll.u32 s28, $0x1;
	[dreg:$0x2] =	wrdreg s2  }
0xa9: {  	[dreg:$0x3] =	wrdreg s4  }
0xaa: {  	[dreg:$0x4] =	wrdreg $0xC0  }
0xab: {  	_ =	task [dreg:s6], $0x5FFFF  }
0xac: {  	[dreg:$0x1] =	wrdreg $0xFFFFFFFF  }
0xad: {  	[dreg:$0x0] =	wrdreg $0x60  }
0xae: {  	[dreg:$0x2] =	wrdreg s24  }
0xaf: {  	[dreg:$0x3] =	wrdreg $0xEC400  }
0xb0: {  	[dreg:$0x4] =	wrdreg $0x9  }
0xb1: {  	_ =	task.clear_ibuf [dreg:s6], $0x5FFFF;
	_ =	strace $0x9000004C  }
0xb2: {  	s29 =	simm.s32 $0x9;
	_ =	strace $0x8000004E  }
0xb3: {  	_ =	swait.ge [sflag:s29], $0x1  }
0xb4: {  	[sflag:s29] =	ssyncadd.s32 $0xFFFFFFFF  }
0xb5: {  	_ =	strace $0x9000004E  }
0xb6: {  	_ =	sfence  }
0xb7: {  	s30 =	sld [smem:$0x0];
	_ =	sdelay $0x2  }
0xb8: {  	s31 =	sshll.u32 s1, $0xD;
	s1 =	sshrl.u32 s1, $0x2  }
0xb9: {  	s3 =	sand.u32 $0x4000, s31;
	s1 =	sadd.s32 s1, s30  }
0xba: {  	s0 =	sor.u32 s3, s0;
	s1 =	sshll.u32 s1, $0x11  }
0xbb: {  	s0 =	sor.u32 s1, s0  }
0xbc: {  	s0 =	sadd.s32 $0x8F2B, s0  }
0xbd: {  	[sflag:s0] =	ssyncadd.remote.s32 $0x1  }
0xbe: {  	_ =	sfence.sel $0xFFFF  }
0xbf: {  	[dreg:$0x0] =	wrdreg $0xFFFFFFFF;
	(pc) =	sbr.abs _section_cstart, $3  }
0xc0: {  	[dreg:$0x1] =	wrdreg $0xFFFFFFFF  }
0xc1: {  	_ =	task.clear_ibuf [dreg:s6], $0x2FFFF;
	_ =	strace $0x9FFFFFFF  }
0xc2: {  	(tm) =	ssettm $0x7FFFFFFF  }
0xc3: {  	_ =	shalt  }
tec
execute0_lowered:
.L_overlay_start_1:
0x0: {  	(tag) =	ssettag $0x1  }
0x1: {  	s0 =	rddreg [dreg:$0x0]  }
0x2: {  	s1 =	rddreg [dreg:$0x1];
	s3 =	srdreg.scid  }
0x3: {  	s2 =	simm.s32 $0x0;
	s4 =	stileid.u32;
	s18 =	simm.s32 $0x50  }
0x4: {  	s19 =	simm.s32 $0x9C40;
	s20 =	simm.s32 $0xB040;
	s22 =	simm.s32 $0xC440  }
0x5: {  	s28 =	simm.s32 $0x1;
	s29 =	simm.s32 $0x2;
	s30 =	simm.s32 $0x3  }
0x6: {  	s31 =	simm.s32 $0x4;
	s15 =	simm.s32 $0x7;
	s16 =	simm.s32 $0x8  }
0x7: {  	s3 =	sand.u32 $0x1, s3;
	[smem:$0x7FF] =	sst s2;
	s23 =	smul.u32 $0x2710, s4  }
0x8: {  	s6 =	sadd.s32 $0xD400, s0;
	s9 =	sadd.s32 $0x3600, s0;
	s7 =	smul.u32 $0x4E2, s4  }
0x9: {  	s5 =	sadd.s32 $0xC4000, s0;
	s14 =	smul.u32 $0x9C00, s4;
	p0 =	sne.s32 s4, $0x0  }
0xa: {  	p1 =	seq.s32 s4, $0xF;
	s8 =	smul.u32 $0x9C400, s3;
	_ =	strace $0x8000004D  }
0xb: {  	[dreg:$0x3] =	wrdreg s5;
	s3 =	ssub.s32 $0x2, s3;
	s17 =	sshrl.u32 @!p0 s1, $0x3  }
0xc: {  	s12 =	sshrl.u32 s3, $0x1;
	s13 =	sshrl.u32 s23, $0x3;
	s5 =	sadd.s32 s6, s7  }
0xd: {  	s7 =	sadd.s32 s9, s7;
	s11 =	sshrl.u32 s8, $0x3;
	s3 =	ssub.s32 s3, s12  }
0xe: {  	s24 =	sadd.s32 $0x4E20, s13;
	s25 =	sadd.s32 s14, s8;
	s14 =	sadd.s32 s14, s1  }
0xf: {  	s13 =	simm.s32 $0x9;
	s10 =	sadd.s32 s11, s0;
	s0 =	sadd.s32 $0xD7A00, s0  }
0x10: {  	s6 =	sadd.s32 s6, s24;
	s8 =	sadd.s32 s9, s24;
	s26 =	sshrl.u32 s25, $0x3  }
0x11: {  	s12 =	smax.u32 s3, $0x1;
	s25 =	sshrl.u32 @!p1 s14, $0x3;
	s14 =	simm.s32 $0x6  }
0x12: {  	s9 =	sadd.s32 $0x9CE00, s10;
	s10 =	sadd.s32 s0, s26;
	s0 =	sadd.s32 s0, s11  }
0x13: {  	s3 =	simm.s32 $0x0;
	s11 =	sadd.s32 $0x12480, s0;
	s0 =	sadd.s32 $0x92400, s1  }
0x14: {  	s26 =	simm.s32 $0xD840;
	s24 =	sshrl.u32 @p1 s0, $0x3;
	s0 =	simm.s32 $0x5  }
.LBB2_1:
0x15: {  	[tilespmem:s2], [sflag:$0x9] =	stream.linear.gather [hbm4b:s5+s2], $0x2710, $0x38;
	[tilespmem:$0x18880] =	vst v63  }
0x16: {  	_ =	swait.ge [sflag:s13], $0x2710  }
0x17: {  	[sflag:s13] =	ssyncset.done $0x0  }
0x18: {  	s4 =	simm.s32 $0x2710;
	[sflag:s13] =	ssyncadd.s32 $0xFFFFD8F0  }
0x19: {  	[tilespmem:s4], [sflag:$0x9] =	stream.linear.gather [hbm4b:s6+s2], $0x2710, $0x38;
	[tilespmem:$0x18880] =	vst v63  }
0x1a: {  	_ =	swait.ge [sflag:s13], $0x2710  }
0x1b: {  	[sflag:s13] =	ssyncset.done $0x0  }
0x1c: {  	s23 =	simm.s32 $0x4E20;
	[sflag:s13] =	ssyncadd.s32 $0xFFFFD8F0  }
0x1d: {  	[tilespmem:s23], [sflag:$0x9] =	stream.linear.gather [hbm4b:s7+s2], $0x2710, $0x38;
	[tilespmem:$0x18880] =	vst v63  }
0x1e: {  	_ =	swait.ge [sflag:s13], $0x2710  }
0x1f: {  	[sflag:s13] =	ssyncset.done $0x0  }
0x20: {  	s21 =	simm.s32 $0x7530;
	[sflag:s13] =	ssyncadd.s32 $0xFFFFD8F0  }
0x21: {  	[tilespmem:s21], [sflag:$0x9] =	stream.linear.gather [hbm4b:s8+s2], $0x2710, $0x38;
	[tilespmem:$0x18880] =	vst v63  }
0x22: {  	_ =	swait.ge [sflag:s13], $0x2710  }
0x23: {  	[sflag:s13] =	ssyncset.done $0x0  }
0x24: {  	s21 =	simm.s32 @!p0 $0x1C09;
	s4 =	rddreg [dreg:$0x3];
	[sflag:s13] =	ssyncadd.s32 $0xFFFFD8F0  }
0x25: {  	[spmem:s17], [sflag:s21] =	dma.local @!p0 [hbm:s4], $0x13880  }
0x26: {  	s21 =	simm.s32 @!p0 $0x9  }
0x27: {  	_ =	swait.ge @!p0 [sflag:s21], $0x13880  }
0x28: {  	[sflag:s21] =	ssyncset.done @!p0 $0x0  }
0x29: {  	[sflag:s21] =	ssyncadd.s32 @!p0 $0xFFFEC780  }
0x2a: {  	[bflag:$0x0] =	sbarrier.arrive $0xFFFF  }
0x2b: {  	[tilespmem:s19], [sflag:$0x1] =	stream.indirect.gather [hbm4b:s9+s18], $0x40, s2, s18, $0xb8;
	[tilespmem:$0x18880] =	vst v63  }
0x2c: {  	_ = 	snop  }
0x2d: {  	[tilespmem:s20], [sflag:$0x2] =	stream.indirect.gather [hbm4b:s9+s18], $0x40, s18, s18, $0xb8;
	[tilespmem:$0x18880] =	vst v63  }
0x2e: {  	s23 =	simm.s32 $0xA0  }
0x2f: {  	[tilespmem:s22], [sflag:$0x3] =	stream.indirect.gather [hbm4b:s9+s18], $0x40, s23, s18, $0xb8;
	[tilespmem:$0x18880] =	vst v63  }
0x30: {  	s21 =	simm.s32 $0xF0  }
0x31: {  	[tilespmem:s26], [sflag:$0x4] =	stream.indirect.gather [hbm4b:s9+s18], $0x40, s21, s18, $0xb8;
	[tilespmem:$0x18880] =	vst v63  }
0x32: {  	_ =	swait.ge [sflag:s28], $0x1400  }
0x33: {  	[sflag:s28] =	ssyncset.done $0x0  }
0x34: {  	s23 =	simm.s32 $0x4E20;
	[sflag:s28] =	ssyncadd.s32 $0xFFFFEC00  }
0x35: {  	[spmem:s1] =	stream.indirect.scatter.add.f32 [tilespmem:s19], [sflag:$0x5], $0x40, s23, s18, $0xb8;
	[tilespmem:$0x18880] =	vst v63  }
0x36: {  	_ =	swait.ge [sflag:s29], $0x1400  }
0x37: {  	[sflag:s29] =	ssyncset.done $0x0  }
0x38: {  	s4 =	simm.s32 $0x4E70;
	[sflag:s29] =	ssyncadd.s32 $0xFFFFEC00  }
0x39: {  	[spmem:s1] =	stream.indirect.scatter.add.f32 [tilespmem:s20], [sflag:$0x6], $0x40, s4, s18, $0xb8;
	[tilespmem:$0x18880] =	vst v63  }
0x3a: {  	_ =	swait.ge [sflag:s30], $0x1400  }
0x3b: {  	[sflag:s30] =	ssyncset.done $0x0  }
0x3c: {  	s23 =	simm.s32 $0x4EC0;
	[sflag:s30] =	ssyncadd.s32 $0xFFFFEC00  }
0x3d: {  	[spmem:s1] =	stream.indirect.scatter.add.f32 [tilespmem:s22], [sflag:$0x7], $0x40, s23, s18, $0xb8;
	[tilespmem:$0x18880] =	vst v63  }
0x3e: {  	_ =	swait.ge [sflag:s31], $0x1400  }
0x3f: {  	[sflag:s31] =	ssyncset.done $0x0  }
0x40: {  	s4 =	simm.s32 $0x4F10;
	[sflag:s31] =	ssyncadd.s32 $0xFFFFEC00  }
0x41: {  	[spmem:s1] =	stream.indirect.scatter.add.f32 [tilespmem:s26], [sflag:$0x8], $0x40, s4, s18, $0xb8;
	[tilespmem:$0x18880] =	vst v63  }
0x42: {  	_ =	swait.ge [sflag:s0], $0x1400  }
0x43: {  	[sflag:s0] =	ssyncset.done $0x0  }
0x44: {  	s23 =	simm.s32 $0x140;
	[sflag:s0] =	ssyncadd.s32 $0xFFFFEC00  }
0x45: {  	[tilespmem:s19], [sflag:$0x1] =	stream.indirect.gather [hbm4b:s9+s18], $0x40, s23, s18, $0xb8;
	[tilespmem:$0x18880] =	vst v63  }
0x46: {  	_ =	swait.ge [sflag:s14], $0x1400  }
0x47: {  	[sflag:s14] =	ssyncset.done $0x0  }
0x48: {  	s4 =	simm.s32 $0x190;
	[sflag:s14] =	ssyncadd.s32 $0xFFFFEC00  }
0x49: {  	[tilespmem:s20], [sflag:$0x2] =	stream.indirect.gather [hbm4b:s9+s18], $0x40, s4, s18, $0xb8;
	[tilespmem:$0x18880] =	vst v63  }
0x4a: {  	_ =	swait.ge [sflag:s15], $0x1400  }
0x4b: {  	[sflag:s15] =	ssyncset.done $0x0  }
0x4c: {  	s23 =	simm.s32 $0x1E0;
	[sflag:s15] =	ssyncadd.s32 $0xFFFFEC00  }
0x4d: {  	[tilespmem:s22], [sflag:$0x3] =	stream.indirect.gather [hbm4b:s9+s18], $0x40, s23, s18, $0xb8;
	[tilespmem:$0x18880] =	vst v63  }
0x4e: {  	_ =	swait.ge [sflag:s16], $0x1400  }
0x4f: {  	[sflag:s16] =	ssyncset.done $0x0  }
0x50: {  	s21 =	simm.s32 $0x500;
	s23 =	simm.s32 $0x230;
	[sflag:s16] =	ssyncadd.s32 $0xFFFFEC00  }
.LBB2_2:
0x51: {  	[tilespmem:s26], [sflag:$0x4] =	stream.indirect.gather [hbm4b:s9+s18], $0x40, s23, s18, $0xb8;
	[tilespmem:$0x18880] =	vst v63  }
0x52: {  	s23 =	smov.u32 s21  }
0x53: {  	p2 =	sne.s32 s21, $0x12C00;
	s21 =	sadd.s32 $0x500, s21;
	_ =	swait.ge [sflag:s28], $0x1400  }
0x54: {  	s23 =	sshra.s32 s23, $0x2;
	[sflag:s28] =	ssyncset.done $0x0  }
0x55: {  	s4 =	sadd.s32 $0x4E20, s23;
	[sflag:s28] =	ssyncadd.s32 $0xFFFFEC00  }
0x56: {  	[spmem:s1] =	stream.indirect.scatter.add.f32 [tilespmem:s19], [sflag:$0x5], $0x40, s4, s18, $0xb8;
	[tilespmem:$0x18880] =	vst v63  }
0x57: {  	_ =	swait.ge [sflag:s29], $0x1400  }
0x58: {  	[sflag:s29] =	ssyncset.done $0x0  }
0x59: {  	s4 =	sadd.s32 $0x4E70, s23;
	[sflag:s29] =	ssyncadd.s32 $0xFFFFEC00  }
0x5a: {  	[spmem:s1] =	stream.indirect.scatter.add.f32 [tilespmem:s20], [sflag:$0x6], $0x40, s4, s18, $0xb8;
	[tilespmem:$0x18880] =	vst v63  }
0x5b: {  	_ =	swait.ge [sflag:s30], $0x1400  }
0x5c: {  	[sflag:s30] =	ssyncset.done $0x0  }
0x5d: {  	s4 =	sadd.s32 $0x4EC0, s23;
	[sflag:s30] =	ssyncadd.s32 $0xFFFFEC00  }
0x5e: {  	[spmem:s1] =	stream.indirect.scatter.add.f32 [tilespmem:s22], [sflag:$0x7], $0x40, s4, s18, $0xb8;
	[tilespmem:$0x18880] =	vst v63  }
0x5f: {  	_ =	swait.ge [sflag:s31], $0x1400  }
0x60: {  	[sflag:s31] =	ssyncset.done $0x0  }
0x61: {  	s4 =	sadd.s32 $0x4F10, s23;
	[sflag:s31] =	ssyncadd.s32 $0xFFFFEC00  }
0x62: {  	[spmem:s1] =	stream.indirect.scatter.add.f32 [tilespmem:s26], [sflag:$0x8], $0x40, s4, s18, $0xb8;
	[tilespmem:$0x18880] =	vst v63  }
0x63: {  	_ =	swait.ge [sflag:s0], $0x1400  }
0x64: {  	[sflag:s0] =	ssyncset.done $0x0  }
0x65: {  	s4 =	sadd.s32 $0x140, s23;
	[sflag:s0] =	ssyncadd.s32 $0xFFFFEC00  }
0x66: {  	[tilespmem:s19], [sflag:$0x1] =	stream.indirect.gather [hbm4b:s9+s18], $0x40, s4, s18, $0xb8;
	[tilespmem:$0x18880] =	vst v63  }
0x67: {  	_ =	swait.ge [sflag:s14], $0x1400  }
0x68: {  	[sflag:s14] =	ssyncset.done $0x0  }
0x69: {  	s4 =	sadd.s32 $0x190, s23;
	[sflag:s14] =	ssyncadd.s32 $0xFFFFEC00  }
0x6a: {  	[tilespmem:s20], [sflag:$0x2] =	stream.indirect.gather [hbm4b:s9+s18], $0x40, s4, s18, $0xb8;
	[tilespmem:$0x18880] =	vst v63  }
0x6b: {  	_ =	swait.ge [sflag:s15], $0x1400  }
0x6c: {  	[sflag:s15] =	ssyncset.done $0x0  }
.Ltmp0:
0x6d: {  	s4 =	sadd.s32 $0x1E0, s23;
	[sflag:s15] =	ssyncadd.s32 $0xFFFFEC00;
	(pc) =	sbr.rel @p2 .LBB2_2-.Ltmp0, $4  }
0x6e: {  	[tilespmem:s22], [sflag:$0x3] =	stream.indirect.gather [hbm4b:s9+s18], $0x40, s4, s18, $0xb8;
	[tilespmem:$0x18880] =	vst v63  }
0x6f: {  	_ =	swait.ge [sflag:s16], $0x1400  }
0x70: {  	[sflag:s16] =	ssyncset.done $0x0  }
0x71: {  	s23 =	sadd.s32 $0x230, s23;
	[sflag:s16] =	ssyncadd.s32 $0xFFFFEC00  }
0x72: {  	[tilespmem:s26], [sflag:$0x4] =	stream.indirect.gather [hbm4b:s9+s18], $0x40, s23, s18, $0xb8;
	[tilespmem:$0x18880] =	vst v63  }
0x73: {  	_ =	swait.ge [sflag:s28], $0x1400  }
0x74: {  	[sflag:s28] =	ssyncset.done $0x0  }
0x75: {  	s4 =	simm.s32 $0x9A60;
	[sflag:s28] =	ssyncadd.s32 $0xFFFFEC00  }
0x76: {  	[spmem:s1] =	stream.indirect.scatter.add.f32 [tilespmem:s19], [sflag:$0x5], $0x40, s4, s18, $0xb8;
	[tilespmem:$0x18880] =	vst v63  }
0x77: {  	_ =	swait.ge [sflag:s29], $0x1400  }
0x78: {  	[sflag:s29] =	ssyncset.done $0x0  }
0x79: {  	s23 =	simm.s32 $0x9AB0;
	[sflag:s29] =	ssyncadd.s32 $0xFFFFEC00  }
0x7a: {  	[spmem:s1] =	stream.indirect.scatter.add.f32 [tilespmem:s20], [sflag:$0x6], $0x40, s23, s18, $0xb8;
	[tilespmem:$0x18880] =	vst v63  }
0x7b: {  	_ =	swait.ge [sflag:s30], $0x1400  }
0x7c: {  	[sflag:s30] =	ssyncset.done $0x0  }
0x7d: {  	s21 =	simm.s32 $0x9B00;
	[sflag:s30] =	ssyncadd.s32 $0xFFFFEC00  }
0x7e: {  	[spmem:s1] =	stream.indirect.scatter.add.f32 [tilespmem:s22], [sflag:$0x7], $0x40, s21, s18, $0xb8;
	[tilespmem:$0x18880] =	vst v63  }
0x7f: {  	_ =	swait.ge [sflag:s31], $0x1400  }
0x80: {  	[sflag:s31] =	ssyncset.done $0x0  }
0x81: {  	s23 =	simm.s32 $0x9B50;
	[sflag:s31] =	ssyncadd.s32 $0xFFFFEC00  }
0x82: {  	[spmem:s1] =	stream.indirect.scatter.add.f32 [tilespmem:s26], [sflag:$0x8], $0x40, s23, s18, $0xb8;
	[tilespmem:$0x18880] =	vst v63  }
0x83: {  	_ =	swait.ge [sflag:s0], $0x1400  }
0x84: {  	[sflag:s0] =	ssyncset.done $0x0  }
0x85: {  	s21 =	simm.s32 $0x4D80;
	[sflag:s0] =	ssyncadd.s32 $0xFFFFEC00  }
0x86: {  	[tilespmem:s19], [sflag:$0x1] =	stream.indirect.gather [hbm4b:s9+s18], $0x40, s21, s18, $0xb8;
	[tilespmem:$0x18880] =	vst v63  }
0x87: {  	_ =	swait.ge [sflag:s14], $0x1400  }
0x88: {  	[sflag:s14] =	ssyncset.done $0x0  }
0x89: {  	s23 =	simm.s32 $0x4DD0;
	[sflag:s14] =	ssyncadd.s32 $0xFFFFEC00  }
0x8a: {  	[tilespmem:s20], [sflag:$0x2] =	stream.indirect.gather [hbm4b:s9+s18], $0x40, s23, s18, $0xb8;
	[tilespmem:$0x18880] =	vst v63  }
0x8b: {  	_ =	swait.ge [sflag:s15], $0x1400  }
0x8c: {  	[sflag:s15] =	ssyncset.done $0x0  }
0x8d: {  	[sflag:s15] =	ssyncadd.s32 $0xFFFFEC00  }
0x8e: {  	_ =	swait.ge [sflag:s16], $0x1400  }
0x8f: {  	[sflag:s16] =	ssyncset.done $0x0  }
0x90: {  	[sflag:s16] =	ssyncadd.s32 $0xFFFFEC00  }
0x91: {  	_ =	swait.ge [sflag:s28], $0x1400  }
0x92: {  	[sflag:s28] =	ssyncset.done $0x0  }
0x93: {  	s21 =	simm.s32 $0x9BA0;
	[sflag:s28] =	ssyncadd.s32 $0xFFFFEC00  }
0x94: {  	[spmem:s1] =	stream.indirect.scatter.add.f32 [tilespmem:s19], [sflag:$0x5], $0x40, s21, s18, $0xb8;
	[tilespmem:$0x18880] =	vst v63  }
0x95: {  	_ =	swait.ge [sflag:s0], $0x1400  }
0x96: {  	[sflag:s0] =	ssyncset.done $0x0  }
0x97: {  	[sflag:s0] =	ssyncadd.s32 $0xFFFFEC00  }
0x98: {  	_ =	swait.ge [sflag:s29], $0x1400  }
0x99: {  	[sflag:s29] =	ssyncset.done $0x0  }
0x9a: {  	s23 =	simm.s32 $0x9BF0;
	[sflag:s29] =	ssyncadd.s32 $0xFFFFEC00  }
0x9b: {  	[spmem:s1] =	stream.indirect.scatter.add.f32 [tilespmem:s20], [sflag:$0x6], $0x40, s23, s18, $0xb8;
	[tilespmem:$0x18880] =	vst v63  }
0x9c: {  	_ =	swait.ge [sflag:s14], $0x1400  }
0x9d: {  	[sflag:s14] =	ssyncset.done $0x0  }
0x9e: {  	[sflag:s14] =	ssyncadd.s32 $0xFFFFEC00  }
0x9f: {  	s4 =	simm.s32 @p1 $0x1FC9;
	[bflag:$0x0] =	sbarrier.arrive $0xFFFF  }
0xa0: {  	[hbm:s11], [sflag:s4] =	dma.local @p1 [spmem:s24], $0x1400  }
0xa1: {  	s4 =	simm.s32 @p1 $0x9  }
0xa2: {  	s21 =	stileid.u32;
	_ =	swait.ge @p1 [sflag:s4], $0x1400  }
0xa3: {  	s3 =	sadd.s32 $0x1, s3;
	s21 =	sshll.u32 @!p1 s21, $0x6;
	[sflag:s4] =	ssyncset.done @p1 $0x0  }
0xa4: {  	p2 =	sne.s32 s3, s12;
	[sflag:s4] =	ssyncadd.s32 @p1 $0xFFFFEC00;
	s4 =	sor.u32 @!p1 $0x1C09, s21  }
0xa5: {  	[hbm:s10], [sflag:s4] =	dma.local @!p1 [spmem:s25], $0x1380  }
.Ltmp1:
0xa6: {  	_ = 	snop;
	(pc) =	sbr.rel @p2 .LBB2_1-.Ltmp1, $4  }
0xa7: {  	s4 =	simm.s32 @!p1 $0x9  }
0xa8: {  	_ =	swait.ge @!p1 [sflag:s4], $0x1380  }
0xa9: {  	[sflag:s4] =	ssyncset.done @!p1 $0x0  }
0xaa: {  	[sflag:s4] =	ssyncadd.s32 @!p1 $0xFFFFEC80  }
0xab: {  	_ =	sfence.sel $0x180000  }
0xac: {  	[bflag:$0x0] =	sbarrier.arrive $0xFFFF  }
0xad: {  	_ =	strace $0x9000004D  }
0xae: {  	[bflag:$0x2] =	sbarrier.arrive $0xFFFF  }
0xaf: {  	s0 =	rddreg [dreg:$0x2]  }
0xb0: {  	s0 =	sadd.s32 @!p0 $0x100000, s0  }
0xb1: {  	[sflag:s0] =	ssyncadd.tile.s32 @!p0 $0x1;
	_ =	shalt  }
.Lfunc_end2:
_tile_overlayer_lowered:
.L_overlay_start_2:
0xb2: {  	(tag) =	ssettag $0x2  }
0xb3: {  	s0 =	rddreg [dreg:$0x0];
	s2 =	stileid.u32  }
0xb4: {  	s1 =	rddreg [dreg:$0x1];
	p0 =	sne.s32 s2, $0x0  }
0xb5: {  	s3 =	rddreg [dreg:$0x2];
	[bflag:$0x3] =	sbarrier.arrive $0xFFFF;
	s2 =	simm.s32 @!p0 $0x1C09  }
0xb6: {  	[timem:s3], [sflag:s2] =	dma.local @!p0 [hbm:s0], s1  }
0xb7: {  	s0 =	simm.s32 @!p0 $0x9  }
0xb8: {  	_ =	swait.ge @!p0 [sflag:s0], s1  }
0xb9: {  	s1 =	ssub.s32 @!p0 $0x0, s1;
	[sflag:s0] =	ssyncset.done @!p0 $0x0  }
0xba: {  	[sflag:s0] =	ssyncadd.s32 @!p0 s1  }
0xbb: {  	[bflag:$0x3] =	sbarrier.arrive $0xFFFF  }
0xbc: {  	_ =	shalt  }

// kernel: kernel.8.cloned.1.call-start
scs
__scs_entry_jumppad:
0x0: {  	(pc) =	sbr.rel $0x88, $3  }
0x1: {  	(tag) =	ssettag $0x0;
	lr =	simm.s32 $0x1  }
0x2: {  	[smem:$0x3F95] =	sst lr;
	_ =	strace $0xD0000000  }
0x3: {  	_ = 	snop  }
0x4: {  	_ = 	snop  }
0x5: {  	_ = 	snop  }
0x6: {  	_ = 	snop  }
0x7: {  	_ = 	snop  }
__scs_overlays_trampoline_lowered:
0x8: {  	[smem:$0x3FA4] =	sst s0  }
0x9: {  	[smem:$0x3FA5] =	sst s1  }
0xa: {  	[smem:$0x3FA6] =	sst s2  }
0xb: {  	[smem:$0x3FA7] =	sst s3  }
0xc: {  	[smem:$0x3FA8] =	sst s4  }
0xd: {  	[smem:$0x3FA9] =	sst s5  }
0xe: {  	[smem:$0x3FAA] =	sst s6  }
0xf: {  	[smem:$0x3FAB] =	sst s7  }
0x10: {  	[smem:$0x3FAC] =	sst s8  }
0x11: {  	[smem:$0x3FAD] =	sst s9;
	s0 =	simm.s32 @!p0 $0x0  }
0x12: {  	s1 =	sld [smem:$0x3F93];
	s0 =	simm.s32 @p0 $0x1  }
0x13: {  	[smem:$0x3FAE] =	sst s0;
	s0 =	simm.s32 @!p1 $0x0  }
0x14: {  	s2 =	sld [smem:$0x3F92];
	s0 =	simm.s32 @p1 $0x1  }
0x15: {  	[smem:$0x3FAF] =	sst s0;
	s0 =	simm.s32 @!p2 $0x0  }
0x16: {  	s3 =	sld [smem:$0x3FDB];
	s0 =	simm.s32 @p2 $0x1  }
0x17: {  	s4 =	simm.s32 $0x1BF5;
	[smem:$0x3FB1] =	sst s0  }
0x18: {  	s0 =	sld [smem:$0x3F94];
	_ =	swait.ge [sflag:s4], $0x0  }
0x19: {  	s7 =	sld [smem:$0x3F95]  }
0x1a: {  	s8 =	sadd.s32 $0xFFFFE003, lr  }
0x1b: {  	s9 =	sadd.s32 $0xFFFFFEF7, lr;
	s5 =	simm.s32 $0xFFFFFFFF;
	p2 =	slt.u32 s8, $0xFFFFF086  }
0x1c: {  	p1 =	slt.u32 s9, $0xF7A;
	s5 =	simm.s32 @!p2 $0x0  }
0x1d: {  	s5 =	simm.s32 @p1 $0x1;
	p0 =	seq.s32 s7, s2  }
0x1e: {  	s7 =	smul.u32 @!p0 $0xF7A, s2;
	p2 =	seq.s32 @!p0 s5, $0x0  }
0x1f: {  	s9 =	smul.u32 $0xF7A, s1;
	s8 =	simm.s32 @!p0 $0x1BF5;
	p2 =	por !p2, p0  }
0x20: {  	[sflag:s8] =	ssyncset.s32 @!p0 $0xFFFFF086;
	s6 =	sadd.s32 @!p0 s3, s7;
	s7 =	simm.s32 @!p0 $0x108  }
0x21: {  	s3 =	sadd.s32 s3, s9;
	s6 =	sadd.s32 @!p0 $0x88, s6;
	s7 =	simm.s32 @p2 $0x1082  }
0x22: {  	[simem:s7], [sflag:s8] =	dma.local @!p0 [hbm:s6], $0xF7A  }
0x23: {  	s9 =	sor.u32 $0xD0000000, s2;
	s6 =	simm.s32 $0x108;
	_ =	swait.ge @!p0 [sflag:s8], $0x0  }
0x24: {  	s3 =	sadd.s32 $0x88, s3;
	s6 =	simm.s32 @!p1 $0x1082;
	[sflag:s4] =	ssyncset.s32 $0xFFFFF086  }
0x25: {  	[simem:s6], [sflag:s4] =	dma.local [hbm:s3], $0xF7A  }
0x26: {  	[smem:$0x3F95] =	sst s1;
	(tag) =	ssettag s2;
	_ =	strace s9  }
0x27: {  	s1 =	sld [smem:$0x3FA5]  }
0x28: {  	s2 =	sld [smem:$0x3FA6]  }
0x29: {  	s4 =	sld [smem:$0x3FA8]  }
0x2a: {  	p0 =	seq.s32 s5, $0x0;
	s5 =	sld [smem:$0x3FA9]  }
0x2b: {  	s6 =	sld [smem:$0x3FAA]  }
0x2c: {  	s7 =	sld [smem:$0x3FAB]  }
0x2d: {  	s3 =	simm.s32 $0x108;
	s8 =	sld [smem:$0x3FAC]  }
0x2e: {  	s3 =	simm.s32 @!p0 $0x1082;
	s9 =	sld [smem:$0x3FAD]  }
0x2f: {  	lr =	sadd.s32 s0, s3;
	s0 =	sld [smem:$0x3FA4]  }
0x30: {  	s3 =	sld [smem:$0x3FA7]  }
0x31: {  	[smem:$0x3FB0] =	sst s10  }
0x32: {  	s10 =	sld [smem:$0x3FAE];
	_ =	sdelay $0x3  }
0x33: {  	p0 =	seq.s32 s10, $0x1;
	s10 =	sld [smem:$0x3FB0];
	_ =	sdelay $0x3  }
0x34: {  	[smem:$0x3FB0] =	sst s10  }
0x35: {  	s10 =	sld [smem:$0x3FAF];
	_ =	sdelay $0x3  }
0x36: {  	p1 =	seq.s32 s10, $0x1;
	s10 =	sld [smem:$0x3FB0];
	_ =	sdelay $0x3  }
0x37: {  	[smem:$0x3FB0] =	sst s10  }
0x38: {  	s10 =	sld [smem:$0x3FB1]  }
0x39: {  	_ = 	snop;
	(pc) =	sbr.ind lr, $3  }
0x3a: {  	_ = 	snop  }
0x3b: {  	_ = 	snop  }
0x3c: {  	p2 =	seq.s32 s10, $0x1;
	s10 =	sld [smem:$0x3FB0]  }
0x3d: {  	_ =	shalt  }
0x3e: {  	_ =	shalt  }
0x3f: {  	_ =	shalt  }
0x40: {  	_ =	shalt  }
0x41: {  	_ =	shalt  }
0x42: {  	_ =	shalt  }
0x43: {  	_ =	shalt  }
0x44: {  	_ =	shalt  }
0x45: {  	_ =	shalt  }
0x46: {  	_ =	shalt  }
0x47: {  	_ =	shalt  }
0x48: {  	_ =	shalt  }
0x49: {  	_ =	shalt  }
0x4a: {  	_ =	shalt  }
0x4b: {  	_ =	shalt  }
0x4c: {  	_ =	shalt  }
0x4d: {  	_ =	shalt  }
0x4e: {  	_ =	shalt  }
0x4f: {  	_ =	shalt  }
0x50: {  	_ =	shalt  }
0x51: {  	_ =	shalt  }
0x52: {  	_ =	shalt  }
0x53: {  	_ =	shalt  }
0x54: {  	_ =	shalt  }
0x55: {  	_ =	shalt  }
0x56: {  	_ =	shalt  }
0x57: {  	_ =	shalt  }
0x58: {  	_ =	shalt  }
0x59: {  	_ =	shalt  }
0x5a: {  	_ =	shalt  }
0x5b: {  	_ =	shalt  }
0x5c: {  	_ =	shalt  }
0x5d: {  	_ =	shalt  }
0x5e: {  	_ =	shalt  }
0x5f: {  	_ =	shalt  }
0x60: {  	_ =	shalt  }
0x61: {  	_ =	shalt  }
0x62: {  	_ =	shalt  }
0x63: {  	_ =	shalt  }
0x64: {  	_ =	shalt  }
0x65: {  	_ =	shalt  }
0x66: {  	_ =	shalt  }
0x67: {  	_ =	shalt  }
0x68: {  	_ =	shalt  }
0x69: {  	_ =	shalt  }
0x6a: {  	_ =	shalt  }
0x6b: {  	_ =	shalt  }
0x6c: {  	_ =	shalt  }
0x6d: {  	_ =	shalt  }
0x6e: {  	_ =	shalt  }
0x6f: {  	_ =	shalt  }
0x70: {  	_ =	shalt  }
0x71: {  	_ =	shalt  }
0x72: {  	_ =	shalt  }
0x73: {  	_ =	shalt  }
0x74: {  	_ =	shalt  }
0x75: {  	_ =	shalt  }
0x76: {  	_ =	shalt  }
0x77: {  	_ =	shalt  }
0x78: {  	_ =	shalt  }
0x79: {  	_ =	shalt  }
0x7a: {  	_ =	shalt  }
0x7b: {  	_ =	shalt  }
0x7c: {  	_ =	shalt  }
0x7d: {  	_ =	shalt  }
0x7e: {  	_ =	shalt  }
0x7f: {  	_ =	shalt  }
0x80: {  	_ =	shalt  }
0x81: {  	_ =	shalt  }
0x82: {  	_ =	shalt  }
0x83: {  	_ =	shalt  }
0x84: {  	_ =	shalt  }
0x85: {  	_ =	shalt  }
0x86: {  	_ =	shalt  }
0x87: {  	_ =	shalt  }
.Lfunc_end0:
.L_simem_size_0:
called_computation_lowered:
.L_overlay_start_0:
0x88: {  	s2 =	sld [smem:$0x3FD9]  }
0x89: {  	s3 =	sld [smem:$0x3FFE];
	_ =	sdelay $0x1  }
0x8a: {  	s1 =	srdreg.scid  }
0x8b: {  	s0 =	sand.u32 $0x1, s1  }
0x8c: {  	s16 =	sshll.u32 s0, $0xA;
	s2 =	sadd.s32 s3, s2  }
0x8d: {  	s2 =	sadd.s32 s2, s16  }
0x8e: {  	[smem:$0x3FBC] =	sst s2  }
0x8f: {  	_ = 	snop  }
0x90: {  	(tm) =	ssettm $0x1  }
0x91: {  	s17 =	sld [smem:$0x3FFB];
	_ =	sdelay $0x3  }
0x92: {  	_ =	strace s17  }
0x93: {  	s2 =	sld [smem:$0x3FFC];
	_ =	sdelay $0x3  }
0x94: {  	_ =	strace s2  }
0x95: {  	s2 =	sld [smem:$0x3FFD];
	_ =	sdelay $0x3  }
0x96: {  	_ =	strace s2  }
0x97: {  	_ =	strace $0x8FFFFFFF  }
0x98: {  	s18 =	sld [smem:$0x3FDB];
	_ =	sdelay $0x1  }
0x99: {  	s19 =	simm.s32 $_scs_section_size  }
0x9a: {  	s4 =	simm.s32 $_size__tile_overlayer_lowered;
	s5 =	simm.s32 $_tile_overlayer_lowered  }
0x9b: {  	s22 =	simm.s32 $0x1BFF;
	s21 =	sshll.u32 s5, $0x1;
	s2 =	sadd.s32 s19, s18  }
0x9c: {  	s6 =	simm.s32 $0x0;
	s20 =	sshll.u32 s4, $0x1;
	s4 =	sadd.s32 s21, s2  }
0x9d: {  	[timem:s6], [sflag:s22] =	dma.local [hbm:s4], s20  }
0x9e: {  	_ =	swait.ge [sflag:s22], s20  }
0x9f: {  	s3 =	ssub.s32 $0x0, s20;
	[sflag:s22] =	ssyncset.done $0x0  }
0xa0: {  	[sflag:s22] =	ssyncadd.s32 s3;
	_ =	sdelay $0x1  }
0xa1: {  	s23 =	simm.s32 $0x1B8B  }
0xa2: {  	_ =	swait.ge [sflag:s23], $0x1  }
0xa3: {  	[sflag:s23] =	ssyncset.done $0x0  }
0xa4: {  	s25 =	simm.s32 $0x1B8E;
	s24 =	sld [smem:$0x3FFE];
	[sflag:s23] =	ssyncadd.s32 $0xFFFFFFFF  }
0xa5: {  	s26 =	simm.s32 $execute0_lowered;
	[smem:$0x3FD2] =	sst s25  }
0xa6: {  	s4 =	sshll.u32 s26, $0x1;
	_ =	strace $0x80000046;
	[dreg:$0x1] =	wrdreg $0xFFFFFFFF  }
0xa7: {  	s28 =	simm.s32 $_size_execute0_lowered;
	s2 =	sadd.s32 s2, s4;
	[dreg:$0x0] =	wrdreg $0x0  }
0xa8: {  	s4 =	sshll.u32 s28, $0x1;
	[dreg:$0x2] =	wrdreg s2  }
0xa9: {  	[dreg:$0x3] =	wrdreg s4  }
0xaa: {  	[dreg:$0x4] =	wrdreg $0xC0  }
0xab: {  	_ =	task [dreg:s6], $0x5FFFF  }
0xac: {  	[dreg:$0x1] =	wrdreg $0xFFFFFFFF  }
0xad: {  	[dreg:$0x0] =	wrdreg $0x60  }
0xae: {  	[dreg:$0x2] =	wrdreg s24  }
0xaf: {  	[dreg:$0x3] =	wrdreg $0x148700  }
0xb0: {  	[dreg:$0x4] =	wrdreg $0x14AE80  }
0xb1: {  	[dreg:$0x5] =	wrdreg $0x14D600  }
0xb2: {  	[dreg:$0x6] =	wrdreg $0x9  }
0xb3: {  	_ =	task.clear_ibuf [dreg:s6], $0x7FFFF;
	_ =	strace $0x90000046  }
0xb4: {  	s29 =	simm.s32 $0x9;
	_ =	strace $0x80000048  }
0xb5: {  	_ =	swait.ge [sflag:s29], $0x1  }
0xb6: {  	[sflag:s29] =	ssyncadd.s32 $0xFFFFFFFF  }
0xb7: {  	_ =	strace $0x90000048  }
0xb8: {  	_ =	sfence  }
0xb9: {  	s30 =	sld [smem:$0x0];
	_ =	sdelay $0x2  }
0xba: {  	s31 =	sshll.u32 s1, $0xD;
	s1 =	sshrl.u32 s1, $0x2  }
0xbb: {  	s3 =	sand.u32 $0x4000, s31;
	s1 =	sadd.s32 s1, s30  }
0xbc: {  	s0 =	sor.u32 s3, s0;
	s1 =	sshll.u32 s1, $0x11  }
0xbd: {  	s0 =	sor.u32 s1, s0  }
0xbe: {  	s0 =	sadd.s32 $0x8F2B, s0  }
0xbf: {  	[sflag:s0] =	ssyncadd.remote.s32 $0x1  }
0xc0: {  	_ =	sfence.sel $0xFFFF  }
0xc1: {  	[dreg:$0x0] =	wrdreg $0xFFFFFFFF;
	(pc) =	sbr.abs _section_cstart, $3  }
0xc2: {  	[dreg:$0x1] =	wrdreg $0xFFFFFFFF  }
0xc3: {  	_ =	task.clear_ibuf [dreg:s6], $0x2FFFF;
	_ =	strace $0x9FFFFFFF  }
0xc4: {  	(tm) =	ssettm $0x7FFFFFFF  }
0xc5: {  	_ =	shalt  }
tec
execute0_lowered:
.L_overlay_start_1:
0x0: {  	(tag) =	ssettag $0x1  }
0x1: {  	s1 =	rddreg [dreg:$0x0]  }
0x2: {  	s2 =	srdreg.scid;
	s0 =	rddreg [dreg:$0x1]  }
0x3: {  	s21 =	stileid.u32;
	s4 =	rddreg [dreg:$0x3]  }
0x4: {  	s28 =	simm.s32 $0x50;
	s29 =	simm.s32 $0x4E20;
	s30 =	simm.s32 $0x2  }
0x5: {  	s31 =	simm.s32 $0x3;
	s3 =	sand.u32 $0x1, s2;
	s2 =	rddreg [dreg:$0x2]  }
0x6: {  	s9 =	sadd.s32 $0x4F9200, s1;
	s11 =	sadd.s32 $0x17200, s1;
	s25 =	smul.u32 $0x2700, s21  }
0x7: {  	p0 =	sne.s32 s21, $0x0;
	p1 =	seq.s32 s21, $0xF;
	s10 =	smul.u32 $0x4E2, s3  }
0x8: {  	s5 =	sshll.u32 s3, $0x4;
	s19 =	ssub.s32 $0x2, s3;
	s3 =	smul.u32 $0x27100, s3  }
0x9: {  	p2 =	sne.s32 @!p1 s21, $0x0;
	s7 =	sor.u32 s21, s5;
	s5 =	simm.s32 $0x0  }
0xa: {  	s13 =	sshrl.u32 s19, $0x1;
	p2 =	por p2, p1;
	s6 =	smul.u32 $0x4E2, s7  }
0xb: {  	s21 =	simm.s32 $0x4;
	[smem:$0x7FF] =	sst s5;
	s12 =	smul.u32 $0x27100, s7  }
0xc: {  	s10 =	sadd.s32 s10, s1;
	s7 =	smul.u32 $0x4E20, s7;
	s24 =	sshrl.u32 s3, $0x3  }
0xd: {  	s3 =	sadd.s32 s25, s3;
	_ =	strace $0x80000047;
	[dreg:$0x5] =	wrdreg s11  }
0xe: {  	s11 =	ssub.s32 s19, s13;
	s16 =	sadd.s32 $0x1C800, s10;
	s17 =	sadd.s32 $0x27000, s10  }
0xf: {  	s3 =	sshrl.u32 s3, $0x3;
	s8 =	sadd.s32 s6, s1;
	s6 =	sadd.s32 $0x1C200, s1  }
0x10: {  	s1 =	sadd.s32 $0x1D200, s1;
	s12 =	sshrl.u32 s12, $0x3;
	s7 =	sadd.s32 s9, s7  }
0x11: {  	s19 =	smax.u32 s11, $0x1;
	s20 =	sadd.s32 $0xD400, s8;
	s12 =	sadd.s32 s9, s12  }
0x12: {  	s8 =	sadd.s32 $0x3600, s8;
	[dreg:$0x8] =	wrdreg s7;
	s7 =	sadd.s32 s1, s24  }
0x13: {  	s18 =	sadd.s32 s1, s3;
	s1 =	sadd.s32 s25, s4;
	[dreg:$0x6] =	wrdreg s20  }
0x14: {  	s3 =	simm.s32 $0x7;
	s9 =	simm.s32 $0x0;
	[dreg:$0x7] =	wrdreg s8  }
0x15: {  	s22 =	sadd.s32 $0xFA0, s12;
	s23 =	sadd.s32 $0x1F40, s12;
	s26 =	sadd.s32 $0x2EE0, s12  }
0x16: {  	s14 =	sadd.s32 $0x3E80, s12;
	s15 =	sadd.s32 $0x4920, s7;
	s7 =	sadd.s32 $0x24900, s4  }
0x17: {  	s20 =	simm.s32 $0x9;
	s25 =	sshrl.u32 @!p1 s1, $0x3;
	[dreg:$0x9] =	wrdreg s22  }
0x18: {  	s1 =	simm.s32 $0x5;
	s8 =	simm.s32 $0x8;
	[dreg:$0xa] =	wrdreg s23  }
0x19: {  	[dreg:$0xb] =	wrdreg s26;
	s22 =	simm.s32 $0x4E70;
	s23 =	simm.s32 $0x1  }
0x1a: {  	v0 =	vimm.f32 $1.000000000e+00;
	s24 =	sshrl.u32 @p1 s7, $0x3;
	s26 =	simm.s32 $0xCB70;
	s7 =	simm.s32 $0x6  }
.LBB2_1:
0x1b: {  	s10 =	rddreg [dreg:$0x6]  }
0x1c: {  	[tilespmem:s5], [sflag:$0x9] =	stream.linear.gather [hbm4b:s10+s5], $0x2710, $0x38;
	[tilespmem:$0x17470] =	vst v63  }
0x1d: {  	_ =	swait.ge [sflag:s20], $0x2710  }
0x1e: {  	[sflag:s20] =	ssyncset.done $0x0  }
0x1f: {  	s11 =	simm.s32 $0x2710;
	s13 =	rddreg [dreg:$0x7];
	[sflag:s20] =	ssyncadd.s32 $0xFFFFD8F0  }
0x20: {  	[tilespmem:s11], [sflag:$0x9] =	stream.linear.gather [hbm4b:s13+s5], $0x2710, $0x38;
	[tilespmem:$0x17470] =	vst v63  }
0x21: {  	_ =	swait.ge [sflag:s20], $0x2710  }
0x22: {  	[sflag:s20] =	ssyncset.done $0x0  }
0x23: {  	[sflag:s20] =	ssyncadd.s32 $0xFFFFD8F0  }
0x24: {  	[tilespmem:$0x4E20] =	vst v0  }
0x25: {  	[tilespmem:$0x4E30] =	vst v0  }
0x26: {  	[tilespmem:$0x4E40] =	vst v0  }
0x27: {  	[tilespmem:$0x4E50] =	vst v0  }
0x28: {  	s11 =	rddreg [dreg:$0x8];
	[tilespmem:$0x4E60] =	vst v0  }
0x29: {  	[tilespmem:s22], [sflag:$0x1] =	stream.linear.gather [hbm4b:s11+s5], $0x7D00, $0x38;
	[tilespmem:$0x17470] =	vst v63  }
0x2a: {  	s10 =	sshrl.u32 @!p0 s0, $0x3;
	s11 =	simm.s32 @!p0 $0x1C09  }
0x2b: {  	[spmem:s10], [sflag:s11] =	dma.local @!p0 [hbm:s6], $0x4E2  }
0x2c: {  	s10 =	simm.s32 @!p0 $0x9  }
0x2d: {  	_ =	swait.ge @!p0 [sflag:s10], $0x4E2  }
0x2e: {  	[sflag:s10] =	ssyncset.done @!p0 $0x0  }
0x2f: {  	s12 =	sshrl.u32 @!p0 s2, $0x3;
	[sflag:s10] =	ssyncadd.s32 @!p0 $0xFFFFFB1E  }
0x30: {  	[spmem:s12], [sflag:s11] =	dma.local @!p0 [hbm:s6], $0x4E2  }
0x31: {  	_ =	swait.ge @!p0 [sflag:s10], $0x4E2  }
0x32: {  	[sflag:s10] =	ssyncset.done @!p0 $0x0  }
0x33: {  	s12 =	sshrl.u32 @!p0 s4, $0x3;
	s13 =	rddreg [dreg:$0x5];
	[sflag:s10] =	ssyncadd.s32 @!p0 $0xFFFFFB1E  }
0x34: {  	[spmem:s12], [sflag:s11] =	dma.local @!p0 [hbm:s13], $0x4E20  }
0x35: {  	_ =	swait.ge @!p0 [sflag:s10], $0x4E20  }
0x36: {  	[sflag:s10] =	ssyncset.done @!p0 $0x0  }
0x37: {  	[sflag:s10] =	ssyncadd.s32 @!p0 $0xFFFFB1E0  }
0x38: {  	[bflag:$0x0] =	sbarrier.arrive $0xFFFF  }
0x39: {  	_ =	swait.ge [sflag:s23], $0x7D00  }
0x3a: {  	[sflag:s23] =	ssyncset.done $0x0  }
0x3b: {  	s12 =	rddreg [dreg:$0x9];
	[sflag:s23] =	ssyncadd.s32 $0xFFFF8300  }
0x3c: {  	[tilespmem:s26], [sflag:$0x2] =	stream.linear.gather [hbm4b:s12+s5], $0x7D00, $0x38;
	[tilespmem:$0x17470] =	vst v63  }
0x3d: {  	s10 =	simm.s32 $0x0  }
0x3e: {  	[spmem:s4] =	stream.indirect.scatter.add.f32 [tilespmem:s22], [sflag:$0x3], $0x10, s10, s28, $0xb8;
	[tilespmem:$0x17470] =	vst v63  }
0x3f: {  	s13 =	simm.s32 $0x2710;
	s11 =	simm.s32 $0x140;
	s12 =	simm.s32 $0x5370  }
0x40: {  	[spmem:s0] =	stream.indirect.scatter.add.f32 [tilespmem:s29], [sflag:$0x5], $0x1, s13, s28, $0xb8;
	[tilespmem:$0x17470] =	vst v63  }
.LBB2_2:
0x41: {  	[spmem:s2] =	stream.indirect.scatter.add.f32 [tilespmem:s29], [sflag:$0x7], $0x1, s10, s28, $0xb8;
	[tilespmem:$0x17470] =	vst v63  }
0x42: {  	p3 =	sne.s32 s11, $0x1E00  }
.Ltmp0:
0x43: {  	s10 =	sshra.s32 s11, $0x2;
	(pc) =	sbr.rel @p3 .LBB2_2-.Ltmp0, $4  }
0x44: {  	[spmem:s4] =	stream.indirect.scatter.add.f32 [tilespmem:s12], [sflag:$0x3], $0x10, s10, s28, $0xb8;
	[tilespmem:$0x17470] =	vst v63  }
0x45: {  	s11 =	sadd.s32 $0x140, s11;
	s13 =	sadd.s32 $0x2710, s10  }
0x46: {  	[spmem:s0] =	stream.indirect.scatter.add.f32 [tilespmem:s29], [sflag:$0x5], $0x1, s13, s28, $0xb8;
	[tilespmem:$0x17470] =	vst v63  }
0x47: {  	s12 =	sadd.s32 $0x500, s12  }
0x48: {  	[spmem:s2] =	stream.indirect.scatter.add.f32 [tilespmem:s29], [sflag:$0x7], $0x1, s10, s28, $0xb8;
	[tilespmem:$0x17470] =	vst v63  }
0x49: {  	_ =	swait.ge [sflag:s30], $0x7D00  }
0x4a: {  	[sflag:s30] =	ssyncset.done $0x0  }
0x4b: {  	[sflag:s30] =	ssyncadd.s32 $0xFFFF8300  }
0x4c: {  	_ =	swait.ge [sflag:s31], $0x7D00  }
0x4d: {  	[sflag:s31] =	ssyncset.done $0x0  }
0x4e: {  	[sflag:s31] =	ssyncadd.s32 $0xFFFF8300  }
0x4f: {  	_ =	swait.ge [sflag:s1], $0x7D0  }
0x50: {  	[sflag:s1] =	ssyncset.done $0x0  }
0x51: {  	[sflag:s1] =	ssyncadd.s32 $0xFFFFF830  }
0x52: {  	_ =	swait.ge [sflag:s3], $0x7D0  }
0x53: {  	[sflag:s3] =	ssyncset.done $0x0  }
0x54: {  	s13 =	simm.s32 $0x0;
	s11 =	rddreg [dreg:$0xa];
	[sflag:s3] =	ssyncadd.s32 $0xFFFFF830  }
0x55: {  	[tilespmem:s22], [sflag:$0x1] =	stream.linear.gather [hbm4b:s11+s13], $0x7D00, $0x38;
	[tilespmem:$0x17470] =	vst v63  }
0x56: {  	s10 =	simm.s32 $0xCB70;
	s11 =	simm.s32 $0x7D0  }
0x57: {  	[spmem:s4] =	stream.indirect.scatter.add.f32 [tilespmem:s10], [sflag:$0x4], $0x10, s11, s28, $0xb8;
	[tilespmem:$0x17470] =	vst v63  }
0x58: {  	s12 =	simm.s32 $0x2EE0  }
0x59: {  	[spmem:s0] =	stream.indirect.scatter.add.f32 [tilespmem:s29], [sflag:$0x6], $0x1, s12, s28, $0xb8;
	[tilespmem:$0x17470] =	vst v63  }
0x5a: {  	s12 =	simm.s32 $0x140  }
.LBB2_4:
0x5b: {  	s13 =	sshra.s32 s12, $0x2;
	s10 =	sadd.s32 $0x500, s10;
	p3 =	sne.s32 s12, $0x1E00  }
0x5c: {  	[spmem:s2] =	stream.indirect.scatter.add.f32 [tilespmem:s29], [sflag:$0x8], $0x1, s11, s28, $0xb8;
	[tilespmem:$0x17470] =	vst v63  }
.Ltmp1:
0x5d: {  	_ = 	snop;
	(pc) =	sbr.rel @p3 .LBB2_4-.Ltmp1, $4  }
0x5e: {  	s12 =	sadd.s32 $0x140, s12;
	s11 =	sadd.s32 $0x7D0, s13  }
0x5f: {  	[spmem:s4] =	stream.indirect.scatter.add.f32 [tilespmem:s10], [sflag:$0x4], $0x10, s11, s28, $0xb8;
	[tilespmem:$0x17470] =	vst v63  }
0x60: {  	s13 =	sadd.s32 $0x2EE0, s13  }
0x61: {  	[spmem:s0] =	stream.indirect.scatter.add.f32 [tilespmem:s29], [sflag:$0x6], $0x1, s13, s28, $0xb8;
	[tilespmem:$0x17470] =	vst v63  }
0x62: {  	[spmem:s2] =	stream.indirect.scatter.add.f32 [tilespmem:s29], [sflag:$0x8], $0x1, s11, s28, $0xb8;
	[tilespmem:$0x17470] =	vst v63  }
0x63: {  	_ =	swait.ge [sflag:s23], $0x7D00  }
0x64: {  	[sflag:s23] =	ssyncset.done $0x0  }
0x65: {  	[sflag:s23] =	ssyncadd.s32 $0xFFFF8300  }
0x66: {  	_ =	swait.ge [sflag:s21], $0x7D00  }
0x67: {  	[sflag:s21] =	ssyncset.done $0x0  }
0x68: {  	[sflag:s21] =	ssyncadd.s32 $0xFFFF8300  }
0x69: {  	_ =	swait.ge [sflag:s7], $0x7D0  }
0x6a: {  	[sflag:s7] =	ssyncset.done $0x0  }
0x6b: {  	[sflag:s7] =	ssyncadd.s32 $0xFFFFF830  }
0x6c: {  	_ =	swait.ge [sflag:s8], $0x7D0  }
0x6d: {  	[sflag:s8] =	ssyncset.done $0x0  }
0x6e: {  	s10 =	simm.s32 $0x0;
	s13 =	rddreg [dreg:$0xb];
	[sflag:s8] =	ssyncadd.s32 $0xFFFFF830  }
0x6f: {  	[tilespmem:s26], [sflag:$0x2] =	stream.linear.gather [hbm4b:s13+s10], $0x7D00, $0x38;
	[tilespmem:$0x17470] =	vst v63  }
0x70: {  	s11 =	simm.s32 $0xFA0;
	s10 =	simm.s32 $0x4E70  }
0x71: {  	[spmem:s4] =	stream.indirect.scatter.add.f32 [tilespmem:s10], [sflag:$0x3], $0x10, s11, s28, $0xb8;
	[tilespmem:$0x17470] =	vst v63  }
0x72: {  	s12 =	simm.s32 $0x36B0  }
0x73: {  	[spmem:s0] =	stream.indirect.scatter.add.f32 [tilespmem:s29], [sflag:$0x5], $0x1, s12, s28, $0xb8;
	[tilespmem:$0x17470] =	vst v63  }
0x74: {  	s12 =	simm.s32 $0x140  }
.LBB2_6:
0x75: {  	s13 =	sshra.s32 s12, $0x2;
	s10 =	sadd.s32 $0x500, s10;
	p3 =	sne.s32 s12, $0x1E00  }
0x76: {  	[spmem:s2] =	stream.indirect.scatter.add.f32 [tilespmem:s29], [sflag:$0x7], $0x1, s11, s28, $0xb8;
	[tilespmem:$0x17470] =	vst v63  }
.Ltmp2:
0x77: {  	_ = 	snop;
	(pc) =	sbr.rel @p3 .LBB2_6-.Ltmp2, $4  }
0x78: {  	s12 =	sadd.s32 $0x140, s12;
	s11 =	sadd.s32 $0xFA0, s13  }
0x79: {  	[spmem:s4] =	stream.indirect.scatter.add.f32 [tilespmem:s10], [sflag:$0x3], $0x10, s11, s28, $0xb8;
	[tilespmem:$0x17470] =	vst v63  }
0x7a: {  	s13 =	sadd.s32 $0x36B0, s13  }
0x7b: {  	[spmem:s0] =	stream.indirect.scatter.add.f32 [tilespmem:s29], [sflag:$0x5], $0x1, s13, s28, $0xb8;
	[tilespmem:$0x17470] =	vst v63  }
0x7c: {  	[spmem:s2] =	stream.indirect.scatter.add.f32 [tilespmem:s29], [sflag:$0x7], $0x1, s11, s28, $0xb8;
	[tilespmem:$0x17470] =	vst v63  }
0x7d: {  	_ =	swait.ge [sflag:s30], $0x7D00  }
0x7e: {  	[sflag:s30] =	ssyncset.done $0x0  }
0x7f: {  	[sflag:s30] =	ssyncadd.s32 $0xFFFF8300  }
0x80: {  	_ =	swait.ge [sflag:s31], $0x7D00  }
0x81: {  	[sflag:s31] =	ssyncset.done $0x0  }
0x82: {  	[sflag:s31] =	ssyncadd.s32 $0xFFFF8300  }
0x83: {  	_ =	swait.ge [sflag:s1], $0x7D0  }
0x84: {  	[sflag:s1] =	ssyncset.done $0x0  }
0x85: {  	[sflag:s1] =	ssyncadd.s32 $0xFFFFF830  }
0x86: {  	_ =	swait.ge [sflag:s3], $0x7D0  }
0x87: {  	[sflag:s3] =	ssyncset.done $0x0  }
0x88: {  	s10 =	simm.s32 $0x0;
	[sflag:s3] =	ssyncadd.s32 $0xFFFFF830  }
0x89: {  	[tilespmem:s22], [sflag:$0x1] =	stream.linear.gather [hbm4b:s14+s10], $0x7D00, $0x38;
	[tilespmem:$0x17470] =	vst v63  }
0x8a: {  	s11 =	simm.s32 $0x1770;
	s10 =	simm.s32 $0xCB70  }
0x8b: {  	[spmem:s4] =	stream.indirect.scatter.add.f32 [tilespmem:s10], [sflag:$0x4], $0x10, s11, s28, $0xb8;
	[tilespmem:$0x17470] =	vst v63  }
0x8c: {  	s12 =	simm.s32 $0x3E80  }
0x8d: {  	[spmem:s0] =	stream.indirect.scatter.add.f32 [tilespmem:s29], [sflag:$0x6], $0x1, s12, s28, $0xb8;
	[tilespmem:$0x17470] =	vst v63  }
0x8e: {  	s12 =	simm.s32 $0x140  }
.LBB2_8:
0x8f: {  	s13 =	sshra.s32 s12, $0x2;
	s10 =	sadd.s32 $0x500, s10;
	p3 =	sne.s32 s12, $0x1E00  }
0x90: {  	[spmem:s2] =	stream.indirect.scatter.add.f32 [tilespmem:s29], [sflag:$0x8], $0x1, s11, s28, $0xb8;
	[tilespmem:$0x17470] =	vst v63  }
.Ltmp3:
0x91: {  	_ = 	snop;
	(pc) =	sbr.rel @p3 .LBB2_8-.Ltmp3, $4  }
0x92: {  	s12 =	sadd.s32 $0x140, s12;
	s11 =	sadd.s32 $0x1770, s13  }
0x93: {  	[spmem:s4] =	stream.indirect.scatter.add.f32 [tilespmem:s10], [sflag:$0x4], $0x10, s11, s28, $0xb8;
	[tilespmem:$0x17470] =	vst v63  }
0x94: {  	s13 =	sadd.s32 $0x3E80, s13  }
0x95: {  	[spmem:s0] =	stream.indirect.scatter.add.f32 [tilespmem:s29], [sflag:$0x6], $0x1, s13, s28, $0xb8;
	[tilespmem:$0x17470] =	vst v63  }
0x96: {  	[spmem:s2] =	stream.indirect.scatter.add.f32 [tilespmem:s29], [sflag:$0x8], $0x1, s11, s28, $0xb8;
	[tilespmem:$0x17470] =	vst v63  }
0x97: {  	_ =	swait.ge [sflag:s23], $0x7D00  }
0x98: {  	[sflag:s23] =	ssyncset.done $0x0  }
0x99: {  	[sflag:s23] =	ssyncadd.s32 $0xFFFF8300  }
0x9a: {  	_ =	swait.ge [sflag:s21], $0x7D00  }
0x9b: {  	[sflag:s21] =	ssyncset.done $0x0  }
0x9c: {  	[sflag:s21] =	ssyncadd.s32 $0xFFFF8300  }
0x9d: {  	_ =	swait.ge [sflag:s7], $0x7D0  }
0x9e: {  	[sflag:s7] =	ssyncset.done $0x0  }
0x9f: {  	[sflag:s7] =	ssyncadd.s32 $0xFFFFF830  }
0xa0: {  	_ =	swait.ge [sflag:s8], $0x7D0  }
0xa1: {  	[sflag:s8] =	ssyncset.done $0x0  }
0xa2: {  	s10 =	simm.s32 $0x4E70;
	s11 =	simm.s32 $0x1F40;
	[sflag:s8] =	ssyncadd.s32 $0xFFFFF830  }
0xa3: {  	[spmem:s4] =	stream.indirect.scatter.add.f32 [tilespmem:s10], [sflag:$0x3], $0x10, s11, s28, $0xb8;
	[tilespmem:$0x17470] =	vst v63  }
0xa4: {  	s12 =	simm.s32 $0x4650  }
0xa5: {  	[spmem:s0] =	stream.indirect.scatter.add.f32 [tilespmem:s29], [sflag:$0x5], $0x1, s12, s28, $0xb8;
	[tilespmem:$0x17470] =	vst v63  }
0xa6: {  	s12 =	simm.s32 $0x140  }
.LBB2_10:
0xa7: {  	s13 =	sshra.s32 s12, $0x2;
	s10 =	sadd.s32 $0x500, s10;
	p3 =	sne.s32 s12, $0x1E00  }
0xa8: {  	[spmem:s2] =	stream.indirect.scatter.add.f32 [tilespmem:s29], [sflag:$0x7], $0x1, s11, s28, $0xb8;
	[tilespmem:$0x17470] =	vst v63  }
.Ltmp4:
0xa9: {  	_ = 	snop;
	(pc) =	sbr.rel @p3 .LBB2_10-.Ltmp4, $4  }
0xaa: {  	s12 =	sadd.s32 $0x140, s12;
	s11 =	sadd.s32 $0x1F40, s13  }
0xab: {  	[spmem:s4] =	stream.indirect.scatter.add.f32 [tilespmem:s10], [sflag:$0x3], $0x10, s11, s28, $0xb8;
	[tilespmem:$0x17470] =	vst v63  }
0xac: {  	s13 =	sadd.s32 $0x4650, s13  }
0xad: {  	[spmem:s0] =	stream.indirect.scatter.add.f32 [tilespmem:s29], [sflag:$0x5], $0x1, s13, s28, $0xb8;
	[tilespmem:$0x17470] =	vst v63  }
0xae: {  	[spmem:s2] =	stream.indirect.scatter.add.f32 [tilespmem:s29], [sflag:$0x7], $0x1, s11, s28, $0xb8;
	[tilespmem:$0x17470] =	vst v63  }
0xaf: {  	_ =	swait.ge [sflag:s31], $0x7D00  }
0xb0: {  	[sflag:s31] =	ssyncset.done $0x0  }
0xb1: {  	[sflag:s31] =	ssyncadd.s32 $0xFFFF8300  }
0xb2: {  	_ =	swait.ge [sflag:s1], $0x7D0  }
0xb3: {  	[sflag:s1] =	ssyncset.done $0x0  }
0xb4: {  	[sflag:s1] =	ssyncadd.s32 $0xFFFFF830  }
0xb5: {  	_ =	swait.ge [sflag:s3], $0x7D0  }
0xb6: {  	[sflag:s3] =	ssyncset.done $0x0  }
0xb7: {  	[sflag:s3] =	ssyncadd.s32 $0xFFFFF830  }
0xb8: {  	s10 =	simm.s32 @p1 $0x1FC9;
	[bflag:$0x0] =	sbarrier.arrive $0xFFFF  }
0xb9: {  	[hbm:s15], [sflag:s10] =	dma.local @p1 [spmem:s24], $0x500  }
0xba: {  	s10 =	simm.s32 @p1 $0x9  }
0xbb: {  	_ =	swait.ge @p1 [sflag:s10], $0x500  }
0xbc: {  	[sflag:s10] =	ssyncset.done @p1 $0x0  }
0xbd: {  	s11 =	simm.s32 @!p2 $0x1C09;
	[sflag:s10] =	ssyncadd.s32 @p1 $0xFFFFFB00;
	s10 =	sshrl.u32 @!p2 s0, $0x3  }
0xbe: {  	[hbm:s16], [sflag:s11] =	dma.local @!p2 [spmem:s10], $0x4E2  }
0xbf: {  	s10 =	simm.s32 @!p2 $0x9  }
0xc0: {  	_ =	swait.ge @!p2 [sflag:s10], $0x4E2  }
0xc1: {  	[sflag:s10] =	ssyncset.done @!p2 $0x0  }
0xc2: {  	s12 =	sshrl.u32 @!p2 s2, $0x3;
	[sflag:s10] =	ssyncadd.s32 @!p2 $0xFFFFFB1E  }
0xc3: {  	[hbm:s17], [sflag:s11] =	dma.local @!p2 [spmem:s12], $0x4E2  }
0xc4: {  	s11 =	stileid.u32;
	_ =	swait.ge @!p2 [sflag:s10], $0x4E2  }
0xc5: {  	s9 =	sadd.s32 $0x1, s9;
	s11 =	sshll.u32 @!p1 s11, $0x6;
	[sflag:s10] =	ssyncset.done @!p2 $0x0  }
0xc6: {  	p3 =	sne.s32 s9, s19;
	[sflag:s10] =	ssyncadd.s32 @!p2 $0xFFFFFB1E;
	s10 =	sor.u32 @!p1 $0x1C09, s11  }
0xc7: {  	[hbm:s18], [sflag:s10] =	dma.local @!p1 [spmem:s25], $0x4E0  }
.Ltmp5:
0xc8: {  	_ = 	snop;
	(pc) =	sbr.rel @p3 .LBB2_1-.Ltmp5, $4  }
0xc9: {  	s10 =	simm.s32 @!p1 $0x9  }
0xca: {  	_ =	swait.ge @!p1 [sflag:s10], $0x4E0  }
0xcb: {  	[sflag:s10] =	ssyncset.done @!p1 $0x0  }
0xcc: {  	[sflag:s10] =	ssyncadd.s32 @!p1 $0xFFFFFB20  }
0xcd: {  	_ =	sfence.sel $0x180000  }
0xce: {  	[bflag:$0x0] =	sbarrier.arrive $0xFFFF  }
0xcf: {  	_ =	strace $0x90000047  }
0xd0: {  	[bflag:$0x2] =	sbarrier.arrive $0xFFFF  }
0xd1: {  	s0 =	rddreg [dreg:$0x4]  }
0xd2: {  	s0 =	sadd.s32 @!p0 $0x100000, s0  }
0xd3: {  	[sflag:s0] =	ssyncadd.tile.s32 @!p0 $0x1;
	_ =	shalt  }
.Lfunc_end2:
_tile_overlayer_lowered:
.L_overlay_start_2:
0xd4: {  	(tag) =	ssettag $0x2  }
0xd5: {  	s0 =	rddreg [dreg:$0x0];
	s2 =	stileid.u32  }
0xd6: {  	s1 =	rddreg [dreg:$0x1];
	p0 =	sne.s32 s2, $0x0  }
0xd7: {  	s3 =	rddreg [dreg:$0x2];
	[bflag:$0x3] =	sbarrier.arrive $0xFFFF;
	s2 =	simm.s32 @!p0 $0x1C09  }
0xd8: {  	[timem:s3], [sflag:s2] =	dma.local @!p0 [hbm:s0], s1  }
0xd9: {  	s0 =	simm.s32 @!p0 $0x9  }
0xda: {  	_ =	swait.ge @!p0 [sflag:s0], s1  }
0xdb: {  	s1 =	ssub.s32 @!p0 $0x0, s1;
	[sflag:s0] =	ssyncset.done @!p0 $0x0  }
0xdc: {  	[sflag:s0] =	ssyncadd.s32 @!p0 s1  }
0xdd: {  	[bflag:$0x3] =	sbarrier.arrive $0xFFFF  }
0xde: {  	_ =	shalt  }

</sc_bundles>
